<compile_context>
chip_gen: v7x
topology: tpu7x:2x2x1
jax: 0.10.2.dev20260603
libtpu: 0.0.44.dev20260713+nightly
codegen_flags: <defaults>
</compile_context>

<pallas_src>
import jax
import jax.numpy as jnp
from jax import lax
from jax.experimental import pallas as pl
from jax.experimental.pallas import tpu as pltpu
from jax.experimental.pallas import tpu_sc as plsc

_THR = 0.3
_B, _C, _H, _W = 8, 768, 48, 48
_ROWS = _B * _H * _W
_HALF = _ROWS // 2
_NW = 32
_RPW = _HALF // _NW
_CH = 16
_NCH = _RPW // _CH
_L = 16
_NCG = _C // _L


def _body(ca_hbm, fm_hbm, out_hbm, ca_v,
          ir0, ir1, rgb0, rgb1, x10, x11, x20, x21,
          gi0, gi1, gr0, gr1, wi0, wi1, wr0, wr1):
    cid = lax.axis_index("c")
    sid = lax.axis_index("s")
    wid = sid * 2 + cid
    r0 = wid * _RPW
    b = r0 // (_H * _W)

    pltpu.sync_copy(ca_hbm.at[pl.ds(b * _C, _C)], ca_v)

    ir_bufs = [ir0, ir1]
    rgb_bufs = [rgb0, rgb1]
    x1_bufs = [x10, x11]
    x2_bufs = [x20, x21]
    gis = [gi0, gi1]
    grs = [gr0, gr1]
    wis = [wi0, wi1]
    wrs = [wr0, wr1]

    def start_loads(j, u):
        base = r0 + j * _CH
        pltpu.async_copy(fm_hbm.at[pl.ds(base, _CH)], ir_bufs[u], gis[u])
        pltpu.async_copy(fm_hbm.at[pl.ds(base + _HALF, _CH)], rgb_bufs[u],
                         grs[u])

    def wait_loads(u):
        pltpu.make_async_copy(fm_hbm.at[pl.ds(0, _CH)], ir_bufs[u],
                              gis[u]).wait()
        pltpu.make_async_copy(fm_hbm.at[pl.ds(0, _CH)], rgb_bufs[u],
                              grs[u]).wait()

    def start_stores(j, u):
        base = r0 + j * _CH
        pltpu.async_copy(x1_bufs[u], out_hbm.at[pl.ds(base, _CH)], wis[u])
        pltpu.async_copy(x2_bufs[u], out_hbm.at[pl.ds(base + _HALF, _CH)],
                         wrs[u])

    def wait_stores(u):
        pltpu.make_async_copy(x1_bufs[u], out_hbm.at[pl.ds(0, _CH)],
                              wis[u]).wait()
        pltpu.make_async_copy(x2_bufs[u], out_hbm.at[pl.ds(0, _CH)],
                              wrs[u]).wait()

    def compute(u):
        ir_b, rgb_b = ir_bufs[u], rgb_bufs[u]
        x1_b, x2_b = x1_bufs[u], x2_bufs[u]

        def cg_step(cg, _):
            c0 = cg * _L
            m = ca_v[pl.ds(c0, _L)] < _THR
            for r in range(_CH):
                a = ir_b[r, pl.ds(c0, _L)]
                g = rgb_b[r, pl.ds(c0, _L)]
                x1_b[r, pl.ds(c0, _L)] = jnp.where(m, g, a)
                x2_b[r, pl.ds(c0, _L)] = jnp.where(m, a, g)
            return _

        lax.fori_loop(0, _NCG, cg_step, 0)

    start_loads(0, 0)
    start_loads(1, 1)

    for j in (0, 1):
        u = j % 2
        wait_loads(u)
        compute(u)
        start_stores(j, u)
        start_loads(j + 2, u)

    def pair_step(i, _):
        k = 2 + 2 * i
        for bidx in (0, 1):
            j = k + bidx
            u = bidx
            wait_loads(u)
            wait_stores(u)
            compute(u)
            start_stores(j, u)
            start_loads(j + 2, u)
        return _

    lax.fori_loop(0, (_NCH - 4) // 2, pair_step, 0)

    for j in (_NCH - 2, _NCH - 1):
        u = j % 2
        wait_loads(u)
        wait_stores(u)
        compute(u)
        start_stores(j, u)
    wait_stores(0)
    wait_stores(1)


def kernel(CA, feature_map):
    fm = jnp.transpose(feature_map, (0, 2, 3, 1)).reshape(_ROWS, _C)
    ca = CA.reshape(-1)
    buf = lambda: pltpu.VMEM((_CH, _C), jnp.float32)
    out = pl.kernel(
        _body,
        out_type=jax.ShapeDtypeStruct((_ROWS, _C), jnp.float32),
        mesh=plsc.VectorSubcoreMesh(core_axis_name="c", subcore_axis_name="s"),
        compiler_params=pltpu.CompilerParams(use_tc_tiling_on_sc=True),
        scratch_types=[
            pltpu.VMEM((_C,), jnp.float32),
            buf(), buf(), buf(), buf(), buf(), buf(), buf(), buf(),
            pltpu.SemaphoreType.DMA, pltpu.SemaphoreType.DMA,
            pltpu.SemaphoreType.DMA, pltpu.SemaphoreType.DMA,
            pltpu.SemaphoreType.DMA, pltpu.SemaphoreType.DMA,
            pltpu.SemaphoreType.DMA, pltpu.SemaphoreType.DMA,
        ],
    )(ca, fm)
    return jnp.transpose(out.reshape(_B, _H, _W, _C), (0, 3, 1, 2))

# --- scband reference (transcript-rebuilt; emitter-appended) ---
"""Pipeline reference for scband-ce-module-22548578304747 (READ-ONLY COPY).

The authoritative reference and input builder live on the scoring server;
editing this copy changes nothing except your own understanding.
"""

import jax, jax.numpy as jnp
import numpy as np

THRESHOLD = 0.3

def setup_inputs(seed: int = 0) -> dict:
    key = jax.random.key(seed)
    k1, k2 = jax.random.split(key)
    CA = jax.random.uniform(k1, (8, 768), dtype=jnp.float32)
    feature_map = jax.random.normal(k2, (8, 768, 48, 48), dtype=jnp.float32)
    return {"CA": CA, "feature_map": feature_map}

def reference(CA, feature_map):
    # probability=0.0 so random.uniform(0,1) >= 0.0 is always True -> exchange branch always runs
    bs = feature_map.shape[0] // 2
    feature_map_ir = feature_map[:bs]
    feature_map_rgb = feature_map[bs:]
    CA_ir = CA[:bs]
    # CA_rgb = CA[bs:]  # computed in torch but then overwritten by the original bug
    CE_E_ir = CA_ir < THRESHOLD  # [bs, C] bool
    # Faithful replication of original bug: CE_E_rgb = CE_E_ir.view(...) uses the IR mask
    CE_E_rgb = CE_E_ir
    # x1: where channel is 'exchanged' (CE_E_ir) take rgb features, else (CE_N_ir) keep ir features
    m_ir = CE_E_ir[:, :, None, None]
    m_rgb = CE_E_rgb[:, :, None, None]
    x1 = jnp.where(m_ir, feature_map_rgb, feature_map_ir)
    x2 = jnp.where(m_rgb, feature_map_ir, feature_map_rgb)
    return jnp.concatenate((x1, x2), axis=0)

if __name__ == "__main__":
    import jax
    _d = setup_inputs()
    print(jax.jit(kernel)(*tuple(_d.values())))

</pallas_src>

<mosaic_0001>
#map = affine_map<(d0, d1) -> (0)>
#map1 = affine_map<(d0, d1) -> (0, 0)>
module attributes {stable_mosaic.version = 14 : i64} {
  func.func @_body(%arg0: i32, %arg1: i32, %arg2: memref<6144xf32, #tpu.memory_space<hbm>>, %arg3: memref<18432x768xf32, #tpu.memory_space<hbm>>, %arg4: memref<18432x768xf32, #tpu.memory_space<hbm>>, %arg5: memref<768xf32, #tpu.memory_space<vmem>>, %arg6: memref<16x768xf32, #tpu.memory_space<vmem>>, %arg7: memref<16x768xf32, #tpu.memory_space<vmem>>, %arg8: memref<16x768xf32, #tpu.memory_space<vmem>>, %arg9: memref<16x768xf32, #tpu.memory_space<vmem>>, %arg10: memref<16x768xf32, #tpu.memory_space<vmem>>, %arg11: memref<16x768xf32, #tpu.memory_space<vmem>>, %arg12: memref<16x768xf32, #tpu.memory_space<vmem>>, %arg13: memref<16x768xf32, #tpu.memory_space<vmem>>, %arg14: memref<!tpu.dma_semaphore, #tpu.memory_space<semaphore_mem>>, %arg15: memref<!tpu.dma_semaphore, #tpu.memory_space<semaphore_mem>>, %arg16: memref<!tpu.dma_semaphore, #tpu.memory_space<semaphore_mem>>, %arg17: memref<!tpu.dma_semaphore, #tpu.memory_space<semaphore_mem>>, %arg18: memref<!tpu.dma_semaphore, #tpu.memory_space<semaphore_mem>>, %arg19: memref<!tpu.dma_semaphore, #tpu.memory_space<semaphore_mem>>, %arg20: memref<!tpu.dma_semaphore, #tpu.memory_space<semaphore_mem>>, %arg21: memref<!tpu.dma_semaphore, #tpu.memory_space<semaphore_mem>>) attributes {dimension_semantics = [#tpu.dimension_semantics<core_parallel>, #tpu.dimension_semantics<subcore_parallel>], iteration_bounds = array<i64: 2, 16>, scalar_prefetch = 0 : i64, scratch_operands = 17 : i64, tpu.core_type = #tpu.core_type<sc_vector_subcore>, window_params = [{transform_indices = #map}, {transform_indices = #map1}, {transform_indices = #map1}]} {
    %mul3A = arith.constant 2 : i32
    %mul3A_0 = arith.muli %arg1, %mul3A : i32
    %add3A = arith.addi %mul3A_0, %arg0 : i32
    %mul3A_1 = arith.constant 288 : i32
    %mul3A_2 = arith.muli %add3A, %mul3A_1 : i32
    %jit3A = arith.constant 2304 : i32
    %div3A = arith.divsi %mul3A_2, %jit3A : i32
    %sign3A = arith.constant 0 : i32
    %sign3A_3 = arith.cmpi sgt, %mul3A_2, %sign3A : i32
    %sign3A_4 = arith.extui %sign3A_3 : i1 to i32
    %sign3A_5 = arith.constant 0 : i32
    %sign3A_6 = arith.cmpi slt, %mul3A_2, %sign3A_5 : i32
    %sign3A_7 = arith.extui %sign3A_6 : i1 to i32
    %sign3A_8 = arith.subi %sign3A_4, %sign3A_7 : i32
    %sign3A_9 = arith.constant 0 : i32
    %sign3A_10 = arith.cmpi sgt, %jit3A, %sign3A_9 : i32
    %sign3A_11 = arith.extui %sign3A_10 : i1 to i32
    %sign3A_12 = arith.constant 0 : i32
    %sign3A_13 = arith.cmpi slt, %jit3A, %sign3A_12 : i32
    %sign3A_14 = arith.extui %sign3A_13 : i1 to i32
    %sign3A_15 = arith.subi %sign3A_11, %sign3A_14 : i32
    %ne3A = arith.cmpi ne, %sign3A_8, %sign3A_15 : i32
    %rem3A = arith.remsi %mul3A_2, %jit3A : i32
    %ne3A_16 = arith.constant 0 : i32
    %ne3A_17 = arith.cmpi ne, %rem3A, %ne3A_16 : i32
    %and3A = arith.andi %ne3A, %ne3A_17 : i1
    %sub3A = arith.constant 1 : i32
    %sub3A_18 = arith.subi %div3A, %sub3A : i32
    %select_n3A = arith.select %and3A, %sub3A_18, %div3A : i32
    %mul3A_19 = arith.constant 768 : i32
    %mul3A_20 = arith.muli %select_n3A, %mul3A_19 : i32
    "tpu.region"() ({
      %run_scoped3A = tpu.sem_alloc : memref<!tpu.dma_semaphore, #tpu.memory_space<semaphore_mem>>
      %dma_start3A_240 = tpu.memref_slice %arg2[%mul3A_20] : memref<6144xf32, #tpu.memory_space<hbm>> -> memref<768xf32, #tpu.memory_space<hbm>>
      %dma_start3A_241 = tpu.memref_slice %arg2[%mul3A_20] : memref<6144xf32, #tpu.memory_space<hbm>> -> memref<768xf32, #tpu.memory_space<hbm>>
      tpu.enqueue_dma source(%dma_start3A_241 : memref<768xf32, #tpu.memory_space<hbm>>) target(%arg5 : memref<768xf32, #tpu.memory_space<vmem>>) target_semaphore(%run_scoped3A : memref<!tpu.dma_semaphore, #tpu.memory_space<semaphore_mem>>)
      %dma_wait3A_242 = tpu.memref_slice %arg2[%mul3A_20] : memref<6144xf32, #tpu.memory_space<hbm>> -> memref<768xf32, #tpu.memory_space<hbm>>
      %dma_wait3A_243 = tpu.memref_slice %arg2[%mul3A_20] : memref<6144xf32, #tpu.memory_space<hbm>> -> memref<768xf32, #tpu.memory_space<hbm>>
      tpu.wait_dma2 semaphore(%run_scoped3A : memref<!tpu.dma_semaphore, #tpu.memory_space<semaphore_mem>>) src(%dma_wait3A_243 : memref<768xf32, #tpu.memory_space<hbm>>) dst(%arg5 : memref<768xf32, #tpu.memory_space<vmem>>)
      tpu.yield
    }) : () -> ()
    %add3A_21 = arith.constant 0 : i32
    %add3A_22 = arith.addi %mul3A_2, %add3A_21 : i32
    %dma_start3A = arith.constant 0 : i32
    %dma_start3A_23 = tpu.memref_slice %arg3[%add3A_22, %dma_start3A] : memref<18432x768xf32, #tpu.memory_space<hbm>> -> memref<16x768xf32, #tpu.memory_space<hbm>>
    %dma_start3A_24 = arith.constant 0 : i32
    %dma_start3A_25 = tpu.memref_slice %arg3[%add3A_22, %dma_start3A_24] : memref<18432x768xf32, #tpu.memory_space<hbm>> -> memref<16x768xf32, #tpu.memory_space<hbm>>
    tpu.enqueue_dma source(%dma_start3A_25 : memref<16x768xf32, #tpu.memory_space<hbm>>) target(%arg6 : memref<16x768xf32, #tpu.memory_space<vmem>>) target_semaphore(%arg14 : memref<!tpu.dma_semaphore, #tpu.memory_space<semaphore_mem>>)
    %add3A_26 = arith.constant 9216 : i32
    %add3A_27 = arith.addi %add3A_22, %add3A_26 : i32
    %dma_start3A_28 = arith.constant 0 : i32
    %dma_start3A_29 = tpu.memref_slice %arg3[%add3A_27, %dma_start3A_28] : memref<18432x768xf32, #tpu.memory_space<hbm>> -> memref<16x768xf32, #tpu.memory_space<hbm>>
    %dma_start3A_30 = arith.constant 0 : i32
    %dma_start3A_31 = tpu.memref_slice %arg3[%add3A_27, %dma_start3A_30] : memref<18432x768xf32, #tpu.memory_space<hbm>> -> memref<16x768xf32, #tpu.memory_space<hbm>>
    tpu.enqueue_dma source(%dma_start3A_31 : memref<16x768xf32, #tpu.memory_space<hbm>>) target(%arg8 : memref<16x768xf32, #tpu.memory_space<vmem>>) target_semaphore(%arg16 : memref<!tpu.dma_semaphore, #tpu.memory_space<semaphore_mem>>)
    %add3A_32 = arith.constant 16 : i32
    %add3A_33 = arith.addi %mul3A_2, %add3A_32 : i32
    %dma_start3A_34 = arith.constant 0 : i32
    %dma_start3A_35 = tpu.memref_slice %arg3[%add3A_33, %dma_start3A_34] : memref<18432x768xf32, #tpu.memory_space<hbm>> -> memref<16x768xf32, #tpu.memory_space<hbm>>
    %dma_start3A_36 = arith.constant 0 : i32
    %dma_start3A_37 = tpu.memref_slice %arg3[%add3A_33, %dma_start3A_36] : memref<18432x768xf32, #tpu.memory_space<hbm>> -> memref<16x768xf32, #tpu.memory_space<hbm>>
    tpu.enqueue_dma source(%dma_start3A_37 : memref<16x768xf32, #tpu.memory_space<hbm>>) target(%arg7 : memref<16x768xf32, #tpu.memory_space<vmem>>) target_semaphore(%arg15 : memref<!tpu.dma_semaphore, #tpu.memory_space<semaphore_mem>>)
    %add3A_38 = arith.constant 9216 : i32
    %add3A_39 = arith.addi %add3A_33, %add3A_38 : i32
    %dma_start3A_40 = arith.constant 0 : i32
    %dma_start3A_41 = tpu.memref_slice %arg3[%add3A_39, %dma_start3A_40] : memref<18432x768xf32, #tpu.memory_space<hbm>> -> memref<16x768xf32, #tpu.memory_space<hbm>>
    %dma_start3A_42 = arith.constant 0 : i32
    %dma_start3A_43 = tpu.memref_slice %arg3[%add3A_39, %dma_start3A_42] : memref<18432x768xf32, #tpu.memory_space<hbm>> -> memref<16x768xf32, #tpu.memory_space<hbm>>
    tpu.enqueue_dma source(%dma_start3A_43 : memref<16x768xf32, #tpu.memory_space<hbm>>) target(%arg9 : memref<16x768xf32, #tpu.memory_space<vmem>>) target_semaphore(%arg17 : memref<!tpu.dma_semaphore, #tpu.memory_space<semaphore_mem>>)
    %dma_wait3A = arith.constant 0 : i32
    %dma_wait3A_44 = arith.constant 0 : i32
    %dma_wait3A_45 = tpu.memref_slice %arg3[%dma_wait3A, %dma_wait3A_44] : memref<18432x768xf32, #tpu.memory_space<hbm>> -> memref<16x768xf32, #tpu.memory_space<hbm>>
    %dma_wait3A_46 = arith.constant 0 : i32
    %dma_wait3A_47 = arith.constant 0 : i32
    %dma_wait3A_48 = tpu.memref_slice %arg3[%dma_wait3A_46, %dma_wait3A_47] : memref<18432x768xf32, #tpu.memory_space<hbm>> -> memref<16x768xf32, #tpu.memory_space<hbm>>
    tpu.wait_dma2 semaphore(%arg14 : memref<!tpu.dma_semaphore, #tpu.memory_space<semaphore_mem>>) src(%dma_wait3A_48 : memref<16x768xf32, #tpu.memory_space<hbm>>) dst(%arg6 : memref<16x768xf32, #tpu.memory_space<vmem>>)
    %dma_wait3A_49 = arith.constant 0 : i32
    %dma_wait3A_50 = arith.constant 0 : i32
    %dma_wait3A_51 = tpu.memref_slice %arg3[%dma_wait3A_49, %dma_wait3A_50] : memref<18432x768xf32, #tpu.memory_space<hbm>> -> memref<16x768xf32, #tpu.memory_space<hbm>>
    %dma_wait3A_52 = arith.constant 0 : i32
    %dma_wait3A_53 = arith.constant 0 : i32
    %dma_wait3A_54 = tpu.memref_slice %arg3[%dma_wait3A_52, %dma_wait3A_53] : memref<18432x768xf32, #tpu.memory_space<hbm>> -> memref<16x768xf32, #tpu.memory_space<hbm>>
    tpu.wait_dma2 semaphore(%arg16 : memref<!tpu.dma_semaphore, #tpu.memory_space<semaphore_mem>>) src(%dma_wait3A_54 : memref<16x768xf32, #tpu.memory_space<hbm>>) dst(%arg8 : memref<16x768xf32, #tpu.memory_space<vmem>>)
    %scan3A = arith.constant 0 : i32
    %scan3A_55 = arith.constant 0 : i32
    %scan3A_56 = arith.constant 48 : i32
    %scan3A_57 = arith.addi %scan3A_55, %scan3A_56 : i32
    %scan3A_58 = arith.constant 1 : i32
    scf.for %scan3A_240 = %scan3A_55 to %scan3A_57 step %scan3A_58  : i32 {
      %mul3A_241 = arith.constant 16 : i32
      %mul3A_242 = arith.muli %scan3A_240, %mul3A_241 : i32
      %get3A = arith.index_cast %mul3A_242 : i32 to index
      %get3A_243 = tpu.vector_load %arg5[%get3A] {strides = array<i32>} : memref<768xf32, #tpu.memory_space<vmem>>, vector<16xf32>,
      %get3A_244 = vector.shape_cast %get3A_243 : vector<16xf32> to vector<16xf32>
      %lt3A = arith.constant 3.000000e-01 : f32
      %lt3A_245 = vector.broadcast %lt3A : f32 to vector<16xf32>
      %lt3A_246 = arith.cmpf olt, %get3A_244, %lt3A_245 : vector<16xf32>
      %get3A_247 = arith.constant 0 : i32
      %get3A_248 = arith.index_cast %get3A_247 : i32 to index
      %get3A_249 = arith.index_cast %mul3A_242 : i32 to index
      %get3A_250 = tpu.vector_load %arg6[%get3A_248, %get3A_249] {strides = array<i32>} : memref<16x768xf32, #tpu.memory_space<vmem>>, vector<1x16xf32>,
      %get3A_251 = vector.shape_cast %get3A_250 : vector<1x16xf32> to vector<16xf32>
      %get3A_252 = arith.constant 0 : i32
      %get3A_253 = arith.index_cast %get3A_252 : i32 to index
      %get3A_254 = arith.index_cast %mul3A_242 : i32 to index
      %get3A_255 = tpu.vector_load %arg8[%get3A_253, %get3A_254] {strides = array<i32>} : memref<16x768xf32, #tpu.memory_space<vmem>>, vector<1x16xf32>,
      %get3A_256 = vector.shape_cast %get3A_255 : vector<1x16xf32> to vector<16xf32>
      %select_n3A_257 = arith.select %lt3A_246, %get3A_256, %get3A_251 : vector<16xi1>, vector<16xf32>
      %swap3A = arith.constant 0 : i32
      %swap3A_258 = arith.index_cast %swap3A : i32 to index
      %swap3A_259 = arith.index_cast %mul3A_242 : i32 to index
      %swap3A_260 = tpu.vector_load %arg10[%swap3A_258, %swap3A_259] {strides = array<i32>} : memref<16x768xf32, #tpu.memory_space<vmem>>, vector<1x16xf32>,
      %swap3A_261 = vector.shape_cast %swap3A_260 : vector<1x16xf32> to vector<16xf32>
      %swap3A_262 = vector.shape_cast %select_n3A_257 : vector<16xf32> to vector<1x16xf32>
      tpu.vector_store %arg10[%swap3A_258, %swap3A_259], %swap3A_262 {strides = array<i32>} : memref<16x768xf32, #tpu.memory_space<vmem>>, vector<1x16xf32>,
      %select_n3A_263 = arith.select %lt3A_246, %get3A_251, %get3A_256 : vector<16xi1>, vector<16xf32>
      %swap3A_264 = arith.constant 0 : i32
      %swap3A_265 = arith.index_cast %swap3A_264 : i32 to index
      %swap3A_266 = arith.index_cast %mul3A_242 : i32 to index
      %swap3A_267 = tpu.vector_load %arg12[%swap3A_265, %swap3A_266] {strides = array<i32>} : memref<16x768xf32, #tpu.memory_space<vmem>>, vector<1x16xf32>,
      %swap3A_268 = vector.shape_cast %swap3A_267 : vector<1x16xf32> to vector<16xf32>
      %swap3A_269 = vector.shape_cast %select_n3A_263 : vector<16xf32> to vector<1x16xf32>
      tpu.vector_store %arg12[%swap3A_265, %swap3A_266], %swap3A_269 {strides = array<i32>} : memref<16x768xf32, #tpu.memory_space<vmem>>, vector<1x16xf32>,
      %get3A_270 = arith.constant 1 : i32
      %get3A_271 = arith.index_cast %get3A_270 : i32 to index
      %get3A_272 = arith.index_cast %mul3A_242 : i32 to index
      %get3A_273 = tpu.vector_load %arg6[%get3A_271, %get3A_272] {strides = array<i32>} : memref<16x768xf32, #tpu.memory_space<vmem>>, vector<1x16xf32>,
      %get3A_274 = vector.shape_cast %get3A_273 : vector<1x16xf32> to vector<16xf32>
      %get3A_275 = arith.constant 1 : i32
      %get3A_276 = arith.index_cast %get3A_275 : i32 to index
      %get3A_277 = arith.index_cast %mul3A_242 : i32 to index
      %get3A_278 = tpu.vector_load %arg8[%get3A_276, %get3A_277] {strides = array<i32>} : memref<16x768xf32, #tpu.memory_space<vmem>>, vector<1x16xf32>,
      %get3A_279 = vector.shape_cast %get3A_278 : vector<1x16xf32> to vector<16xf32>
      %select_n3A_280 = arith.select %lt3A_246, %get3A_279, %get3A_274 : vector<16xi1>, vector<16xf32>
      %swap3A_281 = arith.constant 1 : i32
      %swap3A_282 = arith.index_cast %swap3A_281 : i32 to index
      %swap3A_283 = arith.index_cast %mul3A_242 : i32 to index
      %swap3A_284 = tpu.vector_load %arg10[%swap3A_282, %swap3A_283] {strides = array<i32>} : memref<16x768xf32, #tpu.memory_space<vmem>>, vector<1x16xf32>,
      %swap3A_285 = vector.shape_cast %swap3A_284 : vector<1x16xf32> to vector<16xf32>
      %swap3A_286 = vector.shape_cast %select_n3A_280 : vector<16xf32> to vector<1x16xf32>
      tpu.vector_store %arg10[%swap3A_282, %swap3A_283], %swap3A_286 {strides = array<i32>} : memref<16x768xf32, #tpu.memory_space<vmem>>, vector<1x16xf32>,
      %select_n3A_287 = arith.select %lt3A_246, %get3A_274, %get3A_279 : vector<16xi1>, vector<16xf32>
      %swap3A_288 = arith.constant 1 : i32
      %swap3A_289 = arith.index_cast %swap3A_288 : i32 to index
      %swap3A_290 = arith.index_cast %mul3A_242 : i32 to index
      %swap3A_291 = tpu.vector_load %arg12[%swap3A_289, %swap3A_290] {strides = array<i32>} : memref<16x768xf32, #tpu.memory_space<vmem>>, vector<1x16xf32>,
      %swap3A_292 = vector.shape_cast %swap3A_291 : vector<1x16xf32> to vector<16xf32>
      %swap3A_293 = vector.shape_cast %select_n3A_287 : vector<16xf32> to vector<1x16xf32>
      tpu.vector_store %arg12[%swap3A_289, %swap3A_290], %swap3A_293 {strides = array<i32>} : memref<16x768xf32, #tpu.memory_space<vmem>>, vector<1x16xf32>,
      %get3A_294 = arith.constant 2 : i32
      %get3A_295 = arith.index_cast %get3A_294 : i32 to index
      %get3A_296 = arith.index_cast %mul3A_242 : i32 to index
      %get3A_297 = tpu.vector_load %arg6[%get3A_295, %get3A_296] {strides = array<i32>} : memref<16x768xf32, #tpu.memory_space<vmem>>, vector<1x16xf32>,
      %get3A_298 = vector.shape_cast %get3A_297 : vector<1x16xf32> to vector<16xf32>
      %get3A_299 = arith.constant 2 : i32
      %get3A_300 = arith.index_cast %get3A_299 : i32 to index
      %get3A_301 = arith.index_cast %mul3A_242 : i32 to index
      %get3A_302 = tpu.vector_load %arg8[%get3A_300, %get3A_301] {strides = array<i32>} : memref<16x768xf32, #tpu.memory_space<vmem>>, vector<1x16xf32>,
      %get3A_303 = vector.shape_cast %get3A_302 : vector<1x16xf32> to vector<16xf32>
      %select_n3A_304 = arith.select %lt3A_246, %get3A_303, %get3A_298 : vector<16xi1>, vector<16xf32>
      %swap3A_305 = arith.constant 2 : i32
      %swap3A_306 = arith.index_cast %swap3A_305 : i32 to index
      %swap3A_307 = arith.index_cast %mul3A_242 : i32 to index
      %swap3A_308 = tpu.vector_load %arg10[%swap3A_306, %swap3A_307] {strides = array<i32>} : memref<16x768xf32, #tpu.memory_space<vmem>>, vector<1x16xf32>,
      %swap3A_309 = vector.shape_cast %swap3A_308 : vector<1x16xf32> to vector<16xf32>
      %swap3A_310 = vector.shape_cast %select_n3A_304 : vector<16xf32> to vector<1x16xf32>
      tpu.vector_store %arg10[%swap3A_306, %swap3A_307], %swap3A_310 {strides = array<i32>} : memref<16x768xf32, #tpu.memory_space<vmem>>, vector<1x16xf32>,
      %select_n3A_311 = arith.select %lt3A_246, %get3A_298, %get3A_303 : vector<16xi1>, vector<16xf32>
      %swap3A_312 = arith.constant 2 : i32
      %swap3A_313 = arith.index_cast %swap3A_312 : i32 to index
      %swap3A_314 = arith.index_cast %mul3A_242 : i32 to index
      %swap3A_315 = tpu.vector_load %arg12[%swap3A_313, %swap3A_314] {strides = array<i32>} : memref<16x768xf32, #tpu.memory_space<vmem>>, vector<1x16xf32>,
      %swap3A_316 = vector.shape_cast %swap3A_315 : vector<1x16xf32> to vector<16xf32>
      %swap3A_317 = vector.shape_cast %select_n3A_311 : vector<16xf32> to vector<1x16xf32>
      tpu.vector_store %arg12[%swap3A_313, %swap3A_314], %swap3A_317 {strides = array<i32>} : memref<16x768xf32, #tpu.memory_space<vmem>>, vector<1x16xf32>,
      %get3A_318 = arith.constant 3 : i32
      %get3A_319 = arith.index_cast %get3A_318 : i32 to index
      %get3A_320 = arith.index_cast %mul3A_242 : i32 to index
      %get3A_321 = tpu.vector_load %arg6[%get3A_319, %get3A_320] {strides = array<i32>} : memref<16x768xf32, #tpu.memory_space<vmem>>, vector<1x16xf32>,
      %get3A_322 = vector.shape_cast %get3A_321 : vector<1x16xf32> to vector<16xf32>
      %get3A_323 = arith.constant 3 : i32
      %get3A_324 = arith.index_cast %get3A_323 : i32 to index
      %get3A_325 = arith.index_cast %mul3A_242 : i32 to index
      %get3A_326 = tpu.vector_load %arg8[%get3A_324, %get3A_325] {strides = array<i32>} : memref<16x768xf32, #tpu.memory_space<vmem>>, vector<1x16xf32>,
      %get3A_327 = vector.shape_cast %get3A_326 : vector<1x16xf32> to vector<16xf32>
      %select_n3A_328 = arith.select %lt3A_246, %get3A_327, %get3A_322 : vector<16xi1>, vector<16xf32>
      %swap3A_329 = arith.constant 3 : i32
      %swap3A_330 = arith.index_cast %swap3A_329 : i32 to index
      %swap3A_331 = arith.index_cast %mul3A_242 : i32 to index
      %swap3A_332 = tpu.vector_load %arg10[%swap3A_330, %swap3A_331] {strides = array<i32>} : memref<16x768xf32, #tpu.memory_space<vmem>>, vector<1x16xf32>,
      %swap3A_333 = vector.shape_cast %swap3A_332 : vector<1x16xf32> to vector<16xf32>
      %swap3A_334 = vector.shape_cast %select_n3A_328 : vector<16xf32> to vector<1x16xf32>
      tpu.vector_store %arg10[%swap3A_330, %swap3A_331], %swap3A_334 {strides = array<i32>} : memref<16x768xf32, #tpu.memory_space<vmem>>, vector<1x16xf32>,
      %select_n3A_335 = arith.select %lt3A_246, %get3A_322, %get3A_327 : vector<16xi1>, vector<16xf32>
      %swap3A_336 = arith.constant 3 : i32
      %swap3A_337 = arith.index_cast %swap3A_336 : i32 to index
      %swap3A_338 = arith.index_cast %mul3A_242 : i32 to index
      %swap3A_339 = tpu.vector_load %arg12[%swap3A_337, %swap3A_338] {strides = array<i32>} : memref<16x768xf32, #tpu.memory_space<vmem>>, vector<1x16xf32>,
      %swap3A_340 = vector.shape_cast %swap3A_339 : vector<1x16xf32> to vector<16xf32>
      %swap3A_341 = vector.shape_cast %select_n3A_335 : vector<16xf32> to vector<1x16xf32>
      tpu.vector_store %arg12[%swap3A_337, %swap3A_338], %swap3A_341 {strides = array<i32>} : memref<16x768xf32, #tpu.memory_space<vmem>>, vector<1x16xf32>,
      %get3A_342 = arith.constant 4 : i32
      %get3A_343 = arith.index_cast %get3A_342 : i32 to index
      %get3A_344 = arith.index_cast %mul3A_242 : i32 to index
      %get3A_345 = tpu.vector_load %arg6[%get3A_343, %get3A_344] {strides = array<i32>} : memref<16x768xf32, #tpu.memory_space<vmem>>, vector<1x16xf32>,
      %get3A_346 = vector.shape_cast %get3A_345 : vector<1x16xf32> to vector<16xf32>
      %get3A_347 = arith.constant 4 : i32
      %get3A_348 = arith.index_cast %get3A_347 : i32 to index
      %get3A_349 = arith.index_cast %mul3A_242 : i32 to index
      %get3A_350 = tpu.vector_load %arg8[%get3A_348, %get3A_349] {strides = array<i32>} : memref<16x768xf32, #tpu.memory_space<vmem>>, vector<1x16xf32>,
      %get3A_351 = vector.shape_cast %get3A_350 : vector<1x16xf32> to vector<16xf32>
      %select_n3A_352 = arith.select %lt3A_246, %get3A_351, %get3A_346 : vector<16xi1>, vector<16xf32>
      %swap3A_353 = arith.constant 4 : i32
      %swap3A_354 = arith.index_cast %swap3A_353 : i32 to index
      %swap3A_355 = arith.index_cast %mul3A_242 : i32 to index
      %swap3A_356 = tpu.vector_load %arg10[%swap3A_354, %swap3A_355] {strides = array<i32>} : memref<16x768xf32, #tpu.memory_space<vmem>>, vector<1x16xf32>,
      %swap3A_357 = vector.shape_cast %swap3A_356 : vector<1x16xf32> to vector<16xf32>
      %swap3A_358 = vector.shape_cast %select_n3A_352 : vector<16xf32> to vector<1x16xf32>
      tpu.vector_store %arg10[%swap3A_354, %swap3A_355], %swap3A_358 {strides = array<i32>} : memref<16x768xf32, #tpu.memory_space<vmem>>, vector<1x16xf32>,
      %select_n3A_359 = arith.select %lt3A_246, %get3A_346, %get3A_351 : vector<16xi1>, vector<16xf32>
      %swap3A_360 = arith.constant 4 : i32
      %swap3A_361 = arith.index_cast %swap3A_360 : i32 to index
      %swap3A_362 = arith.index_cast %mul3A_242 : i32 to index
      %swap3A_363 = tpu.vector_load %arg12[%swap3A_361, %swap3A_362] {strides = array<i32>} : memref<16x768xf32, #tpu.memory_space<vmem>>, vector<1x16xf32>,
      %swap3A_364 = vector.shape_cast %swap3A_363 : vector<1x16xf32> to vector<16xf32>
      %swap3A_365 = vector.shape_cast %select_n3A_359 : vector<16xf32> to vector<1x16xf32>
      tpu.vector_store %arg12[%swap3A_361, %swap3A_362], %swap3A_365 {strides = array<i32>} : memref<16x768xf32, #tpu.memory_space<vmem>>, vector<1x16xf32>,
      %get3A_366 = arith.constant 5 : i32
      %get3A_367 = arith.index_cast %get3A_366 : i32 to index
      %get3A_368 = arith.index_cast %mul3A_242 : i32 to index
      %get3A_369 = tpu.vector_load %arg6[%get3A_367, %get3A_368] {strides = array<i32>} : memref<16x768xf32, #tpu.memory_space<vmem>>, vector<1x16xf32>,
      %get3A_370 = vector.shape_cast %get3A_369 : vector<1x16xf32> to vector<16xf32>
      %get3A_371 = arith.constant 5 : i32
      %get3A_372 = arith.index_cast %get3A_371 : i32 to index
      %get3A_373 = arith.index_cast %mul3A_242 : i32 to index
      %get3A_374 = tpu.vector_load %arg8[%get3A_372, %get3A_373] {strides = array<i32>} : memref<16x768xf32, #tpu.memory_space<vmem>>, vector<1x16xf32>,
      %get3A_375 = vector.shape_cast %get3A_374 : vector<1x16xf32> to vector<16xf32>
      %select_n3A_376 = arith.select %lt3A_246, %get3A_375, %get3A_370 : vector<16xi1>, vector<16xf32>
      %swap3A_377 = arith.constant 5 : i32
      %swap3A_378 = arith.index_cast %swap3A_377 : i32 to index
      %swap3A_379 = arith.index_cast %mul3A_242 : i32 to index
      %swap3A_380 = tpu.vector_load %arg10[%swap3A_378, %swap3A_379] {strides = array<i32>} : memref<16x768xf32, #tpu.memory_space<vmem>>, vector<1x16xf32>,
      %swap3A_381 = vector.shape_cast %swap3A_380 : vector<1x16xf32> to vector<16xf32>
      %swap3A_382 = vector.shape_cast %select_n3A_376 : vector<16xf32> to vector<1x16xf32>
      tpu.vector_store %arg10[%swap3A_378, %swap3A_379], %swap3A_382 {strides = array<i32>} : memref<16x768xf32, #tpu.memory_space<vmem>>, vector<1x16xf32>,
      %select_n3A_383 = arith.select %lt3A_246, %get3A_370, %get3A_375 : vector<16xi1>, vector<16xf32>
      %swap3A_384 = arith.constant 5 : i32
      %swap3A_385 = arith.index_cast %swap3A_384 : i32 to index
      %swap3A_386 = arith.index_cast %mul3A_242 : i32 to index
      %swap3A_387 = tpu.vector_load %arg12[%swap3A_385, %swap3A_386] {strides = array<i32>} : memref<16x768xf32, #tpu.memory_space<vmem>>, vector<1x16xf32>,
      %swap3A_388 = vector.shape_cast %swap3A_387 : vector<1x16xf32> to vector<16xf32>
      %swap3A_389 = vector.shape_cast %select_n3A_383 : vector<16xf32> to vector<1x16xf32>
      tpu.vector_store %arg12[%swap3A_385, %swap3A_386], %swap3A_389 {strides = array<i32>} : memref<16x768xf32, #tpu.memory_space<vmem>>, vector<1x16xf32>,
      %get3A_390 = arith.constant 6 : i32
      %get3A_391 = arith.index_cast %get3A_390 : i32 to index
      %get3A_392 = arith.index_cast %mul3A_242 : i32 to index
      %get3A_393 = tpu.vector_load %arg6[%get3A_391, %get3A_392] {strides = array<i32>} : memref<16x768xf32, #tpu.memory_space<vmem>>, vector<1x16xf32>,
      %get3A_394 = vector.shape_cast %get3A_393 : vector<1x16xf32> to vector<16xf32>
      %get3A_395 = arith.constant 6 : i32
      %get3A_396 = arith.index_cast %get3A_395 : i32 to index
      %get3A_397 = arith.index_cast %mul3A_242 : i32 to index
      %get3A_398 = tpu.vector_load %arg8[%get3A_396, %get3A_397] {strides = array<i32>} : memref<16x768xf32, #tpu.memory_space<vmem>>, vector<1x16xf32>,
      %get3A_399 = vector.shape_cast %get3A_398 : vector<1x16xf32> to vector<16xf32>
      %select_n3A_400 = arith.select %lt3A_246, %get3A_399, %get3A_394 : vector<16xi1>, vector<16xf32>
      %swap3A_401 = arith.constant 6 : i32
      %swap3A_402 = arith.index_cast %swap3A_401 : i32 to index
      %swap3A_403 = arith.index_cast %mul3A_242 : i32 to index
      %swap3A_404 = tpu.vector_load %arg10[%swap3A_402, %swap3A_403] {strides = array<i32>} : memref<16x768xf32, #tpu.memory_space<vmem>>, vector<1x16xf32>,
      %swap3A_405 = vector.shape_cast %swap3A_404 : vector<1x16xf32> to vector<16xf32>
      %swap3A_406 = vector.shape_cast %select_n3A_400 : vector<16xf32> to vector<1x16xf32>
      tpu.vector_store %arg10[%swap3A_402, %swap3A_403], %swap3A_406 {strides = array<i32>} : memref<16x768xf32, #tpu.memory_space<vmem>>, vector<1x16xf32>,
      %select_n3A_407 = arith.select %lt3A_246, %get3A_394, %get3A_399 : vector<16xi1>, vector<16xf32>
      %swap3A_408 = arith.constant 6 : i32
      %swap3A_409 = arith.index_cast %swap3A_408 : i32 to index
      %swap3A_410 = arith.index_cast %mul3A_242 : i32 to index
      %swap3A_411 = tpu.vector_load %arg12[%swap3A_409, %swap3A_410] {strides = array<i32>} : memref<16x768xf32, #tpu.memory_space<vmem>>, vector<1x16xf32>,
      %swap3A_412 = vector.shape_cast %swap3A_411 : vector<1x16xf32> to vector<16xf32>
      %swap3A_413 = vector.shape_cast %select_n3A_407 : vector<16xf32> to vector<1x16xf32>
      tpu.vector_store %arg12[%swap3A_409, %swap3A_410], %swap3A_413 {strides = array<i32>} : memref<16x768xf32, #tpu.memory_space<vmem>>, vector<1x16xf32>,
      %get3A_414 = arith.constant 7 : i32
      %get3A_415 = arith.index_cast %get3A_414 : i32 to index
      %get3A_416 = arith.index_cast %mul3A_242 : i32 to index
      %get3A_417 = tpu.vector_load %arg6[%get3A_415, %get3A_416] {strides = array<i32>} : memref<16x768xf32, #tpu.memory_space<vmem>>, vector<1x16xf32>,
      %get3A_418 = vector.shape_cast %get3A_417 : vector<1x16xf32> to vector<16xf32>
      %get3A_419 = arith.constant 7 : i32
      %get3A_420 = arith.index_cast %get3A_419 : i32 to index
      %get3A_421 = arith.index_cast %mul3A_242 : i32 to index
      %get3A_422 = tpu.vector_load %arg8[%get3A_420, %get3A_421] {strides = array<i32>} : memref<16x768xf32, #tpu.memory_space<vmem>>, vector<1x16xf32>,
      %get3A_423 = vector.shape_cast %get3A_422 : vector<1x16xf32> to vector<16xf32>
      %select_n3A_424 = arith.select %lt3A_246, %get3A_423, %get3A_418 : vector<16xi1>, vector<16xf32>
      %swap3A_425 = arith.constant 7 : i32
      %swap3A_426 = arith.index_cast %swap3A_425 : i32 to index
      %swap3A_427 = arith.index_cast %mul3A_242 : i32 to index
      %swap3A_428 = tpu.vector_load %arg10[%swap3A_426, %swap3A_427] {strides = array<i32>} : memref<16x768xf32, #tpu.memory_space<vmem>>, vector<1x16xf32>,
      %swap3A_429 = vector.shape_cast %swap3A_428 : vector<1x16xf32> to vector<16xf32>
      %swap3A_430 = vector.shape_cast %select_n3A_424 : vector<16xf32> to vector<1x16xf32>
      tpu.vector_store %arg10[%swap3A_426, %swap3A_427], %swap3A_430 {strides = array<i32>} : memref<16x768xf32, #tpu.memory_space<vmem>>, vector<1x16xf32>,
      %select_n3A_431 = arith.select %lt3A_246, %get3A_418, %get3A_423 : vector<16xi1>, vector<16xf32>
      %swap3A_432 = arith.constant 7 : i32
      %swap3A_433 = arith.index_cast %swap3A_432 : i32 to index
      %swap3A_434 = arith.index_cast %mul3A_242 : i32 to index
      %swap3A_435 = tpu.vector_load %arg12[%swap3A_433, %swap3A_434] {strides = array<i32>} : memref<16x768xf32, #tpu.memory_space<vmem>>, vector<1x16xf32>,
      %swap3A_436 = vector.shape_cast %swap3A_435 : vector<1x16xf32> to vector<16xf32>
      %swap3A_437 = vector.shape_cast %select_n3A_431 : vector<16xf32> to vector<1x16xf32>
      tpu.vector_store %arg12[%swap3A_433, %swap3A_434], %swap3A_437 {strides = array<i32>} : memref<16x768xf32, #tpu.memory_space<vmem>>, vector<1x16xf32>,
      %get3A_438 = arith.constant 8 : i32
      %get3A_439 = arith.index_cast %get3A_438 : i32 to index
      %get3A_440 = arith.index_cast %mul3A_242 : i32 to index
      %get3A_441 = tpu.vector_load %arg6[%get3A_439, %get3A_440] {strides = array<i32>} : memref<16x768xf32, #tpu.memory_space<vmem>>, vector<1x16xf32>,
      %get3A_442 = vector.shape_cast %get3A_441 : vector<1x16xf32> to vector<16xf32>
      %get3A_443 = arith.constant 8 : i32
      %get3A_444 = arith.index_cast %get3A_443 : i32 to index
      %get3A_445 = arith.index_cast %mul3A_242 : i32 to index
      %get3A_446 = tpu.vector_load %arg8[%get3A_444, %get3A_445] {strides = array<i32>} : memref<16x768xf32, #tpu.memory_space<vmem>>, vector<1x16xf32>,
      %get3A_447 = vector.shape_cast %get3A_446 : vector<1x16xf32> to vector<16xf32>
      %select_n3A_448 = arith.select %lt3A_246, %get3A_447, %get3A_442 : vector<16xi1>, vector<16xf32>
      %swap3A_449 = arith.constant 8 : i32
      %swap3A_450 = arith.index_cast %swap3A_449 : i32 to index
      %swap3A_451 = arith.index_cast %mul3A_242 : i32 to index
      %swap3A_452 = tpu.vector_load %arg10[%swap3A_450, %swap3A_451] {strides = array<i32>} : memref<16x768xf32, #tpu.memory_space<vmem>>, vector<1x16xf32>,
      %swap3A_453 = vector.shape_cast %swap3A_452 : vector<1x16xf32> to vector<16xf32>
      %swap3A_454 = vector.shape_cast %select_n3A_448 : vector<16xf32> to vector<1x16xf32>
      tpu.vector_store %arg10[%swap3A_450, %swap3A_451], %swap3A_454 {strides = array<i32>} : memref<16x768xf32, #tpu.memory_space<vmem>>, vector<1x16xf32>,
      %select_n3A_455 = arith.select %lt3A_246, %get3A_442, %get3A_447 : vector<16xi1>, vector<16xf32>
      %swap3A_456 = arith.constant 8 : i32
      %swap3A_457 = arith.index_cast %swap3A_456 : i32 to index
      %swap3A_458 = arith.index_cast %mul3A_242 : i32 to index
      %swap3A_459 = tpu.vector_load %arg12[%swap3A_457, %swap3A_458] {strides = array<i32>} : memref<16x768xf32, #tpu.memory_space<vmem>>, vector<1x16xf32>,
      %swap3A_460 = vector.shape_cast %swap3A_459 : vector<1x16xf32> to vector<16xf32>
      %swap3A_461 = vector.shape_cast %select_n3A_455 : vector<16xf32> to vector<1x16xf32>
      tpu.vector_store %arg12[%swap3A_457, %swap3A_458], %swap3A_461 {strides = array<i32>} : memref<16x768xf32, #tpu.memory_space<vmem>>, vector<1x16xf32>,
      %get3A_462 = arith.constant 9 : i32
      %get3A_463 = arith.index_cast %get3A_462 : i32 to index
      %get3A_464 = arith.index_cast %mul3A_242 : i32 to index
      %get3A_465 = tpu.vector_load %arg6[%get3A_463, %get3A_464] {strides = array<i32>} : memref<16x768xf32, #tpu.memory_space<vmem>>, vector<1x16xf32>,
      %get3A_466 = vector.shape_cast %get3A_465 : vector<1x16xf32> to vector<16xf32>
      %get3A_467 = arith.constant 9 : i32
      %get3A_468 = arith.index_cast %get3A_467 : i32 to index
      %get3A_469 = arith.index_cast %mul3A_242 : i32 to index
      %get3A_470 = tpu.vector_load %arg8[%get3A_468, %get3A_469] {strides = array<i32>} : memref<16x768xf32, #tpu.memory_space<vmem>>, vector<1x16xf32>,
      %get3A_471 = vector.shape_cast %get3A_470 : vector<1x16xf32> to vector<16xf32>
      %select_n3A_472 = arith.select %lt3A_246, %get3A_471, %get3A_466 : vector<16xi1>, vector<16xf32>
      %swap3A_473 = arith.constant 9 : i32
      %swap3A_474 = arith.index_cast %swap3A_473 : i32 to index
      %swap3A_475 = arith.index_cast %mul3A_242 : i32 to index
      %swap3A_476 = tpu.vector_load %arg10[%swap3A_474, %swap3A_475] {strides = array<i32>} : memref<16x768xf32, #tpu.memory_space<vmem>>, vector<1x16xf32>,
      %swap3A_477 = vector.shape_cast %swap3A_476 : vector<1x16xf32> to vector<16xf32>
      %swap3A_478 = vector.shape_cast %select_n3A_472 : vector<16xf32> to vector<1x16xf32>
      tpu.vector_store %arg10[%swap3A_474, %swap3A_475], %swap3A_478 {strides = array<i32>} : memref<16x768xf32, #tpu.memory_space<vmem>>, vector<1x16xf32>,
      %select_n3A_479 = arith.select %lt3A_246, %get3A_466, %get3A_471 : vector<16xi1>, vector<16xf32>
      %swap3A_480 = arith.constant 9 : i32
      %swap3A_481 = arith.index_cast %swap3A_480 : i32 to index
      %swap3A_482 = arith.index_cast %mul3A_242 : i32 to index
      %swap3A_483 = tpu.vector_load %arg12[%swap3A_481, %swap3A_482] {strides = array<i32>} : memref<16x768xf32, #tpu.memory_space<vmem>>, vector<1x16xf32>,
      %swap3A_484 = vector.shape_cast %swap3A_483 : vector<1x16xf32> to vector<16xf32>
      %swap3A_485 = vector.shape_cast %select_n3A_479 : vector<16xf32> to vector<1x16xf32>
      tpu.vector_store %arg12[%swap3A_481, %swap3A_482], %swap3A_485 {strides = array<i32>} : memref<16x768xf32, #tpu.memory_space<vmem>>, vector<1x16xf32>,
      %get3A_486 = arith.constant 10 : i32
      %get3A_487 = arith.index_cast %get3A_486 : i32 to index
      %get3A_488 = arith.index_cast %mul3A_242 : i32 to index
      %get3A_489 = tpu.vector_load %arg6[%get3A_487, %get3A_488] {strides = array<i32>} : memref<16x768xf32, #tpu.memory_space<vmem>>, vector<1x16xf32>,
      %get3A_490 = vector.shape_cast %get3A_489 : vector<1x16xf32> to vector<16xf32>
      %get3A_491 = arith.constant 10 : i32
      %get3A_492 = arith.index_cast %get3A_491 : i32 to index
      %get3A_493 = arith.index_cast %mul3A_242 : i32 to index
      %get3A_494 = tpu.vector_load %arg8[%get3A_492, %get3A_493] {strides = array<i32>} : memref<16x768xf32, #tpu.memory_space<vmem>>, vector<1x16xf32>,
      %get3A_495 = vector.shape_cast %get3A_494 : vector<1x16xf32> to vector<16xf32>
      %select_n3A_496 = arith.select %lt3A_246, %get3A_495, %get3A_490 : vector<16xi1>, vector<16xf32>
      %swap3A_497 = arith.constant 10 : i32
      %swap3A_498 = arith.index_cast %swap3A_497 : i32 to index
      %swap3A_499 = arith.index_cast %mul3A_242 : i32 to index
      %swap3A_500 = tpu.vector_load %arg10[%swap3A_498, %swap3A_499] {strides = array<i32>} : memref<16x768xf32, #tpu.memory_space<vmem>>, vector<1x16xf32>,
      %swap3A_501 = vector.shape_cast %swap3A_500 : vector<1x16xf32> to vector<16xf32>
      %swap3A_502 = vector.shape_cast %select_n3A_496 : vector<16xf32> to vector<1x16xf32>
      tpu.vector_store %arg10[%swap3A_498, %swap3A_499], %swap3A_502 {strides = array<i32>} : memref<16x768xf32, #tpu.memory_space<vmem>>, vector<1x16xf32>,
      %select_n3A_503 = arith.select %lt3A_246, %get3A_490, %get3A_495 : vector<16xi1>, vector<16xf32>
      %swap3A_504 = arith.constant 10 : i32
      %swap3A_505 = arith.index_cast %swap3A_504 : i32 to index
      %swap3A_506 = arith.index_cast %mul3A_242 : i32 to index
      %swap3A_507 = tpu.vector_load %arg12[%swap3A_505, %swap3A_506] {strides = array<i32>} : memref<16x768xf32, #tpu.memory_space<vmem>>, vector<1x16xf32>,
      %swap3A_508 = vector.shape_cast %swap3A_507 : vector<1x16xf32> to vector<16xf32>
      %swap3A_509 = vector.shape_cast %select_n3A_503 : vector<16xf32> to vector<1x16xf32>
      tpu.vector_store %arg12[%swap3A_505, %swap3A_506], %swap3A_509 {strides = array<i32>} : memref<16x768xf32, #tpu.memory_space<vmem>>, vector<1x16xf32>,
      %get3A_510 = arith.constant 11 : i32
      %get3A_511 = arith.index_cast %get3A_510 : i32 to index
      %get3A_512 = arith.index_cast %mul3A_242 : i32 to index
      %get3A_513 = tpu.vector_load %arg6[%get3A_511, %get3A_512] {strides = array<i32>} : memref<16x768xf32, #tpu.memory_space<vmem>>, vector<1x16xf32>,
      %get3A_514 = vector.shape_cast %get3A_513 : vector<1x16xf32> to vector<16xf32>
      %get3A_515 = arith.constant 11 : i32
      %get3A_516 = arith.index_cast %get3A_515 : i32 to index
      %get3A_517 = arith.index_cast %mul3A_242 : i32 to index
      %get3A_518 = tpu.vector_load %arg8[%get3A_516, %get3A_517] {strides = array<i32>} : memref<16x768xf32, #tpu.memory_space<vmem>>, vector<1x16xf32>,
      %get3A_519 = vector.shape_cast %get3A_518 : vector<1x16xf32> to vector<16xf32>
      %select_n3A_520 = arith.select %lt3A_246, %get3A_519, %get3A_514 : vector<16xi1>, vector<16xf32>
      %swap3A_521 = arith.constant 11 : i32
      %swap3A_522 = arith.index_cast %swap3A_521 : i32 to index
      %swap3A_523 = arith.index_cast %mul3A_242 : i32 to index
      %swap3A_524 = tpu.vector_load %arg10[%swap3A_522, %swap3A_523] {strides = array<i32>} : memref<16x768xf32, #tpu.memory_space<vmem>>, vector<1x16xf32>,
      %swap3A_525 = vector.shape_cast %swap3A_524 : vector<1x16xf32> to vector<16xf32>
      %swap3A_526 = vector.shape_cast %select_n3A_520 : vector<16xf32> to vector<1x16xf32>
      tpu.vector_store %arg10[%swap3A_522, %swap3A_523], %swap3A_526 {strides = array<i32>} : memref<16x768xf32, #tpu.memory_space<vmem>>, vector<1x16xf32>,
      %select_n3A_527 = arith.select %lt3A_246, %get3A_514, %get3A_519 : vector<16xi1>, vector<16xf32>
      %swap3A_528 = arith.constant 11 : i32
      %swap3A_529 = arith.index_cast %swap3A_528 : i32 to index
      %swap3A_530 = arith.index_cast %mul3A_242 : i32 to index
      %swap3A_531 = tpu.vector_load %arg12[%swap3A_529, %swap3A_530] {strides = array<i32>} : memref<16x768xf32, #tpu.memory_space<vmem>>, vector<1x16xf32>,
      %swap3A_532 = vector.shape_cast %swap3A_531 : vector<1x16xf32> to vector<16xf32>
      %swap3A_533 = vector.shape_cast %select_n3A_527 : vector<16xf32> to vector<1x16xf32>
      tpu.vector_store %arg12[%swap3A_529, %swap3A_530], %swap3A_533 {strides = array<i32>} : memref<16x768xf32, #tpu.memory_space<vmem>>, vector<1x16xf32>,
      %get3A_534 = arith.constant 12 : i32
      %get3A_535 = arith.index_cast %get3A_534 : i32 to index
      %get3A_536 = arith.index_cast %mul3A_242 : i32 to index
      %get3A_537 = tpu.vector_load %arg6[%get3A_535, %get3A_536] {strides = array<i32>} : memref<16x768xf32, #tpu.memory_space<vmem>>, vector<1x16xf32>,
      %get3A_538 = vector.shape_cast %get3A_537 : vector<1x16xf32> to vector<16xf32>
      %get3A_539 = arith.constant 12 : i32
      %get3A_540 = arith.index_cast %get3A_539 : i32 to index
      %get3A_541 = arith.index_cast %mul3A_242 : i32 to index
      %get3A_542 = tpu.vector_load %arg8[%get3A_540, %get3A_541] {strides = array<i32>} : memref<16x768xf32, #tpu.memory_space<vmem>>, vector<1x16xf32>,
      %get3A_543 = vector.shape_cast %get3A_542 : vector<1x16xf32> to vector<16xf32>
      %select_n3A_544 = arith.select %lt3A_246, %get3A_543, %get3A_538 : vector<16xi1>, vector<16xf32>
      %swap3A_545 = arith.constant 12 : i32
      %swap3A_546 = arith.index_cast %swap3A_545 : i32 to index
      %swap3A_547 = arith.index_cast %mul3A_242 : i32 to index
      %swap3A_548 = tpu.vector_load %arg10[%swap3A_546, %swap3A_547] {strides = array<i32>} : memref<16x768xf32, #tpu.memory_space<vmem>>, vector<1x16xf32>,
      %swap3A_549 = vector.shape_cast %swap3A_548 : vector<1x16xf32> to vector<16xf32>
      %swap3A_550 = vector.shape_cast %select_n3A_544 : vector<16xf32> to vector<1x16xf32>
      tpu.vector_store %arg10[%swap3A_546, %swap3A_547], %swap3A_550 {strides = array<i32>} : memref<16x768xf32, #tpu.memory_space<vmem>>, vector<1x16xf32>,
      %select_n3A_551 = arith.select %lt3A_246, %get3A_538, %get3A_543 : vector<16xi1>, vector<16xf32>
      %swap3A_552 = arith.constant 12 : i32
      %swap3A_553 = arith.index_cast %swap3A_552 : i32 to index
      %swap3A_554 = arith.index_cast %mul3A_242 : i32 to index
      %swap3A_555 = tpu.vector_load %arg12[%swap3A_553, %swap3A_554] {strides = array<i32>} : memref<16x768xf32, #tpu.memory_space<vmem>>, vector<1x16xf32>,
      %swap3A_556 = vector.shape_cast %swap3A_555 : vector<1x16xf32> to vector<16xf32>
      %swap3A_557 = vector.shape_cast %select_n3A_551 : vector<16xf32> to vector<1x16xf32>
      tpu.vector_store %arg12[%swap3A_553, %swap3A_554], %swap3A_557 {strides = array<i32>} : memref<16x768xf32, #tpu.memory_space<vmem>>, vector<1x16xf32>,
      %get3A_558 = arith.constant 13 : i32
      %get3A_559 = arith.index_cast %get3A_558 : i32 to index
      %get3A_560 = arith.index_cast %mul3A_242 : i32 to index
      %get3A_561 = tpu.vector_load %arg6[%get3A_559, %get3A_560] {strides = array<i32>} : memref<16x768xf32, #tpu.memory_space<vmem>>, vector<1x16xf32>,
      %get3A_562 = vector.shape_cast %get3A_561 : vector<1x16xf32> to vector<16xf32>
      %get3A_563 = arith.constant 13 : i32
      %get3A_564 = arith.index_cast %get3A_563 : i32 to index
      %get3A_565 = arith.index_cast %mul3A_242 : i32 to index
      %get3A_566 = tpu.vector_load %arg8[%get3A_564, %get3A_565] {strides = array<i32>} : memref<16x768xf32, #tpu.memory_space<vmem>>, vector<1x16xf32>,
      %get3A_567 = vector.shape_cast %get3A_566 : vector<1x16xf32> to vector<16xf32>
      %select_n3A_568 = arith.select %lt3A_246, %get3A_567, %get3A_562 : vector<16xi1>, vector<16xf32>
      %swap3A_569 = arith.constant 13 : i32
      %swap3A_570 = arith.index_cast %swap3A_569 : i32 to index
      %swap3A_571 = arith.index_cast %mul3A_242 : i32 to index
      %swap3A_572 = tpu.vector_load %arg10[%swap3A_570, %swap3A_571] {strides = array<i32>} : memref<16x768xf32, #tpu.memory_space<vmem>>, vector<1x16xf32>,
      %swap3A_573 = vector.shape_cast %swap3A_572 : vector<1x16xf32> to vector<16xf32>
      %swap3A_574 = vector.shape_cast %select_n3A_568 : vector<16xf32> to vector<1x16xf32>
      tpu.vector_store %arg10[%swap3A_570, %swap3A_571], %swap3A_574 {strides = array<i32>} : memref<16x768xf32, #tpu.memory_space<vmem>>, vector<1x16xf32>,
      %select_n3A_575 = arith.select %lt3A_246, %get3A_562, %get3A_567 : vector<16xi1>, vector<16xf32>
      %swap3A_576 = arith.constant 13 : i32
      %swap3A_577 = arith.index_cast %swap3A_576 : i32 to index
      %swap3A_578 = arith.index_cast %mul3A_242 : i32 to index
      %swap3A_579 = tpu.vector_load %arg12[%swap3A_577, %swap3A_578] {strides = array<i32>} : memref<16x768xf32, #tpu.memory_space<vmem>>, vector<1x16xf32>,
      %swap3A_580 = vector.shape_cast %swap3A_579 : vector<1x16xf32> to vector<16xf32>
      %swap3A_581 = vector.shape_cast %select_n3A_575 : vector<16xf32> to vector<1x16xf32>
      tpu.vector_store %arg12[%swap3A_577, %swap3A_578], %swap3A_581 {strides = array<i32>} : memref<16x768xf32, #tpu.memory_space<vmem>>, vector<1x16xf32>,
      %get3A_582 = arith.constant 14 : i32
      %get3A_583 = arith.index_cast %get3A_582 : i32 to index
      %get3A_584 = arith.index_cast %mul3A_242 : i32 to index
      %get3A_585 = tpu.vector_load %arg6[%get3A_583, %get3A_584] {strides = array<i32>} : memref<16x768xf32, #tpu.memory_space<vmem>>, vector<1x16xf32>,
      %get3A_586 = vector.shape_cast %get3A_585 : vector<1x16xf32> to vector<16xf32>
      %get3A_587 = arith.constant 14 : i32
      %get3A_588 = arith.index_cast %get3A_587 : i32 to index
      %get3A_589 = arith.index_cast %mul3A_242 : i32 to index
      %get3A_590 = tpu.vector_load %arg8[%get3A_588, %get3A_589] {strides = array<i32>} : memref<16x768xf32, #tpu.memory_space<vmem>>, vector<1x16xf32>,
      %get3A_591 = vector.shape_cast %get3A_590 : vector<1x16xf32> to vector<16xf32>
      %select_n3A_592 = arith.select %lt3A_246, %get3A_591, %get3A_586 : vector<16xi1>, vector<16xf32>
      %swap3A_593 = arith.constant 14 : i32
      %swap3A_594 = arith.index_cast %swap3A_593 : i32 to index
      %swap3A_595 = arith.index_cast %mul3A_242 : i32 to index
      %swap3A_596 = tpu.vector_load %arg10[%swap3A_594, %swap3A_595] {strides = array<i32>} : memref<16x768xf32, #tpu.memory_space<vmem>>, vector<1x16xf32>,
      %swap3A_597 = vector.shape_cast %swap3A_596 : vector<1x16xf32> to vector<16xf32>
      %swap3A_598 = vector.shape_cast %select_n3A_592 : vector<16xf32> to vector<1x16xf32>
      tpu.vector_store %arg10[%swap3A_594, %swap3A_595], %swap3A_598 {strides = array<i32>} : memref<16x768xf32, #tpu.memory_space<vmem>>, vector<1x16xf32>,
      %select_n3A_599 = arith.select %lt3A_246, %get3A_586, %get3A_591 : vector<16xi1>, vector<16xf32>
      %swap3A_600 = arith.constant 14 : i32
      %swap3A_601 = arith.index_cast %swap3A_600 : i32 to index
      %swap3A_602 = arith.index_cast %mul3A_242 : i32 to index
      %swap3A_603 = tpu.vector_load %arg12[%swap3A_601, %swap3A_602] {strides = array<i32>} : memref<16x768xf32, #tpu.memory_space<vmem>>, vector<1x16xf32>,
      %swap3A_604 = vector.shape_cast %swap3A_603 : vector<1x16xf32> to vector<16xf32>
      %swap3A_605 = vector.shape_cast %select_n3A_599 : vector<16xf32> to vector<1x16xf32>
      tpu.vector_store %arg12[%swap3A_601, %swap3A_602], %swap3A_605 {strides = array<i32>} : memref<16x768xf32, #tpu.memory_space<vmem>>, vector<1x16xf32>,
      %get3A_606 = arith.constant 15 : i32
      %get3A_607 = arith.index_cast %get3A_606 : i32 to index
      %get3A_608 = arith.index_cast %mul3A_242 : i32 to index
      %get3A_609 = tpu.vector_load %arg6[%get3A_607, %get3A_608] {strides = array<i32>} : memref<16x768xf32, #tpu.memory_space<vmem>>, vector<1x16xf32>,
      %get3A_610 = vector.shape_cast %get3A_609 : vector<1x16xf32> to vector<16xf32>
      %get3A_611 = arith.constant 15 : i32
      %get3A_612 = arith.index_cast %get3A_611 : i32 to index
      %get3A_613 = arith.index_cast %mul3A_242 : i32 to index
      %get3A_614 = tpu.vector_load %arg8[%get3A_612, %get3A_613] {strides = array<i32>} : memref<16x768xf32, #tpu.memory_space<vmem>>, vector<1x16xf32>,
      %get3A_615 = vector.shape_cast %get3A_614 : vector<1x16xf32> to vector<16xf32>
      %select_n3A_616 = arith.select %lt3A_246, %get3A_615, %get3A_610 : vector<16xi1>, vector<16xf32>
      %swap3A_617 = arith.constant 15 : i32
      %swap3A_618 = arith.index_cast %swap3A_617 : i32 to index
      %swap3A_619 = arith.index_cast %mul3A_242 : i32 to index
      %swap3A_620 = tpu.vector_load %arg10[%swap3A_618, %swap3A_619] {strides = array<i32>} : memref<16x768xf32, #tpu.memory_space<vmem>>, vector<1x16xf32>,
      %swap3A_621 = vector.shape_cast %swap3A_620 : vector<1x16xf32> to vector<16xf32>
      %swap3A_622 = vector.shape_cast %select_n3A_616 : vector<16xf32> to vector<1x16xf32>
      tpu.vector_store %arg10[%swap3A_618, %swap3A_619], %swap3A_622 {strides = array<i32>} : memref<16x768xf32, #tpu.memory_space<vmem>>, vector<1x16xf32>,
      %select_n3A_623 = arith.select %lt3A_246, %get3A_610, %get3A_615 : vector<16xi1>, vector<16xf32>
      %swap3A_624 = arith.constant 15 : i32
      %swap3A_625 = arith.index_cast %swap3A_624 : i32 to index
      %swap3A_626 = arith.index_cast %mul3A_242 : i32 to index
      %swap3A_627 = tpu.vector_load %arg12[%swap3A_625, %swap3A_626] {strides = array<i32>} : memref<16x768xf32, #tpu.memory_space<vmem>>, vector<1x16xf32>,
      %swap3A_628 = vector.shape_cast %swap3A_627 : vector<1x16xf32> to vector<16xf32>
      %swap3A_629 = vector.shape_cast %select_n3A_623 : vector<16xf32> to vector<1x16xf32>
      tpu.vector_store %arg12[%swap3A_625, %swap3A_626], %swap3A_629 {strides = array<i32>} : memref<16x768xf32, #tpu.memory_space<vmem>>, vector<1x16xf32>,
    }
    %scan3A_59 = arith.constant 48 : i32
    %add3A_60 = arith.constant 0 : i32
    %add3A_61 = arith.addi %mul3A_2, %add3A_60 : i32
    %dma_start3A_62 = arith.constant 0 : i32
    %dma_start3A_63 = tpu.memref_slice %arg4[%add3A_61, %dma_start3A_62] : memref<18432x768xf32, #tpu.memory_space<hbm>> -> memref<16x768xf32, #tpu.memory_space<hbm>>
    %dma_start3A_64 = arith.constant 0 : i32
    %dma_start3A_65 = tpu.memref_slice %arg4[%add3A_61, %dma_start3A_64] : memref<18432x768xf32, #tpu.memory_space<hbm>> -> memref<16x768xf32, #tpu.memory_space<hbm>>
    tpu.enqueue_dma source(%arg10 : memref<16x768xf32, #tpu.memory_space<vmem>>) target(%dma_start3A_65 : memref<16x768xf32, #tpu.memory_space<hbm>>) target_semaphore(%arg18 : memref<!tpu.dma_semaphore, #tpu.memory_space<semaphore_mem>>)
    %add3A_66 = arith.constant 9216 : i32
    %add3A_67 = arith.addi %add3A_61, %add3A_66 : i32
    %dma_start3A_68 = arith.constant 0 : i32
    %dma_start3A_69 = tpu.memref_slice %arg4[%add3A_67, %dma_start3A_68] : memref<18432x768xf32, #tpu.memory_space<hbm>> -> memref<16x768xf32, #tpu.memory_space<hbm>>
    %dma_start3A_70 = arith.constant 0 : i32
    %dma_start3A_71 = tpu.memref_slice %arg4[%add3A_67, %dma_start3A_70] : memref<18432x768xf32, #tpu.memory_space<hbm>> -> memref<16x768xf32, #tpu.memory_space<hbm>>
    tpu.enqueue_dma source(%arg12 : memref<16x768xf32, #tpu.memory_space<vmem>>) target(%dma_start3A_71 : memref<16x768xf32, #tpu.memory_space<hbm>>) target_semaphore(%arg20 : memref<!tpu.dma_semaphore, #tpu.memory_space<semaphore_mem>>)
    %add3A_72 = arith.constant 32 : i32
    %add3A_73 = arith.addi %mul3A_2, %add3A_72 : i32
    %dma_start3A_74 = arith.constant 0 : i32
    %dma_start3A_75 = tpu.memref_slice %arg3[%add3A_73, %dma_start3A_74] : memref<18432x768xf32, #tpu.memory_space<hbm>> -> memref<16x768xf32, #tpu.memory_space<hbm>>
    %dma_start3A_76 = arith.constant 0 : i32
    %dma_start3A_77 = tpu.memref_slice %arg3[%add3A_73, %dma_start3A_76] : memref<18432x768xf32, #tpu.memory_space<hbm>> -> memref<16x768xf32, #tpu.memory_space<hbm>>
    tpu.enqueue_dma source(%dma_start3A_77 : memref<16x768xf32, #tpu.memory_space<hbm>>) target(%arg6 : memref<16x768xf32, #tpu.memory_space<vmem>>) target_semaphore(%arg14 : memref<!tpu.dma_semaphore, #tpu.memory_space<semaphore_mem>>)
    %add3A_78 = arith.constant 9216 : i32
    %add3A_79 = arith.addi %add3A_73, %add3A_78 : i32
    %dma_start3A_80 = arith.constant 0 : i32
    %dma_start3A_81 = tpu.memref_slice %arg3[%add3A_79, %dma_start3A_80] : memref<18432x768xf32, #tpu.memory_space<hbm>> -> memref<16x768xf32, #tpu.memory_space<hbm>>
    %dma_start3A_82 = arith.constant 0 : i32
    %dma_start3A_83 = tpu.memref_slice %arg3[%add3A_79, %dma_start3A_82] : memref<18432x768xf32, #tpu.memory_space<hbm>> -> memref<16x768xf32, #tpu.memory_space<hbm>>
    tpu.enqueue_dma source(%dma_start3A_83 : memref<16x768xf32, #tpu.memory_space<hbm>>) target(%arg8 : memref<16x768xf32, #tpu.memory_space<vmem>>) target_semaphore(%arg16 : memref<!tpu.dma_semaphore, #tpu.memory_space<semaphore_mem>>)
    %dma_wait3A_84 = arith.constant 0 : i32
    %dma_wait3A_85 = arith.constant 0 : i32
    %dma_wait3A_86 = tpu.memref_slice %arg3[%dma_wait3A_84, %dma_wait3A_85] : memref<18432x768xf32, #tpu.memory_space<hbm>> -> memref<16x768xf32, #tpu.memory_space<hbm>>
    %dma_wait3A_87 = arith.constant 0 : i32
    %dma_wait3A_88 = arith.constant 0 : i32
    %dma_wait3A_89 = tpu.memref_slice %arg3[%dma_wait3A_87, %dma_wait3A_88] : memref<18432x768xf32, #tpu.memory_space<hbm>> -> memref<16x768xf32, #tpu.memory_space<hbm>>
    tpu.wait_dma2 semaphore(%arg15 : memref<!tpu.dma_semaphore, #tpu.memory_space<semaphore_mem>>) src(%dma_wait3A_89 : memref<16x768xf32, #tpu.memory_space<hbm>>) dst(%arg7 : memref<16x768xf32, #tpu.memory_space<vmem>>)
    %dma_wait3A_90 = arith.constant 0 : i32
    %dma_wait3A_91 = arith.constant 0 : i32
    %dma_wait3A_92 = tpu.memref_slice %arg3[%dma_wait3A_90, %dma_wait3A_91] : memref<18432x768xf32, #tpu.memory_space<hbm>> -> memref<16x768xf32, #tpu.memory_space<hbm>>
    %dma_wait3A_93 = arith.constant 0 : i32
    %dma_wait3A_94 = arith.constant 0 : i32
    %dma_wait3A_95 = tpu.memref_slice %arg3[%dma_wait3A_93, %dma_wait3A_94] : memref<18432x768xf32, #tpu.memory_space<hbm>> -> memref<16x768xf32, #tpu.memory_space<hbm>>
    tpu.wait_dma2 semaphore(%arg17 : memref<!tpu.dma_semaphore, #tpu.memory_space<semaphore_mem>>) src(%dma_wait3A_95 : memref<16x768xf32, #tpu.memory_space<hbm>>) dst(%arg9 : memref<16x768xf32, #tpu.memory_space<vmem>>)
    %scan3A_96 = arith.constant 0 : i32
    %scan3A_97 = arith.constant 0 : i32
    %scan3A_98 = arith.constant 48 : i32
    %scan3A_99 = arith.addi %scan3A_97, %scan3A_98 : i32
    %scan3A_100 = arith.constant 1 : i32
    scf.for %scan3A_240 = %scan3A_97 to %scan3A_99 step %scan3A_100  : i32 {
      %mul3A_241 = arith.constant 16 : i32
      %mul3A_242 = arith.muli %scan3A_240, %mul3A_241 : i32
      %get3A = arith.index_cast %mul3A_242 : i32 to index
      %get3A_243 = tpu.vector_load %arg5[%get3A] {strides = array<i32>} : memref<768xf32, #tpu.memory_space<vmem>>, vector<16xf32>,
      %get3A_244 = vector.shape_cast %get3A_243 : vector<16xf32> to vector<16xf32>
      %lt3A = arith.constant 3.000000e-01 : f32
      %lt3A_245 = vector.broadcast %lt3A : f32 to vector<16xf32>
      %lt3A_246 = arith.cmpf olt, %get3A_244, %lt3A_245 : vector<16xf32>
      %get3A_247 = arith.constant 0 : i32
      %get3A_248 = arith.index_cast %get3A_247 : i32 to index
      %get3A_249 = arith.index_cast %mul3A_242 : i32 to index
      %get3A_250 = tpu.vector_load %arg7[%get3A_248, %get3A_249] {strides = array<i32>} : memref<16x768xf32, #tpu.memory_space<vmem>>, vector<1x16xf32>,
      %get3A_251 = vector.shape_cast %get3A_250 : vector<1x16xf32> to vector<16xf32>
      %get3A_252 = arith.constant 0 : i32
      %get3A_253 = arith.index_cast %get3A_252 : i32 to index
      %get3A_254 = arith.index_cast %mul3A_242 : i32 to index
      %get3A_255 = tpu.vector_load %arg9[%get3A_253, %get3A_254] {strides = array<i32>} : memref<16x768xf32, #tpu.memory_space<vmem>>, vector<1x16xf32>,
      %get3A_256 = vector.shape_cast %get3A_255 : vector<1x16xf32> to vector<16xf32>
      %select_n3A_257 = arith.select %lt3A_246, %get3A_256, %get3A_251 : vector<16xi1>, vector<16xf32>
      %swap3A = arith.constant 0 : i32
      %swap3A_258 = arith.index_cast %swap3A : i32 to index
      %swap3A_259 = arith.index_cast %mul3A_242 : i32 to index
      %swap3A_260 = tpu.vector_load %arg11[%swap3A_258, %swap3A_259] {strides = array<i32>} : memref<16x768xf32, #tpu.memory_space<vmem>>, vector<1x16xf32>,
      %swap3A_261 = vector.shape_cast %swap3A_260 : vector<1x16xf32> to vector<16xf32>
      %swap3A_262 = vector.shape_cast %select_n3A_257 : vector<16xf32> to vector<1x16xf32>
      tpu.vector_store %arg11[%swap3A_258, %swap3A_259], %swap3A_262 {strides = array<i32>} : memref<16x768xf32, #tpu.memory_space<vmem>>, vector<1x16xf32>,
      %select_n3A_263 = arith.select %lt3A_246, %get3A_251, %get3A_256 : vector<16xi1>, vector<16xf32>
      %swap3A_264 = arith.constant 0 : i32
      %swap3A_265 = arith.index_cast %swap3A_264 : i32 to index
      %swap3A_266 = arith.index_cast %mul3A_242 : i32 to index
      %swap3A_267 = tpu.vector_load %arg13[%swap3A_265, %swap3A_266] {strides = array<i32>} : memref<16x768xf32, #tpu.memory_space<vmem>>, vector<1x16xf32>,
      %swap3A_268 = vector.shape_cast %swap3A_267 : vector<1x16xf32> to vector<16xf32>
      %swap3A_269 = vector.shape_cast %select_n3A_263 : vector<16xf32> to vector<1x16xf32>
      tpu.vector_store %arg13[%swap3A_265, %swap3A_266], %swap3A_269 {strides = array<i32>} : memref<16x768xf32, #tpu.memory_space<vmem>>, vector<1x16xf32>,
      %get3A_270 = arith.constant 1 : i32
      %get3A_271 = arith.index_cast %get3A_270 : i32 to index
      %get3A_272 = arith.index_cast %mul3A_242 : i32 to index
      %get3A_273 = tpu.vector_load %arg7[%get3A_271, %get3A_272] {strides = array<i32>} : memref<16x768xf32, #tpu.memory_space<vmem>>, vector<1x16xf32>,
      %get3A_274 = vector.shape_cast %get3A_273 : vector<1x16xf32> to vector<16xf32>
      %get3A_275 = arith.constant 1 : i32
      %get3A_276 = arith.index_cast %get3A_275 : i32 to index
      %get3A_277 = arith.index_cast %mul3A_242 : i32 to index
      %get3A_278 = tpu.vector_load %arg9[%get3A_276, %get3A_277] {strides = array<i32>} : memref<16x768xf32, #tpu.memory_space<vmem>>, vector<1x16xf32>,
      %get3A_279 = vector.shape_cast %get3A_278 : vector<1x16xf32> to vector<16xf32>
      %select_n3A_280 = arith.select %lt3A_246, %get3A_279, %get3A_274 : vector<16xi1>, vector<16xf32>
      %swap3A_281 = arith.constant 1 : i32
      %swap3A_282 = arith.index_cast %swap3A_281 : i32 to index
      %swap3A_283 = arith.index_cast %mul3A_242 : i32 to index
      %swap3A_284 = tpu.vector_load %arg11[%swap3A_282, %swap3A_283] {strides = array<i32>} : memref<16x768xf32, #tpu.memory_space<vmem>>, vector<1x16xf32>,
      %swap3A_285 = vector.shape_cast %swap3A_284 : vector<1x16xf32> to vector<16xf32>
      %swap3A_286 = vector.shape_cast %select_n3A_280 : vector<16xf32> to vector<1x16xf32>
      tpu.vector_store %arg11[%swap3A_282, %swap3A_283], %swap3A_286 {strides = array<i32>} : memref<16x768xf32, #tpu.memory_space<vmem>>, vector<1x16xf32>,
      %select_n3A_287 = arith.select %lt3A_246, %get3A_274, %get3A_279 : vector<16xi1>, vector<16xf32>
      %swap3A_288 = arith.constant 1 : i32
      %swap3A_289 = arith.index_cast %swap3A_288 : i32 to index
      %swap3A_290 = arith.index_cast %mul3A_242 : i32 to index
      %swap3A_291 = tpu.vector_load %arg13[%swap3A_289, %swap3A_290] {strides = array<i32>} : memref<16x768xf32, #tpu.memory_space<vmem>>, vector<1x16xf32>,
      %swap3A_292 = vector.shape_cast %swap3A_291 : vector<1x16xf32> to vector<16xf32>
      %swap3A_293 = vector.shape_cast %select_n3A_287 : vector<16xf32> to vector<1x16xf32>
      tpu.vector_store %arg13[%swap3A_289, %swap3A_290], %swap3A_293 {strides = array<i32>} : memref<16x768xf32, #tpu.memory_space<vmem>>, vector<1x16xf32>,
      %get3A_294 = arith.constant 2 : i32
      %get3A_295 = arith.index_cast %get3A_294 : i32 to index
      %get3A_296 = arith.index_cast %mul3A_242 : i32 to index
      %get3A_297 = tpu.vector_load %arg7[%get3A_295, %get3A_296] {strides = array<i32>} : memref<16x768xf32, #tpu.memory_space<vmem>>, vector<1x16xf32>,
      %get3A_298 = vector.shape_cast %get3A_297 : vector<1x16xf32> to vector<16xf32>
      %get3A_299 = arith.constant 2 : i32
      %get3A_300 = arith.index_cast %get3A_299 : i32 to index
      %get3A_301 = arith.index_cast %mul3A_242 : i32 to index
      %get3A_302 = tpu.vector_load %arg9[%get3A_300, %get3A_301] {strides = array<i32>} : memref<16x768xf32, #tpu.memory_space<vmem>>, vector<1x16xf32>,
      %get3A_303 = vector.shape_cast %get3A_302 : vector<1x16xf32> to vector<16xf32>
      %select_n3A_304 = arith.select %lt3A_246, %get3A_303, %get3A_298 : vector<16xi1>, vector<16xf32>
      %swap3A_305 = arith.constant 2 : i32
      %swap3A_306 = arith.index_cast %swap3A_305 : i32 to index
      %swap3A_307 = arith.index_cast %mul3A_242 : i32 to index
      %swap3A_308 = tpu.vector_load %arg11[%swap3A_306, %swap3A_307] {strides = array<i32>} : memref<16x768xf32, #tpu.memory_space<vmem>>, vector<1x16xf32>,
      %swap3A_309 = vector.shape_cast %swap3A_308 : vector<1x16xf32> to vector<16xf32>
      %swap3A_310 = vector.shape_cast %select_n3A_304 : vector<16xf32> to vector<1x16xf32>
      tpu.vector_store %arg11[%swap3A_306, %swap3A_307], %swap3A_310 {strides = array<i32>} : memref<16x768xf32, #tpu.memory_space<vmem>>, vector<1x16xf32>,
      %select_n3A_311 = arith.select %lt3A_246, %get3A_298, %get3A_303 : vector<16xi1>, vector<16xf32>
      %swap3A_312 = arith.constant 2 : i32
      %swap3A_313 = arith.index_cast %swap3A_312 : i32 to index
      %swap3A_314 = arith.index_cast %mul3A_242 : i32 to index
      %swap3A_315 = tpu.vector_load %arg13[%swap3A_313, %swap3A_314] {strides = array<i32>} : memref<16x768xf32, #tpu.memory_space<vmem>>, vector<1x16xf32>,
      %swap3A_316 = vector.shape_cast %swap3A_315 : vector<1x16xf32> to vector<16xf32>
      %swap3A_317 = vector.shape_cast %select_n3A_311 : vector<16xf32> to vector<1x16xf32>
      tpu.vector_store %arg13[%swap3A_313, %swap3A_314], %swap3A_317 {strides = array<i32>} : memref<16x768xf32, #tpu.memory_space<vmem>>, vector<1x16xf32>,
      %get3A_318 = arith.constant 3 : i32
      %get3A_319 = arith.index_cast %get3A_318 : i32 to index
      %get3A_320 = arith.index_cast %mul3A_242 : i32 to index
      %get3A_321 = tpu.vector_load %arg7[%get3A_319, %get3A_320] {strides = array<i32>} : memref<16x768xf32, #tpu.memory_space<vmem>>, vector<1x16xf32>,
      %get3A_322 = vector.shape_cast %get3A_321 : vector<1x16xf32> to vector<16xf32>
      %get3A_323 = arith.constant 3 : i32
      %get3A_324 = arith.index_cast %get3A_323 : i32 to index
      %get3A_325 = arith.index_cast %mul3A_242 : i32 to index
      %get3A_326 = tpu.vector_load %arg9[%get3A_324, %get3A_325] {strides = array<i32>} : memref<16x768xf32, #tpu.memory_space<vmem>>, vector<1x16xf32>,
      %get3A_327 = vector.shape_cast %get3A_326 : vector<1x16xf32> to vector<16xf32>
      %select_n3A_328 = arith.select %lt3A_246, %get3A_327, %get3A_322 : vector<16xi1>, vector<16xf32>
      %swap3A_329 = arith.constant 3 : i32
      %swap3A_330 = arith.index_cast %swap3A_329 : i32 to index
      %swap3A_331 = arith.index_cast %mul3A_242 : i32 to index
      %swap3A_332 = tpu.vector_load %arg11[%swap3A_330, %swap3A_331] {strides = array<i32>} : memref<16x768xf32, #tpu.memory_space<vmem>>, vector<1x16xf32>,
      %swap3A_333 = vector.shape_cast %swap3A_332 : vector<1x16xf32> to vector<16xf32>
      %swap3A_334 = vector.shape_cast %select_n3A_328 : vector<16xf32> to vector<1x16xf32>
      tpu.vector_store %arg11[%swap3A_330, %swap3A_331], %swap3A_334 {strides = array<i32>} : memref<16x768xf32, #tpu.memory_space<vmem>>, vector<1x16xf32>,
      %select_n3A_335 = arith.select %lt3A_246, %get3A_322, %get3A_327 : vector<16xi1>, vector<16xf32>
      %swap3A_336 = arith.constant 3 : i32
      %swap3A_337 = arith.index_cast %swap3A_336 : i32 to index
      %swap3A_338 = arith.index_cast %mul3A_242 : i32 to index
      %swap3A_339 = tpu.vector_load %arg13[%swap3A_337, %swap3A_338] {strides = array<i32>} : memref<16x768xf32, #tpu.memory_space<vmem>>, vector<1x16xf32>,
      %swap3A_340 = vector.shape_cast %swap3A_339 : vector<1x16xf32> to vector<16xf32>
      %swap3A_341 = vector.shape_cast %select_n3A_335 : vector<16xf32> to vector<1x16xf32>
      tpu.vector_store %arg13[%swap3A_337, %swap3A_338], %swap3A_341 {strides = array<i32>} : memref<16x768xf32, #tpu.memory_space<vmem>>, vector<1x16xf32>,
      %get3A_342 = arith.constant 4 : i32
      %get3A_343 = arith.index_cast %get3A_342 : i32 to index
      %get3A_344 = arith.index_cast %mul3A_242 : i32 to index
      %get3A_345 = tpu.vector_load %arg7[%get3A_343, %get3A_344] {strides = array<i32>} : memref<16x768xf32, #tpu.memory_space<vmem>>, vector<1x16xf32>,
      %get3A_346 = vector.shape_cast %get3A_345 : vector<1x16xf32> to vector<16xf32>
      %get3A_347 = arith.constant 4 : i32
      %get3A_348 = arith.index_cast %get3A_347 : i32 to index
      %get3A_349 = arith.index_cast %mul3A_242 : i32 to index
      %get3A_350 = tpu.vector_load %arg9[%get3A_348, %get3A_349] {strides = array<i32>} : memref<16x768xf32, #tpu.memory_space<vmem>>, vector<1x16xf32>,
      %get3A_351 = vector.shape_cast %get3A_350 : vector<1x16xf32> to vector<16xf32>
      %select_n3A_352 = arith.select %lt3A_246, %get3A_351, %get3A_346 : vector<16xi1>, vector<16xf32>
      %swap3A_353 = arith.constant 4 : i32
      %swap3A_354 = arith.index_cast %swap3A_353 : i32 to index
      %swap3A_355 = arith.index_cast %mul3A_242 : i32 to index
      %swap3A_356 = tpu.vector_load %arg11[%swap3A_354, %swap3A_355] {strides = array<i32>} : memref<16x768xf32, #tpu.memory_space<vmem>>, vector<1x16xf32>,
      %swap3A_357 = vector.shape_cast %swap3A_356 : vector<1x16xf32> to vector<16xf32>
      %swap3A_358 = vector.shape_cast %select_n3A_352 : vector<16xf32> to vector<1x16xf32>
      tpu.vector_store %arg11[%swap3A_354, %swap3A_355], %swap3A_358 {strides = array<i32>} : memref<16x768xf32, #tpu.memory_space<vmem>>, vector<1x16xf32>,
      %select_n3A_359 = arith.select %lt3A_246, %get3A_346, %get3A_351 : vector<16xi1>, vector<16xf32>
      %swap3A_360 = arith.constant 4 : i32
      %swap3A_361 = arith.index_cast %swap3A_360 : i32 to index
      %swap3A_362 = arith.index_cast %mul3A_242 : i32 to index
      %swap3A_363 = tpu.vector_load %arg13[%swap3A_361, %swap3A_362] {strides = array<i32>} : memref<16x768xf32, #tpu.memory_space<vmem>>, vector<1x16xf32>,
      %swap3A_364 = vector.shape_cast %swap3A_363 : vector<1x16xf32> to vector<16xf32>
      %swap3A_365 = vector.shape_cast %select_n3A_359 : vector<16xf32> to vector<1x16xf32>
      tpu.vector_store %arg13[%swap3A_361, %swap3A_362], %swap3A_365 {strides = array<i32>} : memref<16x768xf32, #tpu.memory_space<vmem>>, vector<1x16xf32>,
      %get3A_366 = arith.constant 5 : i32
      %get3A_367 = arith.index_cast %get3A_366 : i32 to index
      %get3A_368 = arith.index_cast %mul3A_242 : i32 to index
      %get3A_369 = tpu.vector_load %arg7[%get3A_367, %get3A_368] {strides = array<i32>} : memref<16x768xf32, #tpu.memory_space<vmem>>, vector<1x16xf32>,
      %get3A_370 = vector.shape_cast %get3A_369 : vector<1x16xf32> to vector<16xf32>
      %get3A_371 = arith.constant 5 : i32
      %get3A_372 = arith.index_cast %get3A_371 : i32 to index
      %get3A_373 = arith.index_cast %mul3A_242 : i32 to index
      %get3A_374 = tpu.vector_load %arg9[%get3A_372, %get3A_373] {strides = array<i32>} : memref<16x768xf32, #tpu.memory_space<vmem>>, vector<1x16xf32>,
      %get3A_375 = vector.shape_cast %get3A_374 : vector<1x16xf32> to vector<16xf32>
      %select_n3A_376 = arith.select %lt3A_246, %get3A_375, %get3A_370 : vector<16xi1>, vector<16xf32>
      %swap3A_377 = arith.constant 5 : i32
      %swap3A_378 = arith.index_cast %swap3A_377 : i32 to index
      %swap3A_379 = arith.index_cast %mul3A_242 : i32 to index
      %swap3A_380 = tpu.vector_load %arg11[%swap3A_378, %swap3A_379] {strides = array<i32>} : memref<16x768xf32, #tpu.memory_space<vmem>>, vector<1x16xf32>,
      %swap3A_381 = vector.shape_cast %swap3A_380 : vector<1x16xf32> to vector<16xf32>
      %swap3A_382 = vector.shape_cast %select_n3A_376 : vector<16xf32> to vector<1x16xf32>
      tpu.vector_store %arg11[%swap3A_378, %swap3A_379], %swap3A_382 {strides = array<i32>} : memref<16x768xf32, #tpu.memory_space<vmem>>, vector<1x16xf32>,
      %select_n3A_383 = arith.select %lt3A_246, %get3A_370, %get3A_375 : vector<16xi1>, vector<16xf32>
      %swap3A_384 = arith.constant 5 : i32
      %swap3A_385 = arith.index_cast %swap3A_384 : i32 to index
      %swap3A_386 = arith.index_cast %mul3A_242 : i32 to index
      %swap3A_387 = tpu.vector_load %arg13[%swap3A_385, %swap3A_386] {strides = array<i32>} : memref<16x768xf32, #tpu.memory_space<vmem>>, vector<1x16xf32>,
      %swap3A_388 = vector.shape_cast %swap3A_387 : vector<1x16xf32> to vector<16xf32>
      %swap3A_389 = vector.shape_cast %select_n3A_383 : vector<16xf32> to vector<1x16xf32>
      tpu.vector_store %arg13[%swap3A_385, %swap3A_386], %swap3A_389 {strides = array<i32>} : memref<16x768xf32, #tpu.memory_space<vmem>>, vector<1x16xf32>,
      %get3A_390 = arith.constant 6 : i32
      %get3A_391 = arith.index_cast %get3A_390 : i32 to index
      %get3A_392 = arith.index_cast %mul3A_242 : i32 to index
      %get3A_393 = tpu.vector_load %arg7[%get3A_391, %get3A_392] {strides = array<i32>} : memref<16x768xf32, #tpu.memory_space<vmem>>, vector<1x16xf32>,
      %get3A_394 = vector.shape_cast %get3A_393 : vector<1x16xf32> to vector<16xf32>
      %get3A_395 = arith.constant 6 : i32
      %get3A_396 = arith.index_cast %get3A_395 : i32 to index
      %get3A_397 = arith.index_cast %mul3A_242 : i32 to index
      %get3A_398 = tpu.vector_load %arg9[%get3A_396, %get3A_397] {strides = array<i32>} : memref<16x768xf32, #tpu.memory_space<vmem>>, vector<1x16xf32>,
      %get3A_399 = vector.shape_cast %get3A_398 : vector<1x16xf32> to vector<16xf32>
      %select_n3A_400 = arith.select %lt3A_246, %get3A_399, %get3A_394 : vector<16xi1>, vector<16xf32>
      %swap3A_401 = arith.constant 6 : i32
      %swap3A_402 = arith.index_cast %swap3A_401 : i32 to index
      %swap3A_403 = arith.index_cast %mul3A_242 : i32 to index
      %swap3A_404 = tpu.vector_load %arg11[%swap3A_402, %swap3A_403] {strides = array<i32>} : memref<16x768xf32, #tpu.memory_space<vmem>>, vector<1x16xf32>,
      %swap3A_405 = vector.shape_cast %swap3A_404 : vector<1x16xf32> to vector<16xf32>
      %swap3A_406 = vector.shape_cast %select_n3A_400 : vector<16xf32> to vector<1x16xf32>
      tpu.vector_store %arg11[%swap3A_402, %swap3A_403], %swap3A_406 {strides = array<i32>} : memref<16x768xf32, #tpu.memory_space<vmem>>, vector<1x16xf32>,
      %select_n3A_407 = arith.select %lt3A_246, %get3A_394, %get3A_399 : vector<16xi1>, vector<16xf32>
      %swap3A_408 = arith.constant 6 : i32
      %swap3A_409 = arith.index_cast %swap3A_408 : i32 to index
      %swap3A_410 = arith.index_cast %mul3A_242 : i32 to index
      %swap3A_411 = tpu.vector_load %arg13[%swap3A_409, %swap3A_410] {strides = array<i32>} : memref<16x768xf32, #tpu.memory_space<vmem>>, vector<1x16xf32>,
      %swap3A_412 = vector.shape_cast %swap3A_411 : vector<1x16xf32> to vector<16xf32>
      %swap3A_413 = vector.shape_cast %select_n3A_407 : vector<16xf32> to vector<1x16xf32>
      tpu.vector_store %arg13[%swap3A_409, %swap3A_410], %swap3A_413 {strides = array<i32>} : memref<16x768xf32, #tpu.memory_space<vmem>>, vector<1x16xf32>,
      %get3A_414 = arith.constant 7 : i32
      %get3A_415 = arith.index_cast %get3A_414 : i32 to index
      %get3A_416 = arith.index_cast %mul3A_242 : i32 to index
      %get3A_417 = tpu.vector_load %arg7[%get3A_415, %get3A_416] {strides = array<i32>} : memref<16x768xf32, #tpu.memory_space<vmem>>, vector<1x16xf32>,
      %get3A_418 = vector.shape_cast %get3A_417 : vector<1x16xf32> to vector<16xf32>
      %get3A_419 = arith.constant 7 : i32
      %get3A_420 = arith.index_cast %get3A_419 : i32 to index
      %get3A_421 = arith.index_cast %mul3A_242 : i32 to index
      %get3A_422 = tpu.vector_load %arg9[%get3A_420, %get3A_421] {strides = array<i32>} : memref<16x768xf32, #tpu.memory_space<vmem>>, vector<1x16xf32>,
      %get3A_423 = vector.shape_cast %get3A_422 : vector<1x16xf32> to vector<16xf32>
      %select_n3A_424 = arith.select %lt3A_246, %get3A_423, %get3A_418 : vector<16xi1>, vector<16xf32>
      %swap3A_425 = arith.constant 7 : i32
      %swap3A_426 = arith.index_cast %swap3A_425 : i32 to index
      %swap3A_427 = arith.index_cast %mul3A_242 : i32 to index
      %swap3A_428 = tpu.vector_load %arg11[%swap3A_426, %swap3A_427] {strides = array<i32>} : memref<16x768xf32, #tpu.memory_space<vmem>>, vector<1x16xf32>,
      %swap3A_429 = vector.shape_cast %swap3A_428 : vector<1x16xf32> to vector<16xf32>
      %swap3A_430 = vector.shape_cast %select_n3A_424 : vector<16xf32> to vector<1x16xf32>
      tpu.vector_store %arg11[%swap3A_426, %swap3A_427], %swap3A_430 {strides = array<i32>} : memref<16x768xf32, #tpu.memory_space<vmem>>, vector<1x16xf32>,
      %select_n3A_431 = arith.select %lt3A_246, %get3A_418, %get3A_423 : vector<16xi1>, vector<16xf32>
      %swap3A_432 = arith.constant 7 : i32
      %swap3A_433 = arith.index_cast %swap3A_432 : i32 to index
      %swap3A_434 = arith.index_cast %mul3A_242 : i32 to index
      %swap3A_435 = tpu.vector_load %arg13[%swap3A_433, %swap3A_434] {strides = array<i32>} : memref<16x768xf32, #tpu.memory_space<vmem>>, vector<1x16xf32>,
      %swap3A_436 = vector.shape_cast %swap3A_435 : vector<1x16xf32> to vector<16xf32>
      %swap3A_437 = vector.shape_cast %select_n3A_431 : vector<16xf32> to vector<1x16xf32>
      tpu.vector_store %arg13[%swap3A_433, %swap3A_434], %swap3A_437 {strides = array<i32>} : memref<16x768xf32, #tpu.memory_space<vmem>>, vector<1x16xf32>,
      %get3A_438 = arith.constant 8 : i32
      %get3A_439 = arith.index_cast %get3A_438 : i32 to index
      %get3A_440 = arith.index_cast %mul3A_242 : i32 to index
      %get3A_441 = tpu.vector_load %arg7[%get3A_439, %get3A_440] {strides = array<i32>} : memref<16x768xf32, #tpu.memory_space<vmem>>, vector<1x16xf32>,
      %get3A_442 = vector.shape_cast %get3A_441 : vector<1x16xf32> to vector<16xf32>
      %get3A_443 = arith.constant 8 : i32
      %get3A_444 = arith.index_cast %get3A_443 : i32 to index
      %get3A_445 = arith.index_cast %mul3A_242 : i32 to index
      %get3A_446 = tpu.vector_load %arg9[%get3A_444, %get3A_445] {strides = array<i32>} : memref<16x768xf32, #tpu.memory_space<vmem>>, vector<1x16xf32>,
      %get3A_447 = vector.shape_cast %get3A_446 : vector<1x16xf32> to vector<16xf32>
      %select_n3A_448 = arith.select %lt3A_246, %get3A_447, %get3A_442 : vector<16xi1>, vector<16xf32>
      %swap3A_449 = arith.constant 8 : i32
      %swap3A_450 = arith.index_cast %swap3A_449 : i32 to index
      %swap3A_451 = arith.index_cast %mul3A_242 : i32 to index
      %swap3A_452 = tpu.vector_load %arg11[%swap3A_450, %swap3A_451] {strides = array<i32>} : memref<16x768xf32, #tpu.memory_space<vmem>>, vector<1x16xf32>,
      %swap3A_453 = vector.shape_cast %swap3A_452 : vector<1x16xf32> to vector<16xf32>
      %swap3A_454 = vector.shape_cast %select_n3A_448 : vector<16xf32> to vector<1x16xf32>
      tpu.vector_store %arg11[%swap3A_450, %swap3A_451], %swap3A_454 {strides = array<i32>} : memref<16x768xf32, #tpu.memory_space<vmem>>, vector<1x16xf32>,
      %select_n3A_455 = arith.select %lt3A_246, %get3A_442, %get3A_447 : vector<16xi1>, vector<16xf32>
      %swap3A_456 = arith.constant 8 : i32
      %swap3A_457 = arith.index_cast %swap3A_456 : i32 to index
      %swap3A_458 = arith.index_cast %mul3A_242 : i32 to index
      %swap3A_459 = tpu.vector_load %arg13[%swap3A_457, %swap3A_458] {strides = array<i32>} : memref<16x768xf32, #tpu.memory_space<vmem>>, vector<1x16xf32>,
      %swap3A_460 = vector.shape_cast %swap3A_459 : vector<1x16xf32> to vector<16xf32>
      %swap3A_461 = vector.shape_cast %select_n3A_455 : vector<16xf32> to vector<1x16xf32>
      tpu.vector_store %arg13[%swap3A_457, %swap3A_458], %swap3A_461 {strides = array<i32>} : memref<16x768xf32, #tpu.memory_space<vmem>>, vector<1x16xf32>,
      %get3A_462 = arith.constant 9 : i32
      %get3A_463 = arith.index_cast %get3A_462 : i32 to index
      %get3A_464 = arith.index_cast %mul3A_242 : i32 to index
      %get3A_465 = tpu.vector_load %arg7[%get3A_463, %get3A_464] {strides = array<i32>} : memref<16x768xf32, #tpu.memory_space<vmem>>, vector<1x16xf32>,
      %get3A_466 = vector.shape_cast %get3A_465 : vector<1x16xf32> to vector<16xf32>
      %get3A_467 = arith.constant 9 : i32
      %get3A_468 = arith.index_cast %get3A_467 : i32 to index
      %get3A_469 = arith.index_cast %mul3A_242 : i32 to index
      %get3A_470 = tpu.vector_load %arg9[%get3A_468, %get3A_469] {strides = array<i32>} : memref<16x768xf32, #tpu.memory_space<vmem>>, vector<1x16xf32>,
      %get3A_471 = vector.shape_cast %get3A_470 : vector<1x16xf32> to vector<16xf32>
      %select_n3A_472 = arith.select %lt3A_246, %get3A_471, %get3A_466 : vector<16xi1>, vector<16xf32>
      %swap3A_473 = arith.constant 9 : i32
      %swap3A_474 = arith.index_cast %swap3A_473 : i32 to index
      %swap3A_475 = arith.index_cast %mul3A_242 : i32 to index
      %swap3A_476 = tpu.vector_load %arg11[%swap3A_474, %swap3A_475] {strides = array<i32>} : memref<16x768xf32, #tpu.memory_space<vmem>>, vector<1x16xf32>,
      %swap3A_477 = vector.shape_cast %swap3A_476 : vector<1x16xf32> to vector<16xf32>
      %swap3A_478 = vector.shape_cast %select_n3A_472 : vector<16xf32> to vector<1x16xf32>
      tpu.vector_store %arg11[%swap3A_474, %swap3A_475], %swap3A_478 {strides = array<i32>} : memref<16x768xf32, #tpu.memory_space<vmem>>, vector<1x16xf32>,
      %select_n3A_479 = arith.select %lt3A_246, %get3A_466, %get3A_471 : vector<16xi1>, vector<16xf32>
      %swap3A_480 = arith.constant 9 : i32
      %swap3A_481 = arith.index_cast %swap3A_480 : i32 to index
      %swap3A_482 = arith.index_cast %mul3A_242 : i32 to index
      %swap3A_483 = tpu.vector_load %arg13[%swap3A_481, %swap3A_482] {strides = array<i32>} : memref<16x768xf32, #tpu.memory_space<vmem>>, vector<1x16xf32>,
      %swap3A_484 = vector.shape_cast %swap3A_483 : vector<1x16xf32> to vector<16xf32>
      %swap3A_485 = vector.shape_cast %select_n3A_479 : vector<16xf32> to vector<1x16xf32>
      tpu.vector_store %arg13[%swap3A_481, %swap3A_482], %swap3A_485 {strides = array<i32>} : memref<16x768xf32, #tpu.memory_space<vmem>>, vector<1x16xf32>,
      %get3A_486 = arith.constant 10 : i32
      %get3A_487 = arith.index_cast %get3A_486 : i32 to index
      %get3A_488 = arith.index_cast %mul3A_242 : i32 to index
      %get3A_489 = tpu.vector_load %arg7[%get3A_487, %get3A_488] {strides = array<i32>} : memref<16x768xf32, #tpu.memory_space<vmem>>, vector<1x16xf32>,
      %get3A_490 = vector.shape_cast %get3A_489 : vector<1x16xf32> to vector<16xf32>
      %get3A_491 = arith.constant 10 : i32
      %get3A_492 = arith.index_cast %get3A_491 : i32 to index
      %get3A_493 = arith.index_cast %mul3A_242 : i32 to index
      %get3A_494 = tpu.vector_load %arg9[%get3A_492, %get3A_493] {strides = array<i32>} : memref<16x768xf32, #tpu.memory_space<vmem>>, vector<1x16xf32>,
      %get3A_495 = vector.shape_cast %get3A_494 : vector<1x16xf32> to vector<16xf32>
      %select_n3A_496 = arith.select %lt3A_246, %get3A_495, %get3A_490 : vector<16xi1>, vector<16xf32>
      %swap3A_497 = arith.constant 10 : i32
      %swap3A_498 = arith.index_cast %swap3A_497 : i32 to index
      %swap3A_499 = arith.index_cast %mul3A_242 : i32 to index
      %swap3A_500 = tpu.vector_load %arg11[%swap3A_498, %swap3A_499] {strides = array<i32>} : memref<16x768xf32, #tpu.memory_space<vmem>>, vector<1x16xf32>,
      %swap3A_501 = vector.shape_cast %swap3A_500 : vector<1x16xf32> to vector<16xf32>
      %swap3A_502 = vector.shape_cast %select_n3A_496 : vector<16xf32> to vector<1x16xf32>
      tpu.vector_store %arg11[%swap3A_498, %swap3A_499], %swap3A_502 {strides = array<i32>} : memref<16x768xf32, #tpu.memory_space<vmem>>, vector<1x16xf32>,
      %select_n3A_503 = arith.select %lt3A_246, %get3A_490, %get3A_495 : vector<16xi1>, vector<16xf32>
      %swap3A_504 = arith.constant 10 : i32
      %swap3A_505 = arith.index_cast %swap3A_504 : i32 to index
      %swap3A_506 = arith.index_cast %mul3A_242 : i32 to index
      %swap3A_507 = tpu.vector_load %arg13[%swap3A_505, %swap3A_506] {strides = array<i32>} : memref<16x768xf32, #tpu.memory_space<vmem>>, vector<1x16xf32>,
      %swap3A_508 = vector.shape_cast %swap3A_507 : vector<1x16xf32> to vector<16xf32>
      %swap3A_509 = vector.shape_cast %select_n3A_503 : vector<16xf32> to vector<1x16xf32>
      tpu.vector_store %arg13[%swap3A_505, %swap3A_506], %swap3A_509 {strides = array<i32>} : memref<16x768xf32, #tpu.memory_space<vmem>>, vector<1x16xf32>,
      %get3A_510 = arith.constant 11 : i32
      %get3A_511 = arith.index_cast %get3A_510 : i32 to index
      %get3A_512 = arith.index_cast %mul3A_242 : i32 to index
      %get3A_513 = tpu.vector_load %arg7[%get3A_511, %get3A_512] {strides = array<i32>} : memref<16x768xf32, #tpu.memory_space<vmem>>, vector<1x16xf32>,
      %get3A_514 = vector.shape_cast %get3A_513 : vector<1x16xf32> to vector<16xf32>
      %get3A_515 = arith.constant 11 : i32
      %get3A_516 = arith.index_cast %get3A_515 : i32 to index
      %get3A_517 = arith.index_cast %mul3A_242 : i32 to index
      %get3A_518 = tpu.vector_load %arg9[%get3A_516, %get3A_517] {strides = array<i32>} : memref<16x768xf32, #tpu.memory_space<vmem>>, vector<1x16xf32>,
      %get3A_519 = vector.shape_cast %get3A_518 : vector<1x16xf32> to vector<16xf32>
      %select_n3A_520 = arith.select %lt3A_246, %get3A_519, %get3A_514 : vector<16xi1>, vector<16xf32>
      %swap3A_521 = arith.constant 11 : i32
      %swap3A_522 = arith.index_cast %swap3A_521 : i32 to index
      %swap3A_523 = arith.index_cast %mul3A_242 : i32 to index
      %swap3A_524 = tpu.vector_load %arg11[%swap3A_522, %swap3A_523] {strides = array<i32>} : memref<16x768xf32, #tpu.memory_space<vmem>>, vector<1x16xf32>,
      %swap3A_525 = vector.shape_cast %swap3A_524 : vector<1x16xf32> to vector<16xf32>
      %swap3A_526 = vector.shape_cast %select_n3A_520 : vector<16xf32> to vector<1x16xf32>
      tpu.vector_store %arg11[%swap3A_522, %swap3A_523], %swap3A_526 {strides = array<i32>} : memref<16x768xf32, #tpu.memory_space<vmem>>, vector<1x16xf32>,
      %select_n3A_527 = arith.select %lt3A_246, %get3A_514, %get3A_519 : vector<16xi1>, vector<16xf32>
      %swap3A_528 = arith.constant 11 : i32
      %swap3A_529 = arith.index_cast %swap3A_528 : i32 to index
      %swap3A_530 = arith.index_cast %mul3A_242 : i32 to index
      %swap3A_531 = tpu.vector_load %arg13[%swap3A_529, %swap3A_530] {strides = array<i32>} : memref<16x768xf32, #tpu.memory_space<vmem>>, vector<1x16xf32>,
      %swap3A_532 = vector.shape_cast %swap3A_531 : vector<1x16xf32> to vector<16xf32>
      %swap3A_533 = vector.shape_cast %select_n3A_527 : vector<16xf32> to vector<1x16xf32>
      tpu.vector_store %arg13[%swap3A_529, %swap3A_530], %swap3A_533 {strides = array<i32>} : memref<16x768xf32, #tpu.memory_space<vmem>>, vector<1x16xf32>,
      %get3A_534 = arith.constant 12 : i32
      %get3A_535 = arith.index_cast %get3A_534 : i32 to index
      %get3A_536 = arith.index_cast %mul3A_242 : i32 to index
      %get3A_537 = tpu.vector_load %arg7[%get3A_535, %get3A_536] {strides = array<i32>} : memref<16x768xf32, #tpu.memory_space<vmem>>, vector<1x16xf32>,
      %get3A_538 = vector.shape_cast %get3A_537 : vector<1x16xf32> to vector<16xf32>
      %get3A_539 = arith.constant 12 : i32
      %get3A_540 = arith.index_cast %get3A_539 : i32 to index
      %get3A_541 = arith.index_cast %mul3A_242 : i32 to index
      %get3A_542 = tpu.vector_load %arg9[%get3A_540, %get3A_541] {strides = array<i32>} : memref<16x768xf32, #tpu.memory_space<vmem>>, vector<1x16xf32>,
      %get3A_543 = vector.shape_cast %get3A_542 : vector<1x16xf32> to vector<16xf32>
      %select_n3A_544 = arith.select %lt3A_246, %get3A_543, %get3A_538 : vector<16xi1>, vector<16xf32>
      %swap3A_545 = arith.constant 12 : i32
      %swap3A_546 = arith.index_cast %swap3A_545 : i32 to index
      %swap3A_547 = arith.index_cast %mul3A_242 : i32 to index
      %swap3A_548 = tpu.vector_load %arg11[%swap3A_546, %swap3A_547] {strides = array<i32>} : memref<16x768xf32, #tpu.memory_space<vmem>>, vector<1x16xf32>,
      %swap3A_549 = vector.shape_cast %swap3A_548 : vector<1x16xf32> to vector<16xf32>
      %swap3A_550 = vector.shape_cast %select_n3A_544 : vector<16xf32> to vector<1x16xf32>
      tpu.vector_store %arg11[%swap3A_546, %swap3A_547], %swap3A_550 {strides = array<i32>} : memref<16x768xf32, #tpu.memory_space<vmem>>, vector<1x16xf32>,
      %select_n3A_551 = arith.select %lt3A_246, %get3A_538, %get3A_543 : vector<16xi1>, vector<16xf32>
      %swap3A_552 = arith.constant 12 : i32
      %swap3A_553 = arith.index_cast %swap3A_552 : i32 to index
      %swap3A_554 = arith.index_cast %mul3A_242 : i32 to index
      %swap3A_555 = tpu.vector_load %arg13[%swap3A_553, %swap3A_554] {strides = array<i32>} : memref<16x768xf32, #tpu.memory_space<vmem>>, vector<1x16xf32>,
      %swap3A_556 = vector.shape_cast %swap3A_555 : vector<1x16xf32> to vector<16xf32>
      %swap3A_557 = vector.shape_cast %select_n3A_551 : vector<16xf32> to vector<1x16xf32>
      tpu.vector_store %arg13[%swap3A_553, %swap3A_554], %swap3A_557 {strides = array<i32>} : memref<16x768xf32, #tpu.memory_space<vmem>>, vector<1x16xf32>,
      %get3A_558 = arith.constant 13 : i32
      %get3A_559 = arith.index_cast %get3A_558 : i32 to index
      %get3A_560 = arith.index_cast %mul3A_242 : i32 to index
      %get3A_561 = tpu.vector_load %arg7[%get3A_559, %get3A_560] {strides = array<i32>} : memref<16x768xf32, #tpu.memory_space<vmem>>, vector<1x16xf32>,
      %get3A_562 = vector.shape_cast %get3A_561 : vector<1x16xf32> to vector<16xf32>
      %get3A_563 = arith.constant 13 : i32
      %get3A_564 = arith.index_cast %get3A_563 : i32 to index
      %get3A_565 = arith.index_cast %mul3A_242 : i32 to index
      %get3A_566 = tpu.vector_load %arg9[%get3A_564, %get3A_565] {strides = array<i32>} : memref<16x768xf32, #tpu.memory_space<vmem>>, vector<1x16xf32>,
      %get3A_567 = vector.shape_cast %get3A_566 : vector<1x16xf32> to vector<16xf32>
      %select_n3A_568 = arith.select %lt3A_246, %get3A_567, %get3A_562 : vector<16xi1>, vector<16xf32>
      %swap3A_569 = arith.constant 13 : i32
      %swap3A_570 = arith.index_cast %swap3A_569 : i32 to index
      %swap3A_571 = arith.index_cast %mul3A_242 : i32 to index
      %swap3A_572 = tpu.vector_load %arg11[%swap3A_570, %swap3A_571] {strides = array<i32>} : memref<16x768xf32, #tpu.memory_space<vmem>>, vector<1x16xf32>,
      %swap3A_573 = vector.shape_cast %swap3A_572 : vector<1x16xf32> to vector<16xf32>
      %swap3A_574 = vector.shape_cast %select_n3A_568 : vector<16xf32> to vector<1x16xf32>
      tpu.vector_store %arg11[%swap3A_570, %swap3A_571], %swap3A_574 {strides = array<i32>} : memref<16x768xf32, #tpu.memory_space<vmem>>, vector<1x16xf32>,
      %select_n3A_575 = arith.select %lt3A_246, %get3A_562, %get3A_567 : vector<16xi1>, vector<16xf32>
      %swap3A_576 = arith.constant 13 : i32
      %swap3A_577 = arith.index_cast %swap3A_576 : i32 to index
      %swap3A_578 = arith.index_cast %mul3A_242 : i32 to index
      %swap3A_579 = tpu.vector_load %arg13[%swap3A_577, %swap3A_578] {strides = array<i32>} : memref<16x768xf32, #tpu.memory_space<vmem>>, vector<1x16xf32>,
      %swap3A_580 = vector.shape_cast %swap3A_579 : vector<1x16xf32> to vector<16xf32>
      %swap3A_581 = vector.shape_cast %select_n3A_575 : vector<16xf32> to vector<1x16xf32>
      tpu.vector_store %arg13[%swap3A_577, %swap3A_578], %swap3A_581 {strides = array<i32>} : memref<16x768xf32, #tpu.memory_space<vmem>>, vector<1x16xf32>,
      %get3A_582 = arith.constant 14 : i32
      %get3A_583 = arith.index_cast %get3A_582 : i32 to index
      %get3A_584 = arith.index_cast %mul3A_242 : i32 to index
      %get3A_585 = tpu.vector_load %arg7[%get3A_583, %get3A_584] {strides = array<i32>} : memref<16x768xf32, #tpu.memory_space<vmem>>, vector<1x16xf32>,
      %get3A_586 = vector.shape_cast %get3A_585 : vector<1x16xf32> to vector<16xf32>
      %get3A_587 = arith.constant 14 : i32
      %get3A_588 = arith.index_cast %get3A_587 : i32 to index
      %get3A_589 = arith.index_cast %mul3A_242 : i32 to index
      %get3A_590 = tpu.vector_load %arg9[%get3A_588, %get3A_589] {strides = array<i32>} : memref<16x768xf32, #tpu.memory_space<vmem>>, vector<1x16xf32>,
      %get3A_591 = vector.shape_cast %get3A_590 : vector<1x16xf32> to vector<16xf32>
      %select_n3A_592 = arith.select %lt3A_246, %get3A_591, %get3A_586 : vector<16xi1>, vector<16xf32>
      %swap3A_593 = arith.constant 14 : i32
      %swap3A_594 = arith.index_cast %swap3A_593 : i32 to index
      %swap3A_595 = arith.index_cast %mul3A_242 : i32 to index
      %swap3A_596 = tpu.vector_load %arg11[%swap3A_594, %swap3A_595] {strides = array<i32>} : memref<16x768xf32, #tpu.memory_space<vmem>>, vector<1x16xf32>,
      %swap3A_597 = vector.shape_cast %swap3A_596 : vector<1x16xf32> to vector<16xf32>
      %swap3A_598 = vector.shape_cast %select_n3A_592 : vector<16xf32> to vector<1x16xf32>
      tpu.vector_store %arg11[%swap3A_594, %swap3A_595], %swap3A_598 {strides = array<i32>} : memref<16x768xf32, #tpu.memory_space<vmem>>, vector<1x16xf32>,
      %select_n3A_599 = arith.select %lt3A_246, %get3A_586, %get3A_591 : vector<16xi1>, vector<16xf32>
      %swap3A_600 = arith.constant 14 : i32
      %swap3A_601 = arith.index_cast %swap3A_600 : i32 to index
      %swap3A_602 = arith.index_cast %mul3A_242 : i32 to index
      %swap3A_603 = tpu.vector_load %arg13[%swap3A_601, %swap3A_602] {strides = array<i32>} : memref<16x768xf32, #tpu.memory_space<vmem>>, vector<1x16xf32>,
      %swap3A_604 = vector.shape_cast %swap3A_603 : vector<1x16xf32> to vector<16xf32>
      %swap3A_605 = vector.shape_cast %select_n3A_599 : vector<16xf32> to vector<1x16xf32>
      tpu.vector_store %arg13[%swap3A_601, %swap3A_602], %swap3A_605 {strides = array<i32>} : memref<16x768xf32, #tpu.memory_space<vmem>>, vector<1x16xf32>,
      %get3A_606 = arith.constant 15 : i32
      %get3A_607 = arith.index_cast %get3A_606 : i32 to index
      %get3A_608 = arith.index_cast %mul3A_242 : i32 to index
      %get3A_609 = tpu.vector_load %arg7[%get3A_607, %get3A_608] {strides = array<i32>} : memref<16x768xf32, #tpu.memory_space<vmem>>, vector<1x16xf32>,
      %get3A_610 = vector.shape_cast %get3A_609 : vector<1x16xf32> to vector<16xf32>
      %get3A_611 = arith.constant 15 : i32
      %get3A_612 = arith.index_cast %get3A_611 : i32 to index
      %get3A_613 = arith.index_cast %mul3A_242 : i32 to index
      %get3A_614 = tpu.vector_load %arg9[%get3A_612, %get3A_613] {strides = array<i32>} : memref<16x768xf32, #tpu.memory_space<vmem>>, vector<1x16xf32>,
      %get3A_615 = vector.shape_cast %get3A_614 : vector<1x16xf32> to vector<16xf32>
      %select_n3A_616 = arith.select %lt3A_246, %get3A_615, %get3A_610 : vector<16xi1>, vector<16xf32>
      %swap3A_617 = arith.constant 15 : i32
      %swap3A_618 = arith.index_cast %swap3A_617 : i32 to index
      %swap3A_619 = arith.index_cast %mul3A_242 : i32 to index
      %swap3A_620 = tpu.vector_load %arg11[%swap3A_618, %swap3A_619] {strides = array<i32>} : memref<16x768xf32, #tpu.memory_space<vmem>>, vector<1x16xf32>,
      %swap3A_621 = vector.shape_cast %swap3A_620 : vector<1x16xf32> to vector<16xf32>
      %swap3A_622 = vector.shape_cast %select_n3A_616 : vector<16xf32> to vector<1x16xf32>
      tpu.vector_store %arg11[%swap3A_618, %swap3A_619], %swap3A_622 {strides = array<i32>} : memref<16x768xf32, #tpu.memory_space<vmem>>, vector<1x16xf32>,
      %select_n3A_623 = arith.select %lt3A_246, %get3A_610, %get3A_615 : vector<16xi1>, vector<16xf32>
      %swap3A_624 = arith.constant 15 : i32
      %swap3A_625 = arith.index_cast %swap3A_624 : i32 to index
      %swap3A_626 = arith.index_cast %mul3A_242 : i32 to index
      %swap3A_627 = tpu.vector_load %arg13[%swap3A_625, %swap3A_626] {strides = array<i32>} : memref<16x768xf32, #tpu.memory_space<vmem>>, vector<1x16xf32>,
      %swap3A_628 = vector.shape_cast %swap3A_627 : vector<1x16xf32> to vector<16xf32>
      %swap3A_629 = vector.shape_cast %select_n3A_623 : vector<16xf32> to vector<1x16xf32>
      tpu.vector_store %arg13[%swap3A_625, %swap3A_626], %swap3A_629 {strides = array<i32>} : memref<16x768xf32, #tpu.memory_space<vmem>>, vector<1x16xf32>,
    }
    %scan3A_101 = arith.constant 48 : i32
    %add3A_102 = arith.constant 16 : i32
    %add3A_103 = arith.addi %mul3A_2, %add3A_102 : i32
    %dma_start3A_104 = arith.constant 0 : i32
    %dma_start3A_105 = tpu.memref_slice %arg4[%add3A_103, %dma_start3A_104] : memref<18432x768xf32, #tpu.memory_space<hbm>> -> memref<16x768xf32, #tpu.memory_space<hbm>>
    %dma_start3A_106 = arith.constant 0 : i32
    %dma_start3A_107 = tpu.memref_slice %arg4[%add3A_103, %dma_start3A_106] : memref<18432x768xf32, #tpu.memory_space<hbm>> -> memref<16x768xf32, #tpu.memory_space<hbm>>
    tpu.enqueue_dma source(%arg11 : memref<16x768xf32, #tpu.memory_space<vmem>>) target(%dma_start3A_107 : memref<16x768xf32, #tpu.memory_space<hbm>>) target_semaphore(%arg19 : memref<!tpu.dma_semaphore, #tpu.memory_space<semaphore_mem>>)
    %add3A_108 = arith.constant 9216 : i32
    %add3A_109 = arith.addi %add3A_103, %add3A_108 : i32
    %dma_start3A_110 = arith.constant 0 : i32
    %dma_start3A_111 = tpu.memref_slice %arg4[%add3A_109, %dma_start3A_110] : memref<18432x768xf32, #tpu.memory_space<hbm>> -> memref<16x768xf32, #tpu.memory_space<hbm>>
    %dma_start3A_112 = arith.constant 0 : i32
    %dma_start3A_113 = tpu.memref_slice %arg4[%add3A_109, %dma_start3A_112] : memref<18432x768xf32, #tpu.memory_space<hbm>> -> memref<16x768xf32, #tpu.memory_space<hbm>>
    tpu.enqueue_dma source(%arg13 : memref<16x768xf32, #tpu.memory_space<vmem>>) target(%dma_start3A_113 : memref<16x768xf32, #tpu.memory_space<hbm>>) target_semaphore(%arg21 : memref<!tpu.dma_semaphore, #tpu.memory_space<semaphore_mem>>)
    %add3A_114 = arith.constant 48 : i32
    %add3A_115 = arith.addi %mul3A_2, %add3A_114 : i32
    %dma_start3A_116 = arith.constant 0 : i32
    %dma_start3A_117 = tpu.memref_slice %arg3[%add3A_115, %dma_start3A_116] : memref<18432x768xf32, #tpu.memory_space<hbm>> -> memref<16x768xf32, #tpu.memory_space<hbm>>
    %dma_start3A_118 = arith.constant 0 : i32
    %dma_start3A_119 = tpu.memref_slice %arg3[%add3A_115, %dma_start3A_118] : memref<18432x768xf32, #tpu.memory_space<hbm>> -> memref<16x768xf32, #tpu.memory_space<hbm>>
    tpu.enqueue_dma source(%dma_start3A_119 : memref<16x768xf32, #tpu.memory_space<hbm>>) target(%arg7 : memref<16x768xf32, #tpu.memory_space<vmem>>) target_semaphore(%arg15 : memref<!tpu.dma_semaphore, #tpu.memory_space<semaphore_mem>>)
    %add3A_120 = arith.constant 9216 : i32
    %add3A_121 = arith.addi %add3A_115, %add3A_120 : i32
    %dma_start3A_122 = arith.constant 0 : i32
    %dma_start3A_123 = tpu.memref_slice %arg3[%add3A_121, %dma_start3A_122] : memref<18432x768xf32, #tpu.memory_space<hbm>> -> memref<16x768xf32, #tpu.memory_space<hbm>>
    %dma_start3A_124 = arith.constant 0 : i32
    %dma_start3A_125 = tpu.memref_slice %arg3[%add3A_121, %dma_start3A_124] : memref<18432x768xf32, #tpu.memory_space<hbm>> -> memref<16x768xf32, #tpu.memory_space<hbm>>
    tpu.enqueue_dma source(%dma_start3A_125 : memref<16x768xf32, #tpu.memory_space<hbm>>) target(%arg9 : memref<16x768xf32, #tpu.memory_space<vmem>>) target_semaphore(%arg17 : memref<!tpu.dma_semaphore, #tpu.memory_space<semaphore_mem>>)
    %scan3A_126 = arith.constant 0 : i32
    %scan3A_127 = arith.constant 0 : i32
    %scan3A_128 = arith.constant 7 : i32
    %scan3A_129 = arith.addi %scan3A_127, %scan3A_128 : i32
    %scan3A_130 = arith.constant 1 : i32
    scf.for %scan3A_240 = %scan3A_127 to %scan3A_129 step %scan3A_130  : i32 {
      %mul3A_241 = arith.constant 2 : i32
      %mul3A_242 = arith.muli %mul3A_241, %scan3A_240 : i32
      %add3A_243 = arith.constant 2 : i32
      %add3A_244 = arith.addi %add3A_243, %mul3A_242 : i32
      %add3A_245 = arith.constant 0 : i32
      %add3A_246 = arith.addi %add3A_244, %add3A_245 : i32
      %dma_wait3A_247 = arith.constant 0 : i32
      %dma_wait3A_248 = arith.constant 0 : i32
      %dma_wait3A_249 = tpu.memref_slice %arg3[%dma_wait3A_247, %dma_wait3A_248] : memref<18432x768xf32, #tpu.memory_space<hbm>> -> memref<16x768xf32, #tpu.memory_space<hbm>>
      %dma_wait3A_250 = arith.constant 0 : i32
      %dma_wait3A_251 = arith.constant 0 : i32
      %dma_wait3A_252 = tpu.memref_slice %arg3[%dma_wait3A_250, %dma_wait3A_251] : memref<18432x768xf32, #tpu.memory_space<hbm>> -> memref<16x768xf32, #tpu.memory_space<hbm>>
      tpu.wait_dma2 semaphore(%arg14 : memref<!tpu.dma_semaphore, #tpu.memory_space<semaphore_mem>>) src(%dma_wait3A_252 : memref<16x768xf32, #tpu.memory_space<hbm>>) dst(%arg6 : memref<16x768xf32, #tpu.memory_space<vmem>>)
      %dma_wait3A_253 = arith.constant 0 : i32
      %dma_wait3A_254 = arith.constant 0 : i32
      %dma_wait3A_255 = tpu.memref_slice %arg3[%dma_wait3A_253, %dma_wait3A_254] : memref<18432x768xf32, #tpu.memory_space<hbm>> -> memref<16x768xf32, #tpu.memory_space<hbm>>
      %dma_wait3A_256 = arith.constant 0 : i32
      %dma_wait3A_257 = arith.constant 0 : i32
      %dma_wait3A_258 = tpu.memref_slice %arg3[%dma_wait3A_256, %dma_wait3A_257] : memref<18432x768xf32, #tpu.memory_space<hbm>> -> memref<16x768xf32, #tpu.memory_space<hbm>>
      tpu.wait_dma2 semaphore(%arg16 : memref<!tpu.dma_semaphore, #tpu.memory_space<semaphore_mem>>) src(%dma_wait3A_258 : memref<16x768xf32, #tpu.memory_space<hbm>>) dst(%arg8 : memref<16x768xf32, #tpu.memory_space<vmem>>)
      %dma_wait3A_259 = arith.constant 0 : i32
      %dma_wait3A_260 = arith.constant 0 : i32
      %dma_wait3A_261 = tpu.memref_slice %arg4[%dma_wait3A_259, %dma_wait3A_260] : memref<18432x768xf32, #tpu.memory_space<hbm>> -> memref<16x768xf32, #tpu.memory_space<hbm>>
      %dma_wait3A_262 = arith.constant 0 : i32
      %dma_wait3A_263 = arith.constant 0 : i32
      %dma_wait3A_264 = tpu.memref_slice %arg4[%dma_wait3A_262, %dma_wait3A_263] : memref<18432x768xf32, #tpu.memory_space<hbm>> -> memref<16x768xf32, #tpu.memory_space<hbm>>
      tpu.wait_dma2 semaphore(%arg18 : memref<!tpu.dma_semaphore, #tpu.memory_space<semaphore_mem>>) src(%arg10 : memref<16x768xf32, #tpu.memory_space<vmem>>) dst(%dma_wait3A_264 : memref<16x768xf32, #tpu.memory_space<hbm>>)
      %dma_wait3A_265 = arith.constant 0 : i32
      %dma_wait3A_266 = arith.constant 0 : i32
      %dma_wait3A_267 = tpu.memref_slice %arg4[%dma_wait3A_265, %dma_wait3A_266] : memref<18432x768xf32, #tpu.memory_space<hbm>> -> memref<16x768xf32, #tpu.memory_space<hbm>>
      %dma_wait3A_268 = arith.constant 0 : i32
      %dma_wait3A_269 = arith.constant 0 : i32
      %dma_wait3A_270 = tpu.memref_slice %arg4[%dma_wait3A_268, %dma_wait3A_269] : memref<18432x768xf32, #tpu.memory_space<hbm>> -> memref<16x768xf32, #tpu.memory_space<hbm>>
      tpu.wait_dma2 semaphore(%arg20 : memref<!tpu.dma_semaphore, #tpu.memory_space<semaphore_mem>>) src(%arg12 : memref<16x768xf32, #tpu.memory_space<vmem>>) dst(%dma_wait3A_270 : memref<16x768xf32, #tpu.memory_space<hbm>>)
      %scan3A_271 = arith.constant 0 : i32
      %scan3A_272 = arith.constant 0 : i32
      %scan3A_273 = arith.constant 48 : i32
      %scan3A_274 = arith.addi %scan3A_272, %scan3A_273 : i32
      %scan3A_275 = arith.constant 1 : i32
      scf.for %scan3A_365 = %scan3A_272 to %scan3A_274 step %scan3A_275  : i32 {
        %mul3A_366 = arith.constant 16 : i32
        %mul3A_367 = arith.muli %scan3A_365, %mul3A_366 : i32
        %get3A = arith.index_cast %mul3A_367 : i32 to index
        %get3A_368 = tpu.vector_load %arg5[%get3A] {strides = array<i32>} : memref<768xf32, #tpu.memory_space<vmem>>, vector<16xf32>,
        %get3A_369 = vector.shape_cast %get3A_368 : vector<16xf32> to vector<16xf32>
        %lt3A = arith.constant 3.000000e-01 : f32
        %lt3A_370 = vector.broadcast %lt3A : f32 to vector<16xf32>
        %lt3A_371 = arith.cmpf olt, %get3A_369, %lt3A_370 : vector<16xf32>
        %get3A_372 = arith.constant 0 : i32
        %get3A_373 = arith.index_cast %get3A_372 : i32 to index
        %get3A_374 = arith.index_cast %mul3A_367 : i32 to index
        %get3A_375 = tpu.vector_load %arg6[%get3A_373, %get3A_374] {strides = array<i32>} : memref<16x768xf32, #tpu.memory_space<vmem>>, vector<1x16xf32>,
        %get3A_376 = vector.shape_cast %get3A_375 : vector<1x16xf32> to vector<16xf32>
        %get3A_377 = arith.constant 0 : i32
        %get3A_378 = arith.index_cast %get3A_377 : i32 to index
        %get3A_379 = arith.index_cast %mul3A_367 : i32 to index
        %get3A_380 = tpu.vector_load %arg8[%get3A_378, %get3A_379] {strides = array<i32>} : memref<16x768xf32, #tpu.memory_space<vmem>>, vector<1x16xf32>,
        %get3A_381 = vector.shape_cast %get3A_380 : vector<1x16xf32> to vector<16xf32>
        %select_n3A_382 = arith.select %lt3A_371, %get3A_381, %get3A_376 : vector<16xi1>, vector<16xf32>
        %swap3A = arith.constant 0 : i32
        %swap3A_383 = arith.index_cast %swap3A : i32 to index
        %swap3A_384 = arith.index_cast %mul3A_367 : i32 to index
        %swap3A_385 = tpu.vector_load %arg10[%swap3A_383, %swap3A_384] {strides = array<i32>} : memref<16x768xf32, #tpu.memory_space<vmem>>, vector<1x16xf32>,
        %swap3A_386 = vector.shape_cast %swap3A_385 : vector<1x16xf32> to vector<16xf32>
        %swap3A_387 = vector.shape_cast %select_n3A_382 : vector<16xf32> to vector<1x16xf32>
        tpu.vector_store %arg10[%swap3A_383, %swap3A_384], %swap3A_387 {strides = array<i32>} : memref<16x768xf32, #tpu.memory_space<vmem>>, vector<1x16xf32>,
        %select_n3A_388 = arith.select %lt3A_371, %get3A_376, %get3A_381 : vector<16xi1>, vector<16xf32>
        %swap3A_389 = arith.constant 0 : i32
        %swap3A_390 = arith.index_cast %swap3A_389 : i32 to index
        %swap3A_391 = arith.index_cast %mul3A_367 : i32 to index
        %swap3A_392 = tpu.vector_load %arg12[%swap3A_390, %swap3A_391] {strides = array<i32>} : memref<16x768xf32, #tpu.memory_space<vmem>>, vector<1x16xf32>,
        %swap3A_393 = vector.shape_cast %swap3A_392 : vector<1x16xf32> to vector<16xf32>
        %swap3A_394 = vector.shape_cast %select_n3A_388 : vector<16xf32> to vector<1x16xf32>
        tpu.vector_store %arg12[%swap3A_390, %swap3A_391], %swap3A_394 {strides = array<i32>} : memref<16x768xf32, #tpu.memory_space<vmem>>, vector<1x16xf32>,
        %get3A_395 = arith.constant 1 : i32
        %get3A_396 = arith.index_cast %get3A_395 : i32 to index
        %get3A_397 = arith.index_cast %mul3A_367 : i32 to index
        %get3A_398 = tpu.vector_load %arg6[%get3A_396, %get3A_397] {strides = array<i32>} : memref<16x768xf32, #tpu.memory_space<vmem>>, vector<1x16xf32>,
        %get3A_399 = vector.shape_cast %get3A_398 : vector<1x16xf32> to vector<16xf32>
        %get3A_400 = arith.constant 1 : i32
        %get3A_401 = arith.index_cast %get3A_400 : i32 to index
        %get3A_402 = arith.index_cast %mul3A_367 : i32 to index
        %get3A_403 = tpu.vector_load %arg8[%get3A_401, %get3A_402] {strides = array<i32>} : memref<16x768xf32, #tpu.memory_space<vmem>>, vector<1x16xf32>,
        %get3A_404 = vector.shape_cast %get3A_403 : vector<1x16xf32> to vector<16xf32>
        %select_n3A_405 = arith.select %lt3A_371, %get3A_404, %get3A_399 : vector<16xi1>, vector<16xf32>
        %swap3A_406 = arith.constant 1 : i32
        %swap3A_407 = arith.index_cast %swap3A_406 : i32 to index
        %swap3A_408 = arith.index_cast %mul3A_367 : i32 to index
        %swap3A_409 = tpu.vector_load %arg10[%swap3A_407, %swap3A_408] {strides = array<i32>} : memref<16x768xf32, #tpu.memory_space<vmem>>, vector<1x16xf32>,
        %swap3A_410 = vector.shape_cast %swap3A_409 : vector<1x16xf32> to vector<16xf32>
        %swap3A_411 = vector.shape_cast %select_n3A_405 : vector<16xf32> to vector<1x16xf32>
        tpu.vector_store %arg10[%swap3A_407, %swap3A_408], %swap3A_411 {strides = array<i32>} : memref<16x768xf32, #tpu.memory_space<vmem>>, vector<1x16xf32>,
        %select_n3A_412 = arith.select %lt3A_371, %get3A_399, %get3A_404 : vector<16xi1>, vector<16xf32>
        %swap3A_413 = arith.constant 1 : i32
        %swap3A_414 = arith.index_cast %swap3A_413 : i32 to index
        %swap3A_415 = arith.index_cast %mul3A_367 : i32 to index
        %swap3A_416 = tpu.vector_load %arg12[%swap3A_414, %swap3A_415] {strides = array<i32>} : memref<16x768xf32, #tpu.memory_space<vmem>>, vector<1x16xf32>,
        %swap3A_417 = vector.shape_cast %swap3A_416 : vector<1x16xf32> to vector<16xf32>
        %swap3A_418 = vector.shape_cast %select_n3A_412 : vector<16xf32> to vector<1x16xf32>
        tpu.vector_store %arg12[%swap3A_414, %swap3A_415], %swap3A_418 {strides = array<i32>} : memref<16x768xf32, #tpu.memory_space<vmem>>, vector<1x16xf32>,
        %get3A_419 = arith.constant 2 : i32
        %get3A_420 = arith.index_cast %get3A_419 : i32 to index
        %get3A_421 = arith.index_cast %mul3A_367 : i32 to index
        %get3A_422 = tpu.vector_load %arg6[%get3A_420, %get3A_421] {strides = array<i32>} : memref<16x768xf32, #tpu.memory_space<vmem>>, vector<1x16xf32>,
        %get3A_423 = vector.shape_cast %get3A_422 : vector<1x16xf32> to vector<16xf32>
        %get3A_424 = arith.constant 2 : i32
        %get3A_425 = arith.index_cast %get3A_424 : i32 to index
        %get3A_426 = arith.index_cast %mul3A_367 : i32 to index
        %get3A_427 = tpu.vector_load %arg8[%get3A_425, %get3A_426] {strides = array<i32>} : memref<16x768xf32, #tpu.memory_space<vmem>>, vector<1x16xf32>,
        %get3A_428 = vector.shape_cast %get3A_427 : vector<1x16xf32> to vector<16xf32>
        %select_n3A_429 = arith.select %lt3A_371, %get3A_428, %get3A_423 : vector<16xi1>, vector<16xf32>
        %swap3A_430 = arith.constant 2 : i32
        %swap3A_431 = arith.index_cast %swap3A_430 : i32 to index
        %swap3A_432 = arith.index_cast %mul3A_367 : i32 to index
        %swap3A_433 = tpu.vector_load %arg10[%swap3A_431, %swap3A_432] {strides = array<i32>} : memref<16x768xf32, #tpu.memory_space<vmem>>, vector<1x16xf32>,
        %swap3A_434 = vector.shape_cast %swap3A_433 : vector<1x16xf32> to vector<16xf32>
        %swap3A_435 = vector.shape_cast %select_n3A_429 : vector<16xf32> to vector<1x16xf32>
        tpu.vector_store %arg10[%swap3A_431, %swap3A_432], %swap3A_435 {strides = array<i32>} : memref<16x768xf32, #tpu.memory_space<vmem>>, vector<1x16xf32>,
        %select_n3A_436 = arith.select %lt3A_371, %get3A_423, %get3A_428 : vector<16xi1>, vector<16xf32>
        %swap3A_437 = arith.constant 2 : i32
        %swap3A_438 = arith.index_cast %swap3A_437 : i32 to index
        %swap3A_439 = arith.index_cast %mul3A_367 : i32 to index
        %swap3A_440 = tpu.vector_load %arg12[%swap3A_438, %swap3A_439] {strides = array<i32>} : memref<16x768xf32, #tpu.memory_space<vmem>>, vector<1x16xf32>,
        %swap3A_441 = vector.shape_cast %swap3A_440 : vector<1x16xf32> to vector<16xf32>
        %swap3A_442 = vector.shape_cast %select_n3A_436 : vector<16xf32> to vector<1x16xf32>
        tpu.vector_store %arg12[%swap3A_438, %swap3A_439], %swap3A_442 {strides = array<i32>} : memref<16x768xf32, #tpu.memory_space<vmem>>, vector<1x16xf32>,
        %get3A_443 = arith.constant 3 : i32
        %get3A_444 = arith.index_cast %get3A_443 : i32 to index
        %get3A_445 = arith.index_cast %mul3A_367 : i32 to index
        %get3A_446 = tpu.vector_load %arg6[%get3A_444, %get3A_445] {strides = array<i32>} : memref<16x768xf32, #tpu.memory_space<vmem>>, vector<1x16xf32>,
        %get3A_447 = vector.shape_cast %get3A_446 : vector<1x16xf32> to vector<16xf32>
        %get3A_448 = arith.constant 3 : i32
        %get3A_449 = arith.index_cast %get3A_448 : i32 to index
        %get3A_450 = arith.index_cast %mul3A_367 : i32 to index
        %get3A_451 = tpu.vector_load %arg8[%get3A_449, %get3A_450] {strides = array<i32>} : memref<16x768xf32, #tpu.memory_space<vmem>>, vector<1x16xf32>,
        %get3A_452 = vector.shape_cast %get3A_451 : vector<1x16xf32> to vector<16xf32>
        %select_n3A_453 = arith.select %lt3A_371, %get3A_452, %get3A_447 : vector<16xi1>, vector<16xf32>
        %swap3A_454 = arith.constant 3 : i32
        %swap3A_455 = arith.index_cast %swap3A_454 : i32 to index
        %swap3A_456 = arith.index_cast %mul3A_367 : i32 to index
        %swap3A_457 = tpu.vector_load %arg10[%swap3A_455, %swap3A_456] {strides = array<i32>} : memref<16x768xf32, #tpu.memory_space<vmem>>, vector<1x16xf32>,
        %swap3A_458 = vector.shape_cast %swap3A_457 : vector<1x16xf32> to vector<16xf32>
        %swap3A_459 = vector.shape_cast %select_n3A_453 : vector<16xf32> to vector<1x16xf32>
        tpu.vector_store %arg10[%swap3A_455, %swap3A_456], %swap3A_459 {strides = array<i32>} : memref<16x768xf32, #tpu.memory_space<vmem>>, vector<1x16xf32>,
        %select_n3A_460 = arith.select %lt3A_371, %get3A_447, %get3A_452 : vector<16xi1>, vector<16xf32>
        %swap3A_461 = arith.constant 3 : i32
        %swap3A_462 = arith.index_cast %swap3A_461 : i32 to index
        %swap3A_463 = arith.index_cast %mul3A_367 : i32 to index
        %swap3A_464 = tpu.vector_load %arg12[%swap3A_462, %swap3A_463] {strides = array<i32>} : memref<16x768xf32, #tpu.memory_space<vmem>>, vector<1x16xf32>,
        %swap3A_465 = vector.shape_cast %swap3A_464 : vector<1x16xf32> to vector<16xf32>
        %swap3A_466 = vector.shape_cast %select_n3A_460 : vector<16xf32> to vector<1x16xf32>
        tpu.vector_store %arg12[%swap3A_462, %swap3A_463], %swap3A_466 {strides = array<i32>} : memref<16x768xf32, #tpu.memory_space<vmem>>, vector<1x16xf32>,
        %get3A_467 = arith.constant 4 : i32
        %get3A_468 = arith.index_cast %get3A_467 : i32 to index
        %get3A_469 = arith.index_cast %mul3A_367 : i32 to index
        %get3A_470 = tpu.vector_load %arg6[%get3A_468, %get3A_469] {strides = array<i32>} : memref<16x768xf32, #tpu.memory_space<vmem>>, vector<1x16xf32>,
        %get3A_471 = vector.shape_cast %get3A_470 : vector<1x16xf32> to vector<16xf32>
        %get3A_472 = arith.constant 4 : i32
        %get3A_473 = arith.index_cast %get3A_472 : i32 to index
        %get3A_474 = arith.index_cast %mul3A_367 : i32 to index
        %get3A_475 = tpu.vector_load %arg8[%get3A_473, %get3A_474] {strides = array<i32>} : memref<16x768xf32, #tpu.memory_space<vmem>>, vector<1x16xf32>,
        %get3A_476 = vector.shape_cast %get3A_475 : vector<1x16xf32> to vector<16xf32>
        %select_n3A_477 = arith.select %lt3A_371, %get3A_476, %get3A_471 : vector<16xi1>, vector<16xf32>
        %swap3A_478 = arith.constant 4 : i32
        %swap3A_479 = arith.index_cast %swap3A_478 : i32 to index
        %swap3A_480 = arith.index_cast %mul3A_367 : i32 to index
        %swap3A_481 = tpu.vector_load %arg10[%swap3A_479, %swap3A_480] {strides = array<i32>} : memref<16x768xf32, #tpu.memory_space<vmem>>, vector<1x16xf32>,
        %swap3A_482 = vector.shape_cast %swap3A_481 : vector<1x16xf32> to vector<16xf32>
        %swap3A_483 = vector.shape_cast %select_n3A_477 : vector<16xf32> to vector<1x16xf32>
        tpu.vector_store %arg10[%swap3A_479, %swap3A_480], %swap3A_483 {strides = array<i32>} : memref<16x768xf32, #tpu.memory_space<vmem>>, vector<1x16xf32>,
        %select_n3A_484 = arith.select %lt3A_371, %get3A_471, %get3A_476 : vector<16xi1>, vector<16xf32>
        %swap3A_485 = arith.constant 4 : i32
        %swap3A_486 = arith.index_cast %swap3A_485 : i32 to index
        %swap3A_487 = arith.index_cast %mul3A_367 : i32 to index
        %swap3A_488 = tpu.vector_load %arg12[%swap3A_486, %swap3A_487] {strides = array<i32>} : memref<16x768xf32, #tpu.memory_space<vmem>>, vector<1x16xf32>,
        %swap3A_489 = vector.shape_cast %swap3A_488 : vector<1x16xf32> to vector<16xf32>
        %swap3A_490 = vector.shape_cast %select_n3A_484 : vector<16xf32> to vector<1x16xf32>
        tpu.vector_store %arg12[%swap3A_486, %swap3A_487], %swap3A_490 {strides = array<i32>} : memref<16x768xf32, #tpu.memory_space<vmem>>, vector<1x16xf32>,
        %get3A_491 = arith.constant 5 : i32
        %get3A_492 = arith.index_cast %get3A_491 : i32 to index
        %get3A_493 = arith.index_cast %mul3A_367 : i32 to index
        %get3A_494 = tpu.vector_load %arg6[%get3A_492, %get3A_493] {strides = array<i32>} : memref<16x768xf32, #tpu.memory_space<vmem>>, vector<1x16xf32>,
        %get3A_495 = vector.shape_cast %get3A_494 : vector<1x16xf32> to vector<16xf32>
        %get3A_496 = arith.constant 5 : i32
        %get3A_497 = arith.index_cast %get3A_496 : i32 to index
        %get3A_498 = arith.index_cast %mul3A_367 : i32 to index
        %get3A_499 = tpu.vector_load %arg8[%get3A_497, %get3A_498] {strides = array<i32>} : memref<16x768xf32, #tpu.memory_space<vmem>>, vector<1x16xf32>,
        %get3A_500 = vector.shape_cast %get3A_499 : vector<1x16xf32> to vector<16xf32>
        %select_n3A_501 = arith.select %lt3A_371, %get3A_500, %get3A_495 : vector<16xi1>, vector<16xf32>
        %swap3A_502 = arith.constant 5 : i32
        %swap3A_503 = arith.index_cast %swap3A_502 : i32 to index
        %swap3A_504 = arith.index_cast %mul3A_367 : i32 to index
        %swap3A_505 = tpu.vector_load %arg10[%swap3A_503, %swap3A_504] {strides = array<i32>} : memref<16x768xf32, #tpu.memory_space<vmem>>, vector<1x16xf32>,
        %swap3A_506 = vector.shape_cast %swap3A_505 : vector<1x16xf32> to vector<16xf32>
        %swap3A_507 = vector.shape_cast %select_n3A_501 : vector<16xf32> to vector<1x16xf32>
        tpu.vector_store %arg10[%swap3A_503, %swap3A_504], %swap3A_507 {strides = array<i32>} : memref<16x768xf32, #tpu.memory_space<vmem>>, vector<1x16xf32>,
        %select_n3A_508 = arith.select %lt3A_371, %get3A_495, %get3A_500 : vector<16xi1>, vector<16xf32>
        %swap3A_509 = arith.constant 5 : i32
        %swap3A_510 = arith.index_cast %swap3A_509 : i32 to index
        %swap3A_511 = arith.index_cast %mul3A_367 : i32 to index
        %swap3A_512 = tpu.vector_load %arg12[%swap3A_510, %swap3A_511] {strides = array<i32>} : memref<16x768xf32, #tpu.memory_space<vmem>>, vector<1x16xf32>,
        %swap3A_513 = vector.shape_cast %swap3A_512 : vector<1x16xf32> to vector<16xf32>
        %swap3A_514 = vector.shape_cast %select_n3A_508 : vector<16xf32> to vector<1x16xf32>
        tpu.vector_store %arg12[%swap3A_510, %swap3A_511], %swap3A_514 {strides = array<i32>} : memref<16x768xf32, #tpu.memory_space<vmem>>, vector<1x16xf32>,
        %get3A_515 = arith.constant 6 : i32
        %get3A_516 = arith.index_cast %get3A_515 : i32 to index
        %get3A_517 = arith.index_cast %mul3A_367 : i32 to index
        %get3A_518 = tpu.vector_load %arg6[%get3A_516, %get3A_517] {strides = array<i32>} : memref<16x768xf32, #tpu.memory_space<vmem>>, vector<1x16xf32>,
        %get3A_519 = vector.shape_cast %get3A_518 : vector<1x16xf32> to vector<16xf32>
        %get3A_520 = arith.constant 6 : i32
        %get3A_521 = arith.index_cast %get3A_520 : i32 to index
        %get3A_522 = arith.index_cast %mul3A_367 : i32 to index
        %get3A_523 = tpu.vector_load %arg8[%get3A_521, %get3A_522] {strides = array<i32>} : memref<16x768xf32, #tpu.memory_space<vmem>>, vector<1x16xf32>,
        %get3A_524 = vector.shape_cast %get3A_523 : vector<1x16xf32> to vector<16xf32>
        %select_n3A_525 = arith.select %lt3A_371, %get3A_524, %get3A_519 : vector<16xi1>, vector<16xf32>
        %swap3A_526 = arith.constant 6 : i32
        %swap3A_527 = arith.index_cast %swap3A_526 : i32 to index
        %swap3A_528 = arith.index_cast %mul3A_367 : i32 to index
        %swap3A_529 = tpu.vector_load %arg10[%swap3A_527, %swap3A_528] {strides = array<i32>} : memref<16x768xf32, #tpu.memory_space<vmem>>, vector<1x16xf32>,
        %swap3A_530 = vector.shape_cast %swap3A_529 : vector<1x16xf32> to vector<16xf32>
        %swap3A_531 = vector.shape_cast %select_n3A_525 : vector<16xf32> to vector<1x16xf32>
        tpu.vector_store %arg10[%swap3A_527, %swap3A_528], %swap3A_531 {strides = array<i32>} : memref<16x768xf32, #tpu.memory_space<vmem>>, vector<1x16xf32>,
        %select_n3A_532 = arith.select %lt3A_371, %get3A_519, %get3A_524 : vector<16xi1>, vector<16xf32>
        %swap3A_533 = arith.constant 6 : i32
        %swap3A_534 = arith.index_cast %swap3A_533 : i32 to index
        %swap3A_535 = arith.index_cast %mul3A_367 : i32 to index
        %swap3A_536 = tpu.vector_load %arg12[%swap3A_534, %swap3A_535] {strides = array<i32>} : memref<16x768xf32, #tpu.memory_space<vmem>>, vector<1x16xf32>,
        %swap3A_537 = vector.shape_cast %swap3A_536 : vector<1x16xf32> to vector<16xf32>
        %swap3A_538 = vector.shape_cast %select_n3A_532 : vector<16xf32> to vector<1x16xf32>
        tpu.vector_store %arg12[%swap3A_534, %swap3A_535], %swap3A_538 {strides = array<i32>} : memref<16x768xf32, #tpu.memory_space<vmem>>, vector<1x16xf32>,
        %get3A_539 = arith.constant 7 : i32
        %get3A_540 = arith.index_cast %get3A_539 : i32 to index
        %get3A_541 = arith.index_cast %mul3A_367 : i32 to index
        %get3A_542 = tpu.vector_load %arg6[%get3A_540, %get3A_541] {strides = array<i32>} : memref<16x768xf32, #tpu.memory_space<vmem>>, vector<1x16xf32>,
        %get3A_543 = vector.shape_cast %get3A_542 : vector<1x16xf32> to vector<16xf32>
        %get3A_544 = arith.constant 7 : i32
        %get3A_545 = arith.index_cast %get3A_544 : i32 to index
        %get3A_546 = arith.index_cast %mul3A_367 : i32 to index
        %get3A_547 = tpu.vector_load %arg8[%get3A_545, %get3A_546] {strides = array<i32>} : memref<16x768xf32, #tpu.memory_space<vmem>>, vector<1x16xf32>,
        %get3A_548 = vector.shape_cast %get3A_547 : vector<1x16xf32> to vector<16xf32>
        %select_n3A_549 = arith.select %lt3A_371, %get3A_548, %get3A_543 : vector<16xi1>, vector<16xf32>
        %swap3A_550 = arith.constant 7 : i32
        %swap3A_551 = arith.index_cast %swap3A_550 : i32 to index
        %swap3A_552 = arith.index_cast %mul3A_367 : i32 to index
        %swap3A_553 = tpu.vector_load %arg10[%swap3A_551, %swap3A_552] {strides = array<i32>} : memref<16x768xf32, #tpu.memory_space<vmem>>, vector<1x16xf32>,
        %swap3A_554 = vector.shape_cast %swap3A_553 : vector<1x16xf32> to vector<16xf32>
        %swap3A_555 = vector.shape_cast %select_n3A_549 : vector<16xf32> to vector<1x16xf32>
        tpu.vector_store %arg10[%swap3A_551, %swap3A_552], %swap3A_555 {strides = array<i32>} : memref<16x768xf32, #tpu.memory_space<vmem>>, vector<1x16xf32>,
        %select_n3A_556 = arith.select %lt3A_371, %get3A_543, %get3A_548 : vector<16xi1>, vector<16xf32>
        %swap3A_557 = arith.constant 7 : i32
        %swap3A_558 = arith.index_cast %swap3A_557 : i32 to index
        %swap3A_559 = arith.index_cast %mul3A_367 : i32 to index
        %swap3A_560 = tpu.vector_load %arg12[%swap3A_558, %swap3A_559] {strides = array<i32>} : memref<16x768xf32, #tpu.memory_space<vmem>>, vector<1x16xf32>,
        %swap3A_561 = vector.shape_cast %swap3A_560 : vector<1x16xf32> to vector<16xf32>
        %swap3A_562 = vector.shape_cast %select_n3A_556 : vector<16xf32> to vector<1x16xf32>
        tpu.vector_store %arg12[%swap3A_558, %swap3A_559], %swap3A_562 {strides = array<i32>} : memref<16x768xf32, #tpu.memory_space<vmem>>, vector<1x16xf32>,
        %get3A_563 = arith.constant 8 : i32
        %get3A_564 = arith.index_cast %get3A_563 : i32 to index
        %get3A_565 = arith.index_cast %mul3A_367 : i32 to index
        %get3A_566 = tpu.vector_load %arg6[%get3A_564, %get3A_565] {strides = array<i32>} : memref<16x768xf32, #tpu.memory_space<vmem>>, vector<1x16xf32>,
        %get3A_567 = vector.shape_cast %get3A_566 : vector<1x16xf32> to vector<16xf32>
        %get3A_568 = arith.constant 8 : i32
        %get3A_569 = arith.index_cast %get3A_568 : i32 to index
        %get3A_570 = arith.index_cast %mul3A_367 : i32 to index
        %get3A_571 = tpu.vector_load %arg8[%get3A_569, %get3A_570] {strides = array<i32>} : memref<16x768xf32, #tpu.memory_space<vmem>>, vector<1x16xf32>,
        %get3A_572 = vector.shape_cast %get3A_571 : vector<1x16xf32> to vector<16xf32>
        %select_n3A_573 = arith.select %lt3A_371, %get3A_572, %get3A_567 : vector<16xi1>, vector<16xf32>
        %swap3A_574 = arith.constant 8 : i32
        %swap3A_575 = arith.index_cast %swap3A_574 : i32 to index
        %swap3A_576 = arith.index_cast %mul3A_367 : i32 to index
        %swap3A_577 = tpu.vector_load %arg10[%swap3A_575, %swap3A_576] {strides = array<i32>} : memref<16x768xf32, #tpu.memory_space<vmem>>, vector<1x16xf32>,
        %swap3A_578 = vector.shape_cast %swap3A_577 : vector<1x16xf32> to vector<16xf32>
        %swap3A_579 = vector.shape_cast %select_n3A_573 : vector<16xf32> to vector<1x16xf32>
        tpu.vector_store %arg10[%swap3A_575, %swap3A_576], %swap3A_579 {strides = array<i32>} : memref<16x768xf32, #tpu.memory_space<vmem>>, vector<1x16xf32>,
        %select_n3A_580 = arith.select %lt3A_371, %get3A_567, %get3A_572 : vector<16xi1>, vector<16xf32>
        %swap3A_581 = arith.constant 8 : i32
        %swap3A_582 = arith.index_cast %swap3A_581 : i32 to index
        %swap3A_583 = arith.index_cast %mul3A_367 : i32 to index
        %swap3A_584 = tpu.vector_load %arg12[%swap3A_582, %swap3A_583] {strides = array<i32>} : memref<16x768xf32, #tpu.memory_space<vmem>>, vector<1x16xf32>,
        %swap3A_585 = vector.shape_cast %swap3A_584 : vector<1x16xf32> to vector<16xf32>
        %swap3A_586 = vector.shape_cast %select_n3A_580 : vector<16xf32> to vector<1x16xf32>
        tpu.vector_store %arg12[%swap3A_582, %swap3A_583], %swap3A_586 {strides = array<i32>} : memref<16x768xf32, #tpu.memory_space<vmem>>, vector<1x16xf32>,
        %get3A_587 = arith.constant 9 : i32
        %get3A_588 = arith.index_cast %get3A_587 : i32 to index
        %get3A_589 = arith.index_cast %mul3A_367 : i32 to index
        %get3A_590 = tpu.vector_load %arg6[%get3A_588, %get3A_589] {strides = array<i32>} : memref<16x768xf32, #tpu.memory_space<vmem>>, vector<1x16xf32>,
        %get3A_591 = vector.shape_cast %get3A_590 : vector<1x16xf32> to vector<16xf32>
        %get3A_592 = arith.constant 9 : i32
        %get3A_593 = arith.index_cast %get3A_592 : i32 to index
        %get3A_594 = arith.index_cast %mul3A_367 : i32 to index
        %get3A_595 = tpu.vector_load %arg8[%get3A_593, %get3A_594] {strides = array<i32>} : memref<16x768xf32, #tpu.memory_space<vmem>>, vector<1x16xf32>,
        %get3A_596 = vector.shape_cast %get3A_595 : vector<1x16xf32> to vector<16xf32>
        %select_n3A_597 = arith.select %lt3A_371, %get3A_596, %get3A_591 : vector<16xi1>, vector<16xf32>
        %swap3A_598 = arith.constant 9 : i32
        %swap3A_599 = arith.index_cast %swap3A_598 : i32 to index
        %swap3A_600 = arith.index_cast %mul3A_367 : i32 to index
        %swap3A_601 = tpu.vector_load %arg10[%swap3A_599, %swap3A_600] {strides = array<i32>} : memref<16x768xf32, #tpu.memory_space<vmem>>, vector<1x16xf32>,
        %swap3A_602 = vector.shape_cast %swap3A_601 : vector<1x16xf32> to vector<16xf32>
        %swap3A_603 = vector.shape_cast %select_n3A_597 : vector<16xf32> to vector<1x16xf32>
        tpu.vector_store %arg10[%swap3A_599, %swap3A_600], %swap3A_603 {strides = array<i32>} : memref<16x768xf32, #tpu.memory_space<vmem>>, vector<1x16xf32>,
        %select_n3A_604 = arith.select %lt3A_371, %get3A_591, %get3A_596 : vector<16xi1>, vector<16xf32>
        %swap3A_605 = arith.constant 9 : i32
        %swap3A_606 = arith.index_cast %swap3A_605 : i32 to index
        %swap3A_607 = arith.index_cast %mul3A_367 : i32 to index
        %swap3A_608 = tpu.vector_load %arg12[%swap3A_606, %swap3A_607] {strides = array<i32>} : memref<16x768xf32, #tpu.memory_space<vmem>>, vector<1x16xf32>,
        %swap3A_609 = vector.shape_cast %swap3A_608 : vector<1x16xf32> to vector<16xf32>
        %swap3A_610 = vector.shape_cast %select_n3A_604 : vector<16xf32> to vector<1x16xf32>
        tpu.vector_store %arg12[%swap3A_606, %swap3A_607], %swap3A_610 {strides = array<i32>} : memref<16x768xf32, #tpu.memory_space<vmem>>, vector<1x16xf32>,
        %get3A_611 = arith.constant 10 : i32
        %get3A_612 = arith.index_cast %get3A_611 : i32 to index
        %get3A_613 = arith.index_cast %mul3A_367 : i32 to index
        %get3A_614 = tpu.vector_load %arg6[%get3A_612, %get3A_613] {strides = array<i32>} : memref<16x768xf32, #tpu.memory_space<vmem>>, vector<1x16xf32>,
        %get3A_615 = vector.shape_cast %get3A_614 : vector<1x16xf32> to vector<16xf32>
        %get3A_616 = arith.constant 10 : i32
        %get3A_617 = arith.index_cast %get3A_616 : i32 to index
        %get3A_618 = arith.index_cast %mul3A_367 : i32 to index
        %get3A_619 = tpu.vector_load %arg8[%get3A_617, %get3A_618] {strides = array<i32>} : memref<16x768xf32, #tpu.memory_space<vmem>>, vector<1x16xf32>,
        %get3A_620 = vector.shape_cast %get3A_619 : vector<1x16xf32> to vector<16xf32>
        %select_n3A_621 = arith.select %lt3A_371, %get3A_620, %get3A_615 : vector<16xi1>, vector<16xf32>
        %swap3A_622 = arith.constant 10 : i32
        %swap3A_623 = arith.index_cast %swap3A_622 : i32 to index
        %swap3A_624 = arith.index_cast %mul3A_367 : i32 to index
        %swap3A_625 = tpu.vector_load %arg10[%swap3A_623, %swap3A_624] {strides = array<i32>} : memref<16x768xf32, #tpu.memory_space<vmem>>, vector<1x16xf32>,
        %swap3A_626 = vector.shape_cast %swap3A_625 : vector<1x16xf32> to vector<16xf32>
        %swap3A_627 = vector.shape_cast %select_n3A_621 : vector<16xf32> to vector<1x16xf32>
        tpu.vector_store %arg10[%swap3A_623, %swap3A_624], %swap3A_627 {strides = array<i32>} : memref<16x768xf32, #tpu.memory_space<vmem>>, vector<1x16xf32>,
        %select_n3A_628 = arith.select %lt3A_371, %get3A_615, %get3A_620 : vector<16xi1>, vector<16xf32>
        %swap3A_629 = arith.constant 10 : i32
        %swap3A_630 = arith.index_cast %swap3A_629 : i32 to index
        %swap3A_631 = arith.index_cast %mul3A_367 : i32 to index
        %swap3A_632 = tpu.vector_load %arg12[%swap3A_630, %swap3A_631] {strides = array<i32>} : memref<16x768xf32, #tpu.memory_space<vmem>>, vector<1x16xf32>,
        %swap3A_633 = vector.shape_cast %swap3A_632 : vector<1x16xf32> to vector<16xf32>
        %swap3A_634 = vector.shape_cast %select_n3A_628 : vector<16xf32> to vector<1x16xf32>
        tpu.vector_store %arg12[%swap3A_630, %swap3A_631], %swap3A_634 {strides = array<i32>} : memref<16x768xf32, #tpu.memory_space<vmem>>, vector<1x16xf32>,
        %get3A_635 = arith.constant 11 : i32
        %get3A_636 = arith.index_cast %get3A_635 : i32 to index
        %get3A_637 = arith.index_cast %mul3A_367 : i32 to index
        %get3A_638 = tpu.vector_load %arg6[%get3A_636, %get3A_637] {strides = array<i32>} : memref<16x768xf32, #tpu.memory_space<vmem>>, vector<1x16xf32>,
        %get3A_639 = vector.shape_cast %get3A_638 : vector<1x16xf32> to vector<16xf32>
        %get3A_640 = arith.constant 11 : i32
        %get3A_641 = arith.index_cast %get3A_640 : i32 to index
        %get3A_642 = arith.index_cast %mul3A_367 : i32 to index
        %get3A_643 = tpu.vector_load %arg8[%get3A_641, %get3A_642] {strides = array<i32>} : memref<16x768xf32, #tpu.memory_space<vmem>>, vector<1x16xf32>,
        %get3A_644 = vector.shape_cast %get3A_643 : vector<1x16xf32> to vector<16xf32>
        %select_n3A_645 = arith.select %lt3A_371, %get3A_644, %get3A_639 : vector<16xi1>, vector<16xf32>
        %swap3A_646 = arith.constant 11 : i32
        %swap3A_647 = arith.index_cast %swap3A_646 : i32 to index
        %swap3A_648 = arith.index_cast %mul3A_367 : i32 to index
        %swap3A_649 = tpu.vector_load %arg10[%swap3A_647, %swap3A_648] {strides = array<i32>} : memref<16x768xf32, #tpu.memory_space<vmem>>, vector<1x16xf32>,
        %swap3A_650 = vector.shape_cast %swap3A_649 : vector<1x16xf32> to vector<16xf32>
        %swap3A_651 = vector.shape_cast %select_n3A_645 : vector<16xf32> to vector<1x16xf32>
        tpu.vector_store %arg10[%swap3A_647, %swap3A_648], %swap3A_651 {strides = array<i32>} : memref<16x768xf32, #tpu.memory_space<vmem>>, vector<1x16xf32>,
        %select_n3A_652 = arith.select %lt3A_371, %get3A_639, %get3A_644 : vector<16xi1>, vector<16xf32>
        %swap3A_653 = arith.constant 11 : i32
        %swap3A_654 = arith.index_cast %swap3A_653 : i32 to index
        %swap3A_655 = arith.index_cast %mul3A_367 : i32 to index
        %swap3A_656 = tpu.vector_load %arg12[%swap3A_654, %swap3A_655] {strides = array<i32>} : memref<16x768xf32, #tpu.memory_space<vmem>>, vector<1x16xf32>,
        %swap3A_657 = vector.shape_cast %swap3A_656 : vector<1x16xf32> to vector<16xf32>
        %swap3A_658 = vector.shape_cast %select_n3A_652 : vector<16xf32> to vector<1x16xf32>
        tpu.vector_store %arg12[%swap3A_654, %swap3A_655], %swap3A_658 {strides = array<i32>} : memref<16x768xf32, #tpu.memory_space<vmem>>, vector<1x16xf32>,
        %get3A_659 = arith.constant 12 : i32
        %get3A_660 = arith.index_cast %get3A_659 : i32 to index
        %get3A_661 = arith.index_cast %mul3A_367 : i32 to index
        %get3A_662 = tpu.vector_load %arg6[%get3A_660, %get3A_661] {strides = array<i32>} : memref<16x768xf32, #tpu.memory_space<vmem>>, vector<1x16xf32>,
        %get3A_663 = vector.shape_cast %get3A_662 : vector<1x16xf32> to vector<16xf32>
        %get3A_664 = arith.constant 12 : i32
        %get3A_665 = arith.index_cast %get3A_664 : i32 to index
        %get3A_666 = arith.index_cast %mul3A_367 : i32 to index
        %get3A_667 = tpu.vector_load %arg8[%get3A_665, %get3A_666] {strides = array<i32>} : memref<16x768xf32, #tpu.memory_space<vmem>>, vector<1x16xf32>,
        %get3A_668 = vector.shape_cast %get3A_667 : vector<1x16xf32> to vector<16xf32>
        %select_n3A_669 = arith.select %lt3A_371, %get3A_668, %get3A_663 : vector<16xi1>, vector<16xf32>
        %swap3A_670 = arith.constant 12 : i32
        %swap3A_671 = arith.index_cast %swap3A_670 : i32 to index
        %swap3A_672 = arith.index_cast %mul3A_367 : i32 to index
        %swap3A_673 = tpu.vector_load %arg10[%swap3A_671, %swap3A_672] {strides = array<i32>} : memref<16x768xf32, #tpu.memory_space<vmem>>, vector<1x16xf32>,
        %swap3A_674 = vector.shape_cast %swap3A_673 : vector<1x16xf32> to vector<16xf32>
        %swap3A_675 = vector.shape_cast %select_n3A_669 : vector<16xf32> to vector<1x16xf32>
        tpu.vector_store %arg10[%swap3A_671, %swap3A_672], %swap3A_675 {strides = array<i32>} : memref<16x768xf32, #tpu.memory_space<vmem>>, vector<1x16xf32>,
        %select_n3A_676 = arith.select %lt3A_371, %get3A_663, %get3A_668 : vector<16xi1>, vector<16xf32>
        %swap3A_677 = arith.constant 12 : i32
        %swap3A_678 = arith.index_cast %swap3A_677 : i32 to index
        %swap3A_679 = arith.index_cast %mul3A_367 : i32 to index
        %swap3A_680 = tpu.vector_load %arg12[%swap3A_678, %swap3A_679] {strides = array<i32>} : memref<16x768xf32, #tpu.memory_space<vmem>>, vector<1x16xf32>,
        %swap3A_681 = vector.shape_cast %swap3A_680 : vector<1x16xf32> to vector<16xf32>
        %swap3A_682 = vector.shape_cast %select_n3A_676 : vector<16xf32> to vector<1x16xf32>
        tpu.vector_store %arg12[%swap3A_678, %swap3A_679], %swap3A_682 {strides = array<i32>} : memref<16x768xf32, #tpu.memory_space<vmem>>, vector<1x16xf32>,
        %get3A_683 = arith.constant 13 : i32
        %get3A_684 = arith.index_cast %get3A_683 : i32 to index
        %get3A_685 = arith.index_cast %mul3A_367 : i32 to index
        %get3A_686 = tpu.vector_load %arg6[%get3A_684, %get3A_685] {strides = array<i32>} : memref<16x768xf32, #tpu.memory_space<vmem>>, vector<1x16xf32>,
        %get3A_687 = vector.shape_cast %get3A_686 : vector<1x16xf32> to vector<16xf32>
        %get3A_688 = arith.constant 13 : i32
        %get3A_689 = arith.index_cast %get3A_688 : i32 to index
        %get3A_690 = arith.index_cast %mul3A_367 : i32 to index
        %get3A_691 = tpu.vector_load %arg8[%get3A_689, %get3A_690] {strides = array<i32>} : memref<16x768xf32, #tpu.memory_space<vmem>>, vector<1x16xf32>,
        %get3A_692 = vector.shape_cast %get3A_691 : vector<1x16xf32> to vector<16xf32>
        %select_n3A_693 = arith.select %lt3A_371, %get3A_692, %get3A_687 : vector<16xi1>, vector<16xf32>
        %swap3A_694 = arith.constant 13 : i32
        %swap3A_695 = arith.index_cast %swap3A_694 : i32 to index
        %swap3A_696 = arith.index_cast %mul3A_367 : i32 to index
        %swap3A_697 = tpu.vector_load %arg10[%swap3A_695, %swap3A_696] {strides = array<i32>} : memref<16x768xf32, #tpu.memory_space<vmem>>, vector<1x16xf32>,
        %swap3A_698 = vector.shape_cast %swap3A_697 : vector<1x16xf32> to vector<16xf32>
        %swap3A_699 = vector.shape_cast %select_n3A_693 : vector<16xf32> to vector<1x16xf32>
        tpu.vector_store %arg10[%swap3A_695, %swap3A_696], %swap3A_699 {strides = array<i32>} : memref<16x768xf32, #tpu.memory_space<vmem>>, vector<1x16xf32>,
        %select_n3A_700 = arith.select %lt3A_371, %get3A_687, %get3A_692 : vector<16xi1>, vector<16xf32>
        %swap3A_701 = arith.constant 13 : i32
        %swap3A_702 = arith.index_cast %swap3A_701 : i32 to index
        %swap3A_703 = arith.index_cast %mul3A_367 : i32 to index
        %swap3A_704 = tpu.vector_load %arg12[%swap3A_702, %swap3A_703] {strides = array<i32>} : memref<16x768xf32, #tpu.memory_space<vmem>>, vector<1x16xf32>,
        %swap3A_705 = vector.shape_cast %swap3A_704 : vector<1x16xf32> to vector<16xf32>
        %swap3A_706 = vector.shape_cast %select_n3A_700 : vector<16xf32> to vector<1x16xf32>
        tpu.vector_store %arg12[%swap3A_702, %swap3A_703], %swap3A_706 {strides = array<i32>} : memref<16x768xf32, #tpu.memory_space<vmem>>, vector<1x16xf32>,
        %get3A_707 = arith.constant 14 : i32
        %get3A_708 = arith.index_cast %get3A_707 : i32 to index
        %get3A_709 = arith.index_cast %mul3A_367 : i32 to index
        %get3A_710 = tpu.vector_load %arg6[%get3A_708, %get3A_709] {strides = array<i32>} : memref<16x768xf32, #tpu.memory_space<vmem>>, vector<1x16xf32>,
        %get3A_711 = vector.shape_cast %get3A_710 : vector<1x16xf32> to vector<16xf32>
        %get3A_712 = arith.constant 14 : i32
        %get3A_713 = arith.index_cast %get3A_712 : i32 to index
        %get3A_714 = arith.index_cast %mul3A_367 : i32 to index
        %get3A_715 = tpu.vector_load %arg8[%get3A_713, %get3A_714] {strides = array<i32>} : memref<16x768xf32, #tpu.memory_space<vmem>>, vector<1x16xf32>,
        %get3A_716 = vector.shape_cast %get3A_715 : vector<1x16xf32> to vector<16xf32>
        %select_n3A_717 = arith.select %lt3A_371, %get3A_716, %get3A_711 : vector<16xi1>, vector<16xf32>
        %swap3A_718 = arith.constant 14 : i32
        %swap3A_719 = arith.index_cast %swap3A_718 : i32 to index
        %swap3A_720 = arith.index_cast %mul3A_367 : i32 to index
        %swap3A_721 = tpu.vector_load %arg10[%swap3A_719, %swap3A_720] {strides = array<i32>} : memref<16x768xf32, #tpu.memory_space<vmem>>, vector<1x16xf32>,
        %swap3A_722 = vector.shape_cast %swap3A_721 : vector<1x16xf32> to vector<16xf32>
        %swap3A_723 = vector.shape_cast %select_n3A_717 : vector<16xf32> to vector<1x16xf32>
        tpu.vector_store %arg10[%swap3A_719, %swap3A_720], %swap3A_723 {strides = array<i32>} : memref<16x768xf32, #tpu.memory_space<vmem>>, vector<1x16xf32>,
        %select_n3A_724 = arith.select %lt3A_371, %get3A_711, %get3A_716 : vector<16xi1>, vector<16xf32>
        %swap3A_725 = arith.constant 14 : i32
        %swap3A_726 = arith.index_cast %swap3A_725 : i32 to index
        %swap3A_727 = arith.index_cast %mul3A_367 : i32 to index
        %swap3A_728 = tpu.vector_load %arg12[%swap3A_726, %swap3A_727] {strides = array<i32>} : memref<16x768xf32, #tpu.memory_space<vmem>>, vector<1x16xf32>,
        %swap3A_729 = vector.shape_cast %swap3A_728 : vector<1x16xf32> to vector<16xf32>
        %swap3A_730 = vector.shape_cast %select_n3A_724 : vector<16xf32> to vector<1x16xf32>
        tpu.vector_store %arg12[%swap3A_726, %swap3A_727], %swap3A_730 {strides = array<i32>} : memref<16x768xf32, #tpu.memory_space<vmem>>, vector<1x16xf32>,
        %get3A_731 = arith.constant 15 : i32
        %get3A_732 = arith.index_cast %get3A_731 : i32 to index
        %get3A_733 = arith.index_cast %mul3A_367 : i32 to index
        %get3A_734 = tpu.vector_load %arg6[%get3A_732, %get3A_733] {strides = array<i32>} : memref<16x768xf32, #tpu.memory_space<vmem>>, vector<1x16xf32>,
        %get3A_735 = vector.shape_cast %get3A_734 : vector<1x16xf32> to vector<16xf32>
        %get3A_736 = arith.constant 15 : i32
        %get3A_737 = arith.index_cast %get3A_736 : i32 to index
        %get3A_738 = arith.index_cast %mul3A_367 : i32 to index
        %get3A_739 = tpu.vector_load %arg8[%get3A_737, %get3A_738] {strides = array<i32>} : memref<16x768xf32, #tpu.memory_space<vmem>>, vector<1x16xf32>,
        %get3A_740 = vector.shape_cast %get3A_739 : vector<1x16xf32> to vector<16xf32>
        %select_n3A_741 = arith.select %lt3A_371, %get3A_740, %get3A_735 : vector<16xi1>, vector<16xf32>
        %swap3A_742 = arith.constant 15 : i32
        %swap3A_743 = arith.index_cast %swap3A_742 : i32 to index
        %swap3A_744 = arith.index_cast %mul3A_367 : i32 to index
        %swap3A_745 = tpu.vector_load %arg10[%swap3A_743, %swap3A_744] {strides = array<i32>} : memref<16x768xf32, #tpu.memory_space<vmem>>, vector<1x16xf32>,
        %swap3A_746 = vector.shape_cast %swap3A_745 : vector<1x16xf32> to vector<16xf32>
        %swap3A_747 = vector.shape_cast %select_n3A_741 : vector<16xf32> to vector<1x16xf32>
        tpu.vector_store %arg10[%swap3A_743, %swap3A_744], %swap3A_747 {strides = array<i32>} : memref<16x768xf32, #tpu.memory_space<vmem>>, vector<1x16xf32>,
        %select_n3A_748 = arith.select %lt3A_371, %get3A_735, %get3A_740 : vector<16xi1>, vector<16xf32>
        %swap3A_749 = arith.constant 15 : i32
        %swap3A_750 = arith.index_cast %swap3A_749 : i32 to index
        %swap3A_751 = arith.index_cast %mul3A_367 : i32 to index
        %swap3A_752 = tpu.vector_load %arg12[%swap3A_750, %swap3A_751] {strides = array<i32>} : memref<16x768xf32, #tpu.memory_space<vmem>>, vector<1x16xf32>,
        %swap3A_753 = vector.shape_cast %swap3A_752 : vector<1x16xf32> to vector<16xf32>
        %swap3A_754 = vector.shape_cast %select_n3A_748 : vector<16xf32> to vector<1x16xf32>
        tpu.vector_store %arg12[%swap3A_750, %swap3A_751], %swap3A_754 {strides = array<i32>} : memref<16x768xf32, #tpu.memory_space<vmem>>, vector<1x16xf32>,
      }
      %scan3A_276 = arith.constant 48 : i32
      %mul3A_277 = arith.constant 16 : i32
      %mul3A_278 = arith.muli %add3A_246, %mul3A_277 : i32
      %add3A_279 = arith.addi %mul3A_2, %mul3A_278 : i32
      %dma_start3A_280 = arith.constant 0 : i32
      %dma_start3A_281 = tpu.memref_slice %arg4[%add3A_279, %dma_start3A_280] : memref<18432x768xf32, #tpu.memory_space<hbm>> -> memref<16x768xf32, #tpu.memory_space<hbm>>
      %dma_start3A_282 = arith.constant 0 : i32
      %dma_start3A_283 = tpu.memref_slice %arg4[%add3A_279, %dma_start3A_282] : memref<18432x768xf32, #tpu.memory_space<hbm>> -> memref<16x768xf32, #tpu.memory_space<hbm>>
      tpu.enqueue_dma source(%arg10 : memref<16x768xf32, #tpu.memory_space<vmem>>) target(%dma_start3A_283 : memref<16x768xf32, #tpu.memory_space<hbm>>) target_semaphore(%arg18 : memref<!tpu.dma_semaphore, #tpu.memory_space<semaphore_mem>>)
      %add3A_284 = arith.constant 9216 : i32
      %add3A_285 = arith.addi %add3A_279, %add3A_284 : i32
      %dma_start3A_286 = arith.constant 0 : i32
      %dma_start3A_287 = tpu.memref_slice %arg4[%add3A_285, %dma_start3A_286] : memref<18432x768xf32, #tpu.memory_space<hbm>> -> memref<16x768xf32, #tpu.memory_space<hbm>>
      %dma_start3A_288 = arith.constant 0 : i32
      %dma_start3A_289 = tpu.memref_slice %arg4[%add3A_285, %dma_start3A_288] : memref<18432x768xf32, #tpu.memory_space<hbm>> -> memref<16x768xf32, #tpu.memory_space<hbm>>
      tpu.enqueue_dma source(%arg12 : memref<16x768xf32, #tpu.memory_space<vmem>>) target(%dma_start3A_289 : memref<16x768xf32, #tpu.memory_space<hbm>>) target_semaphore(%arg20 : memref<!tpu.dma_semaphore, #tpu.memory_space<semaphore_mem>>)
      %add3A_290 = arith.constant 2 : i32
      %add3A_291 = arith.addi %add3A_246, %add3A_290 : i32
      %mul3A_292 = arith.constant 16 : i32
      %mul3A_293 = arith.muli %add3A_291, %mul3A_292 : i32
      %add3A_294 = arith.addi %mul3A_2, %mul3A_293 : i32
      %dma_start3A_295 = arith.constant 0 : i32
      %dma_start3A_296 = tpu.memref_slice %arg3[%add3A_294, %dma_start3A_295] : memref<18432x768xf32, #tpu.memory_space<hbm>> -> memref<16x768xf32, #tpu.memory_space<hbm>>
      %dma_start3A_297 = arith.constant 0 : i32
      %dma_start3A_298 = tpu.memref_slice %arg3[%add3A_294, %dma_start3A_297] : memref<18432x768xf32, #tpu.memory_space<hbm>> -> memref<16x768xf32, #tpu.memory_space<hbm>>
      tpu.enqueue_dma source(%dma_start3A_298 : memref<16x768xf32, #tpu.memory_space<hbm>>) target(%arg6 : memref<16x768xf32, #tpu.memory_space<vmem>>) target_semaphore(%arg14 : memref<!tpu.dma_semaphore, #tpu.memory_space<semaphore_mem>>)
      %add3A_299 = arith.constant 9216 : i32
      %add3A_300 = arith.addi %add3A_294, %add3A_299 : i32
      %dma_start3A_301 = arith.constant 0 : i32
      %dma_start3A_302 = tpu.memref_slice %arg3[%add3A_300, %dma_start3A_301] : memref<18432x768xf32, #tpu.memory_space<hbm>> -> memref<16x768xf32, #tpu.memory_space<hbm>>
      %dma_start3A_303 = arith.constant 0 : i32
      %dma_start3A_304 = tpu.memref_slice %arg3[%add3A_300, %dma_start3A_303] : memref<18432x768xf32, #tpu.memory_space<hbm>> -> memref<16x768xf32, #tpu.memory_space<hbm>>
      tpu.enqueue_dma source(%dma_start3A_304 : memref<16x768xf32, #tpu.memory_space<hbm>>) target(%arg8 : memref<16x768xf32, #tpu.memory_space<vmem>>) target_semaphore(%arg16 : memref<!tpu.dma_semaphore, #tpu.memory_space<semaphore_mem>>)
      %add3A_305 = arith.constant 1 : i32
      %add3A_306 = arith.addi %add3A_244, %add3A_305 : i32
      %dma_wait3A_307 = arith.constant 0 : i32
      %dma_wait3A_308 = arith.constant 0 : i32
      %dma_wait3A_309 = tpu.memref_slice %arg3[%dma_wait3A_307, %dma_wait3A_308] : memref<18432x768xf32, #tpu.memory_space<hbm>> -> memref<16x768xf32, #tpu.memory_space<hbm>>
      %dma_wait3A_310 = arith.constant 0 : i32
      %dma_wait3A_311 = arith.constant 0 : i32
      %dma_wait3A_312 = tpu.memref_slice %arg3[%dma_wait3A_310, %dma_wait3A_311] : memref<18432x768xf32, #tpu.memory_space<hbm>> -> memref<16x768xf32, #tpu.memory_space<hbm>>
      tpu.wait_dma2 semaphore(%arg15 : memref<!tpu.dma_semaphore, #tpu.memory_space<semaphore_mem>>) src(%dma_wait3A_312 : memref<16x768xf32, #tpu.memory_space<hbm>>) dst(%arg7 : memref<16x768xf32, #tpu.memory_space<vmem>>)
      %dma_wait3A_313 = arith.constant 0 : i32
      %dma_wait3A_314 = arith.constant 0 : i32
      %dma_wait3A_315 = tpu.memref_slice %arg3[%dma_wait3A_313, %dma_wait3A_314] : memref<18432x768xf32, #tpu.memory_space<hbm>> -> memref<16x768xf32, #tpu.memory_space<hbm>>
      %dma_wait3A_316 = arith.constant 0 : i32
      %dma_wait3A_317 = arith.constant 0 : i32
      %dma_wait3A_318 = tpu.memref_slice %arg3[%dma_wait3A_316, %dma_wait3A_317] : memref<18432x768xf32, #tpu.memory_space<hbm>> -> memref<16x768xf32, #tpu.memory_space<hbm>>
      tpu.wait_dma2 semaphore(%arg17 : memref<!tpu.dma_semaphore, #tpu.memory_space<semaphore_mem>>) src(%dma_wait3A_318 : memref<16x768xf32, #tpu.memory_space<hbm>>) dst(%arg9 : memref<16x768xf32, #tpu.memory_space<vmem>>)
      %dma_wait3A_319 = arith.constant 0 : i32
      %dma_wait3A_320 = arith.constant 0 : i32
      %dma_wait3A_321 = tpu.memref_slice %arg4[%dma_wait3A_319, %dma_wait3A_320] : memref<18432x768xf32, #tpu.memory_space<hbm>> -> memref<16x768xf32, #tpu.memory_space<hbm>>
      %dma_wait3A_322 = arith.constant 0 : i32
      %dma_wait3A_323 = arith.constant 0 : i32
      %dma_wait3A_324 = tpu.memref_slice %arg4[%dma_wait3A_322, %dma_wait3A_323] : memref<18432x768xf32, #tpu.memory_space<hbm>> -> memref<16x768xf32, #tpu.memory_space<hbm>>
      tpu.wait_dma2 semaphore(%arg19 : memref<!tpu.dma_semaphore, #tpu.memory_space<semaphore_mem>>) src(%arg11 : memref<16x768xf32, #tpu.memory_space<vmem>>) dst(%dma_wait3A_324 : memref<16x768xf32, #tpu.memory_space<hbm>>)
      %dma_wait3A_325 = arith.constant 0 : i32
      %dma_wait3A_326 = arith.constant 0 : i32
      %dma_wait3A_327 = tpu.memref_slice %arg4[%dma_wait3A_325, %dma_wait3A_326] : memref<18432x768xf32, #tpu.memory_space<hbm>> -> memref<16x768xf32, #tpu.memory_space<hbm>>
      %dma_wait3A_328 = arith.constant 0 : i32
      %dma_wait3A_329 = arith.constant 0 : i32
      %dma_wait3A_330 = tpu.memref_slice %arg4[%dma_wait3A_328, %dma_wait3A_329] : memref<18432x768xf32, #tpu.memory_space<hbm>> -> memref<16x768xf32, #tpu.memory_space<hbm>>
      tpu.wait_dma2 semaphore(%arg21 : memref<!tpu.dma_semaphore, #tpu.memory_space<semaphore_mem>>) src(%arg13 : memref<16x768xf32, #tpu.memory_space<vmem>>) dst(%dma_wait3A_330 : memref<16x768xf32, #tpu.memory_space<hbm>>)
      %scan3A_331 = arith.constant 0 : i32
      %scan3A_332 = arith.constant 0 : i32
      %scan3A_333 = arith.constant 48 : i32
      %scan3A_334 = arith.addi %scan3A_332, %scan3A_333 : i32
      %scan3A_335 = arith.constant 1 : i32
      scf.for %scan3A_365 = %scan3A_332 to %scan3A_334 step %scan3A_335  : i32 {
        %mul3A_366 = arith.constant 16 : i32
        %mul3A_367 = arith.muli %scan3A_365, %mul3A_366 : i32
        %get3A = arith.index_cast %mul3A_367 : i32 to index
        %get3A_368 = tpu.vector_load %arg5[%get3A] {strides = array<i32>} : memref<768xf32, #tpu.memory_space<vmem>>, vector<16xf32>,
        %get3A_369 = vector.shape_cast %get3A_368 : vector<16xf32> to vector<16xf32>
        %lt3A = arith.constant 3.000000e-01 : f32
        %lt3A_370 = vector.broadcast %lt3A : f32 to vector<16xf32>
        %lt3A_371 = arith.cmpf olt, %get3A_369, %lt3A_370 : vector<16xf32>
        %get3A_372 = arith.constant 0 : i32
        %get3A_373 = arith.index_cast %get3A_372 : i32 to index
        %get3A_374 = arith.index_cast %mul3A_367 : i32 to index
        %get3A_375 = tpu.vector_load %arg7[%get3A_373, %get3A_374] {strides = array<i32>} : memref<16x768xf32, #tpu.memory_space<vmem>>, vector<1x16xf32>,
        %get3A_376 = vector.shape_cast %get3A_375 : vector<1x16xf32> to vector<16xf32>
        %get3A_377 = arith.constant 0 : i32
        %get3A_378 = arith.index_cast %get3A_377 : i32 to index
        %get3A_379 = arith.index_cast %mul3A_367 : i32 to index
        %get3A_380 = tpu.vector_load %arg9[%get3A_378, %get3A_379] {strides = array<i32>} : memref<16x768xf32, #tpu.memory_space<vmem>>, vector<1x16xf32>,
        %get3A_381 = vector.shape_cast %get3A_380 : vector<1x16xf32> to vector<16xf32>
        %select_n3A_382 = arith.select %lt3A_371, %get3A_381, %get3A_376 : vector<16xi1>, vector<16xf32>
        %swap3A = arith.constant 0 : i32
        %swap3A_383 = arith.index_cast %swap3A : i32 to index
        %swap3A_384 = arith.index_cast %mul3A_367 : i32 to index
        %swap3A_385 = tpu.vector_load %arg11[%swap3A_383, %swap3A_384] {strides = array<i32>} : memref<16x768xf32, #tpu.memory_space<vmem>>, vector<1x16xf32>,
        %swap3A_386 = vector.shape_cast %swap3A_385 : vector<1x16xf32> to vector<16xf32>
        %swap3A_387 = vector.shape_cast %select_n3A_382 : vector<16xf32> to vector<1x16xf32>
        tpu.vector_store %arg11[%swap3A_383, %swap3A_384], %swap3A_387 {strides = array<i32>} : memref<16x768xf32, #tpu.memory_space<vmem>>, vector<1x16xf32>,
        %select_n3A_388 = arith.select %lt3A_371, %get3A_376, %get3A_381 : vector<16xi1>, vector<16xf32>
        %swap3A_389 = arith.constant 0 : i32
        %swap3A_390 = arith.index_cast %swap3A_389 : i32 to index
        %swap3A_391 = arith.index_cast %mul3A_367 : i32 to index
        %swap3A_392 = tpu.vector_load %arg13[%swap3A_390, %swap3A_391] {strides = array<i32>} : memref<16x768xf32, #tpu.memory_space<vmem>>, vector<1x16xf32>,
        %swap3A_393 = vector.shape_cast %swap3A_392 : vector<1x16xf32> to vector<16xf32>
        %swap3A_394 = vector.shape_cast %select_n3A_388 : vector<16xf32> to vector<1x16xf32>
        tpu.vector_store %arg13[%swap3A_390, %swap3A_391], %swap3A_394 {strides = array<i32>} : memref<16x768xf32, #tpu.memory_space<vmem>>, vector<1x16xf32>,
        %get3A_395 = arith.constant 1 : i32
        %get3A_396 = arith.index_cast %get3A_395 : i32 to index
        %get3A_397 = arith.index_cast %mul3A_367 : i32 to index
        %get3A_398 = tpu.vector_load %arg7[%get3A_396, %get3A_397] {strides = array<i32>} : memref<16x768xf32, #tpu.memory_space<vmem>>, vector<1x16xf32>,
        %get3A_399 = vector.shape_cast %get3A_398 : vector<1x16xf32> to vector<16xf32>
        %get3A_400 = arith.constant 1 : i32
        %get3A_401 = arith.index_cast %get3A_400 : i32 to index
        %get3A_402 = arith.index_cast %mul3A_367 : i32 to index
        %get3A_403 = tpu.vector_load %arg9[%get3A_401, %get3A_402] {strides = array<i32>} : memref<16x768xf32, #tpu.memory_space<vmem>>, vector<1x16xf32>,
        %get3A_404 = vector.shape_cast %get3A_403 : vector<1x16xf32> to vector<16xf32>
        %select_n3A_405 = arith.select %lt3A_371, %get3A_404, %get3A_399 : vector<16xi1>, vector<16xf32>
        %swap3A_406 = arith.constant 1 : i32
        %swap3A_407 = arith.index_cast %swap3A_406 : i32 to index
        %swap3A_408 = arith.index_cast %mul3A_367 : i32 to index
        %swap3A_409 = tpu.vector_load %arg11[%swap3A_407, %swap3A_408] {strides = array<i32>} : memref<16x768xf32, #tpu.memory_space<vmem>>, vector<1x16xf32>,
        %swap3A_410 = vector.shape_cast %swap3A_409 : vector<1x16xf32> to vector<16xf32>
        %swap3A_411 = vector.shape_cast %select_n3A_405 : vector<16xf32> to vector<1x16xf32>
        tpu.vector_store %arg11[%swap3A_407, %swap3A_408], %swap3A_411 {strides = array<i32>} : memref<16x768xf32, #tpu.memory_space<vmem>>, vector<1x16xf32>,
        %select_n3A_412 = arith.select %lt3A_371, %get3A_399, %get3A_404 : vector<16xi1>, vector<16xf32>
        %swap3A_413 = arith.constant 1 : i32
        %swap3A_414 = arith.index_cast %swap3A_413 : i32 to index
        %swap3A_415 = arith.index_cast %mul3A_367 : i32 to index
        %swap3A_416 = tpu.vector_load %arg13[%swap3A_414, %swap3A_415] {strides = array<i32>} : memref<16x768xf32, #tpu.memory_space<vmem>>, vector<1x16xf32>,
        %swap3A_417 = vector.shape_cast %swap3A_416 : vector<1x16xf32> to vector<16xf32>
        %swap3A_418 = vector.shape_cast %select_n3A_412 : vector<16xf32> to vector<1x16xf32>
        tpu.vector_store %arg13[%swap3A_414, %swap3A_415], %swap3A_418 {strides = array<i32>} : memref<16x768xf32, #tpu.memory_space<vmem>>, vector<1x16xf32>,
        %get3A_419 = arith.constant 2 : i32
        %get3A_420 = arith.index_cast %get3A_419 : i32 to index
        %get3A_421 = arith.index_cast %mul3A_367 : i32 to index
        %get3A_422 = tpu.vector_load %arg7[%get3A_420, %get3A_421] {strides = array<i32>} : memref<16x768xf32, #tpu.memory_space<vmem>>, vector<1x16xf32>,
        %get3A_423 = vector.shape_cast %get3A_422 : vector<1x16xf32> to vector<16xf32>
        %get3A_424 = arith.constant 2 : i32
        %get3A_425 = arith.index_cast %get3A_424 : i32 to index
        %get3A_426 = arith.index_cast %mul3A_367 : i32 to index
        %get3A_427 = tpu.vector_load %arg9[%get3A_425, %get3A_426] {strides = array<i32>} : memref<16x768xf32, #tpu.memory_space<vmem>>, vector<1x16xf32>,
        %get3A_428 = vector.shape_cast %get3A_427 : vector<1x16xf32> to vector<16xf32>
        %select_n3A_429 = arith.select %lt3A_371, %get3A_428, %get3A_423 : vector<16xi1>, vector<16xf32>
        %swap3A_430 = arith.constant 2 : i32
        %swap3A_431 = arith.index_cast %swap3A_430 : i32 to index
        %swap3A_432 = arith.index_cast %mul3A_367 : i32 to index
        %swap3A_433 = tpu.vector_load %arg11[%swap3A_431, %swap3A_432] {strides = array<i32>} : memref<16x768xf32, #tpu.memory_space<vmem>>, vector<1x16xf32>,
        %swap3A_434 = vector.shape_cast %swap3A_433 : vector<1x16xf32> to vector<16xf32>
        %swap3A_435 = vector.shape_cast %select_n3A_429 : vector<16xf32> to vector<1x16xf32>
        tpu.vector_store %arg11[%swap3A_431, %swap3A_432], %swap3A_435 {strides = array<i32>} : memref<16x768xf32, #tpu.memory_space<vmem>>, vector<1x16xf32>,
        %select_n3A_436 = arith.select %lt3A_371, %get3A_423, %get3A_428 : vector<16xi1>, vector<16xf32>
        %swap3A_437 = arith.constant 2 : i32
        %swap3A_438 = arith.index_cast %swap3A_437 : i32 to index
        %swap3A_439 = arith.index_cast %mul3A_367 : i32 to index
        %swap3A_440 = tpu.vector_load %arg13[%swap3A_438, %swap3A_439] {strides = array<i32>} : memref<16x768xf32, #tpu.memory_space<vmem>>, vector<1x16xf32>,
        %swap3A_441 = vector.shape_cast %swap3A_440 : vector<1x16xf32> to vector<16xf32>
        %swap3A_442 = vector.shape_cast %select_n3A_436 : vector<16xf32> to vector<1x16xf32>
        tpu.vector_store %arg13[%swap3A_438, %swap3A_439], %swap3A_442 {strides = array<i32>} : memref<16x768xf32, #tpu.memory_space<vmem>>, vector<1x16xf32>,
        %get3A_443 = arith.constant 3 : i32
        %get3A_444 = arith.index_cast %get3A_443 : i32 to index
        %get3A_445 = arith.index_cast %mul3A_367 : i32 to index
        %get3A_446 = tpu.vector_load %arg7[%get3A_444, %get3A_445] {strides = array<i32>} : memref<16x768xf32, #tpu.memory_space<vmem>>, vector<1x16xf32>,
        %get3A_447 = vector.shape_cast %get3A_446 : vector<1x16xf32> to vector<16xf32>
        %get3A_448 = arith.constant 3 : i32
        %get3A_449 = arith.index_cast %get3A_448 : i32 to index
        %get3A_450 = arith.index_cast %mul3A_367 : i32 to index
        %get3A_451 = tpu.vector_load %arg9[%get3A_449, %get3A_450] {strides = array<i32>} : memref<16x768xf32, #tpu.memory_space<vmem>>, vector<1x16xf32>,
        %get3A_452 = vector.shape_cast %get3A_451 : vector<1x16xf32> to vector<16xf32>
        %select_n3A_453 = arith.select %lt3A_371, %get3A_452, %get3A_447 : vector<16xi1>, vector<16xf32>
        %swap3A_454 = arith.constant 3 : i32
        %swap3A_455 = arith.index_cast %swap3A_454 : i32 to index
        %swap3A_456 = arith.index_cast %mul3A_367 : i32 to index
        %swap3A_457 = tpu.vector_load %arg11[%swap3A_455, %swap3A_456] {strides = array<i32>} : memref<16x768xf32, #tpu.memory_space<vmem>>, vector<1x16xf32>,
        %swap3A_458 = vector.shape_cast %swap3A_457 : vector<1x16xf32> to vector<16xf32>
        %swap3A_459 = vector.shape_cast %select_n3A_453 : vector<16xf32> to vector<1x16xf32>
        tpu.vector_store %arg11[%swap3A_455, %swap3A_456], %swap3A_459 {strides = array<i32>} : memref<16x768xf32, #tpu.memory_space<vmem>>, vector<1x16xf32>,
        %select_n3A_460 = arith.select %lt3A_371, %get3A_447, %get3A_452 : vector<16xi1>, vector<16xf32>
        %swap3A_461 = arith.constant 3 : i32
        %swap3A_462 = arith.index_cast %swap3A_461 : i32 to index
        %swap3A_463 = arith.index_cast %mul3A_367 : i32 to index
        %swap3A_464 = tpu.vector_load %arg13[%swap3A_462, %swap3A_463] {strides = array<i32>} : memref<16x768xf32, #tpu.memory_space<vmem>>, vector<1x16xf32>,
        %swap3A_465 = vector.shape_cast %swap3A_464 : vector<1x16xf32> to vector<16xf32>
        %swap3A_466 = vector.shape_cast %select_n3A_460 : vector<16xf32> to vector<1x16xf32>
        tpu.vector_store %arg13[%swap3A_462, %swap3A_463], %swap3A_466 {strides = array<i32>} : memref<16x768xf32, #tpu.memory_space<vmem>>, vector<1x16xf32>,
        %get3A_467 = arith.constant 4 : i32
        %get3A_468 = arith.index_cast %get3A_467 : i32 to index
        %get3A_469 = arith.index_cast %mul3A_367 : i32 to index
        %get3A_470 = tpu.vector_load %arg7[%get3A_468, %get3A_469] {strides = array<i32>} : memref<16x768xf32, #tpu.memory_space<vmem>>, vector<1x16xf32>,
        %get3A_471 = vector.shape_cast %get3A_470 : vector<1x16xf32> to vector<16xf32>
        %get3A_472 = arith.constant 4 : i32
        %get3A_473 = arith.index_cast %get3A_472 : i32 to index
        %get3A_474 = arith.index_cast %mul3A_367 : i32 to index
        %get3A_475 = tpu.vector_load %arg9[%get3A_473, %get3A_474] {strides = array<i32>} : memref<16x768xf32, #tpu.memory_space<vmem>>, vector<1x16xf32>,
        %get3A_476 = vector.shape_cast %get3A_475 : vector<1x16xf32> to vector<16xf32>
        %select_n3A_477 = arith.select %lt3A_371, %get3A_476, %get3A_471 : vector<16xi1>, vector<16xf32>
        %swap3A_478 = arith.constant 4 : i32
        %swap3A_479 = arith.index_cast %swap3A_478 : i32 to index
        %swap3A_480 = arith.index_cast %mul3A_367 : i32 to index
        %swap3A_481 = tpu.vector_load %arg11[%swap3A_479, %swap3A_480] {strides = array<i32>} : memref<16x768xf32, #tpu.memory_space<vmem>>, vector<1x16xf32>,
        %swap3A_482 = vector.shape_cast %swap3A_481 : vector<1x16xf32> to vector<16xf32>
        %swap3A_483 = vector.shape_cast %select_n3A_477 : vector<16xf32> to vector<1x16xf32>
        tpu.vector_store %arg11[%swap3A_479, %swap3A_480], %swap3A_483 {strides = array<i32>} : memref<16x768xf32, #tpu.memory_space<vmem>>, vector<1x16xf32>,
        %select_n3A_484 = arith.select %lt3A_371, %get3A_471, %get3A_476 : vector<16xi1>, vector<16xf32>
        %swap3A_485 = arith.constant 4 : i32
        %swap3A_486 = arith.index_cast %swap3A_485 : i32 to index
        %swap3A_487 = arith.index_cast %mul3A_367 : i32 to index
        %swap3A_488 = tpu.vector_load %arg13[%swap3A_486, %swap3A_487] {strides = array<i32>} : memref<16x768xf32, #tpu.memory_space<vmem>>, vector<1x16xf32>,
        %swap3A_489 = vector.shape_cast %swap3A_488 : vector<1x16xf32> to vector<16xf32>
        %swap3A_490 = vector.shape_cast %select_n3A_484 : vector<16xf32> to vector<1x16xf32>
        tpu.vector_store %arg13[%swap3A_486, %swap3A_487], %swap3A_490 {strides = array<i32>} : memref<16x768xf32, #tpu.memory_space<vmem>>, vector<1x16xf32>,
        %get3A_491 = arith.constant 5 : i32
        %get3A_492 = arith.index_cast %get3A_491 : i32 to index
        %get3A_493 = arith.index_cast %mul3A_367 : i32 to index
        %get3A_494 = tpu.vector_load %arg7[%get3A_492, %get3A_493] {strides = array<i32>} : memref<16x768xf32, #tpu.memory_space<vmem>>, vector<1x16xf32>,
        %get3A_495 = vector.shape_cast %get3A_494 : vector<1x16xf32> to vector<16xf32>
        %get3A_496 = arith.constant 5 : i32
        %get3A_497 = arith.index_cast %get3A_496 : i32 to index
        %get3A_498 = arith.index_cast %mul3A_367 : i32 to index
        %get3A_499 = tpu.vector_load %arg9[%get3A_497, %get3A_498] {strides = array<i32>} : memref<16x768xf32, #tpu.memory_space<vmem>>, vector<1x16xf32>,
        %get3A_500 = vector.shape_cast %get3A_499 : vector<1x16xf32> to vector<16xf32>
        %select_n3A_501 = arith.select %lt3A_371, %get3A_500, %get3A_495 : vector<16xi1>, vector<16xf32>
        %swap3A_502 = arith.constant 5 : i32
        %swap3A_503 = arith.index_cast %swap3A_502 : i32 to index
        %swap3A_504 = arith.index_cast %mul3A_367 : i32 to index
        %swap3A_505 = tpu.vector_load %arg11[%swap3A_503, %swap3A_504] {strides = array<i32>} : memref<16x768xf32, #tpu.memory_space<vmem>>, vector<1x16xf32>,
        %swap3A_506 = vector.shape_cast %swap3A_505 : vector<1x16xf32> to vector<16xf32>
        %swap3A_507 = vector.shape_cast %select_n3A_501 : vector<16xf32> to vector<1x16xf32>
        tpu.vector_store %arg11[%swap3A_503, %swap3A_504], %swap3A_507 {strides = array<i32>} : memref<16x768xf32, #tpu.memory_space<vmem>>, vector<1x16xf32>,
        %select_n3A_508 = arith.select %lt3A_371, %get3A_495, %get3A_500 : vector<16xi1>, vector<16xf32>
        %swap3A_509 = arith.constant 5 : i32
        %swap3A_510 = arith.index_cast %swap3A_509 : i32 to index
        %swap3A_511 = arith.index_cast %mul3A_367 : i32 to index
        %swap3A_512 = tpu.vector_load %arg13[%swap3A_510, %swap3A_511] {strides = array<i32>} : memref<16x768xf32, #tpu.memory_space<vmem>>, vector<1x16xf32>,
        %swap3A_513 = vector.shape_cast %swap3A_512 : vector<1x16xf32> to vector<16xf32>
        %swap3A_514 = vector.shape_cast %select_n3A_508 : vector<16xf32> to vector<1x16xf32>
        tpu.vector_store %arg13[%swap3A_510, %swap3A_511], %swap3A_514 {strides = array<i32>} : memref<16x768xf32, #tpu.memory_space<vmem>>, vector<1x16xf32>,
        %get3A_515 = arith.constant 6 : i32
        %get3A_516 = arith.index_cast %get3A_515 : i32 to index
        %get3A_517 = arith.index_cast %mul3A_367 : i32 to index
        %get3A_518 = tpu.vector_load %arg7[%get3A_516, %get3A_517] {strides = array<i32>} : memref<16x768xf32, #tpu.memory_space<vmem>>, vector<1x16xf32>,
        %get3A_519 = vector.shape_cast %get3A_518 : vector<1x16xf32> to vector<16xf32>
        %get3A_520 = arith.constant 6 : i32
        %get3A_521 = arith.index_cast %get3A_520 : i32 to index
        %get3A_522 = arith.index_cast %mul3A_367 : i32 to index
        %get3A_523 = tpu.vector_load %arg9[%get3A_521, %get3A_522] {strides = array<i32>} : memref<16x768xf32, #tpu.memory_space<vmem>>, vector<1x16xf32>,
        %get3A_524 = vector.shape_cast %get3A_523 : vector<1x16xf32> to vector<16xf32>
        %select_n3A_525 = arith.select %lt3A_371, %get3A_524, %get3A_519 : vector<16xi1>, vector<16xf32>
        %swap3A_526 = arith.constant 6 : i32
        %swap3A_527 = arith.index_cast %swap3A_526 : i32 to index
        %swap3A_528 = arith.index_cast %mul3A_367 : i32 to index
        %swap3A_529 = tpu.vector_load %arg11[%swap3A_527, %swap3A_528] {strides = array<i32>} : memref<16x768xf32, #tpu.memory_space<vmem>>, vector<1x16xf32>,
        %swap3A_530 = vector.shape_cast %swap3A_529 : vector<1x16xf32> to vector<16xf32>
        %swap3A_531 = vector.shape_cast %select_n3A_525 : vector<16xf32> to vector<1x16xf32>
        tpu.vector_store %arg11[%swap3A_527, %swap3A_528], %swap3A_531 {strides = array<i32>} : memref<16x768xf32, #tpu.memory_space<vmem>>, vector<1x16xf32>,
        %select_n3A_532 = arith.select %lt3A_371, %get3A_519, %get3A_524 : vector<16xi1>, vector<16xf32>
        %swap3A_533 = arith.constant 6 : i32
        %swap3A_534 = arith.index_cast %swap3A_533 : i32 to index
        %swap3A_535 = arith.index_cast %mul3A_367 : i32 to index
        %swap3A_536 = tpu.vector_load %arg13[%swap3A_534, %swap3A_535] {strides = array<i32>} : memref<16x768xf32, #tpu.memory_space<vmem>>, vector<1x16xf32>,
        %swap3A_537 = vector.shape_cast %swap3A_536 : vector<1x16xf32> to vector<16xf32>
        %swap3A_538 = vector.shape_cast %select_n3A_532 : vector<16xf32> to vector<1x16xf32>
        tpu.vector_store %arg13[%swap3A_534, %swap3A_535], %swap3A_538 {strides = array<i32>} : memref<16x768xf32, #tpu.memory_space<vmem>>, vector<1x16xf32>,
        %get3A_539 = arith.constant 7 : i32
        %get3A_540 = arith.index_cast %get3A_539 : i32 to index
        %get3A_541 = arith.index_cast %mul3A_367 : i32 to index
        %get3A_542 = tpu.vector_load %arg7[%get3A_540, %get3A_541] {strides = array<i32>} : memref<16x768xf32, #tpu.memory_space<vmem>>, vector<1x16xf32>,
        %get3A_543 = vector.shape_cast %get3A_542 : vector<1x16xf32> to vector<16xf32>
        %get3A_544 = arith.constant 7 : i32
        %get3A_545 = arith.index_cast %get3A_544 : i32 to index
        %get3A_546 = arith.index_cast %mul3A_367 : i32 to index
        %get3A_547 = tpu.vector_load %arg9[%get3A_545, %get3A_546] {strides = array<i32>} : memref<16x768xf32, #tpu.memory_space<vmem>>, vector<1x16xf32>,
        %get3A_548 = vector.shape_cast %get3A_547 : vector<1x16xf32> to vector<16xf32>
        %select_n3A_549 = arith.select %lt3A_371, %get3A_548, %get3A_543 : vector<16xi1>, vector<16xf32>
        %swap3A_550 = arith.constant 7 : i32
        %swap3A_551 = arith.index_cast %swap3A_550 : i32 to index
        %swap3A_552 = arith.index_cast %mul3A_367 : i32 to index
        %swap3A_553 = tpu.vector_load %arg11[%swap3A_551, %swap3A_552] {strides = array<i32>} : memref<16x768xf32, #tpu.memory_space<vmem>>, vector<1x16xf32>,
        %swap3A_554 = vector.shape_cast %swap3A_553 : vector<1x16xf32> to vector<16xf32>
        %swap3A_555 = vector.shape_cast %select_n3A_549 : vector<16xf32> to vector<1x16xf32>
        tpu.vector_store %arg11[%swap3A_551, %swap3A_552], %swap3A_555 {strides = array<i32>} : memref<16x768xf32, #tpu.memory_space<vmem>>, vector<1x16xf32>,
        %select_n3A_556 = arith.select %lt3A_371, %get3A_543, %get3A_548 : vector<16xi1>, vector<16xf32>
        %swap3A_557 = arith.constant 7 : i32
        %swap3A_558 = arith.index_cast %swap3A_557 : i32 to index
        %swap3A_559 = arith.index_cast %mul3A_367 : i32 to index
        %swap3A_560 = tpu.vector_load %arg13[%swap3A_558, %swap3A_559] {strides = array<i32>} : memref<16x768xf32, #tpu.memory_space<vmem>>, vector<1x16xf32>,
        %swap3A_561 = vector.shape_cast %swap3A_560 : vector<1x16xf32> to vector<16xf32>
        %swap3A_562 = vector.shape_cast %select_n3A_556 : vector<16xf32> to vector<1x16xf32>
        tpu.vector_store %arg13[%swap3A_558, %swap3A_559], %swap3A_562 {strides = array<i32>} : memref<16x768xf32, #tpu.memory_space<vmem>>, vector<1x16xf32>,
        %get3A_563 = arith.constant 8 : i32
        %get3A_564 = arith.index_cast %get3A_563 : i32 to index
        %get3A_565 = arith.index_cast %mul3A_367 : i32 to index
        %get3A_566 = tpu.vector_load %arg7[%get3A_564, %get3A_565] {strides = array<i32>} : memref<16x768xf32, #tpu.memory_space<vmem>>, vector<1x16xf32>,
        %get3A_567 = vector.shape_cast %get3A_566 : vector<1x16xf32> to vector<16xf32>
        %get3A_568 = arith.constant 8 : i32
        %get3A_569 = arith.index_cast %get3A_568 : i32 to index
        %get3A_570 = arith.index_cast %mul3A_367 : i32 to index
        %get3A_571 = tpu.vector_load %arg9[%get3A_569, %get3A_570] {strides = array<i32>} : memref<16x768xf32, #tpu.memory_space<vmem>>, vector<1x16xf32>,
        %get3A_572 = vector.shape_cast %get3A_571 : vector<1x16xf32> to vector<16xf32>
        %select_n3A_573 = arith.select %lt3A_371, %get3A_572, %get3A_567 : vector<16xi1>, vector<16xf32>
        %swap3A_574 = arith.constant 8 : i32
        %swap3A_575 = arith.index_cast %swap3A_574 : i32 to index
        %swap3A_576 = arith.index_cast %mul3A_367 : i32 to index
        %swap3A_577 = tpu.vector_load %arg11[%swap3A_575, %swap3A_576] {strides = array<i32>} : memref<16x768xf32, #tpu.memory_space<vmem>>, vector<1x16xf32>,
        %swap3A_578 = vector.shape_cast %swap3A_577 : vector<1x16xf32> to vector<16xf32>
        %swap3A_579 = vector.shape_cast %select_n3A_573 : vector<16xf32> to vector<1x16xf32>
        tpu.vector_store %arg11[%swap3A_575, %swap3A_576], %swap3A_579 {strides = array<i32>} : memref<16x768xf32, #tpu.memory_space<vmem>>, vector<1x16xf32>,
        %select_n3A_580 = arith.select %lt3A_371, %get3A_567, %get3A_572 : vector<16xi1>, vector<16xf32>
        %swap3A_581 = arith.constant 8 : i32
        %swap3A_582 = arith.index_cast %swap3A_581 : i32 to index
        %swap3A_583 = arith.index_cast %mul3A_367 : i32 to index
        %swap3A_584 = tpu.vector_load %arg13[%swap3A_582, %swap3A_583] {strides = array<i32>} : memref<16x768xf32, #tpu.memory_space<vmem>>, vector<1x16xf32>,
        %swap3A_585 = vector.shape_cast %swap3A_584 : vector<1x16xf32> to vector<16xf32>
        %swap3A_586 = vector.shape_cast %select_n3A_580 : vector<16xf32> to vector<1x16xf32>
        tpu.vector_store %arg13[%swap3A_582, %swap3A_583], %swap3A_586 {strides = array<i32>} : memref<16x768xf32, #tpu.memory_space<vmem>>, vector<1x16xf32>,
        %get3A_587 = arith.constant 9 : i32
        %get3A_588 = arith.index_cast %get3A_587 : i32 to index
        %get3A_589 = arith.index_cast %mul3A_367 : i32 to index
        %get3A_590 = tpu.vector_load %arg7[%get3A_588, %get3A_589] {strides = array<i32>} : memref<16x768xf32, #tpu.memory_space<vmem>>, vector<1x16xf32>,
        %get3A_591 = vector.shape_cast %get3A_590 : vector<1x16xf32> to vector<16xf32>
        %get3A_592 = arith.constant 9 : i32
        %get3A_593 = arith.index_cast %get3A_592 : i32 to index
        %get3A_594 = arith.index_cast %mul3A_367 : i32 to index
        %get3A_595 = tpu.vector_load %arg9[%get3A_593, %get3A_594] {strides = array<i32>} : memref<16x768xf32, #tpu.memory_space<vmem>>, vector<1x16xf32>,
        %get3A_596 = vector.shape_cast %get3A_595 : vector<1x16xf32> to vector<16xf32>
        %select_n3A_597 = arith.select %lt3A_371, %get3A_596, %get3A_591 : vector<16xi1>, vector<16xf32>
        %swap3A_598 = arith.constant 9 : i32
        %swap3A_599 = arith.index_cast %swap3A_598 : i32 to index
        %swap3A_600 = arith.index_cast %mul3A_367 : i32 to index
        %swap3A_601 = tpu.vector_load %arg11[%swap3A_599, %swap3A_600] {strides = array<i32>} : memref<16x768xf32, #tpu.memory_space<vmem>>, vector<1x16xf32>,
        %swap3A_602 = vector.shape_cast %swap3A_601 : vector<1x16xf32> to vector<16xf32>
        %swap3A_603 = vector.shape_cast %select_n3A_597 : vector<16xf32> to vector<1x16xf32>
        tpu.vector_store %arg11[%swap3A_599, %swap3A_600], %swap3A_603 {strides = array<i32>} : memref<16x768xf32, #tpu.memory_space<vmem>>, vector<1x16xf32>,
        %select_n3A_604 = arith.select %lt3A_371, %get3A_591, %get3A_596 : vector<16xi1>, vector<16xf32>
        %swap3A_605 = arith.constant 9 : i32
        %swap3A_606 = arith.index_cast %swap3A_605 : i32 to index
        %swap3A_607 = arith.index_cast %mul3A_367 : i32 to index
        %swap3A_608 = tpu.vector_load %arg13[%swap3A_606, %swap3A_607] {strides = array<i32>} : memref<16x768xf32, #tpu.memory_space<vmem>>, vector<1x16xf32>,
        %swap3A_609 = vector.shape_cast %swap3A_608 : vector<1x16xf32> to vector<16xf32>
        %swap3A_610 = vector.shape_cast %select_n3A_604 : vector<16xf32> to vector<1x16xf32>
        tpu.vector_store %arg13[%swap3A_606, %swap3A_607], %swap3A_610 {strides = array<i32>} : memref<16x768xf32, #tpu.memory_space<vmem>>, vector<1x16xf32>,
        %get3A_611 = arith.constant 10 : i32
        %get3A_612 = arith.index_cast %get3A_611 : i32 to index
        %get3A_613 = arith.index_cast %mul3A_367 : i32 to index
        %get3A_614 = tpu.vector_load %arg7[%get3A_612, %get3A_613] {strides = array<i32>} : memref<16x768xf32, #tpu.memory_space<vmem>>, vector<1x16xf32>,
        %get3A_615 = vector.shape_cast %get3A_614 : vector<1x16xf32> to vector<16xf32>
        %get3A_616 = arith.constant 10 : i32
        %get3A_617 = arith.index_cast %get3A_616 : i32 to index
        %get3A_618 = arith.index_cast %mul3A_367 : i32 to index
        %get3A_619 = tpu.vector_load %arg9[%get3A_617, %get3A_618] {strides = array<i32>} : memref<16x768xf32, #tpu.memory_space<vmem>>, vector<1x16xf32>,
        %get3A_620 = vector.shape_cast %get3A_619 : vector<1x16xf32> to vector<16xf32>
        %select_n3A_621 = arith.select %lt3A_371, %get3A_620, %get3A_615 : vector<16xi1>, vector<16xf32>
        %swap3A_622 = arith.constant 10 : i32
        %swap3A_623 = arith.index_cast %swap3A_622 : i32 to index
        %swap3A_624 = arith.index_cast %mul3A_367 : i32 to index
        %swap3A_625 = tpu.vector_load %arg11[%swap3A_623, %swap3A_624] {strides = array<i32>} : memref<16x768xf32, #tpu.memory_space<vmem>>, vector<1x16xf32>,
        %swap3A_626 = vector.shape_cast %swap3A_625 : vector<1x16xf32> to vector<16xf32>
        %swap3A_627 = vector.shape_cast %select_n3A_621 : vector<16xf32> to vector<1x16xf32>
        tpu.vector_store %arg11[%swap3A_623, %swap3A_624], %swap3A_627 {strides = array<i32>} : memref<16x768xf32, #tpu.memory_space<vmem>>, vector<1x16xf32>,
        %select_n3A_628 = arith.select %lt3A_371, %get3A_615, %get3A_620 : vector<16xi1>, vector<16xf32>
        %swap3A_629 = arith.constant 10 : i32
        %swap3A_630 = arith.index_cast %swap3A_629 : i32 to index
        %swap3A_631 = arith.index_cast %mul3A_367 : i32 to index
        %swap3A_632 = tpu.vector_load %arg13[%swap3A_630, %swap3A_631] {strides = array<i32>} : memref<16x768xf32, #tpu.memory_space<vmem>>, vector<1x16xf32>,
        %swap3A_633 = vector.shape_cast %swap3A_632 : vector<1x16xf32> to vector<16xf32>
        %swap3A_634 = vector.shape_cast %select_n3A_628 : vector<16xf32> to vector<1x16xf32>
        tpu.vector_store %arg13[%swap3A_630, %swap3A_631], %swap3A_634 {strides = array<i32>} : memref<16x768xf32, #tpu.memory_space<vmem>>, vector<1x16xf32>,
        %get3A_635 = arith.constant 11 : i32
        %get3A_636 = arith.index_cast %get3A_635 : i32 to index
        %get3A_637 = arith.index_cast %mul3A_367 : i32 to index
        %get3A_638 = tpu.vector_load %arg7[%get3A_636, %get3A_637] {strides = array<i32>} : memref<16x768xf32, #tpu.memory_space<vmem>>, vector<1x16xf32>,
        %get3A_639 = vector.shape_cast %get3A_638 : vector<1x16xf32> to vector<16xf32>
        %get3A_640 = arith.constant 11 : i32
        %get3A_641 = arith.index_cast %get3A_640 : i32 to index
        %get3A_642 = arith.index_cast %mul3A_367 : i32 to index
        %get3A_643 = tpu.vector_load %arg9[%get3A_641, %get3A_642] {strides = array<i32>} : memref<16x768xf32, #tpu.memory_space<vmem>>, vector<1x16xf32>,
        %get3A_644 = vector.shape_cast %get3A_643 : vector<1x16xf32> to vector<16xf32>
        %select_n3A_645 = arith.select %lt3A_371, %get3A_644, %get3A_639 : vector<16xi1>, vector<16xf32>
        %swap3A_646 = arith.constant 11 : i32
        %swap3A_647 = arith.index_cast %swap3A_646 : i32 to index
        %swap3A_648 = arith.index_cast %mul3A_367 : i32 to index
        %swap3A_649 = tpu.vector_load %arg11[%swap3A_647, %swap3A_648] {strides = array<i32>} : memref<16x768xf32, #tpu.memory_space<vmem>>, vector<1x16xf32>,
        %swap3A_650 = vector.shape_cast %swap3A_649 : vector<1x16xf32> to vector<16xf32>
        %swap3A_651 = vector.shape_cast %select_n3A_645 : vector<16xf32> to vector<1x16xf32>
        tpu.vector_store %arg11[%swap3A_647, %swap3A_648], %swap3A_651 {strides = array<i32>} : memref<16x768xf32, #tpu.memory_space<vmem>>, vector<1x16xf32>,
        %select_n3A_652 = arith.select %lt3A_371, %get3A_639, %get3A_644 : vector<16xi1>, vector<16xf32>
        %swap3A_653 = arith.constant 11 : i32
        %swap3A_654 = arith.index_cast %swap3A_653 : i32 to index
        %swap3A_655 = arith.index_cast %mul3A_367 : i32 to index
        %swap3A_656 = tpu.vector_load %arg13[%swap3A_654, %swap3A_655] {strides = array<i32>} : memref<16x768xf32, #tpu.memory_space<vmem>>, vector<1x16xf32>,
        %swap3A_657 = vector.shape_cast %swap3A_656 : vector<1x16xf32> to vector<16xf32>
        %swap3A_658 = vector.shape_cast %select_n3A_652 : vector<16xf32> to vector<1x16xf32>
        tpu.vector_store %arg13[%swap3A_654, %swap3A_655], %swap3A_658 {strides = array<i32>} : memref<16x768xf32, #tpu.memory_space<vmem>>, vector<1x16xf32>,
        %get3A_659 = arith.constant 12 : i32
        %get3A_660 = arith.index_cast %get3A_659 : i32 to index
        %get3A_661 = arith.index_cast %mul3A_367 : i32 to index
        %get3A_662 = tpu.vector_load %arg7[%get3A_660, %get3A_661] {strides = array<i32>} : memref<16x768xf32, #tpu.memory_space<vmem>>, vector<1x16xf32>,
        %get3A_663 = vector.shape_cast %get3A_662 : vector<1x16xf32> to vector<16xf32>
        %get3A_664 = arith.constant 12 : i32
        %get3A_665 = arith.index_cast %get3A_664 : i32 to index
        %get3A_666 = arith.index_cast %mul3A_367 : i32 to index
        %get3A_667 = tpu.vector_load %arg9[%get3A_665, %get3A_666] {strides = array<i32>} : memref<16x768xf32, #tpu.memory_space<vmem>>, vector<1x16xf32>,
        %get3A_668 = vector.shape_cast %get3A_667 : vector<1x16xf32> to vector<16xf32>
        %select_n3A_669 = arith.select %lt3A_371, %get3A_668, %get3A_663 : vector<16xi1>, vector<16xf32>
        %swap3A_670 = arith.constant 12 : i32
        %swap3A_671 = arith.index_cast %swap3A_670 : i32 to index
        %swap3A_672 = arith.index_cast %mul3A_367 : i32 to index
        %swap3A_673 = tpu.vector_load %arg11[%swap3A_671, %swap3A_672] {strides = array<i32>} : memref<16x768xf32, #tpu.memory_space<vmem>>, vector<1x16xf32>,
        %swap3A_674 = vector.shape_cast %swap3A_673 : vector<1x16xf32> to vector<16xf32>
        %swap3A_675 = vector.shape_cast %select_n3A_669 : vector<16xf32> to vector<1x16xf32>
        tpu.vector_store %arg11[%swap3A_671, %swap3A_672], %swap3A_675 {strides = array<i32>} : memref<16x768xf32, #tpu.memory_space<vmem>>, vector<1x16xf32>,
        %select_n3A_676 = arith.select %lt3A_371, %get3A_663, %get3A_668 : vector<16xi1>, vector<16xf32>
        %swap3A_677 = arith.constant 12 : i32
        %swap3A_678 = arith.index_cast %swap3A_677 : i32 to index
        %swap3A_679 = arith.index_cast %mul3A_367 : i32 to index
        %swap3A_680 = tpu.vector_load %arg13[%swap3A_678, %swap3A_679] {strides = array<i32>} : memref<16x768xf32, #tpu.memory_space<vmem>>, vector<1x16xf32>,
        %swap3A_681 = vector.shape_cast %swap3A_680 : vector<1x16xf32> to vector<16xf32>
        %swap3A_682 = vector.shape_cast %select_n3A_676 : vector<16xf32> to vector<1x16xf32>
        tpu.vector_store %arg13[%swap3A_678, %swap3A_679], %swap3A_682 {strides = array<i32>} : memref<16x768xf32, #tpu.memory_space<vmem>>, vector<1x16xf32>,
        %get3A_683 = arith.constant 13 : i32
        %get3A_684 = arith.index_cast %get3A_683 : i32 to index
        %get3A_685 = arith.index_cast %mul3A_367 : i32 to index
        %get3A_686 = tpu.vector_load %arg7[%get3A_684, %get3A_685] {strides = array<i32>} : memref<16x768xf32, #tpu.memory_space<vmem>>, vector<1x16xf32>,
        %get3A_687 = vector.shape_cast %get3A_686 : vector<1x16xf32> to vector<16xf32>
        %get3A_688 = arith.constant 13 : i32
        %get3A_689 = arith.index_cast %get3A_688 : i32 to index
        %get3A_690 = arith.index_cast %mul3A_367 : i32 to index
        %get3A_691 = tpu.vector_load %arg9[%get3A_689, %get3A_690] {strides = array<i32>} : memref<16x768xf32, #tpu.memory_space<vmem>>, vector<1x16xf32>,
        %get3A_692 = vector.shape_cast %get3A_691 : vector<1x16xf32> to vector<16xf32>
        %select_n3A_693 = arith.select %lt3A_371, %get3A_692, %get3A_687 : vector<16xi1>, vector<16xf32>
        %swap3A_694 = arith.constant 13 : i32
        %swap3A_695 = arith.index_cast %swap3A_694 : i32 to index
        %swap3A_696 = arith.index_cast %mul3A_367 : i32 to index
        %swap3A_697 = tpu.vector_load %arg11[%swap3A_695, %swap3A_696] {strides = array<i32>} : memref<16x768xf32, #tpu.memory_space<vmem>>, vector<1x16xf32>,
        %swap3A_698 = vector.shape_cast %swap3A_697 : vector<1x16xf32> to vector<16xf32>
        %swap3A_699 = vector.shape_cast %select_n3A_693 : vector<16xf32> to vector<1x16xf32>
        tpu.vector_store %arg11[%swap3A_695, %swap3A_696], %swap3A_699 {strides = array<i32>} : memref<16x768xf32, #tpu.memory_space<vmem>>, vector<1x16xf32>,
        %select_n3A_700 = arith.select %lt3A_371, %get3A_687, %get3A_692 : vector<16xi1>, vector<16xf32>
        %swap3A_701 = arith.constant 13 : i32
        %swap3A_702 = arith.index_cast %swap3A_701 : i32 to index
        %swap3A_703 = arith.index_cast %mul3A_367 : i32 to index
        %swap3A_704 = tpu.vector_load %arg13[%swap3A_702, %swap3A_703] {strides = array<i32>} : memref<16x768xf32, #tpu.memory_space<vmem>>, vector<1x16xf32>,
        %swap3A_705 = vector.shape_cast %swap3A_704 : vector<1x16xf32> to vector<16xf32>
        %swap3A_706 = vector.shape_cast %select_n3A_700 : vector<16xf32> to vector<1x16xf32>
        tpu.vector_store %arg13[%swap3A_702, %swap3A_703], %swap3A_706 {strides = array<i32>} : memref<16x768xf32, #tpu.memory_space<vmem>>, vector<1x16xf32>,
        %get3A_707 = arith.constant 14 : i32
        %get3A_708 = arith.index_cast %get3A_707 : i32 to index
        %get3A_709 = arith.index_cast %mul3A_367 : i32 to index
        %get3A_710 = tpu.vector_load %arg7[%get3A_708, %get3A_709] {strides = array<i32>} : memref<16x768xf32, #tpu.memory_space<vmem>>, vector<1x16xf32>,
        %get3A_711 = vector.shape_cast %get3A_710 : vector<1x16xf32> to vector<16xf32>
        %get3A_712 = arith.constant 14 : i32
        %get3A_713 = arith.index_cast %get3A_712 : i32 to index
        %get3A_714 = arith.index_cast %mul3A_367 : i32 to index
        %get3A_715 = tpu.vector_load %arg9[%get3A_713, %get3A_714] {strides = array<i32>} : memref<16x768xf32, #tpu.memory_space<vmem>>, vector<1x16xf32>,
        %get3A_716 = vector.shape_cast %get3A_715 : vector<1x16xf32> to vector<16xf32>
        %select_n3A_717 = arith.select %lt3A_371, %get3A_716, %get3A_711 : vector<16xi1>, vector<16xf32>
        %swap3A_718 = arith.constant 14 : i32
        %swap3A_719 = arith.index_cast %swap3A_718 : i32 to index
        %swap3A_720 = arith.index_cast %mul3A_367 : i32 to index
        %swap3A_721 = tpu.vector_load %arg11[%swap3A_719, %swap3A_720] {strides = array<i32>} : memref<16x768xf32, #tpu.memory_space<vmem>>, vector<1x16xf32>,
        %swap3A_722 = vector.shape_cast %swap3A_721 : vector<1x16xf32> to vector<16xf32>
        %swap3A_723 = vector.shape_cast %select_n3A_717 : vector<16xf32> to vector<1x16xf32>
        tpu.vector_store %arg11[%swap3A_719, %swap3A_720], %swap3A_723 {strides = array<i32>} : memref<16x768xf32, #tpu.memory_space<vmem>>, vector<1x16xf32>,
        %select_n3A_724 = arith.select %lt3A_371, %get3A_711, %get3A_716 : vector<16xi1>, vector<16xf32>
        %swap3A_725 = arith.constant 14 : i32
        %swap3A_726 = arith.index_cast %swap3A_725 : i32 to index
        %swap3A_727 = arith.index_cast %mul3A_367 : i32 to index
        %swap3A_728 = tpu.vector_load %arg13[%swap3A_726, %swap3A_727] {strides = array<i32>} : memref<16x768xf32, #tpu.memory_space<vmem>>, vector<1x16xf32>,
        %swap3A_729 = vector.shape_cast %swap3A_728 : vector<1x16xf32> to vector<16xf32>
        %swap3A_730 = vector.shape_cast %select_n3A_724 : vector<16xf32> to vector<1x16xf32>
        tpu.vector_store %arg13[%swap3A_726, %swap3A_727], %swap3A_730 {strides = array<i32>} : memref<16x768xf32, #tpu.memory_space<vmem>>, vector<1x16xf32>,
        %get3A_731 = arith.constant 15 : i32
        %get3A_732 = arith.index_cast %get3A_731 : i32 to index
        %get3A_733 = arith.index_cast %mul3A_367 : i32 to index
        %get3A_734 = tpu.vector_load %arg7[%get3A_732, %get3A_733] {strides = array<i32>} : memref<16x768xf32, #tpu.memory_space<vmem>>, vector<1x16xf32>,
        %get3A_735 = vector.shape_cast %get3A_734 : vector<1x16xf32> to vector<16xf32>
        %get3A_736 = arith.constant 15 : i32
        %get3A_737 = arith.index_cast %get3A_736 : i32 to index
        %get3A_738 = arith.index_cast %mul3A_367 : i32 to index
        %get3A_739 = tpu.vector_load %arg9[%get3A_737, %get3A_738] {strides = array<i32>} : memref<16x768xf32, #tpu.memory_space<vmem>>, vector<1x16xf32>,
        %get3A_740 = vector.shape_cast %get3A_739 : vector<1x16xf32> to vector<16xf32>
        %select_n3A_741 = arith.select %lt3A_371, %get3A_740, %get3A_735 : vector<16xi1>, vector<16xf32>
        %swap3A_742 = arith.constant 15 : i32
        %swap3A_743 = arith.index_cast %swap3A_742 : i32 to index
        %swap3A_744 = arith.index_cast %mul3A_367 : i32 to index
        %swap3A_745 = tpu.vector_load %arg11[%swap3A_743, %swap3A_744] {strides = array<i32>} : memref<16x768xf32, #tpu.memory_space<vmem>>, vector<1x16xf32>,
        %swap3A_746 = vector.shape_cast %swap3A_745 : vector<1x16xf32> to vector<16xf32>
        %swap3A_747 = vector.shape_cast %select_n3A_741 : vector<16xf32> to vector<1x16xf32>
        tpu.vector_store %arg11[%swap3A_743, %swap3A_744], %swap3A_747 {strides = array<i32>} : memref<16x768xf32, #tpu.memory_space<vmem>>, vector<1x16xf32>,
        %select_n3A_748 = arith.select %lt3A_371, %get3A_735, %get3A_740 : vector<16xi1>, vector<16xf32>
        %swap3A_749 = arith.constant 15 : i32
        %swap3A_750 = arith.index_cast %swap3A_749 : i32 to index
        %swap3A_751 = arith.index_cast %mul3A_367 : i32 to index
        %swap3A_752 = tpu.vector_load %arg13[%swap3A_750, %swap3A_751] {strides = array<i32>} : memref<16x768xf32, #tpu.memory_space<vmem>>, vector<1x16xf32>,
        %swap3A_753 = vector.shape_cast %swap3A_752 : vector<1x16xf32> to vector<16xf32>
        %swap3A_754 = vector.shape_cast %select_n3A_748 : vector<16xf32> to vector<1x16xf32>
        tpu.vector_store %arg13[%swap3A_750, %swap3A_751], %swap3A_754 {strides = array<i32>} : memref<16x768xf32, #tpu.memory_space<vmem>>, vector<1x16xf32>,
      }
      %scan3A_336 = arith.constant 48 : i32
      %mul3A_337 = arith.constant 16 : i32
      %mul3A_338 = arith.muli %add3A_306, %mul3A_337 : i32
      %add3A_339 = arith.addi %mul3A_2, %mul3A_338 : i32
      %dma_start3A_340 = arith.constant 0 : i32
      %dma_start3A_341 = tpu.memref_slice %arg4[%add3A_339, %dma_start3A_340] : memref<18432x768xf32, #tpu.memory_space<hbm>> -> memref<16x768xf32, #tpu.memory_space<hbm>>
      %dma_start3A_342 = arith.constant 0 : i32
      %dma_start3A_343 = tpu.memref_slice %arg4[%add3A_339, %dma_start3A_342] : memref<18432x768xf32, #tpu.memory_space<hbm>> -> memref<16x768xf32, #tpu.memory_space<hbm>>
      tpu.enqueue_dma source(%arg11 : memref<16x768xf32, #tpu.memory_space<vmem>>) target(%dma_start3A_343 : memref<16x768xf32, #tpu.memory_space<hbm>>) target_semaphore(%arg19 : memref<!tpu.dma_semaphore, #tpu.memory_space<semaphore_mem>>)
      %add3A_344 = arith.constant 9216 : i32
      %add3A_345 = arith.addi %add3A_339, %add3A_344 : i32
      %dma_start3A_346 = arith.constant 0 : i32
      %dma_start3A_347 = tpu.memref_slice %arg4[%add3A_345, %dma_start3A_346] : memref<18432x768xf32, #tpu.memory_space<hbm>> -> memref<16x768xf32, #tpu.memory_space<hbm>>
      %dma_start3A_348 = arith.constant 0 : i32
      %dma_start3A_349 = tpu.memref_slice %arg4[%add3A_345, %dma_start3A_348] : memref<18432x768xf32, #tpu.memory_space<hbm>> -> memref<16x768xf32, #tpu.memory_space<hbm>>
      tpu.enqueue_dma source(%arg13 : memref<16x768xf32, #tpu.memory_space<vmem>>) target(%dma_start3A_349 : memref<16x768xf32, #tpu.memory_space<hbm>>) target_semaphore(%arg21 : memref<!tpu.dma_semaphore, #tpu.memory_space<semaphore_mem>>)
      %add3A_350 = arith.constant 2 : i32
      %add3A_351 = arith.addi %add3A_306, %add3A_350 : i32
      %mul3A_352 = arith.constant 16 : i32
      %mul3A_353 = arith.muli %add3A_351, %mul3A_352 : i32
      %add3A_354 = arith.addi %mul3A_2, %mul3A_353 : i32
      %dma_start3A_355 = arith.constant 0 : i32
      %dma_start3A_356 = tpu.memref_slice %arg3[%add3A_354, %dma_start3A_355] : memref<18432x768xf32, #tpu.memory_space<hbm>> -> memref<16x768xf32, #tpu.memory_space<hbm>>
      %dma_start3A_357 = arith.constant 0 : i32
      %dma_start3A_358 = tpu.memref_slice %arg3[%add3A_354, %dma_start3A_357] : memref<18432x768xf32, #tpu.memory_space<hbm>> -> memref<16x768xf32, #tpu.memory_space<hbm>>
      tpu.enqueue_dma source(%dma_start3A_358 : memref<16x768xf32, #tpu.memory_space<hbm>>) target(%arg7 : memref<16x768xf32, #tpu.memory_space<vmem>>) target_semaphore(%arg15 : memref<!tpu.dma_semaphore, #tpu.memory_space<semaphore_mem>>)
      %add3A_359 = arith.constant 9216 : i32
      %add3A_360 = arith.addi %add3A_354, %add3A_359 : i32
      %dma_start3A_361 = arith.constant 0 : i32
      %dma_start3A_362 = tpu.memref_slice %arg3[%add3A_360, %dma_start3A_361] : memref<18432x768xf32, #tpu.memory_space<hbm>> -> memref<16x768xf32, #tpu.memory_space<hbm>>
      %dma_start3A_363 = arith.constant 0 : i32
      %dma_start3A_364 = tpu.memref_slice %arg3[%add3A_360, %dma_start3A_363] : memref<18432x768xf32, #tpu.memory_space<hbm>> -> memref<16x768xf32, #tpu.memory_space<hbm>>
      tpu.enqueue_dma source(%dma_start3A_364 : memref<16x768xf32, #tpu.memory_space<hbm>>) target(%arg9 : memref<16x768xf32, #tpu.memory_space<vmem>>) target_semaphore(%arg17 : memref<!tpu.dma_semaphore, #tpu.memory_space<semaphore_mem>>)
    }
    %scan3A_131 = arith.constant 7 : i32
    %dma_wait3A_132 = arith.constant 0 : i32
    %dma_wait3A_133 = arith.constant 0 : i32
    %dma_wait3A_134 = tpu.memref_slice %arg3[%dma_wait3A_132, %dma_wait3A_133] : memref<18432x768xf32, #tpu.memory_space<hbm>> -> memref<16x768xf32, #tpu.memory_space<hbm>>
    %dma_wait3A_135 = arith.constant 0 : i32
    %dma_wait3A_136 = arith.constant 0 : i32
    %dma_wait3A_137 = tpu.memref_slice %arg3[%dma_wait3A_135, %dma_wait3A_136] : memref<18432x768xf32, #tpu.memory_space<hbm>> -> memref<16x768xf32, #tpu.memory_space<hbm>>
    tpu.wait_dma2 semaphore(%arg14 : memref<!tpu.dma_semaphore, #tpu.memory_space<semaphore_mem>>) src(%dma_wait3A_137 : memref<16x768xf32, #tpu.memory_space<hbm>>) dst(%arg6 : memref<16x768xf32, #tpu.memory_space<vmem>>)
    %dma_wait3A_138 = arith.constant 0 : i32
    %dma_wait3A_139 = arith.constant 0 : i32
    %dma_wait3A_140 = tpu.memref_slice %arg3[%dma_wait3A_138, %dma_wait3A_139] : memref<18432x768xf32, #tpu.memory_space<hbm>> -> memref<16x768xf32, #tpu.memory_space<hbm>>
    %dma_wait3A_141 = arith.constant 0 : i32
    %dma_wait3A_142 = arith.constant 0 : i32
    %dma_wait3A_143 = tpu.memref_slice %arg3[%dma_wait3A_141, %dma_wait3A_142] : memref<18432x768xf32, #tpu.memory_space<hbm>> -> memref<16x768xf32, #tpu.memory_space<hbm>>
    tpu.wait_dma2 semaphore(%arg16 : memref<!tpu.dma_semaphore, #tpu.memory_space<semaphore_mem>>) src(%dma_wait3A_143 : memref<16x768xf32, #tpu.memory_space<hbm>>) dst(%arg8 : memref<16x768xf32, #tpu.memory_space<vmem>>)
    %dma_wait3A_144 = arith.constant 0 : i32
    %dma_wait3A_145 = arith.constant 0 : i32
    %dma_wait3A_146 = tpu.memref_slice %arg4[%dma_wait3A_144, %dma_wait3A_145] : memref<18432x768xf32, #tpu.memory_space<hbm>> -> memref<16x768xf32, #tpu.memory_space<hbm>>
    %dma_wait3A_147 = arith.constant 0 : i32
    %dma_wait3A_148 = arith.constant 0 : i32
    %dma_wait3A_149 = tpu.memref_slice %arg4[%dma_wait3A_147, %dma_wait3A_148] : memref<18432x768xf32, #tpu.memory_space<hbm>> -> memref<16x768xf32, #tpu.memory_space<hbm>>
    tpu.wait_dma2 semaphore(%arg18 : memref<!tpu.dma_semaphore, #tpu.memory_space<semaphore_mem>>) src(%arg10 : memref<16x768xf32, #tpu.memory_space<vmem>>) dst(%dma_wait3A_149 : memref<16x768xf32, #tpu.memory_space<hbm>>)
    %dma_wait3A_150 = arith.constant 0 : i32
    %dma_wait3A_151 = arith.constant 0 : i32
    %dma_wait3A_152 = tpu.memref_slice %arg4[%dma_wait3A_150, %dma_wait3A_151] : memref<18432x768xf32, #tpu.memory_space<hbm>> -> memref<16x768xf32, #tpu.memory_space<hbm>>
    %dma_wait3A_153 = arith.constant 0 : i32
    %dma_wait3A_154 = arith.constant 0 : i32
    %dma_wait3A_155 = tpu.memref_slice %arg4[%dma_wait3A_153, %dma_wait3A_154] : memref<18432x768xf32, #tpu.memory_space<hbm>> -> memref<16x768xf32, #tpu.memory_space<hbm>>
    tpu.wait_dma2 semaphore(%arg20 : memref<!tpu.dma_semaphore, #tpu.memory_space<semaphore_mem>>) src(%arg12 : memref<16x768xf32, #tpu.memory_space<vmem>>) dst(%dma_wait3A_155 : memref<16x768xf32, #tpu.memory_space<hbm>>)
    %scan3A_156 = arith.constant 0 : i32
    %scan3A_157 = arith.constant 0 : i32
    %scan3A_158 = arith.constant 48 : i32
    %scan3A_159 = arith.addi %scan3A_157, %scan3A_158 : i32
    %scan3A_160 = arith.constant 1 : i32
    scf.for %scan3A_240 = %scan3A_157 to %scan3A_159 step %scan3A_160  : i32 {
      %mul3A_241 = arith.constant 16 : i32
      %mul3A_242 = arith.muli %scan3A_240, %mul3A_241 : i32
      %get3A = arith.index_cast %mul3A_242 : i32 to index
      %get3A_243 = tpu.vector_load %arg5[%get3A] {strides = array<i32>} : memref<768xf32, #tpu.memory_space<vmem>>, vector<16xf32>,
      %get3A_244 = vector.shape_cast %get3A_243 : vector<16xf32> to vector<16xf32>
      %lt3A = arith.constant 3.000000e-01 : f32
      %lt3A_245 = vector.broadcast %lt3A : f32 to vector<16xf32>
      %lt3A_246 = arith.cmpf olt, %get3A_244, %lt3A_245 : vector<16xf32>
      %get3A_247 = arith.constant 0 : i32
      %get3A_248 = arith.index_cast %get3A_247 : i32 to index
      %get3A_249 = arith.index_cast %mul3A_242 : i32 to index
      %get3A_250 = tpu.vector_load %arg6[%get3A_248, %get3A_249] {strides = array<i32>} : memref<16x768xf32, #tpu.memory_space<vmem>>, vector<1x16xf32>,
      %get3A_251 = vector.shape_cast %get3A_250 : vector<1x16xf32> to vector<16xf32>
      %get3A_252 = arith.constant 0 : i32
      %get3A_253 = arith.index_cast %get3A_252 : i32 to index
      %get3A_254 = arith.index_cast %mul3A_242 : i32 to index
      %get3A_255 = tpu.vector_load %arg8[%get3A_253, %get3A_254] {strides = array<i32>} : memref<16x768xf32, #tpu.memory_space<vmem>>, vector<1x16xf32>,
      %get3A_256 = vector.shape_cast %get3A_255 : vector<1x16xf32> to vector<16xf32>
      %select_n3A_257 = arith.select %lt3A_246, %get3A_256, %get3A_251 : vector<16xi1>, vector<16xf32>
      %swap3A = arith.constant 0 : i32
      %swap3A_258 = arith.index_cast %swap3A : i32 to index
      %swap3A_259 = arith.index_cast %mul3A_242 : i32 to index
      %swap3A_260 = tpu.vector_load %arg10[%swap3A_258, %swap3A_259] {strides = array<i32>} : memref<16x768xf32, #tpu.memory_space<vmem>>, vector<1x16xf32>,
      %swap3A_261 = vector.shape_cast %swap3A_260 : vector<1x16xf32> to vector<16xf32>
      %swap3A_262 = vector.shape_cast %select_n3A_257 : vector<16xf32> to vector<1x16xf32>
      tpu.vector_store %arg10[%swap3A_258, %swap3A_259], %swap3A_262 {strides = array<i32>} : memref<16x768xf32, #tpu.memory_space<vmem>>, vector<1x16xf32>,
      %select_n3A_263 = arith.select %lt3A_246, %get3A_251, %get3A_256 : vector<16xi1>, vector<16xf32>
      %swap3A_264 = arith.constant 0 : i32
      %swap3A_265 = arith.index_cast %swap3A_264 : i32 to index
      %swap3A_266 = arith.index_cast %mul3A_242 : i32 to index
      %swap3A_267 = tpu.vector_load %arg12[%swap3A_265, %swap3A_266] {strides = array<i32>} : memref<16x768xf32, #tpu.memory_space<vmem>>, vector<1x16xf32>,
      %swap3A_268 = vector.shape_cast %swap3A_267 : vector<1x16xf32> to vector<16xf32>
      %swap3A_269 = vector.shape_cast %select_n3A_263 : vector<16xf32> to vector<1x16xf32>
      tpu.vector_store %arg12[%swap3A_265, %swap3A_266], %swap3A_269 {strides = array<i32>} : memref<16x768xf32, #tpu.memory_space<vmem>>, vector<1x16xf32>,
      %get3A_270 = arith.constant 1 : i32
      %get3A_271 = arith.index_cast %get3A_270 : i32 to index
      %get3A_272 = arith.index_cast %mul3A_242 : i32 to index
      %get3A_273 = tpu.vector_load %arg6[%get3A_271, %get3A_272] {strides = array<i32>} : memref<16x768xf32, #tpu.memory_space<vmem>>, vector<1x16xf32>,
      %get3A_274 = vector.shape_cast %get3A_273 : vector<1x16xf32> to vector<16xf32>
      %get3A_275 = arith.constant 1 : i32
      %get3A_276 = arith.index_cast %get3A_275 : i32 to index
      %get3A_277 = arith.index_cast %mul3A_242 : i32 to index
      %get3A_278 = tpu.vector_load %arg8[%get3A_276, %get3A_277] {strides = array<i32>} : memref<16x768xf32, #tpu.memory_space<vmem>>, vector<1x16xf32>,
      %get3A_279 = vector.shape_cast %get3A_278 : vector<1x16xf32> to vector<16xf32>
      %select_n3A_280 = arith.select %lt3A_246, %get3A_279, %get3A_274 : vector<16xi1>, vector<16xf32>
      %swap3A_281 = arith.constant 1 : i32
      %swap3A_282 = arith.index_cast %swap3A_281 : i32 to index
      %swap3A_283 = arith.index_cast %mul3A_242 : i32 to index
      %swap3A_284 = tpu.vector_load %arg10[%swap3A_282, %swap3A_283] {strides = array<i32>} : memref<16x768xf32, #tpu.memory_space<vmem>>, vector<1x16xf32>,
      %swap3A_285 = vector.shape_cast %swap3A_284 : vector<1x16xf32> to vector<16xf32>
      %swap3A_286 = vector.shape_cast %select_n3A_280 : vector<16xf32> to vector<1x16xf32>
      tpu.vector_store %arg10[%swap3A_282, %swap3A_283], %swap3A_286 {strides = array<i32>} : memref<16x768xf32, #tpu.memory_space<vmem>>, vector<1x16xf32>,
      %select_n3A_287 = arith.select %lt3A_246, %get3A_274, %get3A_279 : vector<16xi1>, vector<16xf32>
      %swap3A_288 = arith.constant 1 : i32
      %swap3A_289 = arith.index_cast %swap3A_288 : i32 to index
      %swap3A_290 = arith.index_cast %mul3A_242 : i32 to index
      %swap3A_291 = tpu.vector_load %arg12[%swap3A_289, %swap3A_290] {strides = array<i32>} : memref<16x768xf32, #tpu.memory_space<vmem>>, vector<1x16xf32>,
      %swap3A_292 = vector.shape_cast %swap3A_291 : vector<1x16xf32> to vector<16xf32>
      %swap3A_293 = vector.shape_cast %select_n3A_287 : vector<16xf32> to vector<1x16xf32>
      tpu.vector_store %arg12[%swap3A_289, %swap3A_290], %swap3A_293 {strides = array<i32>} : memref<16x768xf32, #tpu.memory_space<vmem>>, vector<1x16xf32>,
      %get3A_294 = arith.constant 2 : i32
      %get3A_295 = arith.index_cast %get3A_294 : i32 to index
      %get3A_296 = arith.index_cast %mul3A_242 : i32 to index
      %get3A_297 = tpu.vector_load %arg6[%get3A_295, %get3A_296] {strides = array<i32>} : memref<16x768xf32, #tpu.memory_space<vmem>>, vector<1x16xf32>,
      %get3A_298 = vector.shape_cast %get3A_297 : vector<1x16xf32> to vector<16xf32>
      %get3A_299 = arith.constant 2 : i32
      %get3A_300 = arith.index_cast %get3A_299 : i32 to index
      %get3A_301 = arith.index_cast %mul3A_242 : i32 to index
      %get3A_302 = tpu.vector_load %arg8[%get3A_300, %get3A_301] {strides = array<i32>} : memref<16x768xf32, #tpu.memory_space<vmem>>, vector<1x16xf32>,
      %get3A_303 = vector.shape_cast %get3A_302 : vector<1x16xf32> to vector<16xf32>
      %select_n3A_304 = arith.select %lt3A_246, %get3A_303, %get3A_298 : vector<16xi1>, vector<16xf32>
      %swap3A_305 = arith.constant 2 : i32
      %swap3A_306 = arith.index_cast %swap3A_305 : i32 to index
      %swap3A_307 = arith.index_cast %mul3A_242 : i32 to index
      %swap3A_308 = tpu.vector_load %arg10[%swap3A_306, %swap3A_307] {strides = array<i32>} : memref<16x768xf32, #tpu.memory_space<vmem>>, vector<1x16xf32>,
      %swap3A_309 = vector.shape_cast %swap3A_308 : vector<1x16xf32> to vector<16xf32>
      %swap3A_310 = vector.shape_cast %select_n3A_304 : vector<16xf32> to vector<1x16xf32>
      tpu.vector_store %arg10[%swap3A_306, %swap3A_307], %swap3A_310 {strides = array<i32>} : memref<16x768xf32, #tpu.memory_space<vmem>>, vector<1x16xf32>,
      %select_n3A_311 = arith.select %lt3A_246, %get3A_298, %get3A_303 : vector<16xi1>, vector<16xf32>
      %swap3A_312 = arith.constant 2 : i32
      %swap3A_313 = arith.index_cast %swap3A_312 : i32 to index
      %swap3A_314 = arith.index_cast %mul3A_242 : i32 to index
      %swap3A_315 = tpu.vector_load %arg12[%swap3A_313, %swap3A_314] {strides = array<i32>} : memref<16x768xf32, #tpu.memory_space<vmem>>, vector<1x16xf32>,
      %swap3A_316 = vector.shape_cast %swap3A_315 : vector<1x16xf32> to vector<16xf32>
      %swap3A_317 = vector.shape_cast %select_n3A_311 : vector<16xf32> to vector<1x16xf32>
      tpu.vector_store %arg12[%swap3A_313, %swap3A_314], %swap3A_317 {strides = array<i32>} : memref<16x768xf32, #tpu.memory_space<vmem>>, vector<1x16xf32>,
      %get3A_318 = arith.constant 3 : i32
      %get3A_319 = arith.index_cast %get3A_318 : i32 to index
      %get3A_320 = arith.index_cast %mul3A_242 : i32 to index
      %get3A_321 = tpu.vector_load %arg6[%get3A_319, %get3A_320] {strides = array<i32>} : memref<16x768xf32, #tpu.memory_space<vmem>>, vector<1x16xf32>,
      %get3A_322 = vector.shape_cast %get3A_321 : vector<1x16xf32> to vector<16xf32>
      %get3A_323 = arith.constant 3 : i32
      %get3A_324 = arith.index_cast %get3A_323 : i32 to index
      %get3A_325 = arith.index_cast %mul3A_242 : i32 to index
      %get3A_326 = tpu.vector_load %arg8[%get3A_324, %get3A_325] {strides = array<i32>} : memref<16x768xf32, #tpu.memory_space<vmem>>, vector<1x16xf32>,
      %get3A_327 = vector.shape_cast %get3A_326 : vector<1x16xf32> to vector<16xf32>
      %select_n3A_328 = arith.select %lt3A_246, %get3A_327, %get3A_322 : vector<16xi1>, vector<16xf32>
      %swap3A_329 = arith.constant 3 : i32
      %swap3A_330 = arith.index_cast %swap3A_329 : i32 to index
      %swap3A_331 = arith.index_cast %mul3A_242 : i32 to index
      %swap3A_332 = tpu.vector_load %arg10[%swap3A_330, %swap3A_331] {strides = array<i32>} : memref<16x768xf32, #tpu.memory_space<vmem>>, vector<1x16xf32>,
      %swap3A_333 = vector.shape_cast %swap3A_332 : vector<1x16xf32> to vector<16xf32>
      %swap3A_334 = vector.shape_cast %select_n3A_328 : vector<16xf32> to vector<1x16xf32>
      tpu.vector_store %arg10[%swap3A_330, %swap3A_331], %swap3A_334 {strides = array<i32>} : memref<16x768xf32, #tpu.memory_space<vmem>>, vector<1x16xf32>,
      %select_n3A_335 = arith.select %lt3A_246, %get3A_322, %get3A_327 : vector<16xi1>, vector<16xf32>
      %swap3A_336 = arith.constant 3 : i32
      %swap3A_337 = arith.index_cast %swap3A_336 : i32 to index
      %swap3A_338 = arith.index_cast %mul3A_242 : i32 to index
      %swap3A_339 = tpu.vector_load %arg12[%swap3A_337, %swap3A_338] {strides = array<i32>} : memref<16x768xf32, #tpu.memory_space<vmem>>, vector<1x16xf32>,
      %swap3A_340 = vector.shape_cast %swap3A_339 : vector<1x16xf32> to vector<16xf32>
      %swap3A_341 = vector.shape_cast %select_n3A_335 : vector<16xf32> to vector<1x16xf32>
      tpu.vector_store %arg12[%swap3A_337, %swap3A_338], %swap3A_341 {strides = array<i32>} : memref<16x768xf32, #tpu.memory_space<vmem>>, vector<1x16xf32>,
      %get3A_342 = arith.constant 4 : i32
      %get3A_343 = arith.index_cast %get3A_342 : i32 to index
      %get3A_344 = arith.index_cast %mul3A_242 : i32 to index
      %get3A_345 = tpu.vector_load %arg6[%get3A_343, %get3A_344] {strides = array<i32>} : memref<16x768xf32, #tpu.memory_space<vmem>>, vector<1x16xf32>,
      %get3A_346 = vector.shape_cast %get3A_345 : vector<1x16xf32> to vector<16xf32>
      %get3A_347 = arith.constant 4 : i32
      %get3A_348 = arith.index_cast %get3A_347 : i32 to index
      %get3A_349 = arith.index_cast %mul3A_242 : i32 to index
      %get3A_350 = tpu.vector_load %arg8[%get3A_348, %get3A_349] {strides = array<i32>} : memref<16x768xf32, #tpu.memory_space<vmem>>, vector<1x16xf32>,
      %get3A_351 = vector.shape_cast %get3A_350 : vector<1x16xf32> to vector<16xf32>
      %select_n3A_352 = arith.select %lt3A_246, %get3A_351, %get3A_346 : vector<16xi1>, vector<16xf32>
      %swap3A_353 = arith.constant 4 : i32
      %swap3A_354 = arith.index_cast %swap3A_353 : i32 to index
      %swap3A_355 = arith.index_cast %mul3A_242 : i32 to index
      %swap3A_356 = tpu.vector_load %arg10[%swap3A_354, %swap3A_355] {strides = array<i32>} : memref<16x768xf32, #tpu.memory_space<vmem>>, vector<1x16xf32>,
      %swap3A_357 = vector.shape_cast %swap3A_356 : vector<1x16xf32> to vector<16xf32>
      %swap3A_358 = vector.shape_cast %select_n3A_352 : vector<16xf32> to vector<1x16xf32>
      tpu.vector_store %arg10[%swap3A_354, %swap3A_355], %swap3A_358 {strides = array<i32>} : memref<16x768xf32, #tpu.memory_space<vmem>>, vector<1x16xf32>,
      %select_n3A_359 = arith.select %lt3A_246, %get3A_346, %get3A_351 : vector<16xi1>, vector<16xf32>
      %swap3A_360 = arith.constant 4 : i32
      %swap3A_361 = arith.index_cast %swap3A_360 : i32 to index
      %swap3A_362 = arith.index_cast %mul3A_242 : i32 to index
      %swap3A_363 = tpu.vector_load %arg12[%swap3A_361, %swap3A_362] {strides = array<i32>} : memref<16x768xf32, #tpu.memory_space<vmem>>, vector<1x16xf32>,
      %swap3A_364 = vector.shape_cast %swap3A_363 : vector<1x16xf32> to vector<16xf32>
      %swap3A_365 = vector.shape_cast %select_n3A_359 : vector<16xf32> to vector<1x16xf32>
      tpu.vector_store %arg12[%swap3A_361, %swap3A_362], %swap3A_365 {strides = array<i32>} : memref<16x768xf32, #tpu.memory_space<vmem>>, vector<1x16xf32>,
      %get3A_366 = arith.constant 5 : i32
      %get3A_367 = arith.index_cast %get3A_366 : i32 to index
      %get3A_368 = arith.index_cast %mul3A_242 : i32 to index
      %get3A_369 = tpu.vector_load %arg6[%get3A_367, %get3A_368] {strides = array<i32>} : memref<16x768xf32, #tpu.memory_space<vmem>>, vector<1x16xf32>,
      %get3A_370 = vector.shape_cast %get3A_369 : vector<1x16xf32> to vector<16xf32>
      %get3A_371 = arith.constant 5 : i32
      %get3A_372 = arith.index_cast %get3A_371 : i32 to index
      %get3A_373 = arith.index_cast %mul3A_242 : i32 to index
      %get3A_374 = tpu.vector_load %arg8[%get3A_372, %get3A_373] {strides = array<i32>} : memref<16x768xf32, #tpu.memory_space<vmem>>, vector<1x16xf32>,
      %get3A_375 = vector.shape_cast %get3A_374 : vector<1x16xf32> to vector<16xf32>
      %select_n3A_376 = arith.select %lt3A_246, %get3A_375, %get3A_370 : vector<16xi1>, vector<16xf32>
      %swap3A_377 = arith.constant 5 : i32
      %swap3A_378 = arith.index_cast %swap3A_377 : i32 to index
      %swap3A_379 = arith.index_cast %mul3A_242 : i32 to index
      %swap3A_380 = tpu.vector_load %arg10[%swap3A_378, %swap3A_379] {strides = array<i32>} : memref<16x768xf32, #tpu.memory_space<vmem>>, vector<1x16xf32>,
      %swap3A_381 = vector.shape_cast %swap3A_380 : vector<1x16xf32> to vector<16xf32>
      %swap3A_382 = vector.shape_cast %select_n3A_376 : vector<16xf32> to vector<1x16xf32>
      tpu.vector_store %arg10[%swap3A_378, %swap3A_379], %swap3A_382 {strides = array<i32>} : memref<16x768xf32, #tpu.memory_space<vmem>>, vector<1x16xf32>,
      %select_n3A_383 = arith.select %lt3A_246, %get3A_370, %get3A_375 : vector<16xi1>, vector<16xf32>
      %swap3A_384 = arith.constant 5 : i32
      %swap3A_385 = arith.index_cast %swap3A_384 : i32 to index
      %swap3A_386 = arith.index_cast %mul3A_242 : i32 to index
      %swap3A_387 = tpu.vector_load %arg12[%swap3A_385, %swap3A_386] {strides = array<i32>} : memref<16x768xf32, #tpu.memory_space<vmem>>, vector<1x16xf32>,
      %swap3A_388 = vector.shape_cast %swap3A_387 : vector<1x16xf32> to vector<16xf32>
      %swap3A_389 = vector.shape_cast %select_n3A_383 : vector<16xf32> to vector<1x16xf32>
      tpu.vector_store %arg12[%swap3A_385, %swap3A_386], %swap3A_389 {strides = array<i32>} : memref<16x768xf32, #tpu.memory_space<vmem>>, vector<1x16xf32>,
      %get3A_390 = arith.constant 6 : i32
      %get3A_391 = arith.index_cast %get3A_390 : i32 to index
      %get3A_392 = arith.index_cast %mul3A_242 : i32 to index
      %get3A_393 = tpu.vector_load %arg6[%get3A_391, %get3A_392] {strides = array<i32>} : memref<16x768xf32, #tpu.memory_space<vmem>>, vector<1x16xf32>,
      %get3A_394 = vector.shape_cast %get3A_393 : vector<1x16xf32> to vector<16xf32>
      %get3A_395 = arith.constant 6 : i32
      %get3A_396 = arith.index_cast %get3A_395 : i32 to index
      %get3A_397 = arith.index_cast %mul3A_242 : i32 to index
      %get3A_398 = tpu.vector_load %arg8[%get3A_396, %get3A_397] {strides = array<i32>} : memref<16x768xf32, #tpu.memory_space<vmem>>, vector<1x16xf32>,
      %get3A_399 = vector.shape_cast %get3A_398 : vector<1x16xf32> to vector<16xf32>
      %select_n3A_400 = arith.select %lt3A_246, %get3A_399, %get3A_394 : vector<16xi1>, vector<16xf32>
      %swap3A_401 = arith.constant 6 : i32
      %swap3A_402 = arith.index_cast %swap3A_401 : i32 to index
      %swap3A_403 = arith.index_cast %mul3A_242 : i32 to index
      %swap3A_404 = tpu.vector_load %arg10[%swap3A_402, %swap3A_403] {strides = array<i32>} : memref<16x768xf32, #tpu.memory_space<vmem>>, vector<1x16xf32>,
      %swap3A_405 = vector.shape_cast %swap3A_404 : vector<1x16xf32> to vector<16xf32>
      %swap3A_406 = vector.shape_cast %select_n3A_400 : vector<16xf32> to vector<1x16xf32>
      tpu.vector_store %arg10[%swap3A_402, %swap3A_403], %swap3A_406 {strides = array<i32>} : memref<16x768xf32, #tpu.memory_space<vmem>>, vector<1x16xf32>,
      %select_n3A_407 = arith.select %lt3A_246, %get3A_394, %get3A_399 : vector<16xi1>, vector<16xf32>
      %swap3A_408 = arith.constant 6 : i32
      %swap3A_409 = arith.index_cast %swap3A_408 : i32 to index
      %swap3A_410 = arith.index_cast %mul3A_242 : i32 to index
      %swap3A_411 = tpu.vector_load %arg12[%swap3A_409, %swap3A_410] {strides = array<i32>} : memref<16x768xf32, #tpu.memory_space<vmem>>, vector<1x16xf32>,
      %swap3A_412 = vector.shape_cast %swap3A_411 : vector<1x16xf32> to vector<16xf32>
      %swap3A_413 = vector.shape_cast %select_n3A_407 : vector<16xf32> to vector<1x16xf32>
      tpu.vector_store %arg12[%swap3A_409, %swap3A_410], %swap3A_413 {strides = array<i32>} : memref<16x768xf32, #tpu.memory_space<vmem>>, vector<1x16xf32>,
      %get3A_414 = arith.constant 7 : i32
      %get3A_415 = arith.index_cast %get3A_414 : i32 to index
      %get3A_416 = arith.index_cast %mul3A_242 : i32 to index
      %get3A_417 = tpu.vector_load %arg6[%get3A_415, %get3A_416] {strides = array<i32>} : memref<16x768xf32, #tpu.memory_space<vmem>>, vector<1x16xf32>,
      %get3A_418 = vector.shape_cast %get3A_417 : vector<1x16xf32> to vector<16xf32>
      %get3A_419 = arith.constant 7 : i32
      %get3A_420 = arith.index_cast %get3A_419 : i32 to index
      %get3A_421 = arith.index_cast %mul3A_242 : i32 to index
      %get3A_422 = tpu.vector_load %arg8[%get3A_420, %get3A_421] {strides = array<i32>} : memref<16x768xf32, #tpu.memory_space<vmem>>, vector<1x16xf32>,
      %get3A_423 = vector.shape_cast %get3A_422 : vector<1x16xf32> to vector<16xf32>
      %select_n3A_424 = arith.select %lt3A_246, %get3A_423, %get3A_418 : vector<16xi1>, vector<16xf32>
      %swap3A_425 = arith.constant 7 : i32
      %swap3A_426 = arith.index_cast %swap3A_425 : i32 to index
      %swap3A_427 = arith.index_cast %mul3A_242 : i32 to index
      %swap3A_428 = tpu.vector_load %arg10[%swap3A_426, %swap3A_427] {strides = array<i32>} : memref<16x768xf32, #tpu.memory_space<vmem>>, vector<1x16xf32>,
      %swap3A_429 = vector.shape_cast %swap3A_428 : vector<1x16xf32> to vector<16xf32>
      %swap3A_430 = vector.shape_cast %select_n3A_424 : vector<16xf32> to vector<1x16xf32>
      tpu.vector_store %arg10[%swap3A_426, %swap3A_427], %swap3A_430 {strides = array<i32>} : memref<16x768xf32, #tpu.memory_space<vmem>>, vector<1x16xf32>,
      %select_n3A_431 = arith.select %lt3A_246, %get3A_418, %get3A_423 : vector<16xi1>, vector<16xf32>
      %swap3A_432 = arith.constant 7 : i32
      %swap3A_433 = arith.index_cast %swap3A_432 : i32 to index
      %swap3A_434 = arith.index_cast %mul3A_242 : i32 to index
      %swap3A_435 = tpu.vector_load %arg12[%swap3A_433, %swap3A_434] {strides = array<i32>} : memref<16x768xf32, #tpu.memory_space<vmem>>, vector<1x16xf32>,
      %swap3A_436 = vector.shape_cast %swap3A_435 : vector<1x16xf32> to vector<16xf32>
      %swap3A_437 = vector.shape_cast %select_n3A_431 : vector<16xf32> to vector<1x16xf32>
      tpu.vector_store %arg12[%swap3A_433, %swap3A_434], %swap3A_437 {strides = array<i32>} : memref<16x768xf32, #tpu.memory_space<vmem>>, vector<1x16xf32>,
      %get3A_438 = arith.constant 8 : i32
      %get3A_439 = arith.index_cast %get3A_438 : i32 to index
      %get3A_440 = arith.index_cast %mul3A_242 : i32 to index
      %get3A_441 = tpu.vector_load %arg6[%get3A_439, %get3A_440] {strides = array<i32>} : memref<16x768xf32, #tpu.memory_space<vmem>>, vector<1x16xf32>,
      %get3A_442 = vector.shape_cast %get3A_441 : vector<1x16xf32> to vector<16xf32>
      %get3A_443 = arith.constant 8 : i32
      %get3A_444 = arith.index_cast %get3A_443 : i32 to index
      %get3A_445 = arith.index_cast %mul3A_242 : i32 to index
      %get3A_446 = tpu.vector_load %arg8[%get3A_444, %get3A_445] {strides = array<i32>} : memref<16x768xf32, #tpu.memory_space<vmem>>, vector<1x16xf32>,
      %get3A_447 = vector.shape_cast %get3A_446 : vector<1x16xf32> to vector<16xf32>
      %select_n3A_448 = arith.select %lt3A_246, %get3A_447, %get3A_442 : vector<16xi1>, vector<16xf32>
      %swap3A_449 = arith.constant 8 : i32
      %swap3A_450 = arith.index_cast %swap3A_449 : i32 to index
      %swap3A_451 = arith.index_cast %mul3A_242 : i32 to index
      %swap3A_452 = tpu.vector_load %arg10[%swap3A_450, %swap3A_451] {strides = array<i32>} : memref<16x768xf32, #tpu.memory_space<vmem>>, vector<1x16xf32>,
      %swap3A_453 = vector.shape_cast %swap3A_452 : vector<1x16xf32> to vector<16xf32>
      %swap3A_454 = vector.shape_cast %select_n3A_448 : vector<16xf32> to vector<1x16xf32>
      tpu.vector_store %arg10[%swap3A_450, %swap3A_451], %swap3A_454 {strides = array<i32>} : memref<16x768xf32, #tpu.memory_space<vmem>>, vector<1x16xf32>,
      %select_n3A_455 = arith.select %lt3A_246, %get3A_442, %get3A_447 : vector<16xi1>, vector<16xf32>
      %swap3A_456 = arith.constant 8 : i32
      %swap3A_457 = arith.index_cast %swap3A_456 : i32 to index
      %swap3A_458 = arith.index_cast %mul3A_242 : i32 to index
      %swap3A_459 = tpu.vector_load %arg12[%swap3A_457, %swap3A_458] {strides = array<i32>} : memref<16x768xf32, #tpu.memory_space<vmem>>, vector<1x16xf32>,
      %swap3A_460 = vector.shape_cast %swap3A_459 : vector<1x16xf32> to vector<16xf32>
      %swap3A_461 = vector.shape_cast %select_n3A_455 : vector<16xf32> to vector<1x16xf32>
      tpu.vector_store %arg12[%swap3A_457, %swap3A_458], %swap3A_461 {strides = array<i32>} : memref<16x768xf32, #tpu.memory_space<vmem>>, vector<1x16xf32>,
      %get3A_462 = arith.constant 9 : i32
      %get3A_463 = arith.index_cast %get3A_462 : i32 to index
      %get3A_464 = arith.index_cast %mul3A_242 : i32 to index
      %get3A_465 = tpu.vector_load %arg6[%get3A_463, %get3A_464] {strides = array<i32>} : memref<16x768xf32, #tpu.memory_space<vmem>>, vector<1x16xf32>,
      %get3A_466 = vector.shape_cast %get3A_465 : vector<1x16xf32> to vector<16xf32>
      %get3A_467 = arith.constant 9 : i32
      %get3A_468 = arith.index_cast %get3A_467 : i32 to index
      %get3A_469 = arith.index_cast %mul3A_242 : i32 to index
      %get3A_470 = tpu.vector_load %arg8[%get3A_468, %get3A_469] {strides = array<i32>} : memref<16x768xf32, #tpu.memory_space<vmem>>, vector<1x16xf32>,
      %get3A_471 = vector.shape_cast %get3A_470 : vector<1x16xf32> to vector<16xf32>
      %select_n3A_472 = arith.select %lt3A_246, %get3A_471, %get3A_466 : vector<16xi1>, vector<16xf32>
      %swap3A_473 = arith.constant 9 : i32
      %swap3A_474 = arith.index_cast %swap3A_473 : i32 to index
      %swap3A_475 = arith.index_cast %mul3A_242 : i32 to index
      %swap3A_476 = tpu.vector_load %arg10[%swap3A_474, %swap3A_475] {strides = array<i32>} : memref<16x768xf32, #tpu.memory_space<vmem>>, vector<1x16xf32>,
      %swap3A_477 = vector.shape_cast %swap3A_476 : vector<1x16xf32> to vector<16xf32>
      %swap3A_478 = vector.shape_cast %select_n3A_472 : vector<16xf32> to vector<1x16xf32>
      tpu.vector_store %arg10[%swap3A_474, %swap3A_475], %swap3A_478 {strides = array<i32>} : memref<16x768xf32, #tpu.memory_space<vmem>>, vector<1x16xf32>,
      %select_n3A_479 = arith.select %lt3A_246, %get3A_466, %get3A_471 : vector<16xi1>, vector<16xf32>
      %swap3A_480 = arith.constant 9 : i32
      %swap3A_481 = arith.index_cast %swap3A_480 : i32 to index
      %swap3A_482 = arith.index_cast %mul3A_242 : i32 to index
      %swap3A_483 = tpu.vector_load %arg12[%swap3A_481, %swap3A_482] {strides = array<i32>} : memref<16x768xf32, #tpu.memory_space<vmem>>, vector<1x16xf32>,
      %swap3A_484 = vector.shape_cast %swap3A_483 : vector<1x16xf32> to vector<16xf32>
      %swap3A_485 = vector.shape_cast %select_n3A_479 : vector<16xf32> to vector<1x16xf32>
      tpu.vector_store %arg12[%swap3A_481, %swap3A_482], %swap3A_485 {strides = array<i32>} : memref<16x768xf32, #tpu.memory_space<vmem>>, vector<1x16xf32>,
      %get3A_486 = arith.constant 10 : i32
      %get3A_487 = arith.index_cast %get3A_486 : i32 to index
      %get3A_488 = arith.index_cast %mul3A_242 : i32 to index
      %get3A_489 = tpu.vector_load %arg6[%get3A_487, %get3A_488] {strides = array<i32>} : memref<16x768xf32, #tpu.memory_space<vmem>>, vector<1x16xf32>,
      %get3A_490 = vector.shape_cast %get3A_489 : vector<1x16xf32> to vector<16xf32>
      %get3A_491 = arith.constant 10 : i32
      %get3A_492 = arith.index_cast %get3A_491 : i32 to index
      %get3A_493 = arith.index_cast %mul3A_242 : i32 to index
      %get3A_494 = tpu.vector_load %arg8[%get3A_492, %get3A_493] {strides = array<i32>} : memref<16x768xf32, #tpu.memory_space<vmem>>, vector<1x16xf32>,
      %get3A_495 = vector.shape_cast %get3A_494 : vector<1x16xf32> to vector<16xf32>
      %select_n3A_496 = arith.select %lt3A_246, %get3A_495, %get3A_490 : vector<16xi1>, vector<16xf32>
      %swap3A_497 = arith.constant 10 : i32
      %swap3A_498 = arith.index_cast %swap3A_497 : i32 to index
      %swap3A_499 = arith.index_cast %mul3A_242 : i32 to index
      %swap3A_500 = tpu.vector_load %arg10[%swap3A_498, %swap3A_499] {strides = array<i32>} : memref<16x768xf32, #tpu.memory_space<vmem>>, vector<1x16xf32>,
      %swap3A_501 = vector.shape_cast %swap3A_500 : vector<1x16xf32> to vector<16xf32>
      %swap3A_502 = vector.shape_cast %select_n3A_496 : vector<16xf32> to vector<1x16xf32>
      tpu.vector_store %arg10[%swap3A_498, %swap3A_499], %swap3A_502 {strides = array<i32>} : memref<16x768xf32, #tpu.memory_space<vmem>>, vector<1x16xf32>,
      %select_n3A_503 = arith.select %lt3A_246, %get3A_490, %get3A_495 : vector<16xi1>, vector<16xf32>
      %swap3A_504 = arith.constant 10 : i32
      %swap3A_505 = arith.index_cast %swap3A_504 : i32 to index
      %swap3A_506 = arith.index_cast %mul3A_242 : i32 to index
      %swap3A_507 = tpu.vector_load %arg12[%swap3A_505, %swap3A_506] {strides = array<i32>} : memref<16x768xf32, #tpu.memory_space<vmem>>, vector<1x16xf32>,
      %swap3A_508 = vector.shape_cast %swap3A_507 : vector<1x16xf32> to vector<16xf32>
      %swap3A_509 = vector.shape_cast %select_n3A_503 : vector<16xf32> to vector<1x16xf32>
      tpu.vector_store %arg12[%swap3A_505, %swap3A_506], %swap3A_509 {strides = array<i32>} : memref<16x768xf32, #tpu.memory_space<vmem>>, vector<1x16xf32>,
      %get3A_510 = arith.constant 11 : i32
      %get3A_511 = arith.index_cast %get3A_510 : i32 to index
      %get3A_512 = arith.index_cast %mul3A_242 : i32 to index
      %get3A_513 = tpu.vector_load %arg6[%get3A_511, %get3A_512] {strides = array<i32>} : memref<16x768xf32, #tpu.memory_space<vmem>>, vector<1x16xf32>,
      %get3A_514 = vector.shape_cast %get3A_513 : vector<1x16xf32> to vector<16xf32>
      %get3A_515 = arith.constant 11 : i32
      %get3A_516 = arith.index_cast %get3A_515 : i32 to index
      %get3A_517 = arith.index_cast %mul3A_242 : i32 to index
      %get3A_518 = tpu.vector_load %arg8[%get3A_516, %get3A_517] {strides = array<i32>} : memref<16x768xf32, #tpu.memory_space<vmem>>, vector<1x16xf32>,
      %get3A_519 = vector.shape_cast %get3A_518 : vector<1x16xf32> to vector<16xf32>
      %select_n3A_520 = arith.select %lt3A_246, %get3A_519, %get3A_514 : vector<16xi1>, vector<16xf32>
      %swap3A_521 = arith.constant 11 : i32
      %swap3A_522 = arith.index_cast %swap3A_521 : i32 to index
      %swap3A_523 = arith.index_cast %mul3A_242 : i32 to index
      %swap3A_524 = tpu.vector_load %arg10[%swap3A_522, %swap3A_523] {strides = array<i32>} : memref<16x768xf32, #tpu.memory_space<vmem>>, vector<1x16xf32>,
      %swap3A_525 = vector.shape_cast %swap3A_524 : vector<1x16xf32> to vector<16xf32>
      %swap3A_526 = vector.shape_cast %select_n3A_520 : vector<16xf32> to vector<1x16xf32>
      tpu.vector_store %arg10[%swap3A_522, %swap3A_523], %swap3A_526 {strides = array<i32>} : memref<16x768xf32, #tpu.memory_space<vmem>>, vector<1x16xf32>,
      %select_n3A_527 = arith.select %lt3A_246, %get3A_514, %get3A_519 : vector<16xi1>, vector<16xf32>
      %swap3A_528 = arith.constant 11 : i32
      %swap3A_529 = arith.index_cast %swap3A_528 : i32 to index
      %swap3A_530 = arith.index_cast %mul3A_242 : i32 to index
      %swap3A_531 = tpu.vector_load %arg12[%swap3A_529, %swap3A_530] {strides = array<i32>} : memref<16x768xf32, #tpu.memory_space<vmem>>, vector<1x16xf32>,
      %swap3A_532 = vector.shape_cast %swap3A_531 : vector<1x16xf32> to vector<16xf32>
      %swap3A_533 = vector.shape_cast %select_n3A_527 : vector<16xf32> to vector<1x16xf32>
      tpu.vector_store %arg12[%swap3A_529, %swap3A_530], %swap3A_533 {strides = array<i32>} : memref<16x768xf32, #tpu.memory_space<vmem>>, vector<1x16xf32>,
      %get3A_534 = arith.constant 12 : i32
      %get3A_535 = arith.index_cast %get3A_534 : i32 to index
      %get3A_536 = arith.index_cast %mul3A_242 : i32 to index
      %get3A_537 = tpu.vector_load %arg6[%get3A_535, %get3A_536] {strides = array<i32>} : memref<16x768xf32, #tpu.memory_space<vmem>>, vector<1x16xf32>,
      %get3A_538 = vector.shape_cast %get3A_537 : vector<1x16xf32> to vector<16xf32>
      %get3A_539 = arith.constant 12 : i32
      %get3A_540 = arith.index_cast %get3A_539 : i32 to index
      %get3A_541 = arith.index_cast %mul3A_242 : i32 to index
      %get3A_542 = tpu.vector_load %arg8[%get3A_540, %get3A_541] {strides = array<i32>} : memref<16x768xf32, #tpu.memory_space<vmem>>, vector<1x16xf32>,
      %get3A_543 = vector.shape_cast %get3A_542 : vector<1x16xf32> to vector<16xf32>
      %select_n3A_544 = arith.select %lt3A_246, %get3A_543, %get3A_538 : vector<16xi1>, vector<16xf32>
      %swap3A_545 = arith.constant 12 : i32
      %swap3A_546 = arith.index_cast %swap3A_545 : i32 to index
      %swap3A_547 = arith.index_cast %mul3A_242 : i32 to index
      %swap3A_548 = tpu.vector_load %arg10[%swap3A_546, %swap3A_547] {strides = array<i32>} : memref<16x768xf32, #tpu.memory_space<vmem>>, vector<1x16xf32>,
      %swap3A_549 = vector.shape_cast %swap3A_548 : vector<1x16xf32> to vector<16xf32>
      %swap3A_550 = vector.shape_cast %select_n3A_544 : vector<16xf32> to vector<1x16xf32>
      tpu.vector_store %arg10[%swap3A_546, %swap3A_547], %swap3A_550 {strides = array<i32>} : memref<16x768xf32, #tpu.memory_space<vmem>>, vector<1x16xf32>,
      %select_n3A_551 = arith.select %lt3A_246, %get3A_538, %get3A_543 : vector<16xi1>, vector<16xf32>
      %swap3A_552 = arith.constant 12 : i32
      %swap3A_553 = arith.index_cast %swap3A_552 : i32 to index
      %swap3A_554 = arith.index_cast %mul3A_242 : i32 to index
      %swap3A_555 = tpu.vector_load %arg12[%swap3A_553, %swap3A_554] {strides = array<i32>} : memref<16x768xf32, #tpu.memory_space<vmem>>, vector<1x16xf32>,
      %swap3A_556 = vector.shape_cast %swap3A_555 : vector<1x16xf32> to vector<16xf32>
      %swap3A_557 = vector.shape_cast %select_n3A_551 : vector<16xf32> to vector<1x16xf32>
      tpu.vector_store %arg12[%swap3A_553, %swap3A_554], %swap3A_557 {strides = array<i32>} : memref<16x768xf32, #tpu.memory_space<vmem>>, vector<1x16xf32>,
      %get3A_558 = arith.constant 13 : i32
      %get3A_559 = arith.index_cast %get3A_558 : i32 to index
      %get3A_560 = arith.index_cast %mul3A_242 : i32 to index
      %get3A_561 = tpu.vector_load %arg6[%get3A_559, %get3A_560] {strides = array<i32>} : memref<16x768xf32, #tpu.memory_space<vmem>>, vector<1x16xf32>,
      %get3A_562 = vector.shape_cast %get3A_561 : vector<1x16xf32> to vector<16xf32>
      %get3A_563 = arith.constant 13 : i32
      %get3A_564 = arith.index_cast %get3A_563 : i32 to index
      %get3A_565 = arith.index_cast %mul3A_242 : i32 to index
      %get3A_566 = tpu.vector_load %arg8[%get3A_564, %get3A_565] {strides = array<i32>} : memref<16x768xf32, #tpu.memory_space<vmem>>, vector<1x16xf32>,
      %get3A_567 = vector.shape_cast %get3A_566 : vector<1x16xf32> to vector<16xf32>
      %select_n3A_568 = arith.select %lt3A_246, %get3A_567, %get3A_562 : vector<16xi1>, vector<16xf32>
      %swap3A_569 = arith.constant 13 : i32
      %swap3A_570 = arith.index_cast %swap3A_569 : i32 to index
      %swap3A_571 = arith.index_cast %mul3A_242 : i32 to index
      %swap3A_572 = tpu.vector_load %arg10[%swap3A_570, %swap3A_571] {strides = array<i32>} : memref<16x768xf32, #tpu.memory_space<vmem>>, vector<1x16xf32>,
      %swap3A_573 = vector.shape_cast %swap3A_572 : vector<1x16xf32> to vector<16xf32>
      %swap3A_574 = vector.shape_cast %select_n3A_568 : vector<16xf32> to vector<1x16xf32>
      tpu.vector_store %arg10[%swap3A_570, %swap3A_571], %swap3A_574 {strides = array<i32>} : memref<16x768xf32, #tpu.memory_space<vmem>>, vector<1x16xf32>,
      %select_n3A_575 = arith.select %lt3A_246, %get3A_562, %get3A_567 : vector<16xi1>, vector<16xf32>
      %swap3A_576 = arith.constant 13 : i32
      %swap3A_577 = arith.index_cast %swap3A_576 : i32 to index
      %swap3A_578 = arith.index_cast %mul3A_242 : i32 to index
      %swap3A_579 = tpu.vector_load %arg12[%swap3A_577, %swap3A_578] {strides = array<i32>} : memref<16x768xf32, #tpu.memory_space<vmem>>, vector<1x16xf32>,
      %swap3A_580 = vector.shape_cast %swap3A_579 : vector<1x16xf32> to vector<16xf32>
      %swap3A_581 = vector.shape_cast %select_n3A_575 : vector<16xf32> to vector<1x16xf32>
      tpu.vector_store %arg12[%swap3A_577, %swap3A_578], %swap3A_581 {strides = array<i32>} : memref<16x768xf32, #tpu.memory_space<vmem>>, vector<1x16xf32>,
      %get3A_582 = arith.constant 14 : i32
      %get3A_583 = arith.index_cast %get3A_582 : i32 to index
      %get3A_584 = arith.index_cast %mul3A_242 : i32 to index
      %get3A_585 = tpu.vector_load %arg6[%get3A_583, %get3A_584] {strides = array<i32>} : memref<16x768xf32, #tpu.memory_space<vmem>>, vector<1x16xf32>,
      %get3A_586 = vector.shape_cast %get3A_585 : vector<1x16xf32> to vector<16xf32>
      %get3A_587 = arith.constant 14 : i32
      %get3A_588 = arith.index_cast %get3A_587 : i32 to index
      %get3A_589 = arith.index_cast %mul3A_242 : i32 to index
      %get3A_590 = tpu.vector_load %arg8[%get3A_588, %get3A_589] {strides = array<i32>} : memref<16x768xf32, #tpu.memory_space<vmem>>, vector<1x16xf32>,
      %get3A_591 = vector.shape_cast %get3A_590 : vector<1x16xf32> to vector<16xf32>
      %select_n3A_592 = arith.select %lt3A_246, %get3A_591, %get3A_586 : vector<16xi1>, vector<16xf32>
      %swap3A_593 = arith.constant 14 : i32
      %swap3A_594 = arith.index_cast %swap3A_593 : i32 to index
      %swap3A_595 = arith.index_cast %mul3A_242 : i32 to index
      %swap3A_596 = tpu.vector_load %arg10[%swap3A_594, %swap3A_595] {strides = array<i32>} : memref<16x768xf32, #tpu.memory_space<vmem>>, vector<1x16xf32>,
      %swap3A_597 = vector.shape_cast %swap3A_596 : vector<1x16xf32> to vector<16xf32>
      %swap3A_598 = vector.shape_cast %select_n3A_592 : vector<16xf32> to vector<1x16xf32>
      tpu.vector_store %arg10[%swap3A_594, %swap3A_595], %swap3A_598 {strides = array<i32>} : memref<16x768xf32, #tpu.memory_space<vmem>>, vector<1x16xf32>,
      %select_n3A_599 = arith.select %lt3A_246, %get3A_586, %get3A_591 : vector<16xi1>, vector<16xf32>
      %swap3A_600 = arith.constant 14 : i32
      %swap3A_601 = arith.index_cast %swap3A_600 : i32 to index
      %swap3A_602 = arith.index_cast %mul3A_242 : i32 to index
      %swap3A_603 = tpu.vector_load %arg12[%swap3A_601, %swap3A_602] {strides = array<i32>} : memref<16x768xf32, #tpu.memory_space<vmem>>, vector<1x16xf32>,
      %swap3A_604 = vector.shape_cast %swap3A_603 : vector<1x16xf32> to vector<16xf32>
      %swap3A_605 = vector.shape_cast %select_n3A_599 : vector<16xf32> to vector<1x16xf32>
      tpu.vector_store %arg12[%swap3A_601, %swap3A_602], %swap3A_605 {strides = array<i32>} : memref<16x768xf32, #tpu.memory_space<vmem>>, vector<1x16xf32>,
      %get3A_606 = arith.constant 15 : i32
      %get3A_607 = arith.index_cast %get3A_606 : i32 to index
      %get3A_608 = arith.index_cast %mul3A_242 : i32 to index
      %get3A_609 = tpu.vector_load %arg6[%get3A_607, %get3A_608] {strides = array<i32>} : memref<16x768xf32, #tpu.memory_space<vmem>>, vector<1x16xf32>,
      %get3A_610 = vector.shape_cast %get3A_609 : vector<1x16xf32> to vector<16xf32>
      %get3A_611 = arith.constant 15 : i32
      %get3A_612 = arith.index_cast %get3A_611 : i32 to index
      %get3A_613 = arith.index_cast %mul3A_242 : i32 to index
      %get3A_614 = tpu.vector_load %arg8[%get3A_612, %get3A_613] {strides = array<i32>} : memref<16x768xf32, #tpu.memory_space<vmem>>, vector<1x16xf32>,
      %get3A_615 = vector.shape_cast %get3A_614 : vector<1x16xf32> to vector<16xf32>
      %select_n3A_616 = arith.select %lt3A_246, %get3A_615, %get3A_610 : vector<16xi1>, vector<16xf32>
      %swap3A_617 = arith.constant 15 : i32
      %swap3A_618 = arith.index_cast %swap3A_617 : i32 to index
      %swap3A_619 = arith.index_cast %mul3A_242 : i32 to index
      %swap3A_620 = tpu.vector_load %arg10[%swap3A_618, %swap3A_619] {strides = array<i32>} : memref<16x768xf32, #tpu.memory_space<vmem>>, vector<1x16xf32>,
      %swap3A_621 = vector.shape_cast %swap3A_620 : vector<1x16xf32> to vector<16xf32>
      %swap3A_622 = vector.shape_cast %select_n3A_616 : vector<16xf32> to vector<1x16xf32>
      tpu.vector_store %arg10[%swap3A_618, %swap3A_619], %swap3A_622 {strides = array<i32>} : memref<16x768xf32, #tpu.memory_space<vmem>>, vector<1x16xf32>,
      %select_n3A_623 = arith.select %lt3A_246, %get3A_610, %get3A_615 : vector<16xi1>, vector<16xf32>
      %swap3A_624 = arith.constant 15 : i32
      %swap3A_625 = arith.index_cast %swap3A_624 : i32 to index
      %swap3A_626 = arith.index_cast %mul3A_242 : i32 to index
      %swap3A_627 = tpu.vector_load %arg12[%swap3A_625, %swap3A_626] {strides = array<i32>} : memref<16x768xf32, #tpu.memory_space<vmem>>, vector<1x16xf32>,
      %swap3A_628 = vector.shape_cast %swap3A_627 : vector<1x16xf32> to vector<16xf32>
      %swap3A_629 = vector.shape_cast %select_n3A_623 : vector<16xf32> to vector<1x16xf32>
      tpu.vector_store %arg12[%swap3A_625, %swap3A_626], %swap3A_629 {strides = array<i32>} : memref<16x768xf32, #tpu.memory_space<vmem>>, vector<1x16xf32>,
    }
    %scan3A_161 = arith.constant 48 : i32
    %add3A_162 = arith.constant 256 : i32
    %add3A_163 = arith.addi %mul3A_2, %add3A_162 : i32
    %dma_start3A_164 = arith.constant 0 : i32
    %dma_start3A_165 = tpu.memref_slice %arg4[%add3A_163, %dma_start3A_164] : memref<18432x768xf32, #tpu.memory_space<hbm>> -> memref<16x768xf32, #tpu.memory_space<hbm>>
    %dma_start3A_166 = arith.constant 0 : i32
    %dma_start3A_167 = tpu.memref_slice %arg4[%add3A_163, %dma_start3A_166] : memref<18432x768xf32, #tpu.memory_space<hbm>> -> memref<16x768xf32, #tpu.memory_space<hbm>>
    tpu.enqueue_dma source(%arg10 : memref<16x768xf32, #tpu.memory_space<vmem>>) target(%dma_start3A_167 : memref<16x768xf32, #tpu.memory_space<hbm>>) target_semaphore(%arg18 : memref<!tpu.dma_semaphore, #tpu.memory_space<semaphore_mem>>)
    %add3A_168 = arith.constant 9216 : i32
    %add3A_169 = arith.addi %add3A_163, %add3A_168 : i32
    %dma_start3A_170 = arith.constant 0 : i32
    %dma_start3A_171 = tpu.memref_slice %arg4[%add3A_169, %dma_start3A_170] : memref<18432x768xf32, #tpu.memory_space<hbm>> -> memref<16x768xf32, #tpu.memory_space<hbm>>
    %dma_start3A_172 = arith.constant 0 : i32
    %dma_start3A_173 = tpu.memref_slice %arg4[%add3A_169, %dma_start3A_172] : memref<18432x768xf32, #tpu.memory_space<hbm>> -> memref<16x768xf32, #tpu.memory_space<hbm>>
    tpu.enqueue_dma source(%arg12 : memref<16x768xf32, #tpu.memory_space<vmem>>) target(%dma_start3A_173 : memref<16x768xf32, #tpu.memory_space<hbm>>) target_semaphore(%arg20 : memref<!tpu.dma_semaphore, #tpu.memory_space<semaphore_mem>>)
    %dma_wait3A_174 = arith.constant 0 : i32
    %dma_wait3A_175 = arith.constant 0 : i32
    %dma_wait3A_176 = tpu.memref_slice %arg3[%dma_wait3A_174, %dma_wait3A_175] : memref<18432x768xf32, #tpu.memory_space<hbm>> -> memref<16x768xf32, #tpu.memory_space<hbm>>
    %dma_wait3A_177 = arith.constant 0 : i32
    %dma_wait3A_178 = arith.constant 0 : i32
    %dma_wait3A_179 = tpu.memref_slice %arg3[%dma_wait3A_177, %dma_wait3A_178] : memref<18432x768xf32, #tpu.memory_space<hbm>> -> memref<16x768xf32, #tpu.memory_space<hbm>>
    tpu.wait_dma2 semaphore(%arg15 : memref<!tpu.dma_semaphore, #tpu.memory_space<semaphore_mem>>) src(%dma_wait3A_179 : memref<16x768xf32, #tpu.memory_space<hbm>>) dst(%arg7 : memref<16x768xf32, #tpu.memory_space<vmem>>)
    %dma_wait3A_180 = arith.constant 0 : i32
    %dma_wait3A_181 = arith.constant 0 : i32
    %dma_wait3A_182 = tpu.memref_slice %arg3[%dma_wait3A_180, %dma_wait3A_181] : memref<18432x768xf32, #tpu.memory_space<hbm>> -> memref<16x768xf32, #tpu.memory_space<hbm>>
    %dma_wait3A_183 = arith.constant 0 : i32
    %dma_wait3A_184 = arith.constant 0 : i32
    %dma_wait3A_185 = tpu.memref_slice %arg3[%dma_wait3A_183, %dma_wait3A_184] : memref<18432x768xf32, #tpu.memory_space<hbm>> -> memref<16x768xf32, #tpu.memory_space<hbm>>
    tpu.wait_dma2 semaphore(%arg17 : memref<!tpu.dma_semaphore, #tpu.memory_space<semaphore_mem>>) src(%dma_wait3A_185 : memref<16x768xf32, #tpu.memory_space<hbm>>) dst(%arg9 : memref<16x768xf32, #tpu.memory_space<vmem>>)
    %dma_wait3A_186 = arith.constant 0 : i32
    %dma_wait3A_187 = arith.constant 0 : i32
    %dma_wait3A_188 = tpu.memref_slice %arg4[%dma_wait3A_186, %dma_wait3A_187] : memref<18432x768xf32, #tpu.memory_space<hbm>> -> memref<16x768xf32, #tpu.memory_space<hbm>>
    %dma_wait3A_189 = arith.constant 0 : i32
    %dma_wait3A_190 = arith.constant 0 : i32
    %dma_wait3A_191 = tpu.memref_slice %arg4[%dma_wait3A_189, %dma_wait3A_190] : memref<18432x768xf32, #tpu.memory_space<hbm>> -> memref<16x768xf32, #tpu.memory_space<hbm>>
    tpu.wait_dma2 semaphore(%arg19 : memref<!tpu.dma_semaphore, #tpu.memory_space<semaphore_mem>>) src(%arg11 : memref<16x768xf32, #tpu.memory_space<vmem>>) dst(%dma_wait3A_191 : memref<16x768xf32, #tpu.memory_space<hbm>>)
    %dma_wait3A_192 = arith.constant 0 : i32
    %dma_wait3A_193 = arith.constant 0 : i32
    %dma_wait3A_194 = tpu.memref_slice %arg4[%dma_wait3A_192, %dma_wait3A_193] : memref<18432x768xf32, #tpu.memory_space<hbm>> -> memref<16x768xf32, #tpu.memory_space<hbm>>
    %dma_wait3A_195 = arith.constant 0 : i32
    %dma_wait3A_196 = arith.constant 0 : i32
    %dma_wait3A_197 = tpu.memref_slice %arg4[%dma_wait3A_195, %dma_wait3A_196] : memref<18432x768xf32, #tpu.memory_space<hbm>> -> memref<16x768xf32, #tpu.memory_space<hbm>>
    tpu.wait_dma2 semaphore(%arg21 : memref<!tpu.dma_semaphore, #tpu.memory_space<semaphore_mem>>) src(%arg13 : memref<16x768xf32, #tpu.memory_space<vmem>>) dst(%dma_wait3A_197 : memref<16x768xf32, #tpu.memory_space<hbm>>)
    %scan3A_198 = arith.constant 0 : i32
    %scan3A_199 = arith.constant 0 : i32
    %scan3A_200 = arith.constant 48 : i32
    %scan3A_201 = arith.addi %scan3A_199, %scan3A_200 : i32
    %scan3A_202 = arith.constant 1 : i32
    scf.for %scan3A_240 = %scan3A_199 to %scan3A_201 step %scan3A_202  : i32 {
      %mul3A_241 = arith.constant 16 : i32
      %mul3A_242 = arith.muli %scan3A_240, %mul3A_241 : i32
      %get3A = arith.index_cast %mul3A_242 : i32 to index
      %get3A_243 = tpu.vector_load %arg5[%get3A] {strides = array<i32>} : memref<768xf32, #tpu.memory_space<vmem>>, vector<16xf32>,
      %get3A_244 = vector.shape_cast %get3A_243 : vector<16xf32> to vector<16xf32>
      %lt3A = arith.constant 3.000000e-01 : f32
      %lt3A_245 = vector.broadcast %lt3A : f32 to vector<16xf32>
      %lt3A_246 = arith.cmpf olt, %get3A_244, %lt3A_245 : vector<16xf32>
      %get3A_247 = arith.constant 0 : i32
      %get3A_248 = arith.index_cast %get3A_247 : i32 to index
      %get3A_249 = arith.index_cast %mul3A_242 : i32 to index
      %get3A_250 = tpu.vector_load %arg7[%get3A_248, %get3A_249] {strides = array<i32>} : memref<16x768xf32, #tpu.memory_space<vmem>>, vector<1x16xf32>,
      %get3A_251 = vector.shape_cast %get3A_250 : vector<1x16xf32> to vector<16xf32>
      %get3A_252 = arith.constant 0 : i32
      %get3A_253 = arith.index_cast %get3A_252 : i32 to index
      %get3A_254 = arith.index_cast %mul3A_242 : i32 to index
      %get3A_255 = tpu.vector_load %arg9[%get3A_253, %get3A_254] {strides = array<i32>} : memref<16x768xf32, #tpu.memory_space<vmem>>, vector<1x16xf32>,
      %get3A_256 = vector.shape_cast %get3A_255 : vector<1x16xf32> to vector<16xf32>
      %select_n3A_257 = arith.select %lt3A_246, %get3A_256, %get3A_251 : vector<16xi1>, vector<16xf32>
      %swap3A = arith.constant 0 : i32
      %swap3A_258 = arith.index_cast %swap3A : i32 to index
      %swap3A_259 = arith.index_cast %mul3A_242 : i32 to index
      %swap3A_260 = tpu.vector_load %arg11[%swap3A_258, %swap3A_259] {strides = array<i32>} : memref<16x768xf32, #tpu.memory_space<vmem>>, vector<1x16xf32>,
      %swap3A_261 = vector.shape_cast %swap3A_260 : vector<1x16xf32> to vector<16xf32>
      %swap3A_262 = vector.shape_cast %select_n3A_257 : vector<16xf32> to vector<1x16xf32>
      tpu.vector_store %arg11[%swap3A_258, %swap3A_259], %swap3A_262 {strides = array<i32>} : memref<16x768xf32, #tpu.memory_space<vmem>>, vector<1x16xf32>,
      %select_n3A_263 = arith.select %lt3A_246, %get3A_251, %get3A_256 : vector<16xi1>, vector<16xf32>
      %swap3A_264 = arith.constant 0 : i32
      %swap3A_265 = arith.index_cast %swap3A_264 : i32 to index
      %swap3A_266 = arith.index_cast %mul3A_242 : i32 to index
      %swap3A_267 = tpu.vector_load %arg13[%swap3A_265, %swap3A_266] {strides = array<i32>} : memref<16x768xf32, #tpu.memory_space<vmem>>, vector<1x16xf32>,
      %swap3A_268 = vector.shape_cast %swap3A_267 : vector<1x16xf32> to vector<16xf32>
      %swap3A_269 = vector.shape_cast %select_n3A_263 : vector<16xf32> to vector<1x16xf32>
      tpu.vector_store %arg13[%swap3A_265, %swap3A_266], %swap3A_269 {strides = array<i32>} : memref<16x768xf32, #tpu.memory_space<vmem>>, vector<1x16xf32>,
      %get3A_270 = arith.constant 1 : i32
      %get3A_271 = arith.index_cast %get3A_270 : i32 to index
      %get3A_272 = arith.index_cast %mul3A_242 : i32 to index
      %get3A_273 = tpu.vector_load %arg7[%get3A_271, %get3A_272] {strides = array<i32>} : memref<16x768xf32, #tpu.memory_space<vmem>>, vector<1x16xf32>,
      %get3A_274 = vector.shape_cast %get3A_273 : vector<1x16xf32> to vector<16xf32>
      %get3A_275 = arith.constant 1 : i32
      %get3A_276 = arith.index_cast %get3A_275 : i32 to index
      %get3A_277 = arith.index_cast %mul3A_242 : i32 to index
      %get3A_278 = tpu.vector_load %arg9[%get3A_276, %get3A_277] {strides = array<i32>} : memref<16x768xf32, #tpu.memory_space<vmem>>, vector<1x16xf32>,
      %get3A_279 = vector.shape_cast %get3A_278 : vector<1x16xf32> to vector<16xf32>
      %select_n3A_280 = arith.select %lt3A_246, %get3A_279, %get3A_274 : vector<16xi1>, vector<16xf32>
      %swap3A_281 = arith.constant 1 : i32
      %swap3A_282 = arith.index_cast %swap3A_281 : i32 to index
      %swap3A_283 = arith.index_cast %mul3A_242 : i32 to index
      %swap3A_284 = tpu.vector_load %arg11[%swap3A_282, %swap3A_283] {strides = array<i32>} : memref<16x768xf32, #tpu.memory_space<vmem>>, vector<1x16xf32>,
      %swap3A_285 = vector.shape_cast %swap3A_284 : vector<1x16xf32> to vector<16xf32>
      %swap3A_286 = vector.shape_cast %select_n3A_280 : vector<16xf32> to vector<1x16xf32>
      tpu.vector_store %arg11[%swap3A_282, %swap3A_283], %swap3A_286 {strides = array<i32>} : memref<16x768xf32, #tpu.memory_space<vmem>>, vector<1x16xf32>,
      %select_n3A_287 = arith.select %lt3A_246, %get3A_274, %get3A_279 : vector<16xi1>, vector<16xf32>
      %swap3A_288 = arith.constant 1 : i32
      %swap3A_289 = arith.index_cast %swap3A_288 : i32 to index
      %swap3A_290 = arith.index_cast %mul3A_242 : i32 to index
      %swap3A_291 = tpu.vector_load %arg13[%swap3A_289, %swap3A_290] {strides = array<i32>} : memref<16x768xf32, #tpu.memory_space<vmem>>, vector<1x16xf32>,
      %swap3A_292 = vector.shape_cast %swap3A_291 : vector<1x16xf32> to vector<16xf32>
      %swap3A_293 = vector.shape_cast %select_n3A_287 : vector<16xf32> to vector<1x16xf32>
      tpu.vector_store %arg13[%swap3A_289, %swap3A_290], %swap3A_293 {strides = array<i32>} : memref<16x768xf32, #tpu.memory_space<vmem>>, vector<1x16xf32>,
      %get3A_294 = arith.constant 2 : i32
      %get3A_295 = arith.index_cast %get3A_294 : i32 to index
      %get3A_296 = arith.index_cast %mul3A_242 : i32 to index
      %get3A_297 = tpu.vector_load %arg7[%get3A_295, %get3A_296] {strides = array<i32>} : memref<16x768xf32, #tpu.memory_space<vmem>>, vector<1x16xf32>,
      %get3A_298 = vector.shape_cast %get3A_297 : vector<1x16xf32> to vector<16xf32>
      %get3A_299 = arith.constant 2 : i32
      %get3A_300 = arith.index_cast %get3A_299 : i32 to index
      %get3A_301 = arith.index_cast %mul3A_242 : i32 to index
      %get3A_302 = tpu.vector_load %arg9[%get3A_300, %get3A_301] {strides = array<i32>} : memref<16x768xf32, #tpu.memory_space<vmem>>, vector<1x16xf32>,
      %get3A_303 = vector.shape_cast %get3A_302 : vector<1x16xf32> to vector<16xf32>
      %select_n3A_304 = arith.select %lt3A_246, %get3A_303, %get3A_298 : vector<16xi1>, vector<16xf32>
      %swap3A_305 = arith.constant 2 : i32
      %swap3A_306 = arith.index_cast %swap3A_305 : i32 to index
      %swap3A_307 = arith.index_cast %mul3A_242 : i32 to index
      %swap3A_308 = tpu.vector_load %arg11[%swap3A_306, %swap3A_307] {strides = array<i32>} : memref<16x768xf32, #tpu.memory_space<vmem>>, vector<1x16xf32>,
      %swap3A_309 = vector.shape_cast %swap3A_308 : vector<1x16xf32> to vector<16xf32>
      %swap3A_310 = vector.shape_cast %select_n3A_304 : vector<16xf32> to vector<1x16xf32>
      tpu.vector_store %arg11[%swap3A_306, %swap3A_307], %swap3A_310 {strides = array<i32>} : memref<16x768xf32, #tpu.memory_space<vmem>>, vector<1x16xf32>,
      %select_n3A_311 = arith.select %lt3A_246, %get3A_298, %get3A_303 : vector<16xi1>, vector<16xf32>
      %swap3A_312 = arith.constant 2 : i32
      %swap3A_313 = arith.index_cast %swap3A_312 : i32 to index
      %swap3A_314 = arith.index_cast %mul3A_242 : i32 to index
      %swap3A_315 = tpu.vector_load %arg13[%swap3A_313, %swap3A_314] {strides = array<i32>} : memref<16x768xf32, #tpu.memory_space<vmem>>, vector<1x16xf32>,
      %swap3A_316 = vector.shape_cast %swap3A_315 : vector<1x16xf32> to vector<16xf32>
      %swap3A_317 = vector.shape_cast %select_n3A_311 : vector<16xf32> to vector<1x16xf32>
      tpu.vector_store %arg13[%swap3A_313, %swap3A_314], %swap3A_317 {strides = array<i32>} : memref<16x768xf32, #tpu.memory_space<vmem>>, vector<1x16xf32>,
      %get3A_318 = arith.constant 3 : i32
      %get3A_319 = arith.index_cast %get3A_318 : i32 to index
      %get3A_320 = arith.index_cast %mul3A_242 : i32 to index
      %get3A_321 = tpu.vector_load %arg7[%get3A_319, %get3A_320] {strides = array<i32>} : memref<16x768xf32, #tpu.memory_space<vmem>>, vector<1x16xf32>,
      %get3A_322 = vector.shape_cast %get3A_321 : vector<1x16xf32> to vector<16xf32>
      %get3A_323 = arith.constant 3 : i32
      %get3A_324 = arith.index_cast %get3A_323 : i32 to index
      %get3A_325 = arith.index_cast %mul3A_242 : i32 to index
      %get3A_326 = tpu.vector_load %arg9[%get3A_324, %get3A_325] {strides = array<i32>} : memref<16x768xf32, #tpu.memory_space<vmem>>, vector<1x16xf32>,
      %get3A_327 = vector.shape_cast %get3A_326 : vector<1x16xf32> to vector<16xf32>
      %select_n3A_328 = arith.select %lt3A_246, %get3A_327, %get3A_322 : vector<16xi1>, vector<16xf32>
      %swap3A_329 = arith.constant 3 : i32
      %swap3A_330 = arith.index_cast %swap3A_329 : i32 to index
      %swap3A_331 = arith.index_cast %mul3A_242 : i32 to index
      %swap3A_332 = tpu.vector_load %arg11[%swap3A_330, %swap3A_331] {strides = array<i32>} : memref<16x768xf32, #tpu.memory_space<vmem>>, vector<1x16xf32>,
      %swap3A_333 = vector.shape_cast %swap3A_332 : vector<1x16xf32> to vector<16xf32>
      %swap3A_334 = vector.shape_cast %select_n3A_328 : vector<16xf32> to vector<1x16xf32>
      tpu.vector_store %arg11[%swap3A_330, %swap3A_331], %swap3A_334 {strides = array<i32>} : memref<16x768xf32, #tpu.memory_space<vmem>>, vector<1x16xf32>,
      %select_n3A_335 = arith.select %lt3A_246, %get3A_322, %get3A_327 : vector<16xi1>, vector<16xf32>
      %swap3A_336 = arith.constant 3 : i32
      %swap3A_337 = arith.index_cast %swap3A_336 : i32 to index
      %swap3A_338 = arith.index_cast %mul3A_242 : i32 to index
      %swap3A_339 = tpu.vector_load %arg13[%swap3A_337, %swap3A_338] {strides = array<i32>} : memref<16x768xf32, #tpu.memory_space<vmem>>, vector<1x16xf32>,
      %swap3A_340 = vector.shape_cast %swap3A_339 : vector<1x16xf32> to vector<16xf32>
      %swap3A_341 = vector.shape_cast %select_n3A_335 : vector<16xf32> to vector<1x16xf32>
      tpu.vector_store %arg13[%swap3A_337, %swap3A_338], %swap3A_341 {strides = array<i32>} : memref<16x768xf32, #tpu.memory_space<vmem>>, vector<1x16xf32>,
      %get3A_342 = arith.constant 4 : i32
      %get3A_343 = arith.index_cast %get3A_342 : i32 to index
      %get3A_344 = arith.index_cast %mul3A_242 : i32 to index
      %get3A_345 = tpu.vector_load %arg7[%get3A_343, %get3A_344] {strides = array<i32>} : memref<16x768xf32, #tpu.memory_space<vmem>>, vector<1x16xf32>,
      %get3A_346 = vector.shape_cast %get3A_345 : vector<1x16xf32> to vector<16xf32>
      %get3A_347 = arith.constant 4 : i32
      %get3A_348 = arith.index_cast %get3A_347 : i32 to index
      %get3A_349 = arith.index_cast %mul3A_242 : i32 to index
      %get3A_350 = tpu.vector_load %arg9[%get3A_348, %get3A_349] {strides = array<i32>} : memref<16x768xf32, #tpu.memory_space<vmem>>, vector<1x16xf32>,
      %get3A_351 = vector.shape_cast %get3A_350 : vector<1x16xf32> to vector<16xf32>
      %select_n3A_352 = arith.select %lt3A_246, %get3A_351, %get3A_346 : vector<16xi1>, vector<16xf32>
      %swap3A_353 = arith.constant 4 : i32
      %swap3A_354 = arith.index_cast %swap3A_353 : i32 to index
      %swap3A_355 = arith.index_cast %mul3A_242 : i32 to index
      %swap3A_356 = tpu.vector_load %arg11[%swap3A_354, %swap3A_355] {strides = array<i32>} : memref<16x768xf32, #tpu.memory_space<vmem>>, vector<1x16xf32>,
      %swap3A_357 = vector.shape_cast %swap3A_356 : vector<1x16xf32> to vector<16xf32>
      %swap3A_358 = vector.shape_cast %select_n3A_352 : vector<16xf32> to vector<1x16xf32>
      tpu.vector_store %arg11[%swap3A_354, %swap3A_355], %swap3A_358 {strides = array<i32>} : memref<16x768xf32, #tpu.memory_space<vmem>>, vector<1x16xf32>,
      %select_n3A_359 = arith.select %lt3A_246, %get3A_346, %get3A_351 : vector<16xi1>, vector<16xf32>
      %swap3A_360 = arith.constant 4 : i32
      %swap3A_361 = arith.index_cast %swap3A_360 : i32 to index
      %swap3A_362 = arith.index_cast %mul3A_242 : i32 to index
      %swap3A_363 = tpu.vector_load %arg13[%swap3A_361, %swap3A_362] {strides = array<i32>} : memref<16x768xf32, #tpu.memory_space<vmem>>, vector<1x16xf32>,
      %swap3A_364 = vector.shape_cast %swap3A_363 : vector<1x16xf32> to vector<16xf32>
      %swap3A_365 = vector.shape_cast %select_n3A_359 : vector<16xf32> to vector<1x16xf32>
      tpu.vector_store %arg13[%swap3A_361, %swap3A_362], %swap3A_365 {strides = array<i32>} : memref<16x768xf32, #tpu.memory_space<vmem>>, vector<1x16xf32>,
      %get3A_366 = arith.constant 5 : i32
      %get3A_367 = arith.index_cast %get3A_366 : i32 to index
      %get3A_368 = arith.index_cast %mul3A_242 : i32 to index
      %get3A_369 = tpu.vector_load %arg7[%get3A_367, %get3A_368] {strides = array<i32>} : memref<16x768xf32, #tpu.memory_space<vmem>>, vector<1x16xf32>,
      %get3A_370 = vector.shape_cast %get3A_369 : vector<1x16xf32> to vector<16xf32>
      %get3A_371 = arith.constant 5 : i32
      %get3A_372 = arith.index_cast %get3A_371 : i32 to index
      %get3A_373 = arith.index_cast %mul3A_242 : i32 to index
      %get3A_374 = tpu.vector_load %arg9[%get3A_372, %get3A_373] {strides = array<i32>} : memref<16x768xf32, #tpu.memory_space<vmem>>, vector<1x16xf32>,
      %get3A_375 = vector.shape_cast %get3A_374 : vector<1x16xf32> to vector<16xf32>
      %select_n3A_376 = arith.select %lt3A_246, %get3A_375, %get3A_370 : vector<16xi1>, vector<16xf32>
      %swap3A_377 = arith.constant 5 : i32
      %swap3A_378 = arith.index_cast %swap3A_377 : i32 to index
      %swap3A_379 = arith.index_cast %mul3A_242 : i32 to index
      %swap3A_380 = tpu.vector_load %arg11[%swap3A_378, %swap3A_379] {strides = array<i32>} : memref<16x768xf32, #tpu.memory_space<vmem>>, vector<1x16xf32>,
      %swap3A_381 = vector.shape_cast %swap3A_380 : vector<1x16xf32> to vector<16xf32>
      %swap3A_382 = vector.shape_cast %select_n3A_376 : vector<16xf32> to vector<1x16xf32>
      tpu.vector_store %arg11[%swap3A_378, %swap3A_379], %swap3A_382 {strides = array<i32>} : memref<16x768xf32, #tpu.memory_space<vmem>>, vector<1x16xf32>,
      %select_n3A_383 = arith.select %lt3A_246, %get3A_370, %get3A_375 : vector<16xi1>, vector<16xf32>
      %swap3A_384 = arith.constant 5 : i32
      %swap3A_385 = arith.index_cast %swap3A_384 : i32 to index
      %swap3A_386 = arith.index_cast %mul3A_242 : i32 to index
      %swap3A_387 = tpu.vector_load %arg13[%swap3A_385, %swap3A_386] {strides = array<i32>} : memref<16x768xf32, #tpu.memory_space<vmem>>, vector<1x16xf32>,
      %swap3A_388 = vector.shape_cast %swap3A_387 : vector<1x16xf32> to vector<16xf32>
      %swap3A_389 = vector.shape_cast %select_n3A_383 : vector<16xf32> to vector<1x16xf32>
      tpu.vector_store %arg13[%swap3A_385, %swap3A_386], %swap3A_389 {strides = array<i32>} : memref<16x768xf32, #tpu.memory_space<vmem>>, vector<1x16xf32>,
      %get3A_390 = arith.constant 6 : i32
      %get3A_391 = arith.index_cast %get3A_390 : i32 to index
      %get3A_392 = arith.index_cast %mul3A_242 : i32 to index
      %get3A_393 = tpu.vector_load %arg7[%get3A_391, %get3A_392] {strides = array<i32>} : memref<16x768xf32, #tpu.memory_space<vmem>>, vector<1x16xf32>,
      %get3A_394 = vector.shape_cast %get3A_393 : vector<1x16xf32> to vector<16xf32>
      %get3A_395 = arith.constant 6 : i32
      %get3A_396 = arith.index_cast %get3A_395 : i32 to index
      %get3A_397 = arith.index_cast %mul3A_242 : i32 to index
      %get3A_398 = tpu.vector_load %arg9[%get3A_396, %get3A_397] {strides = array<i32>} : memref<16x768xf32, #tpu.memory_space<vmem>>, vector<1x16xf32>,
      %get3A_399 = vector.shape_cast %get3A_398 : vector<1x16xf32> to vector<16xf32>
      %select_n3A_400 = arith.select %lt3A_246, %get3A_399, %get3A_394 : vector<16xi1>, vector<16xf32>
      %swap3A_401 = arith.constant 6 : i32
      %swap3A_402 = arith.index_cast %swap3A_401 : i32 to index
      %swap3A_403 = arith.index_cast %mul3A_242 : i32 to index
      %swap3A_404 = tpu.vector_load %arg11[%swap3A_402, %swap3A_403] {strides = array<i32>} : memref<16x768xf32, #tpu.memory_space<vmem>>, vector<1x16xf32>,
      %swap3A_405 = vector.shape_cast %swap3A_404 : vector<1x16xf32> to vector<16xf32>
      %swap3A_406 = vector.shape_cast %select_n3A_400 : vector<16xf32> to vector<1x16xf32>
      tpu.vector_store %arg11[%swap3A_402, %swap3A_403], %swap3A_406 {strides = array<i32>} : memref<16x768xf32, #tpu.memory_space<vmem>>, vector<1x16xf32>,
      %select_n3A_407 = arith.select %lt3A_246, %get3A_394, %get3A_399 : vector<16xi1>, vector<16xf32>
      %swap3A_408 = arith.constant 6 : i32
      %swap3A_409 = arith.index_cast %swap3A_408 : i32 to index
      %swap3A_410 = arith.index_cast %mul3A_242 : i32 to index
      %swap3A_411 = tpu.vector_load %arg13[%swap3A_409, %swap3A_410] {strides = array<i32>} : memref<16x768xf32, #tpu.memory_space<vmem>>, vector<1x16xf32>,
      %swap3A_412 = vector.shape_cast %swap3A_411 : vector<1x16xf32> to vector<16xf32>
      %swap3A_413 = vector.shape_cast %select_n3A_407 : vector<16xf32> to vector<1x16xf32>
      tpu.vector_store %arg13[%swap3A_409, %swap3A_410], %swap3A_413 {strides = array<i32>} : memref<16x768xf32, #tpu.memory_space<vmem>>, vector<1x16xf32>,
      %get3A_414 = arith.constant 7 : i32
      %get3A_415 = arith.index_cast %get3A_414 : i32 to index
      %get3A_416 = arith.index_cast %mul3A_242 : i32 to index
      %get3A_417 = tpu.vector_load %arg7[%get3A_415, %get3A_416] {strides = array<i32>} : memref<16x768xf32, #tpu.memory_space<vmem>>, vector<1x16xf32>,
      %get3A_418 = vector.shape_cast %get3A_417 : vector<1x16xf32> to vector<16xf32>
      %get3A_419 = arith.constant 7 : i32
      %get3A_420 = arith.index_cast %get3A_419 : i32 to index
      %get3A_421 = arith.index_cast %mul3A_242 : i32 to index
      %get3A_422 = tpu.vector_load %arg9[%get3A_420, %get3A_421] {strides = array<i32>} : memref<16x768xf32, #tpu.memory_space<vmem>>, vector<1x16xf32>,
      %get3A_423 = vector.shape_cast %get3A_422 : vector<1x16xf32> to vector<16xf32>
      %select_n3A_424 = arith.select %lt3A_246, %get3A_423, %get3A_418 : vector<16xi1>, vector<16xf32>
      %swap3A_425 = arith.constant 7 : i32
      %swap3A_426 = arith.index_cast %swap3A_425 : i32 to index
      %swap3A_427 = arith.index_cast %mul3A_242 : i32 to index
      %swap3A_428 = tpu.vector_load %arg11[%swap3A_426, %swap3A_427] {strides = array<i32>} : memref<16x768xf32, #tpu.memory_space<vmem>>, vector<1x16xf32>,
      %swap3A_429 = vector.shape_cast %swap3A_428 : vector<1x16xf32> to vector<16xf32>
      %swap3A_430 = vector.shape_cast %select_n3A_424 : vector<16xf32> to vector<1x16xf32>
      tpu.vector_store %arg11[%swap3A_426, %swap3A_427], %swap3A_430 {strides = array<i32>} : memref<16x768xf32, #tpu.memory_space<vmem>>, vector<1x16xf32>,
      %select_n3A_431 = arith.select %lt3A_246, %get3A_418, %get3A_423 : vector<16xi1>, vector<16xf32>
      %swap3A_432 = arith.constant 7 : i32
      %swap3A_433 = arith.index_cast %swap3A_432 : i32 to index
      %swap3A_434 = arith.index_cast %mul3A_242 : i32 to index
      %swap3A_435 = tpu.vector_load %arg13[%swap3A_433, %swap3A_434] {strides = array<i32>} : memref<16x768xf32, #tpu.memory_space<vmem>>, vector<1x16xf32>,
      %swap3A_436 = vector.shape_cast %swap3A_435 : vector<1x16xf32> to vector<16xf32>
      %swap3A_437 = vector.shape_cast %select_n3A_431 : vector<16xf32> to vector<1x16xf32>
      tpu.vector_store %arg13[%swap3A_433, %swap3A_434], %swap3A_437 {strides = array<i32>} : memref<16x768xf32, #tpu.memory_space<vmem>>, vector<1x16xf32>,
      %get3A_438 = arith.constant 8 : i32
      %get3A_439 = arith.index_cast %get3A_438 : i32 to index
      %get3A_440 = arith.index_cast %mul3A_242 : i32 to index
      %get3A_441 = tpu.vector_load %arg7[%get3A_439, %get3A_440] {strides = array<i32>} : memref<16x768xf32, #tpu.memory_space<vmem>>, vector<1x16xf32>,
      %get3A_442 = vector.shape_cast %get3A_441 : vector<1x16xf32> to vector<16xf32>
      %get3A_443 = arith.constant 8 : i32
      %get3A_444 = arith.index_cast %get3A_443 : i32 to index
      %get3A_445 = arith.index_cast %mul3A_242 : i32 to index
      %get3A_446 = tpu.vector_load %arg9[%get3A_444, %get3A_445] {strides = array<i32>} : memref<16x768xf32, #tpu.memory_space<vmem>>, vector<1x16xf32>,
      %get3A_447 = vector.shape_cast %get3A_446 : vector<1x16xf32> to vector<16xf32>
      %select_n3A_448 = arith.select %lt3A_246, %get3A_447, %get3A_442 : vector<16xi1>, vector<16xf32>
      %swap3A_449 = arith.constant 8 : i32
      %swap3A_450 = arith.index_cast %swap3A_449 : i32 to index
      %swap3A_451 = arith.index_cast %mul3A_242 : i32 to index
      %swap3A_452 = tpu.vector_load %arg11[%swap3A_450, %swap3A_451] {strides = array<i32>} : memref<16x768xf32, #tpu.memory_space<vmem>>, vector<1x16xf32>,
      %swap3A_453 = vector.shape_cast %swap3A_452 : vector<1x16xf32> to vector<16xf32>
      %swap3A_454 = vector.shape_cast %select_n3A_448 : vector<16xf32> to vector<1x16xf32>
      tpu.vector_store %arg11[%swap3A_450, %swap3A_451], %swap3A_454 {strides = array<i32>} : memref<16x768xf32, #tpu.memory_space<vmem>>, vector<1x16xf32>,
      %select_n3A_455 = arith.select %lt3A_246, %get3A_442, %get3A_447 : vector<16xi1>, vector<16xf32>
      %swap3A_456 = arith.constant 8 : i32
      %swap3A_457 = arith.index_cast %swap3A_456 : i32 to index
      %swap3A_458 = arith.index_cast %mul3A_242 : i32 to index
      %swap3A_459 = tpu.vector_load %arg13[%swap3A_457, %swap3A_458] {strides = array<i32>} : memref<16x768xf32, #tpu.memory_space<vmem>>, vector<1x16xf32>,
      %swap3A_460 = vector.shape_cast %swap3A_459 : vector<1x16xf32> to vector<16xf32>
      %swap3A_461 = vector.shape_cast %select_n3A_455 : vector<16xf32> to vector<1x16xf32>
      tpu.vector_store %arg13[%swap3A_457, %swap3A_458], %swap3A_461 {strides = array<i32>} : memref<16x768xf32, #tpu.memory_space<vmem>>, vector<1x16xf32>,
      %get3A_462 = arith.constant 9 : i32
      %get3A_463 = arith.index_cast %get3A_462 : i32 to index
      %get3A_464 = arith.index_cast %mul3A_242 : i32 to index
      %get3A_465 = tpu.vector_load %arg7[%get3A_463, %get3A_464] {strides = array<i32>} : memref<16x768xf32, #tpu.memory_space<vmem>>, vector<1x16xf32>,
      %get3A_466 = vector.shape_cast %get3A_465 : vector<1x16xf32> to vector<16xf32>
      %get3A_467 = arith.constant 9 : i32
      %get3A_468 = arith.index_cast %get3A_467 : i32 to index
      %get3A_469 = arith.index_cast %mul3A_242 : i32 to index
      %get3A_470 = tpu.vector_load %arg9[%get3A_468, %get3A_469] {strides = array<i32>} : memref<16x768xf32, #tpu.memory_space<vmem>>, vector<1x16xf32>,
      %get3A_471 = vector.shape_cast %get3A_470 : vector<1x16xf32> to vector<16xf32>
      %select_n3A_472 = arith.select %lt3A_246, %get3A_471, %get3A_466 : vector<16xi1>, vector<16xf32>
      %swap3A_473 = arith.constant 9 : i32
      %swap3A_474 = arith.index_cast %swap3A_473 : i32 to index
      %swap3A_475 = arith.index_cast %mul3A_242 : i32 to index
      %swap3A_476 = tpu.vector_load %arg11[%swap3A_474, %swap3A_475] {strides = array<i32>} : memref<16x768xf32, #tpu.memory_space<vmem>>, vector<1x16xf32>,
      %swap3A_477 = vector.shape_cast %swap3A_476 : vector<1x16xf32> to vector<16xf32>
      %swap3A_478 = vector.shape_cast %select_n3A_472 : vector<16xf32> to vector<1x16xf32>
      tpu.vector_store %arg11[%swap3A_474, %swap3A_475], %swap3A_478 {strides = array<i32>} : memref<16x768xf32, #tpu.memory_space<vmem>>, vector<1x16xf32>,
      %select_n3A_479 = arith.select %lt3A_246, %get3A_466, %get3A_471 : vector<16xi1>, vector<16xf32>
      %swap3A_480 = arith.constant 9 : i32
      %swap3A_481 = arith.index_cast %swap3A_480 : i32 to index
      %swap3A_482 = arith.index_cast %mul3A_242 : i32 to index
      %swap3A_483 = tpu.vector_load %arg13[%swap3A_481, %swap3A_482] {strides = array<i32>} : memref<16x768xf32, #tpu.memory_space<vmem>>, vector<1x16xf32>,
      %swap3A_484 = vector.shape_cast %swap3A_483 : vector<1x16xf32> to vector<16xf32>
      %swap3A_485 = vector.shape_cast %select_n3A_479 : vector<16xf32> to vector<1x16xf32>
      tpu.vector_store %arg13[%swap3A_481, %swap3A_482], %swap3A_485 {strides = array<i32>} : memref<16x768xf32, #tpu.memory_space<vmem>>, vector<1x16xf32>,
      %get3A_486 = arith.constant 10 : i32
      %get3A_487 = arith.index_cast %get3A_486 : i32 to index
      %get3A_488 = arith.index_cast %mul3A_242 : i32 to index
      %get3A_489 = tpu.vector_load %arg7[%get3A_487, %get3A_488] {strides = array<i32>} : memref<16x768xf32, #tpu.memory_space<vmem>>, vector<1x16xf32>,
      %get3A_490 = vector.shape_cast %get3A_489 : vector<1x16xf32> to vector<16xf32>
      %get3A_491 = arith.constant 10 : i32
      %get3A_492 = arith.index_cast %get3A_491 : i32 to index
      %get3A_493 = arith.index_cast %mul3A_242 : i32 to index
      %get3A_494 = tpu.vector_load %arg9[%get3A_492, %get3A_493] {strides = array<i32>} : memref<16x768xf32, #tpu.memory_space<vmem>>, vector<1x16xf32>,
      %get3A_495 = vector.shape_cast %get3A_494 : vector<1x16xf32> to vector<16xf32>
      %select_n3A_496 = arith.select %lt3A_246, %get3A_495, %get3A_490 : vector<16xi1>, vector<16xf32>
      %swap3A_497 = arith.constant 10 : i32
      %swap3A_498 = arith.index_cast %swap3A_497 : i32 to index
      %swap3A_499 = arith.index_cast %mul3A_242 : i32 to index
      %swap3A_500 = tpu.vector_load %arg11[%swap3A_498, %swap3A_499] {strides = array<i32>} : memref<16x768xf32, #tpu.memory_space<vmem>>, vector<1x16xf32>,
      %swap3A_501 = vector.shape_cast %swap3A_500 : vector<1x16xf32> to vector<16xf32>
      %swap3A_502 = vector.shape_cast %select_n3A_496 : vector<16xf32> to vector<1x16xf32>
      tpu.vector_store %arg11[%swap3A_498, %swap3A_499], %swap3A_502 {strides = array<i32>} : memref<16x768xf32, #tpu.memory_space<vmem>>, vector<1x16xf32>,
      %select_n3A_503 = arith.select %lt3A_246, %get3A_490, %get3A_495 : vector<16xi1>, vector<16xf32>
      %swap3A_504 = arith.constant 10 : i32
      %swap3A_505 = arith.index_cast %swap3A_504 : i32 to index
      %swap3A_506 = arith.index_cast %mul3A_242 : i32 to index
      %swap3A_507 = tpu.vector_load %arg13[%swap3A_505, %swap3A_506] {strides = array<i32>} : memref<16x768xf32, #tpu.memory_space<vmem>>, vector<1x16xf32>,
      %swap3A_508 = vector.shape_cast %swap3A_507 : vector<1x16xf32> to vector<16xf32>
      %swap3A_509 = vector.shape_cast %select_n3A_503 : vector<16xf32> to vector<1x16xf32>
      tpu.vector_store %arg13[%swap3A_505, %swap3A_506], %swap3A_509 {strides = array<i32>} : memref<16x768xf32, #tpu.memory_space<vmem>>, vector<1x16xf32>,
      %get3A_510 = arith.constant 11 : i32
      %get3A_511 = arith.index_cast %get3A_510 : i32 to index
      %get3A_512 = arith.index_cast %mul3A_242 : i32 to index
      %get3A_513 = tpu.vector_load %arg7[%get3A_511, %get3A_512] {strides = array<i32>} : memref<16x768xf32, #tpu.memory_space<vmem>>, vector<1x16xf32>,
      %get3A_514 = vector.shape_cast %get3A_513 : vector<1x16xf32> to vector<16xf32>
      %get3A_515 = arith.constant 11 : i32
      %get3A_516 = arith.index_cast %get3A_515 : i32 to index
      %get3A_517 = arith.index_cast %mul3A_242 : i32 to index
      %get3A_518 = tpu.vector_load %arg9[%get3A_516, %get3A_517] {strides = array<i32>} : memref<16x768xf32, #tpu.memory_space<vmem>>, vector<1x16xf32>,
      %get3A_519 = vector.shape_cast %get3A_518 : vector<1x16xf32> to vector<16xf32>
      %select_n3A_520 = arith.select %lt3A_246, %get3A_519, %get3A_514 : vector<16xi1>, vector<16xf32>
      %swap3A_521 = arith.constant 11 : i32
      %swap3A_522 = arith.index_cast %swap3A_521 : i32 to index
      %swap3A_523 = arith.index_cast %mul3A_242 : i32 to index
      %swap3A_524 = tpu.vector_load %arg11[%swap3A_522, %swap3A_523] {strides = array<i32>} : memref<16x768xf32, #tpu.memory_space<vmem>>, vector<1x16xf32>,
      %swap3A_525 = vector.shape_cast %swap3A_524 : vector<1x16xf32> to vector<16xf32>
      %swap3A_526 = vector.shape_cast %select_n3A_520 : vector<16xf32> to vector<1x16xf32>
      tpu.vector_store %arg11[%swap3A_522, %swap3A_523], %swap3A_526 {strides = array<i32>} : memref<16x768xf32, #tpu.memory_space<vmem>>, vector<1x16xf32>,
      %select_n3A_527 = arith.select %lt3A_246, %get3A_514, %get3A_519 : vector<16xi1>, vector<16xf32>
      %swap3A_528 = arith.constant 11 : i32
      %swap3A_529 = arith.index_cast %swap3A_528 : i32 to index
      %swap3A_530 = arith.index_cast %mul3A_242 : i32 to index
      %swap3A_531 = tpu.vector_load %arg13[%swap3A_529, %swap3A_530] {strides = array<i32>} : memref<16x768xf32, #tpu.memory_space<vmem>>, vector<1x16xf32>,
      %swap3A_532 = vector.shape_cast %swap3A_531 : vector<1x16xf32> to vector<16xf32>
      %swap3A_533 = vector.shape_cast %select_n3A_527 : vector<16xf32> to vector<1x16xf32>
      tpu.vector_store %arg13[%swap3A_529, %swap3A_530], %swap3A_533 {strides = array<i32>} : memref<16x768xf32, #tpu.memory_space<vmem>>, vector<1x16xf32>,
      %get3A_534 = arith.constant 12 : i32
      %get3A_535 = arith.index_cast %get3A_534 : i32 to index
      %get3A_536 = arith.index_cast %mul3A_242 : i32 to index
      %get3A_537 = tpu.vector_load %arg7[%get3A_535, %get3A_536] {strides = array<i32>} : memref<16x768xf32, #tpu.memory_space<vmem>>, vector<1x16xf32>,
      %get3A_538 = vector.shape_cast %get3A_537 : vector<1x16xf32> to vector<16xf32>
      %get3A_539 = arith.constant 12 : i32
      %get3A_540 = arith.index_cast %get3A_539 : i32 to index
      %get3A_541 = arith.index_cast %mul3A_242 : i32 to index
      %get3A_542 = tpu.vector_load %arg9[%get3A_540, %get3A_541] {strides = array<i32>} : memref<16x768xf32, #tpu.memory_space<vmem>>, vector<1x16xf32>,
      %get3A_543 = vector.shape_cast %get3A_542 : vector<1x16xf32> to vector<16xf32>
      %select_n3A_544 = arith.select %lt3A_246, %get3A_543, %get3A_538 : vector<16xi1>, vector<16xf32>
      %swap3A_545 = arith.constant 12 : i32
      %swap3A_546 = arith.index_cast %swap3A_545 : i32 to index
      %swap3A_547 = arith.index_cast %mul3A_242 : i32 to index
      %swap3A_548 = tpu.vector_load %arg11[%swap3A_546, %swap3A_547] {strides = array<i32>} : memref<16x768xf32, #tpu.memory_space<vmem>>, vector<1x16xf32>,
      %swap3A_549 = vector.shape_cast %swap3A_548 : vector<1x16xf32> to vector<16xf32>
      %swap3A_550 = vector.shape_cast %select_n3A_544 : vector<16xf32> to vector<1x16xf32>
      tpu.vector_store %arg11[%swap3A_546, %swap3A_547], %swap3A_550 {strides = array<i32>} : memref<16x768xf32, #tpu.memory_space<vmem>>, vector<1x16xf32>,
      %select_n3A_551 = arith.select %lt3A_246, %get3A_538, %get3A_543 : vector<16xi1>, vector<16xf32>
      %swap3A_552 = arith.constant 12 : i32
      %swap3A_553 = arith.index_cast %swap3A_552 : i32 to index
      %swap3A_554 = arith.index_cast %mul3A_242 : i32 to index
      %swap3A_555 = tpu.vector_load %arg13[%swap3A_553, %swap3A_554] {strides = array<i32>} : memref<16x768xf32, #tpu.memory_space<vmem>>, vector<1x16xf32>,
      %swap3A_556 = vector.shape_cast %swap3A_555 : vector<1x16xf32> to vector<16xf32>
      %swap3A_557 = vector.shape_cast %select_n3A_551 : vector<16xf32> to vector<1x16xf32>
      tpu.vector_store %arg13[%swap3A_553, %swap3A_554], %swap3A_557 {strides = array<i32>} : memref<16x768xf32, #tpu.memory_space<vmem>>, vector<1x16xf32>,
      %get3A_558 = arith.constant 13 : i32
      %get3A_559 = arith.index_cast %get3A_558 : i32 to index
      %get3A_560 = arith.index_cast %mul3A_242 : i32 to index
      %get3A_561 = tpu.vector_load %arg7[%get3A_559, %get3A_560] {strides = array<i32>} : memref<16x768xf32, #tpu.memory_space<vmem>>, vector<1x16xf32>,
      %get3A_562 = vector.shape_cast %get3A_561 : vector<1x16xf32> to vector<16xf32>
      %get3A_563 = arith.constant 13 : i32
      %get3A_564 = arith.index_cast %get3A_563 : i32 to index
      %get3A_565 = arith.index_cast %mul3A_242 : i32 to index
      %get3A_566 = tpu.vector_load %arg9[%get3A_564, %get3A_565] {strides = array<i32>} : memref<16x768xf32, #tpu.memory_space<vmem>>, vector<1x16xf32>,
      %get3A_567 = vector.shape_cast %get3A_566 : vector<1x16xf32> to vector<16xf32>
      %select_n3A_568 = arith.select %lt3A_246, %get3A_567, %get3A_562 : vector<16xi1>, vector<16xf32>
      %swap3A_569 = arith.constant 13 : i32
      %swap3A_570 = arith.index_cast %swap3A_569 : i32 to index
      %swap3A_571 = arith.index_cast %mul3A_242 : i32 to index
      %swap3A_572 = tpu.vector_load %arg11[%swap3A_570, %swap3A_571] {strides = array<i32>} : memref<16x768xf32, #tpu.memory_space<vmem>>, vector<1x16xf32>,
      %swap3A_573 = vector.shape_cast %swap3A_572 : vector<1x16xf32> to vector<16xf32>
      %swap3A_574 = vector.shape_cast %select_n3A_568 : vector<16xf32> to vector<1x16xf32>
      tpu.vector_store %arg11[%swap3A_570, %swap3A_571], %swap3A_574 {strides = array<i32>} : memref<16x768xf32, #tpu.memory_space<vmem>>, vector<1x16xf32>,
      %select_n3A_575 = arith.select %lt3A_246, %get3A_562, %get3A_567 : vector<16xi1>, vector<16xf32>
      %swap3A_576 = arith.constant 13 : i32
      %swap3A_577 = arith.index_cast %swap3A_576 : i32 to index
      %swap3A_578 = arith.index_cast %mul3A_242 : i32 to index
      %swap3A_579 = tpu.vector_load %arg13[%swap3A_577, %swap3A_578] {strides = array<i32>} : memref<16x768xf32, #tpu.memory_space<vmem>>, vector<1x16xf32>,
      %swap3A_580 = vector.shape_cast %swap3A_579 : vector<1x16xf32> to vector<16xf32>
      %swap3A_581 = vector.shape_cast %select_n3A_575 : vector<16xf32> to vector<1x16xf32>
      tpu.vector_store %arg13[%swap3A_577, %swap3A_578], %swap3A_581 {strides = array<i32>} : memref<16x768xf32, #tpu.memory_space<vmem>>, vector<1x16xf32>,
      %get3A_582 = arith.constant 14 : i32
      %get3A_583 = arith.index_cast %get3A_582 : i32 to index
      %get3A_584 = arith.index_cast %mul3A_242 : i32 to index
      %get3A_585 = tpu.vector_load %arg7[%get3A_583, %get3A_584] {strides = array<i32>} : memref<16x768xf32, #tpu.memory_space<vmem>>, vector<1x16xf32>,
      %get3A_586 = vector.shape_cast %get3A_585 : vector<1x16xf32> to vector<16xf32>
      %get3A_587 = arith.constant 14 : i32
      %get3A_588 = arith.index_cast %get3A_587 : i32 to index
      %get3A_589 = arith.index_cast %mul3A_242 : i32 to index
      %get3A_590 = tpu.vector_load %arg9[%get3A_588, %get3A_589] {strides = array<i32>} : memref<16x768xf32, #tpu.memory_space<vmem>>, vector<1x16xf32>,
      %get3A_591 = vector.shape_cast %get3A_590 : vector<1x16xf32> to vector<16xf32>
      %select_n3A_592 = arith.select %lt3A_246, %get3A_591, %get3A_586 : vector<16xi1>, vector<16xf32>
      %swap3A_593 = arith.constant 14 : i32
      %swap3A_594 = arith.index_cast %swap3A_593 : i32 to index
      %swap3A_595 = arith.index_cast %mul3A_242 : i32 to index
      %swap3A_596 = tpu.vector_load %arg11[%swap3A_594, %swap3A_595] {strides = array<i32>} : memref<16x768xf32, #tpu.memory_space<vmem>>, vector<1x16xf32>,
      %swap3A_597 = vector.shape_cast %swap3A_596 : vector<1x16xf32> to vector<16xf32>
      %swap3A_598 = vector.shape_cast %select_n3A_592 : vector<16xf32> to vector<1x16xf32>
      tpu.vector_store %arg11[%swap3A_594, %swap3A_595], %swap3A_598 {strides = array<i32>} : memref<16x768xf32, #tpu.memory_space<vmem>>, vector<1x16xf32>,
      %select_n3A_599 = arith.select %lt3A_246, %get3A_586, %get3A_591 : vector<16xi1>, vector<16xf32>
      %swap3A_600 = arith.constant 14 : i32
      %swap3A_601 = arith.index_cast %swap3A_600 : i32 to index
      %swap3A_602 = arith.index_cast %mul3A_242 : i32 to index
      %swap3A_603 = tpu.vector_load %arg13[%swap3A_601, %swap3A_602] {strides = array<i32>} : memref<16x768xf32, #tpu.memory_space<vmem>>, vector<1x16xf32>,
      %swap3A_604 = vector.shape_cast %swap3A_603 : vector<1x16xf32> to vector<16xf32>
      %swap3A_605 = vector.shape_cast %select_n3A_599 : vector<16xf32> to vector<1x16xf32>
      tpu.vector_store %arg13[%swap3A_601, %swap3A_602], %swap3A_605 {strides = array<i32>} : memref<16x768xf32, #tpu.memory_space<vmem>>, vector<1x16xf32>,
      %get3A_606 = arith.constant 15 : i32
      %get3A_607 = arith.index_cast %get3A_606 : i32 to index
      %get3A_608 = arith.index_cast %mul3A_242 : i32 to index
      %get3A_609 = tpu.vector_load %arg7[%get3A_607, %get3A_608] {strides = array<i32>} : memref<16x768xf32, #tpu.memory_space<vmem>>, vector<1x16xf32>,
      %get3A_610 = vector.shape_cast %get3A_609 : vector<1x16xf32> to vector<16xf32>
      %get3A_611 = arith.constant 15 : i32
      %get3A_612 = arith.index_cast %get3A_611 : i32 to index
      %get3A_613 = arith.index_cast %mul3A_242 : i32 to index
      %get3A_614 = tpu.vector_load %arg9[%get3A_612, %get3A_613] {strides = array<i32>} : memref<16x768xf32, #tpu.memory_space<vmem>>, vector<1x16xf32>,
      %get3A_615 = vector.shape_cast %get3A_614 : vector<1x16xf32> to vector<16xf32>
      %select_n3A_616 = arith.select %lt3A_246, %get3A_615, %get3A_610 : vector<16xi1>, vector<16xf32>
      %swap3A_617 = arith.constant 15 : i32
      %swap3A_618 = arith.index_cast %swap3A_617 : i32 to index
      %swap3A_619 = arith.index_cast %mul3A_242 : i32 to index
      %swap3A_620 = tpu.vector_load %arg11[%swap3A_618, %swap3A_619] {strides = array<i32>} : memref<16x768xf32, #tpu.memory_space<vmem>>, vector<1x16xf32>,
      %swap3A_621 = vector.shape_cast %swap3A_620 : vector<1x16xf32> to vector<16xf32>
      %swap3A_622 = vector.shape_cast %select_n3A_616 : vector<16xf32> to vector<1x16xf32>
      tpu.vector_store %arg11[%swap3A_618, %swap3A_619], %swap3A_622 {strides = array<i32>} : memref<16x768xf32, #tpu.memory_space<vmem>>, vector<1x16xf32>,
      %select_n3A_623 = arith.select %lt3A_246, %get3A_610, %get3A_615 : vector<16xi1>, vector<16xf32>
      %swap3A_624 = arith.constant 15 : i32
      %swap3A_625 = arith.index_cast %swap3A_624 : i32 to index
      %swap3A_626 = arith.index_cast %mul3A_242 : i32 to index
      %swap3A_627 = tpu.vector_load %arg13[%swap3A_625, %swap3A_626] {strides = array<i32>} : memref<16x768xf32, #tpu.memory_space<vmem>>, vector<1x16xf32>,
      %swap3A_628 = vector.shape_cast %swap3A_627 : vector<1x16xf32> to vector<16xf32>
      %swap3A_629 = vector.shape_cast %select_n3A_623 : vector<16xf32> to vector<1x16xf32>
      tpu.vector_store %arg13[%swap3A_625, %swap3A_626], %swap3A_629 {strides = array<i32>} : memref<16x768xf32, #tpu.memory_space<vmem>>, vector<1x16xf32>,
    }
    %scan3A_203 = arith.constant 48 : i32
    %add3A_204 = arith.constant 272 : i32
    %add3A_205 = arith.addi %mul3A_2, %add3A_204 : i32
    %dma_start3A_206 = arith.constant 0 : i32
    %dma_start3A_207 = tpu.memref_slice %arg4[%add3A_205, %dma_start3A_206] : memref<18432x768xf32, #tpu.memory_space<hbm>> -> memref<16x768xf32, #tpu.memory_space<hbm>>
    %dma_start3A_208 = arith.constant 0 : i32
    %dma_start3A_209 = tpu.memref_slice %arg4[%add3A_205, %dma_start3A_208] : memref<18432x768xf32, #tpu.memory_space<hbm>> -> memref<16x768xf32, #tpu.memory_space<hbm>>
    tpu.enqueue_dma source(%arg11 : memref<16x768xf32, #tpu.memory_space<vmem>>) target(%dma_start3A_209 : memref<16x768xf32, #tpu.memory_space<hbm>>) target_semaphore(%arg19 : memref<!tpu.dma_semaphore, #tpu.memory_space<semaphore_mem>>)
    %add3A_210 = arith.constant 9216 : i32
    %add3A_211 = arith.addi %add3A_205, %add3A_210 : i32
    %dma_start3A_212 = arith.constant 0 : i32
    %dma_start3A_213 = tpu.memref_slice %arg4[%add3A_211, %dma_start3A_212] : memref<18432x768xf32, #tpu.memory_space<hbm>> -> memref<16x768xf32, #tpu.memory_space<hbm>>
    %dma_start3A_214 = arith.constant 0 : i32
    %dma_start3A_215 = tpu.memref_slice %arg4[%add3A_211, %dma_start3A_214] : memref<18432x768xf32, #tpu.memory_space<hbm>> -> memref<16x768xf32, #tpu.memory_space<hbm>>
    tpu.enqueue_dma source(%arg13 : memref<16x768xf32, #tpu.memory_space<vmem>>) target(%dma_start3A_215 : memref<16x768xf32, #tpu.memory_space<hbm>>) target_semaphore(%arg21 : memref<!tpu.dma_semaphore, #tpu.memory_space<semaphore_mem>>)
    %dma_wait3A_216 = arith.constant 0 : i32
    %dma_wait3A_217 = arith.constant 0 : i32
    %dma_wait3A_218 = tpu.memref_slice %arg4[%dma_wait3A_216, %dma_wait3A_217] : memref<18432x768xf32, #tpu.memory_space<hbm>> -> memref<16x768xf32, #tpu.memory_space<hbm>>
    %dma_wait3A_219 = arith.constant 0 : i32
    %dma_wait3A_220 = arith.constant 0 : i32
    %dma_wait3A_221 = tpu.memref_slice %arg4[%dma_wait3A_219, %dma_wait3A_220] : memref<18432x768xf32, #tpu.memory_space<hbm>> -> memref<16x768xf32, #tpu.memory_space<hbm>>
    tpu.wait_dma2 semaphore(%arg18 : memref<!tpu.dma_semaphore, #tpu.memory_space<semaphore_mem>>) src(%arg10 : memref<16x768xf32, #tpu.memory_space<vmem>>) dst(%dma_wait3A_221 : memref<16x768xf32, #tpu.memory_space<hbm>>)
    %dma_wait3A_222 = arith.constant 0 : i32
    %dma_wait3A_223 = arith.constant 0 : i32
    %dma_wait3A_224 = tpu.memref_slice %arg4[%dma_wait3A_222, %dma_wait3A_223] : memref<18432x768xf32, #tpu.memory_space<hbm>> -> memref<16x768xf32, #tpu.memory_space<hbm>>
    %dma_wait3A_225 = arith.constant 0 : i32
    %dma_wait3A_226 = arith.constant 0 : i32
    %dma_wait3A_227 = tpu.memref_slice %arg4[%dma_wait3A_225, %dma_wait3A_226] : memref<18432x768xf32, #tpu.memory_space<hbm>> -> memref<16x768xf32, #tpu.memory_space<hbm>>
    tpu.wait_dma2 semaphore(%arg20 : memref<!tpu.dma_semaphore, #tpu.memory_space<semaphore_mem>>) src(%arg12 : memref<16x768xf32, #tpu.memory_space<vmem>>) dst(%dma_wait3A_227 : memref<16x768xf32, #tpu.memory_space<hbm>>)
    %dma_wait3A_228 = arith.constant 0 : i32
    %dma_wait3A_229 = arith.constant 0 : i32
    %dma_wait3A_230 = tpu.memref_slice %arg4[%dma_wait3A_228, %dma_wait3A_229] : memref<18432x768xf32, #tpu.memory_space<hbm>> -> memref<16x768xf32, #tpu.memory_space<hbm>>
    %dma_wait3A_231 = arith.constant 0 : i32
    %dma_wait3A_232 = arith.constant 0 : i32
    %dma_wait3A_233 = tpu.memref_slice %arg4[%dma_wait3A_231, %dma_wait3A_232] : memref<18432x768xf32, #tpu.memory_space<hbm>> -> memref<16x768xf32, #tpu.memory_space<hbm>>
    tpu.wait_dma2 semaphore(%arg19 : memref<!tpu.dma_semaphore, #tpu.memory_space<semaphore_mem>>) src(%arg11 : memref<16x768xf32, #tpu.memory_space<vmem>>) dst(%dma_wait3A_233 : memref<16x768xf32, #tpu.memory_space<hbm>>)
    %dma_wait3A_234 = arith.constant 0 : i32
    %dma_wait3A_235 = arith.constant 0 : i32
    %dma_wait3A_236 = tpu.memref_slice %arg4[%dma_wait3A_234, %dma_wait3A_235] : memref<18432x768xf32, #tpu.memory_space<hbm>> -> memref<16x768xf32, #tpu.memory_space<hbm>>
    %dma_wait3A_237 = arith.constant 0 : i32
    %dma_wait3A_238 = arith.constant 0 : i32
    %dma_wait3A_239 = tpu.memref_slice %arg4[%dma_wait3A_237, %dma_wait3A_238] : memref<18432x768xf32, #tpu.memory_space<hbm>> -> memref<16x768xf32, #tpu.memory_space<hbm>>
    tpu.wait_dma2 semaphore(%arg21 : memref<!tpu.dma_semaphore, #tpu.memory_space<semaphore_mem>>) src(%arg13 : memref<16x768xf32, #tpu.memory_space<vmem>>) dst(%dma_wait3A_239 : memref<16x768xf32, #tpu.memory_space<hbm>>)
    return
  }
}

</mosaic_0001>

<sc_bundles>
// kernel: kernel.3.cloned.1.call-start
scs
__scs_entry_jumppad:
0x0: {  	(pc) =	sbr.rel $0x88, $3  }
0x1: {  	(tag) =	ssettag $0x0;
	lr =	simm.s32 $0x1  }
0x2: {  	[smem:$0x3F9F] =	sst lr;
	_ =	strace $0xD0000000  }
0x3: {  	_ = 	snop  }
0x4: {  	_ = 	snop  }
0x5: {  	_ = 	snop  }
0x6: {  	_ = 	snop  }
0x7: {  	_ = 	snop  }
__scs_overlays_trampoline_lowered:
0x8: {  	[smem:$0x3FAE] =	sst s0  }
0x9: {  	[smem:$0x3FAF] =	sst s1  }
0xa: {  	[smem:$0x3FB0] =	sst s2  }
0xb: {  	[smem:$0x3FB1] =	sst s3  }
0xc: {  	[smem:$0x3FB2] =	sst s4  }
0xd: {  	[smem:$0x3FB3] =	sst s5  }
0xe: {  	[smem:$0x3FB4] =	sst s6  }
0xf: {  	[smem:$0x3FB5] =	sst s7  }
0x10: {  	[smem:$0x3FB6] =	sst s8  }
0x11: {  	[smem:$0x3FB7] =	sst s9;
	s0 =	simm.s32 @!p0 $0x0  }
0x12: {  	s1 =	sld [smem:$0x3F9D];
	s0 =	simm.s32 @p0 $0x1  }
0x13: {  	[smem:$0x3FB8] =	sst s0;
	s0 =	simm.s32 @!p1 $0x0  }
0x14: {  	s2 =	sld [smem:$0x3F9C];
	s0 =	simm.s32 @p1 $0x1  }
0x15: {  	[smem:$0x3FB9] =	sst s0;
	s0 =	simm.s32 @!p2 $0x0  }
0x16: {  	s3 =	sld [smem:$0x3FDB];
	s0 =	simm.s32 @p2 $0x1  }
0x17: {  	s4 =	simm.s32 $0x1BF5;
	[smem:$0x3FBB] =	sst s0  }
0x18: {  	s0 =	sld [smem:$0x3F9E];
	_ =	swait.ge [sflag:s4], $0x0  }
0x19: {  	s7 =	sld [smem:$0x3F9F]  }
0x1a: {  	s8 =	sadd.s32 $0xFFFFE003, lr  }
0x1b: {  	s9 =	sadd.s32 $0xFFFFFEF7, lr;
	s5 =	simm.s32 $0xFFFFFFFF;
	p2 =	slt.u32 s8, $0xFFFFF086  }
0x1c: {  	p1 =	slt.u32 s9, $0xF7A;
	s5 =	simm.s32 @!p2 $0x0  }
0x1d: {  	s5 =	simm.s32 @p1 $0x1;
	p0 =	seq.s32 s7, s2  }
0x1e: {  	s7 =	smul.u32 @!p0 $0xF7A, s2;
	p2 =	seq.s32 @!p0 s5, $0x0  }
0x1f: {  	s9 =	smul.u32 $0xF7A, s1;
	s8 =	simm.s32 @!p0 $0x1BF5;
	p2 =	por !p2, p0  }
0x20: {  	[sflag:s8] =	ssyncset.s32 @!p0 $0xFFFFF086;
	s6 =	sadd.s32 @!p0 s3, s7;
	s7 =	simm.s32 @!p0 $0x108  }
0x21: {  	s3 =	sadd.s32 s3, s9;
	s6 =	sadd.s32 @!p0 $0x88, s6;
	s7 =	simm.s32 @p2 $0x1082  }
0x22: {  	[simem:s7], [sflag:s8] =	dma.local @!p0 [hbm:s6], $0xF7A  }
0x23: {  	s9 =	sor.u32 $0xD0000000, s2;
	s6 =	simm.s32 $0x108;
	_ =	swait.ge @!p0 [sflag:s8], $0x0  }
0x24: {  	s3 =	sadd.s32 $0x88, s3;
	s6 =	simm.s32 @!p1 $0x1082;
	[sflag:s4] =	ssyncset.s32 $0xFFFFF086  }
0x25: {  	[simem:s6], [sflag:s4] =	dma.local [hbm:s3], $0xF7A  }
0x26: {  	[smem:$0x3F9F] =	sst s1;
	(tag) =	ssettag s2;
	_ =	strace s9  }
0x27: {  	s1 =	sld [smem:$0x3FAF]  }
0x28: {  	s2 =	sld [smem:$0x3FB0]  }
0x29: {  	s4 =	sld [smem:$0x3FB2]  }
0x2a: {  	p0 =	seq.s32 s5, $0x0;
	s5 =	sld [smem:$0x3FB3]  }
0x2b: {  	s6 =	sld [smem:$0x3FB4]  }
0x2c: {  	s7 =	sld [smem:$0x3FB5]  }
0x2d: {  	s3 =	simm.s32 $0x108;
	s8 =	sld [smem:$0x3FB6]  }
0x2e: {  	s3 =	simm.s32 @!p0 $0x1082;
	s9 =	sld [smem:$0x3FB7]  }
0x2f: {  	lr =	sadd.s32 s0, s3;
	s0 =	sld [smem:$0x3FAE]  }
0x30: {  	s3 =	sld [smem:$0x3FB1]  }
0x31: {  	[smem:$0x3FBA] =	sst s10  }
0x32: {  	s10 =	sld [smem:$0x3FB8];
	_ =	sdelay $0x3  }
0x33: {  	p0 =	seq.s32 s10, $0x1;
	s10 =	sld [smem:$0x3FBA];
	_ =	sdelay $0x3  }
0x34: {  	[smem:$0x3FBA] =	sst s10  }
0x35: {  	s10 =	sld [smem:$0x3FB9];
	_ =	sdelay $0x3  }
0x36: {  	p1 =	seq.s32 s10, $0x1;
	s10 =	sld [smem:$0x3FBA];
	_ =	sdelay $0x3  }
0x37: {  	[smem:$0x3FBA] =	sst s10  }
0x38: {  	s10 =	sld [smem:$0x3FBB]  }
0x39: {  	_ = 	snop;
	(pc) =	sbr.ind lr, $3  }
0x3a: {  	_ = 	snop  }
0x3b: {  	_ = 	snop  }
0x3c: {  	p2 =	seq.s32 s10, $0x1;
	s10 =	sld [smem:$0x3FBA]  }
0x3d: {  	_ =	shalt  }
0x3e: {  	_ =	shalt  }
0x3f: {  	_ =	shalt  }
0x40: {  	_ =	shalt  }
0x41: {  	_ =	shalt  }
0x42: {  	_ =	shalt  }
0x43: {  	_ =	shalt  }
0x44: {  	_ =	shalt  }
0x45: {  	_ =	shalt  }
0x46: {  	_ =	shalt  }
0x47: {  	_ =	shalt  }
0x48: {  	_ =	shalt  }
0x49: {  	_ =	shalt  }
0x4a: {  	_ =	shalt  }
0x4b: {  	_ =	shalt  }
0x4c: {  	_ =	shalt  }
0x4d: {  	_ =	shalt  }
0x4e: {  	_ =	shalt  }
0x4f: {  	_ =	shalt  }
0x50: {  	_ =	shalt  }
0x51: {  	_ =	shalt  }
0x52: {  	_ =	shalt  }
0x53: {  	_ =	shalt  }
0x54: {  	_ =	shalt  }
0x55: {  	_ =	shalt  }
0x56: {  	_ =	shalt  }
0x57: {  	_ =	shalt  }
0x58: {  	_ =	shalt  }
0x59: {  	_ =	shalt  }
0x5a: {  	_ =	shalt  }
0x5b: {  	_ =	shalt  }
0x5c: {  	_ =	shalt  }
0x5d: {  	_ =	shalt  }
0x5e: {  	_ =	shalt  }
0x5f: {  	_ =	shalt  }
0x60: {  	_ =	shalt  }
0x61: {  	_ =	shalt  }
0x62: {  	_ =	shalt  }
0x63: {  	_ =	shalt  }
0x64: {  	_ =	shalt  }
0x65: {  	_ =	shalt  }
0x66: {  	_ =	shalt  }
0x67: {  	_ =	shalt  }
0x68: {  	_ =	shalt  }
0x69: {  	_ =	shalt  }
0x6a: {  	_ =	shalt  }
0x6b: {  	_ =	shalt  }
0x6c: {  	_ =	shalt  }
0x6d: {  	_ =	shalt  }
0x6e: {  	_ =	shalt  }
0x6f: {  	_ =	shalt  }
0x70: {  	_ =	shalt  }
0x71: {  	_ =	shalt  }
0x72: {  	_ =	shalt  }
0x73: {  	_ =	shalt  }
0x74: {  	_ =	shalt  }
0x75: {  	_ =	shalt  }
0x76: {  	_ =	shalt  }
0x77: {  	_ =	shalt  }
0x78: {  	_ =	shalt  }
0x79: {  	_ =	shalt  }
0x7a: {  	_ =	shalt  }
0x7b: {  	_ =	shalt  }
0x7c: {  	_ =	shalt  }
0x7d: {  	_ =	shalt  }
0x7e: {  	_ =	shalt  }
0x7f: {  	_ =	shalt  }
0x80: {  	_ =	shalt  }
0x81: {  	_ =	shalt  }
0x82: {  	_ =	shalt  }
0x83: {  	_ =	shalt  }
0x84: {  	_ =	shalt  }
0x85: {  	_ =	shalt  }
0x86: {  	_ =	shalt  }
0x87: {  	_ =	shalt  }
.Lfunc_end0:
.L_simem_size_0:
called_computation_lowered:
.L_overlay_start_0:
0x88: {  	s2 =	sld [smem:$0x3FD9]  }
0x89: {  	s3 =	sld [smem:$0x3FFE];
	_ =	sdelay $0x1  }
0x8a: {  	s1 =	srdreg.scid  }
0x8b: {  	s0 =	sand.u32 $0x1, s1  }
0x8c: {  	s17 =	sshll.u32 s0, $0xA;
	s2 =	sadd.s32 s3, s2  }
0x8d: {  	s2 =	sadd.s32 s2, s17  }
0x8e: {  	[smem:$0x3FC6] =	sst s2  }
0x8f: {  	_ = 	snop  }
0x90: {  	s2 =	sld [smem:$0x3FC8]  }
0x91: {  	s18 =	sld [smem:$0x3FD0];
	(tm) =	ssettm $0x1  }
0x92: {  	s4 =	sld [smem:$0x3FFB];
	_ =	sdelay $0x3  }
0x93: {  	_ =	strace s4  }
0x94: {  	s4 =	sld [smem:$0x3FFC];
	_ =	sdelay $0x3  }
0x95: {  	_ =	strace s4  }
0x96: {  	s4 =	sld [smem:$0x3FFD];
	_ =	sdelay $0x3  }
0x97: {  	_ =	strace s4  }
0x98: {  	_ =	strace $0x8FFFFFFF  }
0x99: {  	s19 =	sld [smem:$0x3FDB];
	_ =	sdelay $0x1  }
0x9a: {  	s5 =	simm.s32 $_scs_section_size  }
0x9b: {  	s6 =	simm.s32 $_size__tile_overlayer_lowered;
	s7 =	simm.s32 $_tile_overlayer_lowered  }
0x9c: {  	s22 =	simm.s32 $0x1BFF;
	s21 =	sshll.u32 s7, $0x1;
	s4 =	sadd.s32 s5, s19  }
0x9d: {  	s8 =	simm.s32 $0x0;
	s20 =	sshll.u32 s6, $0x1;
	s6 =	sadd.s32 s21, s4  }
0x9e: {  	[timem:s8], [sflag:s22] =	dma.local [hbm:s6], s20  }
0x9f: {  	_ =	swait.ge [sflag:s22], s20  }
0xa0: {  	s5 =	ssub.s32 $0x0, s20;
	[sflag:s22] =	ssyncset.done $0x0  }
0xa1: {  	[sflag:s22] =	ssyncadd.s32 s5;
	_ =	sdelay $0x1  }
0xa2: {  	s23 =	simm.s32 $0x1B8B  }
0xa3: {  	_ =	swait.ge [sflag:s23], $0x1  }
0xa4: {  	[sflag:s23] =	ssyncset.done $0x0  }
0xa5: {  	s25 =	simm.s32 $0x1B8E;
	s24 =	sld [smem:$0x3FFE];
	[sflag:s23] =	ssyncadd.s32 $0xFFFFFFFF  }
0xa6: {  	s26 =	simm.s32 $execute0_lowered;
	[smem:$0x3FD2] =	sst s25  }
0xa7: {  	s6 =	sshll.u32 s26, $0x1;
	_ =	strace $0x80000046;
	[dreg:$0x1] =	wrdreg $0xFFFFFFFF  }
0xa8: {  	s28 =	simm.s32 $_size_execute0_lowered;
	s4 =	sadd.s32 s4, s6;
	[dreg:$0x0] =	wrdreg $0x0  }
0xa9: {  	s6 =	sshll.u32 s28, $0x1;
	[dreg:$0x2] =	wrdreg s4  }
0xaa: {  	[dreg:$0x3] =	wrdreg s6  }
0xab: {  	[dreg:$0x4] =	wrdreg $0xC0  }
0xac: {  	_ =	task [dreg:s8], $0x5FFFF  }
0xad: {  	[dreg:$0x1] =	wrdreg $0xFFFFFFFF  }
0xae: {  	[dreg:$0x0] =	wrdreg $0x60  }
0xaf: {  	[dreg:$0x2] =	wrdreg s24  }
0xb0: {  	[dreg:$0x3] =	wrdreg s2  }
0xb1: {  	[dreg:$0x4] =	wrdreg s18  }
0xb2: {  	[dreg:$0x5] =	wrdreg $0x9  }
0xb3: {  	_ =	task.clear_ibuf [dreg:s8], $0x6FFFF;
	_ =	strace $0x90000046  }
0xb4: {  	s29 =	simm.s32 $0x9;
	_ =	strace $0x80000048  }
0xb5: {  	_ =	swait.ge [sflag:s29], $0x1  }
0xb6: {  	[sflag:s29] =	ssyncadd.s32 $0xFFFFFFFF  }
0xb7: {  	_ =	strace $0x90000048  }
0xb8: {  	_ =	sfence  }
0xb9: {  	s30 =	sld [smem:$0x0];
	_ =	sdelay $0x2  }
0xba: {  	s31 =	sshll.u32 s1, $0xD;
	s1 =	sshrl.u32 s1, $0x2  }
0xbb: {  	s3 =	sand.u32 $0x4000, s31;
	s1 =	sadd.s32 s1, s30  }
0xbc: {  	s0 =	sor.u32 s3, s0;
	s1 =	sshll.u32 s1, $0x11  }
0xbd: {  	s0 =	sor.u32 s1, s0  }
0xbe: {  	s0 =	sadd.s32 $0x8F2B, s0  }
0xbf: {  	[sflag:s0] =	ssyncadd.remote.s32 $0x1  }
0xc0: {  	_ =	sfence.sel $0xFFFF  }
0xc1: {  	[dreg:$0x0] =	wrdreg $0xFFFFFFFF;
	(pc) =	sbr.abs _section_cstart, $3  }
0xc2: {  	[dreg:$0x1] =	wrdreg $0xFFFFFFFF  }
0xc3: {  	_ =	task.clear_ibuf [dreg:s8], $0x2FFFF;
	_ =	strace $0x9FFFFFFF  }
0xc4: {  	(tm) =	ssettm $0x7FFFFFFF  }
0xc5: {  	_ =	shalt  }
tec
execute0_lowered:
.L_overlay_start_1:
0x0: {  	(tag) =	ssettag $0x1  }
0x1: {  	s5 =	rddreg [dreg:$0x0]  }
0x2: {  	s4 =	stileid.u32;
	s2 =	rddreg [dreg:$0x1]  }
0x3: {  	s0 =	srdreg.scid;
	s3 =	rddreg [dreg:$0x2]  }
0x4: {  	s0 =	sand.u32 $0x1, s0;
	s1 =	sshll.u32 s4, $0x1;
	s4 =	sshrl.u32 s4, $0x2  }
0x5: {  	s1 =	sor.u32 s0, s1;
	s6 =	smul.u32 $0x60, s4;
	s4 =	simm.s32 $0x0  }
0x6: {  	s0 =	ssub.s32 $0x2, s0;
	s1 =	smul.u32 $0x120, s1;
	[smem:$0x7FF] =	sst s4  }
0x7: {  	s9 =	sshrl.u32 s0, $0x1;
	_ =	strace $0x80000047;
	s5 =	sadd.s32 s6, s5  }
0x8: {  	s0 =	ssub.s32 s0, s9;
	s7 =	sshrl.u32 s1, $0x3;
	s5 =	sadd.s32 $0x400, s5  }
0x9: {  	s10 =	sadd.s32 $0x30, s1;
	s0 =	smax.u32 s0, $0x1;
	s8 =	smul.u32 $0x300, s7  }
0xa: {  	s7 =	smul.u32 $0x1800, s7;
	[dreg:$0x4] =	wrdreg s5;
	s20 =	sshrl.u32 s10, $0x3  }
0xb: {  	[dreg:$0x14] =	wrdreg s0;
	s0 =	simm.s32 $0x1;
	s22 =	smul.u32 $0x300, s20  }
0xc: {  	s20 =	sadd.s32 $0x40, s1;
	s12 =	sadd.s32 s2, s8;
	s14 =	sshrl.u32 s7, $0x3  }
0xd: {  	s15 =	sadd.s32 $0xD8000, s8;
	s19 =	sadd.s32 s3, s8;
	[dreg:$0x5] =	wrdreg s12  }
0xe: {  	s11 =	sadd.s32 $0xD8600, s8;
	s16 =	sadd.s32 s2, s15;
	[dreg:$0x9] =	wrdreg s19  }
0xf: {  	s7 =	sadd.s32 $0x20, s1;
	s13 =	sadd.s32 s2, s11;
	[dreg:$0x6] =	wrdreg s16  }
0x10: {  	s8 =	simm.s32 $0xC300;
	s6 =	sadd.s32 s3, s15;
	[dreg:$0x8] =	wrdreg s13  }
0x11: {  	s5 =	sadd.s32 $0x600, s14;
	s23 =	sadd.s32 $0xD8C00, s12;
	[dreg:$0xa] =	wrdreg s6  }
0x12: {  	s18 =	sshrl.u32 s7, $0x3;
	s24 =	sadd.s32 s3, s11;
	[dreg:$0xc] =	wrdreg s23  }
0x13: {  	s25 =	sadd.s32 s2, s22;
	s26 =	sadd.s32 $0xD9200, s12;
	[dreg:$0xe] =	wrdreg s24  }
0x14: {  	s28 =	sadd.s32 $0x6000, s19;
	s29 =	sadd.s32 $0xDE000, s19;
	[dreg:$0xf] =	wrdreg s25  }
0x15: {  	s30 =	sadd.s32 $0x6600, s19;
	s31 =	sadd.s32 $0xDE600, s19;
	[dreg:$0x10] =	wrdreg s26  }
0x16: {  	s11 =	simm.s32 $0x2;
	s14 =	simm.s32 $0xF300;
	[dreg:$0x11] =	wrdreg s28  }
0x17: {  	s15 =	simm.s32 $0x15300;
	s19 =	simm.s32 $0x8;
	[dreg:$0x12] =	wrdreg s29  }
0x18: {  	s12 =	simm.s32 $0x0;
	s17 =	sadd.s32 s2, s5;
	[dreg:$0x13] =	wrdreg s30  }
0x19: {  	s9 =	smul.u32 $0x300, s18;
	s5 =	sadd.s32 s3, s5;
	[dreg:$0x15] =	wrdreg s31  }
0x1a: {  	s13 =	simm.s32 $0x4;
	s16 =	simm.s32 $0x5;
	[dreg:$0x7] =	wrdreg s17  }
0x1b: {  	s18 =	simm.s32 $0x6;
	[dreg:$0xd] =	wrdreg s5;
	s5 =	simm.s32 $0x3  }
0x1c: {  	s17 =	simm.s32 $0x7;
	s21 =	sadd.s32 s2, s9;
	s9 =	simm.s32 $0x12300  }
0x1d: {  	[dreg:$0xb] =	wrdreg s21;
	s21 =	sadd.s32 $0x50, s1;
	s1 =	simm.s32 $0x9300  }
.LBB2_1:
0x1e: {  	[dreg:$0x16] =	wrdreg s12  }
0x1f: {  	s6 =	rddreg [dreg:$0x4];
	s12 =	simm.s32 $0x9  }
0x20: {  	[tilespmem:s4], [sflag:$0x9] =	stream.linear.gather [hbm4b:s6+s4], $0x300, $0x38;
	[tilespmem:$0x18300] =	vst v63  }
0x21: {  	_ =	swait.ge [sflag:s12], $0x300  }
0x22: {  	[sflag:s12] =	ssyncset.done $0x0  }
0x23: {  	s23 =	simm.s32 $0x300;
	s22 =	rddreg [dreg:$0x5];
	[sflag:s12] =	ssyncadd.s32 $0xFFFFFD00  }
0x24: {  	[tilespmem:s23], [sflag:$0x1] =	stream.linear.gather [hbm4b:s22+s4], $0x3000, $0x38;
	[tilespmem:$0x18300] =	vst v63  }
0x25: {  	s25 =	simm.s32 $0x6300;
	s24 =	rddreg [dreg:$0x6]  }
0x26: {  	[tilespmem:s25], [sflag:$0x3] =	stream.linear.gather [hbm4b:s24+s4], $0x3000, $0x38;
	[tilespmem:$0x18300] =	vst v63  }
0x27: {  	s28 =	simm.s32 $0x3300;
	s26 =	rddreg [dreg:$0x7]  }
0x28: {  	[tilespmem:s28], [sflag:$0x2] =	stream.linear.gather [hbm4b:s26+s4], $0x3000, $0x38;
	[tilespmem:$0x18300] =	vst v63  }
0x29: {  	s29 =	rddreg [dreg:$0x8]  }
0x2a: {  	[tilespmem:s1], [sflag:$0x4] =	stream.linear.gather [hbm4b:s29+s4], $0x3000, $0x38;
	[tilespmem:$0x18300] =	vst v63  }
0x2b: {  	_ =	swait.ge [sflag:s0], $0x3000  }
0x2c: {  	[sflag:s0] =	ssyncset.done $0x0  }
0x2d: {  	[sflag:s0] =	ssyncadd.s32 $0xFFFFD000  }
0x2e: {  	_ =	swait.ge [sflag:s5], $0x3000  }
0x2f: {  	s30 =	sand.u32 $0x70, s4;
	s31 =	sand.u32 $0x1C00, s4;
	[sflag:s5] =	ssyncset.done $0x0  }
0x30: {  	s23 =	sor.u32 s30, s31;
	[sflag:s5] =	ssyncadd.s32 $0xFFFFD000  }
0x31: {  	v0 =	vld [tilespmem:s23+$0x6600]  }
0x32: {  	v1 =	vld [tilespmem:s23+$0x6480]  }
0x33: {  	v2 =	vld [tilespmem:s23+$0x6500]  }
0x34: {  	v3 =	vld [tilespmem:s23+$0x6400]  }
0x35: {  	v4 =	vld [tilespmem:s23+$0x600]  }
0x36: {  	v5 =	vld [tilespmem:s4+$0x0]  }
0x37: {  	v6 =	vld [tilespmem:s23+$0x300]  }
0x38: {  	v7 =	vld [tilespmem:s23+$0x480]  }
0x39: {  	v8 =	vld [tilespmem:s23+$0x500]  }
0x3a: {  	v9 =	vld [tilespmem:s23+$0x400]  }
0x3b: {  	v10 =	vld [tilespmem:s23+$0x6380];
	vm0 =	vlt.f32 v5, $3.000000120e-01  }
0x3c: {  	v12 =	vld [tilespmem:s23+$0x6580];
	v11 =	vsel vm0, v4, v0  }
0x3d: {  	v5 =	vld [tilespmem:s23+$0x380];
	v61 =	vsel vm0, v7, v1;
	[tilespmem:s23+$0x12600] =	vst v11  }
0x3e: {  	v62 =	vld [tilespmem:s23+$0x580];
	v1 =	vsel vm0, v1, v7;
	[tilespmem:s23+$0x12480] =	vst v61  }
0x3f: {  	v7 =	vld [tilespmem:s23+$0x6300];
	[tilespmem:s23+$0xC480] =	vst v1;
	v1 =	vsel vm0, v8, v2  }
0x40: {  	v2 =	vsel vm0, v2, v8;
	[tilespmem:s23+$0x12500] =	vst v1  }
0x41: {  	v1 =	vsel vm0, v0, v4;
	[tilespmem:s23+$0xC500] =	vst v2  }
0x42: {  	v0 =	vsel vm0, v3, v9;
	[tilespmem:s23+$0xC600] =	vst v1;
	v2 =	vsel vm0, v10, v5  }
0x43: {  	s6 =	sor.u32 s4, s4;
	v1 =	vsel vm0, v9, v3;
	v63 =	vsel vm0, v5, v10;
	v5 =	vsel vm0, v62, v12;
	[tilespmem:s23+$0xC380] =	vst v2  }
0x44: {  	s12 =	simm.s32 $0x10;
	s24 =	simm.s32 $0x0;
	s25 =	simm.s32 $0x0;
	v2 =	vsel vm0, v12, v62;
	v3 =	vsel vm0, v7, v6;
	v4 =	vsel vm0, v6, v7;
	[tilespmem:s23+$0x12380] =	vst v63  }
.LBB2_2:
0x45: {  	p0 =	sne.s32 s12, $0x2F0;
	[tilespmem:s23+$0x12580] =	vst v5;
	s24 =	sadd.s32 $0x80, s24;
	s25 =	sadd.s32 $0x10, s25  }
0x46: {  	s22 =	smov.u32 s12;
	s26 =	sor.u32 s24, s12;
	[tilespmem:s23+$0x12300] =	vst v4;
	s12 =	sadd.s32 $0x10, s12  }
0x47: {  	[tilespmem:s23+$0xC580] =	vst v2  }
0x48: {  	[tilespmem:s23+$0x12400] =	vst v1  }
0x49: {  	[tilespmem:s23+$0xC300] =	vst v3  }
0x4a: {  	s28 =	sor.u32 $0x380, s6;
	s6 =	smov.u32 s26;
	[tilespmem:s23+$0xC400] =	vst v0  }
0x4b: {  	v0 =	vld [tilespmem:s28+$0x300]  }
0x4c: {  	v1 =	vld [tilespmem:s28+$0x6300];
	_ =	sdelay $0x4  }
0x4d: {  	v2 =	vsel vm0, v1, v0;
	v0 =	vsel vm0, v0, v1  }
0x4e: {  	[tilespmem:s28+$0xC300] =	vst v2;
	_ =	sdelay $0x1  }
0x4f: {  	[tilespmem:s28+$0x12300] =	vst v0  }
0x50: {  	v0 =	vld [tilespmem:s23+$0x1B00]  }
0x51: {  	v1 =	vld [tilespmem:s23+$0x1C80]  }
0x52: {  	v2 =	vld [tilespmem:s23+$0x7E00]  }
0x53: {  	v3 =	vld [tilespmem:s23+$0x7E80]  }
0x54: {  	v4 =	vld [tilespmem:s23+$0x1E00]  }
0x55: {  	v5 =	vld [tilespmem:s23+$0x1C00]  }
0x56: {  	v6 =	vld [tilespmem:s23+$0x7C00]  }
0x57: {  	v7 =	vld [tilespmem:s23+$0x7B80]  }
0x58: {  	v8 =	vld [tilespmem:s23+$0x7C80]  }
0x59: {  	v9 =	vld [tilespmem:s23+$0x1D00];
	v10 =	vsel vm0, v2, v4;
	v2 =	vsel vm0, v4, v2  }
0x5a: {  	v4 =	vld [tilespmem:s23+$0x7D00];
	[tilespmem:s23+$0xDE00] =	vst v10  }
0x5b: {  	v10 =	vld [tilespmem:s23+$0x1B80];
	v11 =	vsel vm0, v6, v5;
	v5 =	vsel vm0, v5, v6;
	[tilespmem:s23+$0x13E00] =	vst v2  }
0x5c: {  	[tilespmem:s23+$0xDC00] =	vst v11;
	v2 =	vld [tilespmem:s23+$0x1D80]  }
0x5d: {  	[tilespmem:s23+$0x13C00] =	vst v5;
	v5 =	vsel vm0, v8, v1;
	v1 =	vsel vm0, v1, v8;
	v6 =	vld [tilespmem:s23+$0x7D80]  }
0x5e: {  	[tilespmem:s23+$0xDC80] =	vst v5;
	v5 =	vld [tilespmem:s23+$0x1E80]  }
0x5f: {  	v8 =	vld [tilespmem:s23+$0x7B00];
	[tilespmem:s23+$0x13C80] =	vst v1;
	v1 =	vsel vm0, v4, v9;
	v4 =	vsel vm0, v9, v4  }
0x60: {  	v9 =	vsel vm0, v7, v10;
	v7 =	vsel vm0, v10, v7;
	[tilespmem:s23+$0xDD00] =	vst v1  }
0x61: {  	[tilespmem:s23+$0xDB80] =	vst v9  }
0x62: {  	[tilespmem:s23+$0x13B80] =	vst v7;
	v1 =	vsel vm0, v6, v2;
	v2 =	vsel vm0, v2, v6  }
0x63: {  	[tilespmem:s23+$0x13D00] =	vst v4;
	v4 =	vsel vm0, v3, v5;
	v3 =	vsel vm0, v5, v3  }
0x64: {  	s22 =	sand.u32 $0x70, s22;
	s26 =	sand.u32 $0x1C00, s24;
	v5 =	vsel vm0, v8, v0;
	v0 =	vsel vm0, v0, v8;
	[tilespmem:s23+$0xDE80] =	vst v4  }
0x65: {  	s22 =	sor.u32 s22, s26;
	[tilespmem:s23+$0x13E80] =	vst v3  }
0x66: {  	v3 =	vld [tilespmem:s22+$0x6600];
	[tilespmem:s23+$0xDD80] =	vst v1  }
0x67: {  	v1 =	vld [tilespmem:s22+$0x6480];
	[tilespmem:s23+$0x13D80] =	vst v2  }
0x68: {  	v2 =	vld [tilespmem:s22+$0x6500];
	[tilespmem:s23+$0xDB00] =	vst v5  }
0x69: {  	v4 =	vld [tilespmem:s22+$0x6400];
	[tilespmem:s23+$0x13B00] =	vst v0;
	s23 =	smov.u32 s22  }
0x6a: {  	v0 =	vld [tilespmem:s23+$0x600]  }
0x6b: {  	v5 =	vld [tilespmem:s25+$0x0]  }
0x6c: {  	v6 =	vld [tilespmem:s23+$0x300]  }
0x6d: {  	v7 =	vld [tilespmem:s23+$0x480]  }
0x6e: {  	v8 =	vld [tilespmem:s23+$0x500]  }
0x6f: {  	v9 =	vld [tilespmem:s23+$0x400]  }
0x70: {  	vm0 =	vlt.f32 v5, $3.000000120e-01;
	v5 =	vld [tilespmem:s23+$0x6380]  }
0x71: {  	v10 =	vld [tilespmem:s23+$0x380];
	v11 =	vsel vm0, v3, v0;
	v0 =	vsel vm0, v0, v3  }
0x72: {  	v3 =	vsel vm0, v1, v7;
	v1 =	vsel vm0, v7, v1;
	v7 =	vld [tilespmem:s23+$0x6580];
	[tilespmem:s23+$0x12600] =	vst v0  }
0x73: {  	[tilespmem:s23+$0x12480] =	vst v1;
	v12 =	vsel vm0, v2, v8;
	v2 =	vsel vm0, v8, v2;
	v8 =	vld [tilespmem:s23+$0x580]  }
0x74: {  	v13 =	vld [tilespmem:s23+$0x6300];
	[tilespmem:s23+$0xC480] =	vst v3  }
.Ltmp0:
0x75: {  	v0 =	vsel vm0, v4, v9;
	v1 =	vsel vm0, v9, v4;
	[tilespmem:s23+$0x12500] =	vst v2;
	(pc) =	sbr.rel @p0 .LBB2_2-.Ltmp0, $4  }
0x76: {  	v2 =	vsel vm0, v5, v10;
	v9 =	vsel vm0, v10, v5;
	[tilespmem:s23+$0xC500] =	vst v12  }
0x77: {  	[tilespmem:s23+$0xC600] =	vst v11  }
0x78: {  	[tilespmem:s23+$0xC380] =	vst v2;
	v2 =	vsel vm0, v7, v8;
	v5 =	vsel vm0, v8, v7  }
0x79: {  	v3 =	vsel vm0, v13, v6;
	v4 =	vsel vm0, v6, v13;
	[tilespmem:s23+$0x12380] =	vst v9  }
0x7a: {  	[tilespmem:s23+$0x12580] =	vst v5  }
0x7b: {  	[tilespmem:s23+$0x12300] =	vst v4  }
0x7c: {  	[tilespmem:s23+$0xC580] =	vst v2  }
0x7d: {  	[tilespmem:s23+$0x12400] =	vst v1  }
0x7e: {  	[tilespmem:s23+$0xC300] =	vst v3  }
0x7f: {  	[tilespmem:s23+$0xC400] =	vst v0;
	s6 =	sor.u32 $0x380, s6  }
0x80: {  	v0 =	vld [tilespmem:s6+$0x300]  }
0x81: {  	v1 =	vld [tilespmem:s6+$0x6300];
	_ =	sdelay $0x4  }
0x82: {  	v2 =	vsel vm0, v1, v0  }
0x83: {  	v0 =	vsel vm0, v0, v1;
	[tilespmem:s6+$0xC300] =	vst v2  }
0x84: {  	[tilespmem:s6+$0x12300] =	vst v0  }
0x85: {  	v1 =	vld [tilespmem:s23+$0x1C80]  }
0x86: {  	v2 =	vld [tilespmem:s23+$0x7E00]  }
0x87: {  	v4 =	vld [tilespmem:s23+$0x1E00]  }
0x88: {  	v5 =	vld [tilespmem:s23+$0x1C00]  }
0x89: {  	v6 =	vld [tilespmem:s23+$0x7C00]  }
0x8a: {  	v7 =	vld [tilespmem:s23+$0x7B80]  }
0x8b: {  	v8 =	vld [tilespmem:s23+$0x7C80]  }
0x8c: {  	v9 =	vld [tilespmem:s23+$0x1D00];
	v10 =	vsel vm0, v2, v4  }
0x8d: {  	v11 =	vld [tilespmem:s23+$0x7D00];
	v2 =	vsel vm0, v4, v2;
	[tilespmem:s23+$0xDE00] =	vst v10  }
0x8e: {  	v4 =	vld [tilespmem:s23+$0x1B80];
	v54 =	vsel vm0, v6, v5;
	[tilespmem:s23+$0x13E00] =	vst v2  }
0x8f: {  	[tilespmem:s23+$0xDC00] =	vst v54;
	v2 =	vsel vm0, v5, v6  }
0x90: {  	v3 =	vld [tilespmem:s23+$0x7E80];
	[tilespmem:s23+$0x13C00] =	vst v2;
	v2 =	vsel vm0, v8, v1  }
0x91: {  	v1 =	vsel vm0, v1, v8;
	[tilespmem:s23+$0xDC80] =	vst v2;
	v2 =	vld [tilespmem:s23+$0x1E80]  }
0x92: {  	v5 =	vld [tilespmem:s23+$0x1D80];
	[tilespmem:s23+$0x13C80] =	vst v1;
	v1 =	vsel vm0, v11, v9  }
0x93: {  	v6 =	vld [tilespmem:s23+$0x7D80];
	[tilespmem:s23+$0xDD00] =	vst v1;
	v56 =	vsel vm0, v7, v4  }
0x94: {  	v0 =	vld [tilespmem:s23+$0x1B00];
	v1 =	vsel vm0, v4, v7;
	[tilespmem:s23+$0xDB80] =	vst v56  }
0x95: {  	v55 =	vld [tilespmem:s23+$0x7B00];
	v4 =	vsel vm0, v9, v11;
	[tilespmem:s23+$0x13B80] =	vst v1  }
0x96: {  	[tilespmem:s23+$0x13D00] =	vst v4;
	v1 =	vsel vm0, v3, v2  }
0x97: {  	v2 =	vsel vm0, v2, v3;
	[tilespmem:s23+$0xDE80] =	vst v1  }
0x98: {  	v1 =	vsel vm0, v6, v5;
	[tilespmem:s23+$0x13E80] =	vst v2  }
0x99: {  	v2 =	vsel vm0, v5, v6;
	[tilespmem:s23+$0xDD80] =	vst v1  }
0x9a: {  	v1 =	vsel vm0, v55, v0;
	[tilespmem:s23+$0x13D80] =	vst v2  }
0x9b: {  	v0 =	vsel vm0, v0, v55;
	[tilespmem:s23+$0xDB00] =	vst v1  }
0x9c: {  	s12 =	rddreg [dreg:$0x9];
	s6 =	simm.s32 $0x0;
	[tilespmem:s23+$0x13B00] =	vst v0  }
0x9d: {  	[hbm4b:s12+s6] =	stream.linear.scatter [tilespmem:s8], [sflag:$0x5], $0x3000, $0x38;
	[tilespmem:$0x18300] =	vst v63  }
0x9e: {  	s25 =	rddreg [dreg:$0xa]  }
0x9f: {  	[hbm4b:s25+s6] =	stream.linear.scatter [tilespmem:s9], [sflag:$0x7], $0x3000, $0x38;
	[tilespmem:$0x18300] =	vst v63  }
0xa0: {  	s26 =	rddreg [dreg:$0xb];
	s22 =	simm.s32 $0x300  }
0xa1: {  	[tilespmem:s22], [sflag:$0x1] =	stream.linear.gather [hbm4b:s26+s6], $0x3000, $0x38;
	[tilespmem:$0x18300] =	vst v63  }
0xa2: {  	s28 =	rddreg [dreg:$0xc];
	s29 =	simm.s32 $0x6300  }
0xa3: {  	[tilespmem:s29], [sflag:$0x3] =	stream.linear.gather [hbm4b:s28+s6], $0x3000, $0x38;
	[tilespmem:$0x18300] =	vst v63  }
0xa4: {  	_ =	swait.ge [sflag:s11], $0x3000  }
0xa5: {  	[sflag:s11] =	ssyncset.done $0x0  }
0xa6: {  	[sflag:s11] =	ssyncadd.s32 $0xFFFFD000  }
0xa7: {  	_ =	swait.ge [sflag:s13], $0x3000  }
0xa8: {  	s30 =	sand.u32 $0x70, s6;
	s31 =	sand.u32 $0x1C00, s6;
	[sflag:s13] =	ssyncset.done $0x0  }
0xa9: {  	s23 =	sor.u32 s30, s31;
	[sflag:s13] =	ssyncadd.s32 $0xFFFFD000  }
0xaa: {  	v0 =	vld [tilespmem:s23+$0x9600]  }
0xab: {  	v1 =	vld [tilespmem:s23+$0x9480]  }
0xac: {  	v2 =	vld [tilespmem:s23+$0x9500]  }
0xad: {  	v3 =	vld [tilespmem:s23+$0x9400]  }
0xae: {  	v4 =	vld [tilespmem:s23+$0x3600]  }
0xaf: {  	v5 =	vld [tilespmem:s6+$0x0]  }
0xb0: {  	v6 =	vld [tilespmem:s23+$0x3300]  }
0xb1: {  	v7 =	vld [tilespmem:s23+$0x3480]  }
0xb2: {  	v57 =	vld [tilespmem:s23+$0x3500]  }
0xb3: {  	v58 =	vld [tilespmem:s23+$0x3400]  }
0xb4: {  	v59 =	vld [tilespmem:s23+$0x9380];
	vm0 =	vlt.f32 v5, $3.000000120e-01  }
0xb5: {  	v12 =	vld [tilespmem:s23+$0x9580];
	v60 =	vsel vm0, v4, v0  }
0xb6: {  	v5 =	vld [tilespmem:s23+$0x3380];
	v61 =	vsel vm0, v7, v1;
	[tilespmem:s23+$0x15600] =	vst v60  }
0xb7: {  	v62 =	vld [tilespmem:s23+$0x3580];
	v1 =	vsel vm0, v1, v7;
	[tilespmem:s23+$0x15480] =	vst v61  }
0xb8: {  	v7 =	vld [tilespmem:s23+$0x9300];
	[tilespmem:s23+$0xF480] =	vst v1;
	v1 =	vsel vm0, v57, v2  }
0xb9: {  	v2 =	vsel vm0, v2, v57;
	[tilespmem:s23+$0x15500] =	vst v1  }
0xba: {  	v1 =	vsel vm0, v0, v4;
	[tilespmem:s23+$0xF500] =	vst v2  }
0xbb: {  	v0 =	vsel vm0, v3, v58;
	[tilespmem:s23+$0xF600] =	vst v1;
	v2 =	vsel vm0, v59, v5  }
0xbc: {  	v1 =	vsel vm0, v58, v3;
	v63 =	vsel vm0, v5, v59;
	v5 =	vsel vm0, v62, v12;
	[tilespmem:s23+$0xF380] =	vst v2  }
0xbd: {  	s24 =	sor.u32 s6, s6;
	s12 =	simm.s32 $0x10;
	s25 =	simm.s32 $0x0;
	v2 =	vsel vm0, v12, v62;
	v3 =	vsel vm0, v7, v6;
	v4 =	vsel vm0, v6, v7;
	[tilespmem:s23+$0x15380] =	vst v63  }
.LBB2_4:
0xbe: {  	p0 =	sne.s32 s12, $0x2F0;
	[tilespmem:s23+$0x15580] =	vst v5;
	s6 =	sadd.s32 $0x80, s6;
	s25 =	sadd.s32 $0x10, s25  }
0xbf: {  	s22 =	smov.u32 s12;
	s26 =	sor.u32 s6, s12;
	[tilespmem:s23+$0x15300] =	vst v4;
	s12 =	sadd.s32 $0x10, s12  }
0xc0: {  	[tilespmem:s23+$0xF580] =	vst v2  }
0xc1: {  	[tilespmem:s23+$0x15400] =	vst v1  }
0xc2: {  	[tilespmem:s23+$0xF300] =	vst v3  }
0xc3: {  	s28 =	sor.u32 $0x380, s24;
	s24 =	smov.u32 s26;
	[tilespmem:s23+$0xF400] =	vst v0  }
0xc4: {  	v0 =	vld [tilespmem:s28+$0x3300]  }
0xc5: {  	v1 =	vld [tilespmem:s28+$0x9300];
	_ =	sdelay $0x4  }
0xc6: {  	v2 =	vsel vm0, v1, v0;
	v0 =	vsel vm0, v0, v1  }
0xc7: {  	[tilespmem:s28+$0xF300] =	vst v2;
	_ =	sdelay $0x1  }
0xc8: {  	[tilespmem:s28+$0x15300] =	vst v0  }
0xc9: {  	v0 =	vld [tilespmem:s23+$0x4B00]  }
0xca: {  	v1 =	vld [tilespmem:s23+$0x4C80]  }
0xcb: {  	v2 =	vld [tilespmem:s23+$0xAE00]  }
0xcc: {  	v3 =	vld [tilespmem:s23+$0xAE80]  }
0xcd: {  	v4 =	vld [tilespmem:s23+$0x4E00]  }
0xce: {  	v5 =	vld [tilespmem:s23+$0x4C00]  }
0xcf: {  	v6 =	vld [tilespmem:s23+$0xAC00]  }
0xd0: {  	v7 =	vld [tilespmem:s23+$0xAB80]  }
0xd1: {  	v8 =	vld [tilespmem:s23+$0xAC80]  }
0xd2: {  	v9 =	vld [tilespmem:s23+$0x4D00];
	v10 =	vsel vm0, v2, v4;
	v2 =	vsel vm0, v4, v2  }
0xd3: {  	v4 =	vld [tilespmem:s23+$0xAD00];
	[tilespmem:s23+$0x10E00] =	vst v10  }
0xd4: {  	v10 =	vld [tilespmem:s23+$0x4B80];
	v11 =	vsel vm0, v6, v5;
	v5 =	vsel vm0, v5, v6;
	[tilespmem:s23+$0x16E00] =	vst v2  }
0xd5: {  	[tilespmem:s23+$0x10C00] =	vst v11;
	v2 =	vld [tilespmem:s23+$0x4D80]  }
0xd6: {  	[tilespmem:s23+$0x16C00] =	vst v5;
	v5 =	vsel vm0, v8, v1;
	v1 =	vsel vm0, v1, v8;
	v6 =	vld [tilespmem:s23+$0xAD80]  }
0xd7: {  	[tilespmem:s23+$0x10C80] =	vst v5;
	v5 =	vld [tilespmem:s23+$0x4E80]  }
0xd8: {  	v8 =	vld [tilespmem:s23+$0xAB00];
	[tilespmem:s23+$0x16C80] =	vst v1;
	v1 =	vsel vm0, v4, v9;
	v4 =	vsel vm0, v9, v4  }
0xd9: {  	v9 =	vsel vm0, v7, v10;
	v7 =	vsel vm0, v10, v7;
	[tilespmem:s23+$0x10D00] =	vst v1  }
0xda: {  	[tilespmem:s23+$0x10B80] =	vst v9  }
0xdb: {  	[tilespmem:s23+$0x16B80] =	vst v7;
	v1 =	vsel vm0, v6, v2;
	v2 =	vsel vm0, v2, v6  }
0xdc: {  	[tilespmem:s23+$0x16D00] =	vst v4;
	v4 =	vsel vm0, v3, v5;
	v3 =	vsel vm0, v5, v3  }
0xdd: {  	s22 =	sand.u32 $0x70, s22;
	s26 =	sand.u32 $0x1C00, s6;
	v5 =	vsel vm0, v8, v0;
	v0 =	vsel vm0, v0, v8;
	[tilespmem:s23+$0x10E80] =	vst v4  }
0xde: {  	s22 =	sor.u32 s22, s26;
	[tilespmem:s23+$0x16E80] =	vst v3  }
0xdf: {  	v3 =	vld [tilespmem:s22+$0x9600];
	[tilespmem:s23+$0x10D80] =	vst v1  }
0xe0: {  	v1 =	vld [tilespmem:s22+$0x9480];
	[tilespmem:s23+$0x16D80] =	vst v2  }
0xe1: {  	v2 =	vld [tilespmem:s22+$0x9500];
	[tilespmem:s23+$0x10B00] =	vst v5  }
0xe2: {  	v4 =	vld [tilespmem:s22+$0x9400];
	[tilespmem:s23+$0x16B00] =	vst v0;
	s23 =	smov.u32 s22  }
0xe3: {  	v0 =	vld [tilespmem:s23+$0x3600]  }
0xe4: {  	v5 =	vld [tilespmem:s25+$0x0]  }
0xe5: {  	v6 =	vld [tilespmem:s23+$0x3300]  }
0xe6: {  	v7 =	vld [tilespmem:s23+$0x3480]  }
0xe7: {  	v8 =	vld [tilespmem:s23+$0x3500]  }
0xe8: {  	v9 =	vld [tilespmem:s23+$0x3400]  }
0xe9: {  	vm0 =	vlt.f32 v5, $3.000000120e-01;
	v5 =	vld [tilespmem:s23+$0x9380]  }
0xea: {  	v10 =	vld [tilespmem:s23+$0x3380];
	v11 =	vsel vm0, v3, v0;
	v0 =	vsel vm0, v0, v3  }
0xeb: {  	v3 =	vsel vm0, v1, v7;
	v1 =	vsel vm0, v7, v1;
	v7 =	vld [tilespmem:s23+$0x9580];
	[tilespmem:s23+$0x15600] =	vst v0  }
0xec: {  	[tilespmem:s23+$0x15480] =	vst v1;
	v12 =	vsel vm0, v2, v8;
	v2 =	vsel vm0, v8, v2;
	v8 =	vld [tilespmem:s23+$0x3580]  }
0xed: {  	v13 =	vld [tilespmem:s23+$0x9300];
	[tilespmem:s23+$0xF480] =	vst v3  }
.Ltmp1:
0xee: {  	v0 =	vsel vm0, v4, v9;
	v1 =	vsel vm0, v9, v4;
	[tilespmem:s23+$0x15500] =	vst v2;
	(pc) =	sbr.rel @p0 .LBB2_4-.Ltmp1, $4  }
0xef: {  	v2 =	vsel vm0, v5, v10;
	v9 =	vsel vm0, v10, v5;
	[tilespmem:s23+$0xF500] =	vst v12  }
0xf0: {  	[tilespmem:s23+$0xF600] =	vst v11  }
0xf1: {  	[tilespmem:s23+$0xF380] =	vst v2;
	v2 =	vsel vm0, v7, v8;
	v5 =	vsel vm0, v8, v7  }
0xf2: {  	v3 =	vsel vm0, v13, v6;
	v4 =	vsel vm0, v6, v13;
	[tilespmem:s23+$0x15380] =	vst v9  }
0xf3: {  	[tilespmem:s23+$0x15580] =	vst v5  }
0xf4: {  	[tilespmem:s23+$0x15300] =	vst v4  }
0xf5: {  	[tilespmem:s23+$0xF580] =	vst v2  }
0xf6: {  	[tilespmem:s23+$0x15400] =	vst v1  }
0xf7: {  	[tilespmem:s23+$0xF300] =	vst v3  }
0xf8: {  	[tilespmem:s23+$0xF400] =	vst v0;
	s6 =	sor.u32 $0x380, s24  }
0xf9: {  	v0 =	vld [tilespmem:s6+$0x3300]  }
0xfa: {  	v1 =	vld [tilespmem:s6+$0x9300];
	_ =	sdelay $0x4  }
0xfb: {  	v43 =	vsel vm0, v1, v0  }
0xfc: {  	v0 =	vsel vm0, v0, v1;
	[tilespmem:s6+$0xF300] =	vst v43  }
0xfd: {  	[tilespmem:s6+$0x15300] =	vst v0  }
0xfe: {  	v44 =	vld [tilespmem:s23+$0x4C80]  }
0xff: {  	v2 =	vld [tilespmem:s23+$0xAE00]  }
0x100: {  	v46 =	vld [tilespmem:s23+$0x4E00]  }
0x101: {  	v47 =	vld [tilespmem:s23+$0x4C00]  }
0x102: {  	v6 =	vld [tilespmem:s23+$0xAC00]  }
0x103: {  	v7 =	vld [tilespmem:s23+$0xAB80]  }
0x104: {  	v8 =	vld [tilespmem:s23+$0xAC80]  }
0x105: {  	v9 =	vld [tilespmem:s23+$0x4D00];
	v10 =	vsel vm0, v2, v46  }
0x106: {  	v11 =	vld [tilespmem:s23+$0xAD00];
	v2 =	vsel vm0, v46, v2;
	[tilespmem:s23+$0x10E00] =	vst v10  }
0x107: {  	v48 =	vld [tilespmem:s23+$0x4B80];
	v49 =	vsel vm0, v6, v47;
	[tilespmem:s23+$0x16E00] =	vst v2  }
0x108: {  	v45 =	vld [tilespmem:s23+$0xAE80];
	v50 =	vsel vm0, v47, v6;
	[tilespmem:s23+$0x10C00] =	vst v49  }
0x109: {  	v51 =	vld [tilespmem:s23+$0x4D80];
	v52 =	vsel vm0, v8, v44;
	[tilespmem:s23+$0x16C00] =	vst v50  }
0x10a: {  	v54 =	vld [tilespmem:s23+$0x4E80];
	v1 =	vsel vm0, v44, v8;
	[tilespmem:s23+$0x10C80] =	vst v52  }
0x10b: {  	v53 =	vld [tilespmem:s23+$0xAD80];
	v56 =	vsel vm0, v11, v9;
	[tilespmem:s23+$0x16C80] =	vst v1  }
0x10c: {  	v0 =	vld [tilespmem:s23+$0x4B00];
	v57 =	vsel vm0, v7, v48;
	[tilespmem:s23+$0x10D00] =	vst v56  }
0x10d: {  	v55 =	vld [tilespmem:s23+$0xAB00];
	v58 =	vsel vm0, v48, v7;
	[tilespmem:s23+$0x10B80] =	vst v57  }
0x10e: {  	v59 =	vsel vm0, v9, v11;
	[tilespmem:s23+$0x16B80] =	vst v58  }
0x10f: {  	v60 =	vsel vm0, v45, v54;
	[tilespmem:s23+$0x16D00] =	vst v59  }
0x110: {  	v61 =	vsel vm0, v53, v51;
	[tilespmem:s23+$0x10E80] =	vst v60  }
0x111: {  	v62 =	vsel vm0, v51, v53;
	[tilespmem:s23+$0x10D80] =	vst v61  }
0x112: {  	v63 =	vsel vm0, v55, v0;
	[tilespmem:s23+$0x16D80] =	vst v62  }
0x113: {  	v0 =	vsel vm0, v0, v55;
	[tilespmem:s23+$0x10B00] =	vst v63  }
0x114: {  	v2 =	vsel vm0, v54, v45;
	[tilespmem:s23+$0x16B00] =	vst v0  }
0x115: {  	s28 =	rddreg [dreg:$0xd];
	[tilespmem:s23+$0x16E80] =	vst v2;
	s23 =	simm.s32 $0x0  }
0x116: {  	[hbm4b:s28+s23] =	stream.linear.scatter [tilespmem:s14], [sflag:$0x6], $0x3000, $0x38;
	[tilespmem:$0x18300] =	vst v63  }
0x117: {  	s29 =	rddreg [dreg:$0xe]  }
0x118: {  	[hbm4b:s29+s23] =	stream.linear.scatter [tilespmem:s15], [sflag:$0x8], $0x3000, $0x38;
	[tilespmem:$0x18300] =	vst v63  }
0x119: {  	s30 =	rddreg [dreg:$0xf];
	s12 =	simm.s32 $0x3300  }
0x11a: {  	[tilespmem:s12], [sflag:$0x2] =	stream.linear.gather [hbm4b:s30+s23], $0x3000, $0x38;
	[tilespmem:$0x18300] =	vst v63  }
0x11b: {  	s31 =	rddreg [dreg:$0x10];
	s24 =	simm.s32 $0x0  }
0x11c: {  	[tilespmem:s1], [sflag:$0x4] =	stream.linear.gather [hbm4b:s31+s23], $0x3000, $0x38;
	[tilespmem:$0x18300] =	vst v63  }
.LBB2_6:
0x11d: {  	_ =	swait.ge [sflag:s0], $0x3000  }
0x11e: {  	[sflag:s0] =	ssyncset.done $0x0  }
0x11f: {  	[sflag:s0] =	ssyncadd.s32 $0xFFFFD000  }
0x120: {  	_ =	swait.ge [sflag:s5], $0x3000  }
0x121: {  	[sflag:s5] =	ssyncset.done $0x0  }
0x122: {  	[sflag:s5] =	ssyncadd.s32 $0xFFFFD000  }
0x123: {  	_ =	swait.ge [sflag:s16], $0x3000  }
0x124: {  	[sflag:s16] =	ssyncset.done $0x0  }
0x125: {  	[sflag:s16] =	ssyncadd.s32 $0xFFFFD000  }
0x126: {  	_ =	swait.ge [sflag:s17], $0x3000  }
0x127: {  	s6 =	sand.u32 $0x70, s23;
	s12 =	sand.u32 $0x1C00, s23;
	[sflag:s17] =	ssyncset.done $0x0  }
0x128: {  	s26 =	sor.u32 s6, s12;
	[sflag:s17] =	ssyncadd.s32 $0xFFFFD000  }
0x129: {  	v0 =	vld [tilespmem:s26+$0x6600]  }
0x12a: {  	v1 =	vld [tilespmem:s26+$0x6480]  }
0x12b: {  	v2 =	vld [tilespmem:s26+$0x6500]  }
0x12c: {  	v3 =	vld [tilespmem:s26+$0x6400]  }
0x12d: {  	v4 =	vld [tilespmem:s26+$0x600]  }
0x12e: {  	v5 =	vld [tilespmem:s23+$0x0]  }
0x12f: {  	v6 =	vld [tilespmem:s26+$0x300]  }
0x130: {  	v7 =	vld [tilespmem:s26+$0x480]  }
0x131: {  	v8 =	vld [tilespmem:s26+$0x500]  }
0x132: {  	v9 =	vld [tilespmem:s26+$0x400]  }
0x133: {  	v10 =	vld [tilespmem:s26+$0x6380];
	vm0 =	vlt.f32 v5, $3.000000120e-01  }
0x134: {  	v12 =	vld [tilespmem:s26+$0x6580];
	v11 =	vsel vm0, v4, v0  }
0x135: {  	v5 =	vld [tilespmem:s26+$0x380];
	v61 =	vsel vm0, v7, v1;
	[tilespmem:s26+$0x12600] =	vst v11  }
0x136: {  	v62 =	vld [tilespmem:s26+$0x580];
	v1 =	vsel vm0, v1, v7;
	[tilespmem:s26+$0x12480] =	vst v61  }
0x137: {  	v7 =	vld [tilespmem:s26+$0x6300];
	[tilespmem:s26+$0xC480] =	vst v1;
	v1 =	vsel vm0, v8, v2  }
0x138: {  	v2 =	vsel vm0, v2, v8;
	[tilespmem:s26+$0x12500] =	vst v1  }
0x139: {  	v1 =	vsel vm0, v0, v4;
	[tilespmem:s26+$0xC500] =	vst v2  }
0x13a: {  	v0 =	vsel vm0, v3, v9;
	[tilespmem:s26+$0xC600] =	vst v1;
	v2 =	vsel vm0, v10, v5  }
0x13b: {  	s25 =	simm.s32 $0x0;
	v1 =	vsel vm0, v9, v3;
	v63 =	vsel vm0, v5, v10;
	v5 =	vsel vm0, v62, v12;
	[tilespmem:s26+$0xC380] =	vst v2  }
0x13c: {  	s28 =	simm.s32 $0x0;
	s6 =	sor.u32 s23, s23;
	s12 =	simm.s32 $0x10;
	v2 =	vsel vm0, v12, v62;
	v3 =	vsel vm0, v7, v6;
	v4 =	vsel vm0, v6, v7;
	[tilespmem:s26+$0x12380] =	vst v63  }
.LBB2_7:
0x13d: {  	p0 =	sne.s32 s12, $0x2F0;
	[tilespmem:s26+$0x12580] =	vst v5;
	s25 =	sadd.s32 $0x80, s25;
	s28 =	sadd.s32 $0x10, s28  }
0x13e: {  	s22 =	smov.u32 s12;
	s29 =	sor.u32 s25, s12;
	[tilespmem:s26+$0x12300] =	vst v4;
	s12 =	sadd.s32 $0x10, s12  }
0x13f: {  	[tilespmem:s26+$0xC580] =	vst v2  }
0x140: {  	[tilespmem:s26+$0x12400] =	vst v1  }
0x141: {  	[tilespmem:s26+$0xC300] =	vst v3  }
0x142: {  	s30 =	sor.u32 $0x380, s6;
	s6 =	smov.u32 s29;
	[tilespmem:s26+$0xC400] =	vst v0  }
0x143: {  	v0 =	vld [tilespmem:s30+$0x300]  }
0x144: {  	v1 =	vld [tilespmem:s30+$0x6300];
	_ =	sdelay $0x4  }
0x145: {  	v2 =	vsel vm0, v1, v0;
	v0 =	vsel vm0, v0, v1  }
0x146: {  	[tilespmem:s30+$0xC300] =	vst v2;
	_ =	sdelay $0x1  }
0x147: {  	[tilespmem:s30+$0x12300] =	vst v0  }
0x148: {  	v0 =	vld [tilespmem:s26+$0x1B00]  }
0x149: {  	v1 =	vld [tilespmem:s26+$0x1C80]  }
0x14a: {  	v2 =	vld [tilespmem:s26+$0x7E00]  }
0x14b: {  	v3 =	vld [tilespmem:s26+$0x7E80]  }
0x14c: {  	v4 =	vld [tilespmem:s26+$0x1E00]  }
0x14d: {  	v5 =	vld [tilespmem:s26+$0x1C00]  }
0x14e: {  	v6 =	vld [tilespmem:s26+$0x7C00]  }
0x14f: {  	v7 =	vld [tilespmem:s26+$0x7B80]  }
0x150: {  	v8 =	vld [tilespmem:s26+$0x7C80]  }
0x151: {  	v9 =	vld [tilespmem:s26+$0x1D00];
	v10 =	vsel vm0, v2, v4;
	v2 =	vsel vm0, v4, v2  }
0x152: {  	v4 =	vld [tilespmem:s26+$0x7D00];
	[tilespmem:s26+$0xDE00] =	vst v10  }
0x153: {  	v10 =	vld [tilespmem:s26+$0x1B80];
	v11 =	vsel vm0, v6, v5;
	v5 =	vsel vm0, v5, v6;
	[tilespmem:s26+$0x13E00] =	vst v2  }
0x154: {  	[tilespmem:s26+$0xDC00] =	vst v11;
	v2 =	vld [tilespmem:s26+$0x1D80]  }
0x155: {  	[tilespmem:s26+$0x13C00] =	vst v5;
	v5 =	vsel vm0, v8, v1;
	v1 =	vsel vm0, v1, v8;
	v6 =	vld [tilespmem:s26+$0x7D80]  }
0x156: {  	[tilespmem:s26+$0xDC80] =	vst v5;
	v5 =	vld [tilespmem:s26+$0x1E80]  }
0x157: {  	v8 =	vld [tilespmem:s26+$0x7B00];
	[tilespmem:s26+$0x13C80] =	vst v1;
	v1 =	vsel vm0, v4, v9;
	v4 =	vsel vm0, v9, v4  }
0x158: {  	v9 =	vsel vm0, v7, v10;
	v7 =	vsel vm0, v10, v7;
	[tilespmem:s26+$0xDD00] =	vst v1  }
0x159: {  	[tilespmem:s26+$0xDB80] =	vst v9  }
0x15a: {  	[tilespmem:s26+$0x13B80] =	vst v7;
	v1 =	vsel vm0, v6, v2;
	v2 =	vsel vm0, v2, v6  }
0x15b: {  	[tilespmem:s26+$0x13D00] =	vst v4;
	v4 =	vsel vm0, v3, v5;
	v3 =	vsel vm0, v5, v3  }
0x15c: {  	s22 =	sand.u32 $0x70, s22;
	s29 =	sand.u32 $0x1C00, s25;
	v5 =	vsel vm0, v8, v0;
	v0 =	vsel vm0, v0, v8;
	[tilespmem:s26+$0xDE80] =	vst v4  }
0x15d: {  	s22 =	sor.u32 s22, s29;
	[tilespmem:s26+$0x13E80] =	vst v3  }
0x15e: {  	v3 =	vld [tilespmem:s22+$0x6600];
	[tilespmem:s26+$0xDD80] =	vst v1  }
0x15f: {  	v1 =	vld [tilespmem:s22+$0x6480];
	[tilespmem:s26+$0x13D80] =	vst v2  }
0x160: {  	v2 =	vld [tilespmem:s22+$0x6500];
	[tilespmem:s26+$0xDB00] =	vst v5  }
0x161: {  	v4 =	vld [tilespmem:s22+$0x6400];
	[tilespmem:s26+$0x13B00] =	vst v0;
	s26 =	smov.u32 s22  }
0x162: {  	v0 =	vld [tilespmem:s26+$0x600]  }
0x163: {  	v5 =	vld [tilespmem:s28+$0x0]  }
0x164: {  	v6 =	vld [tilespmem:s26+$0x300]  }
0x165: {  	v7 =	vld [tilespmem:s26+$0x480]  }
0x166: {  	v8 =	vld [tilespmem:s26+$0x500]  }
0x167: {  	v9 =	vld [tilespmem:s26+$0x400]  }
0x168: {  	vm0 =	vlt.f32 v5, $3.000000120e-01;
	v5 =	vld [tilespmem:s26+$0x6380]  }
0x169: {  	v10 =	vld [tilespmem:s26+$0x380];
	v11 =	vsel vm0, v3, v0;
	v0 =	vsel vm0, v0, v3  }
0x16a: {  	v3 =	vsel vm0, v1, v7;
	v1 =	vsel vm0, v7, v1;
	v7 =	vld [tilespmem:s26+$0x6580];
	[tilespmem:s26+$0x12600] =	vst v0  }
0x16b: {  	[tilespmem:s26+$0x12480] =	vst v1;
	v12 =	vsel vm0, v2, v8;
	v2 =	vsel vm0, v8, v2;
	v8 =	vld [tilespmem:s26+$0x580]  }
0x16c: {  	v13 =	vld [tilespmem:s26+$0x6300];
	[tilespmem:s26+$0xC480] =	vst v3  }
.Ltmp2:
0x16d: {  	v0 =	vsel vm0, v4, v9;
	v1 =	vsel vm0, v9, v4;
	[tilespmem:s26+$0x12500] =	vst v2;
	(pc) =	sbr.rel @p0 .LBB2_7-.Ltmp2, $4  }
0x16e: {  	v2 =	vsel vm0, v5, v10;
	v9 =	vsel vm0, v10, v5;
	[tilespmem:s26+$0xC500] =	vst v12  }
0x16f: {  	[tilespmem:s26+$0xC600] =	vst v11  }
0x170: {  	[tilespmem:s26+$0xC380] =	vst v2;
	v2 =	vsel vm0, v7, v8;
	v5 =	vsel vm0, v8, v7  }
0x171: {  	v3 =	vsel vm0, v13, v6;
	v4 =	vsel vm0, v6, v13;
	[tilespmem:s26+$0x12380] =	vst v9  }
0x172: {  	[tilespmem:s26+$0x12580] =	vst v5  }
0x173: {  	[tilespmem:s26+$0x12300] =	vst v4  }
0x174: {  	[tilespmem:s26+$0xC580] =	vst v2  }
0x175: {  	[tilespmem:s26+$0x12400] =	vst v1  }
0x176: {  	[tilespmem:s26+$0xC300] =	vst v3  }
0x177: {  	[tilespmem:s26+$0xC400] =	vst v0;
	s6 =	sor.u32 $0x380, s6  }
0x178: {  	v0 =	vld [tilespmem:s6+$0x300]  }
0x179: {  	v1 =	vld [tilespmem:s6+$0x6300];
	_ =	sdelay $0x4  }
0x17a: {  	v2 =	vsel vm0, v1, v0  }
0x17b: {  	v0 =	vsel vm0, v0, v1;
	[tilespmem:s6+$0xC300] =	vst v2  }
0x17c: {  	[tilespmem:s6+$0x12300] =	vst v0  }
0x17d: {  	v1 =	vld [tilespmem:s26+$0x1C80]  }
0x17e: {  	v2 =	vld [tilespmem:s26+$0x7E00]  }
0x17f: {  	v4 =	vld [tilespmem:s26+$0x1E00]  }
0x180: {  	v5 =	vld [tilespmem:s26+$0x1C00]  }
0x181: {  	v6 =	vld [tilespmem:s26+$0x7C00]  }
0x182: {  	v7 =	vld [tilespmem:s26+$0x7B80]  }
0x183: {  	v8 =	vld [tilespmem:s26+$0x7C80]  }
0x184: {  	v9 =	vld [tilespmem:s26+$0x1D00];
	v10 =	vsel vm0, v2, v4  }
0x185: {  	v11 =	vld [tilespmem:s26+$0x7D00];
	v2 =	vsel vm0, v4, v2;
	[tilespmem:s26+$0xDE00] =	vst v10  }
0x186: {  	v4 =	vld [tilespmem:s26+$0x1B80];
	v54 =	vsel vm0, v6, v5;
	[tilespmem:s26+$0x13E00] =	vst v2  }
0x187: {  	[tilespmem:s26+$0xDC00] =	vst v54;
	v2 =	vsel vm0, v5, v6  }
0x188: {  	v3 =	vld [tilespmem:s26+$0x7E80];
	[tilespmem:s26+$0x13C00] =	vst v2;
	v2 =	vsel vm0, v8, v1  }
0x189: {  	v1 =	vsel vm0, v1, v8;
	[tilespmem:s26+$0xDC80] =	vst v2;
	v2 =	vld [tilespmem:s26+$0x1E80]  }
0x18a: {  	v5 =	vld [tilespmem:s26+$0x1D80];
	[tilespmem:s26+$0x13C80] =	vst v1;
	v1 =	vsel vm0, v11, v9  }
0x18b: {  	v6 =	vld [tilespmem:s26+$0x7D80];
	[tilespmem:s26+$0xDD00] =	vst v1;
	v56 =	vsel vm0, v7, v4  }
0x18c: {  	v0 =	vld [tilespmem:s26+$0x1B00];
	v1 =	vsel vm0, v4, v7;
	[tilespmem:s26+$0xDB80] =	vst v56  }
0x18d: {  	v55 =	vld [tilespmem:s26+$0x7B00];
	v4 =	vsel vm0, v9, v11;
	[tilespmem:s26+$0x13B80] =	vst v1  }
0x18e: {  	[tilespmem:s26+$0x13D00] =	vst v4;
	v1 =	vsel vm0, v3, v2  }
0x18f: {  	s25 =	sshll.u32 s24, $0x5;
	v2 =	vsel vm0, v2, v3;
	[tilespmem:s26+$0xDE80] =	vst v1  }
0x190: {  	s30 =	sadd.s32 s25, s7;
	v1 =	vsel vm0, v6, v5;
	[tilespmem:s26+$0x13E80] =	vst v2  }
0x191: {  	s6 =	sshrl.u32 s30, $0x3;
	v2 =	vsel vm0, v5, v6;
	[tilespmem:s26+$0xDD80] =	vst v1  }
0x192: {  	s6 =	smul.u32 $0x300, s6;
	v1 =	vsel vm0, v55, v0;
	[tilespmem:s26+$0x13D80] =	vst v2  }
0x193: {  	s22 =	sadd.s32 s25, s20;
	v0 =	vsel vm0, v0, v55;
	[tilespmem:s26+$0xDB00] =	vst v1  }
0x194: {  	s22 =	sshrl.u32 s22, $0x3;
	s12 =	sadd.s32 s3, s6;
	s6 =	simm.s32 $0x0;
	[tilespmem:s26+$0x13B00] =	vst v0  }
0x195: {  	[hbm4b:s12+s6] =	stream.linear.scatter [tilespmem:s8], [sflag:$0x5], $0x3000, $0x38;
	[tilespmem:$0x18300] =	vst v63  }
0x196: {  	s22 =	smul.u32 $0x300, s22;
	s12 =	sadd.s32 $0xD8000, s12  }
0x197: {  	[hbm4b:s12+s6] =	stream.linear.scatter [tilespmem:s9], [sflag:$0x7], $0x3000, $0x38;
	[tilespmem:$0x18300] =	vst v63  }
0x198: {  	s31 =	sadd.s32 s2, s22;
	s26 =	simm.s32 $0x300  }
0x199: {  	[tilespmem:s26], [sflag:$0x1] =	stream.linear.gather [hbm4b:s31+s6], $0x3000, $0x38;
	[tilespmem:$0x18300] =	vst v63  }
0x19a: {  	s29 =	simm.s32 $0x6300;
	s12 =	sadd.s32 $0xD8000, s31  }
0x19b: {  	[tilespmem:s29], [sflag:$0x3] =	stream.linear.gather [hbm4b:s12+s6], $0x3000, $0x38;
	[tilespmem:$0x18300] =	vst v63  }
0x19c: {  	_ =	swait.ge [sflag:s11], $0x3000  }
0x19d: {  	[sflag:s11] =	ssyncset.done $0x0  }
0x19e: {  	[sflag:s11] =	ssyncadd.s32 $0xFFFFD000  }
0x19f: {  	_ =	swait.ge [sflag:s13], $0x3000  }
0x1a0: {  	[sflag:s13] =	ssyncset.done $0x0  }
0x1a1: {  	[sflag:s13] =	ssyncadd.s32 $0xFFFFD000  }
0x1a2: {  	_ =	swait.ge [sflag:s18], $0x3000  }
0x1a3: {  	[sflag:s18] =	ssyncset.done $0x0  }
0x1a4: {  	[sflag:s18] =	ssyncadd.s32 $0xFFFFD000  }
0x1a5: {  	_ =	swait.ge [sflag:s19], $0x3000  }
0x1a6: {  	s30 =	sand.u32 $0x70, s6;
	s31 =	sand.u32 $0x1C00, s6;
	[sflag:s19] =	ssyncset.done $0x0  }
0x1a7: {  	s26 =	sor.u32 s30, s31;
	[sflag:s19] =	ssyncadd.s32 $0xFFFFD000  }
0x1a8: {  	v0 =	vld [tilespmem:s26+$0x9600]  }
0x1a9: {  	v1 =	vld [tilespmem:s26+$0x9480]  }
0x1aa: {  	v2 =	vld [tilespmem:s26+$0x9500]  }
0x1ab: {  	v3 =	vld [tilespmem:s26+$0x9400]  }
0x1ac: {  	v4 =	vld [tilespmem:s26+$0x3600]  }
0x1ad: {  	v5 =	vld [tilespmem:s6+$0x0]  }
0x1ae: {  	v6 =	vld [tilespmem:s26+$0x3300]  }
0x1af: {  	v7 =	vld [tilespmem:s26+$0x3480]  }
0x1b0: {  	v57 =	vld [tilespmem:s26+$0x3500]  }
0x1b1: {  	v58 =	vld [tilespmem:s26+$0x3400]  }
0x1b2: {  	v59 =	vld [tilespmem:s26+$0x9380];
	vm0 =	vlt.f32 v5, $3.000000120e-01  }
0x1b3: {  	v12 =	vld [tilespmem:s26+$0x9580];
	v60 =	vsel vm0, v4, v0  }
0x1b4: {  	v5 =	vld [tilespmem:s26+$0x3380];
	v61 =	vsel vm0, v7, v1;
	[tilespmem:s26+$0x15600] =	vst v60  }
0x1b5: {  	v62 =	vld [tilespmem:s26+$0x3580];
	v1 =	vsel vm0, v1, v7;
	[tilespmem:s26+$0x15480] =	vst v61  }
0x1b6: {  	v7 =	vld [tilespmem:s26+$0x9300];
	[tilespmem:s26+$0xF480] =	vst v1;
	v1 =	vsel vm0, v57, v2  }
0x1b7: {  	v2 =	vsel vm0, v2, v57;
	[tilespmem:s26+$0x15500] =	vst v1  }
0x1b8: {  	v1 =	vsel vm0, v0, v4;
	[tilespmem:s26+$0xF500] =	vst v2  }
0x1b9: {  	v0 =	vsel vm0, v3, v58;
	[tilespmem:s26+$0xF600] =	vst v1;
	v2 =	vsel vm0, v59, v5  }
0x1ba: {  	v1 =	vsel vm0, v58, v3;
	v63 =	vsel vm0, v5, v59;
	v5 =	vsel vm0, v62, v12;
	[tilespmem:s26+$0xF380] =	vst v2  }
0x1bb: {  	s28 =	simm.s32 $0x10;
	s22 =	simm.s32 $0x0;
	s12 =	sor.u32 s6, s6;
	v2 =	vsel vm0, v12, v62;
	v3 =	vsel vm0, v7, v6;
	v4 =	vsel vm0, v6, v7;
	[tilespmem:s26+$0x15380] =	vst v63  }
.LBB2_9:
0x1bc: {  	p0 =	sne.s32 s28, $0x2F0;
	[tilespmem:s26+$0x15580] =	vst v5;
	s6 =	sadd.s32 $0x80, s6;
	s22 =	sadd.s32 $0x10, s22  }
0x1bd: {  	s29 =	smov.u32 s28;
	s30 =	sor.u32 s6, s28;
	[tilespmem:s26+$0x15300] =	vst v4;
	s28 =	sadd.s32 $0x10, s28  }
0x1be: {  	[tilespmem:s26+$0xF580] =	vst v2  }
0x1bf: {  	[tilespmem:s26+$0x15400] =	vst v1  }
0x1c0: {  	[tilespmem:s26+$0xF300] =	vst v3  }
0x1c1: {  	s31 =	sor.u32 $0x380, s12;
	s12 =	smov.u32 s30;
	[tilespmem:s26+$0xF400] =	vst v0  }
0x1c2: {  	v0 =	vld [tilespmem:s31+$0x3300]  }
0x1c3: {  	v1 =	vld [tilespmem:s31+$0x9300];
	_ =	sdelay $0x4  }
0x1c4: {  	v2 =	vsel vm0, v1, v0;
	v0 =	vsel vm0, v0, v1  }
0x1c5: {  	[tilespmem:s31+$0xF300] =	vst v2;
	_ =	sdelay $0x1  }
0x1c6: {  	[tilespmem:s31+$0x15300] =	vst v0  }
0x1c7: {  	v0 =	vld [tilespmem:s26+$0x4B00]  }
0x1c8: {  	v1 =	vld [tilespmem:s26+$0x4C80]  }
0x1c9: {  	v2 =	vld [tilespmem:s26+$0xAE00]  }
0x1ca: {  	v3 =	vld [tilespmem:s26+$0xAE80]  }
0x1cb: {  	v4 =	vld [tilespmem:s26+$0x4E00]  }
0x1cc: {  	v5 =	vld [tilespmem:s26+$0x4C00]  }
0x1cd: {  	v6 =	vld [tilespmem:s26+$0xAC00]  }
0x1ce: {  	v7 =	vld [tilespmem:s26+$0xAB80]  }
0x1cf: {  	v8 =	vld [tilespmem:s26+$0xAC80]  }
0x1d0: {  	v9 =	vld [tilespmem:s26+$0x4D00];
	v10 =	vsel vm0, v2, v4;
	v2 =	vsel vm0, v4, v2  }
0x1d1: {  	v4 =	vld [tilespmem:s26+$0xAD00];
	[tilespmem:s26+$0x10E00] =	vst v10  }
0x1d2: {  	v10 =	vld [tilespmem:s26+$0x4B80];
	v11 =	vsel vm0, v6, v5;
	v5 =	vsel vm0, v5, v6;
	[tilespmem:s26+$0x16E00] =	vst v2  }
0x1d3: {  	[tilespmem:s26+$0x10C00] =	vst v11;
	v2 =	vld [tilespmem:s26+$0x4D80]  }
0x1d4: {  	[tilespmem:s26+$0x16C00] =	vst v5;
	v5 =	vsel vm0, v8, v1;
	v1 =	vsel vm0, v1, v8;
	v6 =	vld [tilespmem:s26+$0xAD80]  }
0x1d5: {  	[tilespmem:s26+$0x10C80] =	vst v5;
	v5 =	vld [tilespmem:s26+$0x4E80]  }
0x1d6: {  	v8 =	vld [tilespmem:s26+$0xAB00];
	[tilespmem:s26+$0x16C80] =	vst v1;
	v1 =	vsel vm0, v4, v9;
	v4 =	vsel vm0, v9, v4  }
0x1d7: {  	v9 =	vsel vm0, v7, v10;
	v7 =	vsel vm0, v10, v7;
	[tilespmem:s26+$0x10D00] =	vst v1  }
0x1d8: {  	[tilespmem:s26+$0x10B80] =	vst v9  }
0x1d9: {  	[tilespmem:s26+$0x16B80] =	vst v7;
	v1 =	vsel vm0, v6, v2;
	v2 =	vsel vm0, v2, v6  }
0x1da: {  	[tilespmem:s26+$0x16D00] =	vst v4;
	v4 =	vsel vm0, v3, v5;
	v3 =	vsel vm0, v5, v3  }
0x1db: {  	s29 =	sand.u32 $0x70, s29;
	s30 =	sand.u32 $0x1C00, s6;
	v5 =	vsel vm0, v8, v0;
	v0 =	vsel vm0, v0, v8;
	[tilespmem:s26+$0x10E80] =	vst v4  }
0x1dc: {  	s29 =	sor.u32 s29, s30;
	[tilespmem:s26+$0x16E80] =	vst v3  }
0x1dd: {  	v3 =	vld [tilespmem:s29+$0x9600];
	[tilespmem:s26+$0x10D80] =	vst v1  }
0x1de: {  	v1 =	vld [tilespmem:s29+$0x9480];
	[tilespmem:s26+$0x16D80] =	vst v2  }
0x1df: {  	v2 =	vld [tilespmem:s29+$0x9500];
	[tilespmem:s26+$0x10B00] =	vst v5  }
0x1e0: {  	v4 =	vld [tilespmem:s29+$0x9400];
	[tilespmem:s26+$0x16B00] =	vst v0;
	s26 =	smov.u32 s29  }
0x1e1: {  	v0 =	vld [tilespmem:s26+$0x3600]  }
0x1e2: {  	v5 =	vld [tilespmem:s22+$0x0]  }
0x1e3: {  	v6 =	vld [tilespmem:s26+$0x3300]  }
0x1e4: {  	v7 =	vld [tilespmem:s26+$0x3480]  }
0x1e5: {  	v8 =	vld [tilespmem:s26+$0x3500]  }
0x1e6: {  	v9 =	vld [tilespmem:s26+$0x3400]  }
0x1e7: {  	vm0 =	vlt.f32 v5, $3.000000120e-01;
	v5 =	vld [tilespmem:s26+$0x9380]  }
0x1e8: {  	v10 =	vld [tilespmem:s26+$0x3380];
	v11 =	vsel vm0, v3, v0;
	v0 =	vsel vm0, v0, v3  }
0x1e9: {  	v3 =	vsel vm0, v1, v7;
	v1 =	vsel vm0, v7, v1;
	v7 =	vld [tilespmem:s26+$0x9580];
	[tilespmem:s26+$0x15600] =	vst v0  }
0x1ea: {  	[tilespmem:s26+$0x15480] =	vst v1;
	v12 =	vsel vm0, v2, v8;
	v2 =	vsel vm0, v8, v2;
	v8 =	vld [tilespmem:s26+$0x3580]  }
0x1eb: {  	v13 =	vld [tilespmem:s26+$0x9300];
	[tilespmem:s26+$0xF480] =	vst v3  }
.Ltmp3:
0x1ec: {  	v0 =	vsel vm0, v4, v9;
	v1 =	vsel vm0, v9, v4;
	[tilespmem:s26+$0x15500] =	vst v2;
	(pc) =	sbr.rel @p0 .LBB2_9-.Ltmp3, $4  }
0x1ed: {  	v2 =	vsel vm0, v5, v10;
	v9 =	vsel vm0, v10, v5;
	[tilespmem:s26+$0xF500] =	vst v12  }
0x1ee: {  	[tilespmem:s26+$0xF600] =	vst v11  }
0x1ef: {  	[tilespmem:s26+$0xF380] =	vst v2;
	v2 =	vsel vm0, v7, v8;
	v5 =	vsel vm0, v8, v7  }
0x1f0: {  	v3 =	vsel vm0, v13, v6;
	v4 =	vsel vm0, v6, v13;
	[tilespmem:s26+$0x15380] =	vst v9  }
0x1f1: {  	[tilespmem:s26+$0x15580] =	vst v5  }
0x1f2: {  	[tilespmem:s26+$0x15300] =	vst v4  }
0x1f3: {  	[tilespmem:s26+$0xF580] =	vst v2  }
0x1f4: {  	[tilespmem:s26+$0x15400] =	vst v1  }
0x1f5: {  	[tilespmem:s26+$0xF300] =	vst v3  }
0x1f6: {  	[tilespmem:s26+$0xF400] =	vst v0;
	s6 =	sor.u32 $0x380, s12  }
0x1f7: {  	v0 =	vld [tilespmem:s6+$0x3300]  }
0x1f8: {  	v1 =	vld [tilespmem:s6+$0x9300];
	_ =	sdelay $0x4  }
0x1f9: {  	v43 =	vsel vm0, v1, v0  }
0x1fa: {  	v0 =	vsel vm0, v0, v1;
	[tilespmem:s6+$0xF300] =	vst v43  }
0x1fb: {  	[tilespmem:s6+$0x15300] =	vst v0  }
0x1fc: {  	v44 =	vld [tilespmem:s26+$0x4C80]  }
0x1fd: {  	v2 =	vld [tilespmem:s26+$0xAE00]  }
0x1fe: {  	v46 =	vld [tilespmem:s26+$0x4E00]  }
0x1ff: {  	v47 =	vld [tilespmem:s26+$0x4C00]  }
0x200: {  	v6 =	vld [tilespmem:s26+$0xAC00]  }
0x201: {  	v7 =	vld [tilespmem:s26+$0xAB80]  }
0x202: {  	v8 =	vld [tilespmem:s26+$0xAC80]  }
0x203: {  	v9 =	vld [tilespmem:s26+$0x4D00];
	v10 =	vsel vm0, v2, v46  }
0x204: {  	v11 =	vld [tilespmem:s26+$0xAD00];
	v2 =	vsel vm0, v46, v2;
	[tilespmem:s26+$0x10E00] =	vst v10  }
0x205: {  	v48 =	vld [tilespmem:s26+$0x4B80];
	v49 =	vsel vm0, v6, v47;
	[tilespmem:s26+$0x16E00] =	vst v2  }
0x206: {  	v45 =	vld [tilespmem:s26+$0xAE80];
	v50 =	vsel vm0, v47, v6;
	[tilespmem:s26+$0x10C00] =	vst v49  }
0x207: {  	v51 =	vld [tilespmem:s26+$0x4D80];
	v52 =	vsel vm0, v8, v44;
	[tilespmem:s26+$0x16C00] =	vst v50  }
0x208: {  	v54 =	vld [tilespmem:s26+$0x4E80];
	v1 =	vsel vm0, v44, v8;
	[tilespmem:s26+$0x10C80] =	vst v52  }
0x209: {  	v53 =	vld [tilespmem:s26+$0xAD80];
	v56 =	vsel vm0, v11, v9;
	[tilespmem:s26+$0x16C80] =	vst v1  }
0x20a: {  	v0 =	vld [tilespmem:s26+$0x4B00];
	v57 =	vsel vm0, v7, v48;
	[tilespmem:s26+$0x10D00] =	vst v56  }
0x20b: {  	v55 =	vld [tilespmem:s26+$0xAB00];
	v58 =	vsel vm0, v48, v7;
	[tilespmem:s26+$0x10B80] =	vst v57  }
0x20c: {  	v59 =	vsel vm0, v9, v11;
	[tilespmem:s26+$0x16B80] =	vst v58  }
0x20d: {  	v60 =	vsel vm0, v45, v54;
	[tilespmem:s26+$0x16D00] =	vst v59  }
0x20e: {  	v61 =	vsel vm0, v53, v51;
	[tilespmem:s26+$0x10E80] =	vst v60  }
0x20f: {  	s28 =	sadd.s32 s25, s10;
	v62 =	vsel vm0, v51, v53;
	[tilespmem:s26+$0x10D80] =	vst v61  }
0x210: {  	s6 =	sshrl.u32 s28, $0x3;
	v63 =	vsel vm0, v55, v0;
	[tilespmem:s26+$0x16D80] =	vst v62  }
0x211: {  	s6 =	smul.u32 $0x300, s6;
	v0 =	vsel vm0, v0, v55;
	[tilespmem:s26+$0x10B00] =	vst v63  }
0x212: {  	s29 =	sadd.s32 s25, s21;
	v2 =	vsel vm0, v54, v45;
	[tilespmem:s26+$0x16B00] =	vst v0  }
0x213: {  	s24 =	sadd.s32 $0x1, s24;
	s12 =	sshrl.u32 s29, $0x3;
	s6 =	sadd.s32 s3, s6;
	[tilespmem:s26+$0x16E80] =	vst v2  }
0x214: {  	[hbm4b:s6+s4] =	stream.linear.scatter [tilespmem:s14], [sflag:$0x6], $0x3000, $0x38;
	[tilespmem:$0x18300] =	vst v63  }
0x215: {  	p0 =	sne.s32 s24, $0x7;
	s12 =	smul.u32 $0x300, s12;
	s6 =	sadd.s32 $0xD8000, s6  }
0x216: {  	[hbm4b:s6+s4] =	stream.linear.scatter [tilespmem:s15], [sflag:$0x8], $0x3000, $0x38;
	[tilespmem:$0x18300] =	vst v63  }
.Ltmp4:
0x217: {  	_ = 	snop;
	(pc) =	sbr.rel @p0 .LBB2_6-.Ltmp4, $4  }
0x218: {  	s31 =	simm.s32 $0x3300;
	s30 =	sadd.s32 s2, s12  }
0x219: {  	[tilespmem:s31], [sflag:$0x2] =	stream.linear.gather [hbm4b:s30+s4], $0x3000, $0x38;
	[tilespmem:$0x18300] =	vst v63  }
0x21a: {  	s6 =	sadd.s32 $0xD8000, s30  }
0x21b: {  	[tilespmem:s1], [sflag:$0x4] =	stream.linear.gather [hbm4b:s6+s4], $0x3000, $0x38;
	[tilespmem:$0x18300] =	vst v63  }
0x21c: {  	_ =	swait.ge [sflag:s0], $0x3000  }
0x21d: {  	[sflag:s0] =	ssyncset.done $0x0  }
0x21e: {  	[sflag:s0] =	ssyncadd.s32 $0xFFFFD000  }
0x21f: {  	_ =	swait.ge [sflag:s5], $0x3000  }
0x220: {  	[sflag:s5] =	ssyncset.done $0x0  }
0x221: {  	[sflag:s5] =	ssyncadd.s32 $0xFFFFD000  }
0x222: {  	_ =	swait.ge [sflag:s16], $0x3000  }
0x223: {  	[sflag:s16] =	ssyncset.done $0x0  }
0x224: {  	[sflag:s16] =	ssyncadd.s32 $0xFFFFD000  }
0x225: {  	s6 =	simm.s32 $0x0;
	_ =	swait.ge [sflag:s17], $0x3000  }
0x226: {  	s12 =	sand.u32 $0x70, s6;
	s22 =	sand.u32 $0x1C00, s6;
	[sflag:s17] =	ssyncset.done $0x0  }
0x227: {  	s23 =	sor.u32 s12, s22;
	[sflag:s17] =	ssyncadd.s32 $0xFFFFD000  }
0x228: {  	v0 =	vld [tilespmem:s23+$0x6600]  }
0x229: {  	v1 =	vld [tilespmem:s23+$0x6480]  }
0x22a: {  	v2 =	vld [tilespmem:s23+$0x6500]  }
0x22b: {  	v3 =	vld [tilespmem:s23+$0x6400]  }
0x22c: {  	v4 =	vld [tilespmem:s23+$0x600]  }
0x22d: {  	v5 =	vld [tilespmem:s6+$0x0]  }
0x22e: {  	v6 =	vld [tilespmem:s23+$0x300]  }
0x22f: {  	v7 =	vld [tilespmem:s23+$0x480]  }
0x230: {  	v8 =	vld [tilespmem:s23+$0x500]  }
0x231: {  	v9 =	vld [tilespmem:s23+$0x400]  }
0x232: {  	v10 =	vld [tilespmem:s23+$0x6380];
	vm0 =	vlt.f32 v5, $3.000000120e-01  }
0x233: {  	v12 =	vld [tilespmem:s23+$0x6580];
	v11 =	vsel vm0, v4, v0  }
0x234: {  	v5 =	vld [tilespmem:s23+$0x380];
	v61 =	vsel vm0, v7, v1;
	[tilespmem:s23+$0x12600] =	vst v11  }
0x235: {  	v62 =	vld [tilespmem:s23+$0x580];
	v1 =	vsel vm0, v1, v7;
	[tilespmem:s23+$0x12480] =	vst v61  }
0x236: {  	v7 =	vld [tilespmem:s23+$0x6300];
	[tilespmem:s23+$0xC480] =	vst v1;
	v1 =	vsel vm0, v8, v2  }
0x237: {  	v2 =	vsel vm0, v2, v8;
	[tilespmem:s23+$0x12500] =	vst v1  }
0x238: {  	v1 =	vsel vm0, v0, v4;
	[tilespmem:s23+$0xC500] =	vst v2  }
0x239: {  	v0 =	vsel vm0, v3, v9;
	[tilespmem:s23+$0xC600] =	vst v1;
	v2 =	vsel vm0, v10, v5  }
0x23a: {  	v1 =	vsel vm0, v9, v3;
	v63 =	vsel vm0, v5, v10;
	v5 =	vsel vm0, v62, v12;
	[tilespmem:s23+$0xC380] =	vst v2  }
0x23b: {  	s24 =	simm.s32 $0x10;
	s12 =	sor.u32 s6, s6;
	s22 =	simm.s32 $0x0;
	v2 =	vsel vm0, v12, v62;
	v3 =	vsel vm0, v7, v6;
	v4 =	vsel vm0, v6, v7;
	[tilespmem:s23+$0x12380] =	vst v63  }
.LBB2_12:
0x23c: {  	p0 =	sne.s32 s24, $0x2F0;
	[tilespmem:s23+$0x12580] =	vst v5;
	s6 =	sadd.s32 $0x80, s6;
	s22 =	sadd.s32 $0x10, s22  }
0x23d: {  	s25 =	smov.u32 s24;
	s26 =	sor.u32 s6, s24;
	[tilespmem:s23+$0x12300] =	vst v4;
	s24 =	sadd.s32 $0x10, s24  }
0x23e: {  	[tilespmem:s23+$0xC580] =	vst v2  }
0x23f: {  	[tilespmem:s23+$0x12400] =	vst v1  }
0x240: {  	[tilespmem:s23+$0xC300] =	vst v3  }
0x241: {  	s28 =	sor.u32 $0x380, s12;
	s12 =	smov.u32 s26;
	[tilespmem:s23+$0xC400] =	vst v0  }
0x242: {  	v0 =	vld [tilespmem:s28+$0x300]  }
0x243: {  	v1 =	vld [tilespmem:s28+$0x6300];
	_ =	sdelay $0x4  }
0x244: {  	v2 =	vsel vm0, v1, v0;
	v0 =	vsel vm0, v0, v1  }
0x245: {  	[tilespmem:s28+$0xC300] =	vst v2;
	_ =	sdelay $0x1  }
0x246: {  	[tilespmem:s28+$0x12300] =	vst v0  }
0x247: {  	v0 =	vld [tilespmem:s23+$0x1B00]  }
0x248: {  	v1 =	vld [tilespmem:s23+$0x1C80]  }
0x249: {  	v2 =	vld [tilespmem:s23+$0x7E00]  }
0x24a: {  	v3 =	vld [tilespmem:s23+$0x7E80]  }
0x24b: {  	v4 =	vld [tilespmem:s23+$0x1E00]  }
0x24c: {  	v5 =	vld [tilespmem:s23+$0x1C00]  }
0x24d: {  	v6 =	vld [tilespmem:s23+$0x7C00]  }
0x24e: {  	v7 =	vld [tilespmem:s23+$0x7B80]  }
0x24f: {  	v8 =	vld [tilespmem:s23+$0x7C80]  }
0x250: {  	v9 =	vld [tilespmem:s23+$0x1D00];
	v10 =	vsel vm0, v2, v4;
	v2 =	vsel vm0, v4, v2  }
0x251: {  	v4 =	vld [tilespmem:s23+$0x7D00];
	[tilespmem:s23+$0xDE00] =	vst v10  }
0x252: {  	v10 =	vld [tilespmem:s23+$0x1B80];
	v11 =	vsel vm0, v6, v5;
	v5 =	vsel vm0, v5, v6;
	[tilespmem:s23+$0x13E00] =	vst v2  }
0x253: {  	[tilespmem:s23+$0xDC00] =	vst v11;
	v2 =	vld [tilespmem:s23+$0x1D80]  }
0x254: {  	[tilespmem:s23+$0x13C00] =	vst v5;
	v5 =	vsel vm0, v8, v1;
	v1 =	vsel vm0, v1, v8;
	v6 =	vld [tilespmem:s23+$0x7D80]  }
0x255: {  	[tilespmem:s23+$0xDC80] =	vst v5;
	v5 =	vld [tilespmem:s23+$0x1E80]  }
0x256: {  	v8 =	vld [tilespmem:s23+$0x7B00];
	[tilespmem:s23+$0x13C80] =	vst v1;
	v1 =	vsel vm0, v4, v9;
	v4 =	vsel vm0, v9, v4  }
0x257: {  	v9 =	vsel vm0, v7, v10;
	v7 =	vsel vm0, v10, v7;
	[tilespmem:s23+$0xDD00] =	vst v1  }
0x258: {  	[tilespmem:s23+$0xDB80] =	vst v9  }
0x259: {  	[tilespmem:s23+$0x13B80] =	vst v7;
	v1 =	vsel vm0, v6, v2;
	v2 =	vsel vm0, v2, v6  }
0x25a: {  	[tilespmem:s23+$0x13D00] =	vst v4;
	v4 =	vsel vm0, v3, v5;
	v3 =	vsel vm0, v5, v3  }
0x25b: {  	s25 =	sand.u32 $0x70, s25;
	s26 =	sand.u32 $0x1C00, s6;
	v5 =	vsel vm0, v8, v0;
	v0 =	vsel vm0, v0, v8;
	[tilespmem:s23+$0xDE80] =	vst v4  }
0x25c: {  	s25 =	sor.u32 s25, s26;
	[tilespmem:s23+$0x13E80] =	vst v3  }
0x25d: {  	v3 =	vld [tilespmem:s25+$0x6600];
	[tilespmem:s23+$0xDD80] =	vst v1  }
0x25e: {  	v1 =	vld [tilespmem:s25+$0x6480];
	[tilespmem:s23+$0x13D80] =	vst v2  }
0x25f: {  	v2 =	vld [tilespmem:s25+$0x6500];
	[tilespmem:s23+$0xDB00] =	vst v5  }
0x260: {  	v4 =	vld [tilespmem:s25+$0x6400];
	[tilespmem:s23+$0x13B00] =	vst v0;
	s23 =	smov.u32 s25  }
0x261: {  	v0 =	vld [tilespmem:s23+$0x600]  }
0x262: {  	v5 =	vld [tilespmem:s22+$0x0]  }
0x263: {  	v6 =	vld [tilespmem:s23+$0x300]  }
0x264: {  	v7 =	vld [tilespmem:s23+$0x480]  }
0x265: {  	v8 =	vld [tilespmem:s23+$0x500]  }
0x266: {  	v9 =	vld [tilespmem:s23+$0x400]  }
0x267: {  	vm0 =	vlt.f32 v5, $3.000000120e-01;
	v5 =	vld [tilespmem:s23+$0x6380]  }
0x268: {  	v10 =	vld [tilespmem:s23+$0x380];
	v11 =	vsel vm0, v3, v0;
	v0 =	vsel vm0, v0, v3  }
0x269: {  	v3 =	vsel vm0, v1, v7;
	v1 =	vsel vm0, v7, v1;
	v7 =	vld [tilespmem:s23+$0x6580];
	[tilespmem:s23+$0x12600] =	vst v0  }
0x26a: {  	[tilespmem:s23+$0x12480] =	vst v1;
	v12 =	vsel vm0, v2, v8;
	v2 =	vsel vm0, v8, v2;
	v8 =	vld [tilespmem:s23+$0x580]  }
0x26b: {  	v13 =	vld [tilespmem:s23+$0x6300];
	[tilespmem:s23+$0xC480] =	vst v3  }
.Ltmp5:
0x26c: {  	v0 =	vsel vm0, v4, v9;
	v1 =	vsel vm0, v9, v4;
	[tilespmem:s23+$0x12500] =	vst v2;
	(pc) =	sbr.rel @p0 .LBB2_12-.Ltmp5, $4  }
0x26d: {  	v2 =	vsel vm0, v5, v10;
	v9 =	vsel vm0, v10, v5;
	[tilespmem:s23+$0xC500] =	vst v12  }
0x26e: {  	[tilespmem:s23+$0xC600] =	vst v11  }
0x26f: {  	[tilespmem:s23+$0xC380] =	vst v2;
	v2 =	vsel vm0, v7, v8;
	v5 =	vsel vm0, v8, v7  }
0x270: {  	v3 =	vsel vm0, v13, v6;
	v4 =	vsel vm0, v6, v13;
	[tilespmem:s23+$0x12380] =	vst v9  }
0x271: {  	[tilespmem:s23+$0x12580] =	vst v5  }
0x272: {  	[tilespmem:s23+$0x12300] =	vst v4  }
0x273: {  	[tilespmem:s23+$0xC580] =	vst v2  }
0x274: {  	[tilespmem:s23+$0x12400] =	vst v1  }
0x275: {  	[tilespmem:s23+$0xC300] =	vst v3  }
0x276: {  	[tilespmem:s23+$0xC400] =	vst v0;
	s6 =	sor.u32 $0x380, s12  }
0x277: {  	v0 =	vld [tilespmem:s6+$0x300]  }
0x278: {  	v1 =	vld [tilespmem:s6+$0x6300];
	_ =	sdelay $0x4  }
0x279: {  	v2 =	vsel vm0, v1, v0  }
0x27a: {  	v0 =	vsel vm0, v0, v1;
	[tilespmem:s6+$0xC300] =	vst v2  }
0x27b: {  	[tilespmem:s6+$0x12300] =	vst v0  }
0x27c: {  	v1 =	vld [tilespmem:s23+$0x1C80]  }
0x27d: {  	v2 =	vld [tilespmem:s23+$0x7E00]  }
0x27e: {  	v4 =	vld [tilespmem:s23+$0x1E00]  }
0x27f: {  	v5 =	vld [tilespmem:s23+$0x1C00]  }
0x280: {  	v6 =	vld [tilespmem:s23+$0x7C00]  }
0x281: {  	v7 =	vld [tilespmem:s23+$0x7B80]  }
0x282: {  	v8 =	vld [tilespmem:s23+$0x7C80]  }
0x283: {  	v9 =	vld [tilespmem:s23+$0x1D00];
	v10 =	vsel vm0, v2, v4  }
0x284: {  	v11 =	vld [tilespmem:s23+$0x7D00];
	v2 =	vsel vm0, v4, v2;
	[tilespmem:s23+$0xDE00] =	vst v10  }
0x285: {  	v4 =	vld [tilespmem:s23+$0x1B80];
	v54 =	vsel vm0, v6, v5;
	[tilespmem:s23+$0x13E00] =	vst v2  }
0x286: {  	[tilespmem:s23+$0xDC00] =	vst v54;
	v2 =	vsel vm0, v5, v6  }
0x287: {  	v3 =	vld [tilespmem:s23+$0x7E80];
	[tilespmem:s23+$0x13C00] =	vst v2;
	v2 =	vsel vm0, v8, v1  }
0x288: {  	v1 =	vsel vm0, v1, v8;
	[tilespmem:s23+$0xDC80] =	vst v2;
	v2 =	vld [tilespmem:s23+$0x1E80]  }
0x289: {  	v5 =	vld [tilespmem:s23+$0x1D80];
	[tilespmem:s23+$0x13C80] =	vst v1;
	v1 =	vsel vm0, v11, v9  }
0x28a: {  	v6 =	vld [tilespmem:s23+$0x7D80];
	[tilespmem:s23+$0xDD00] =	vst v1;
	v56 =	vsel vm0, v7, v4  }
0x28b: {  	v0 =	vld [tilespmem:s23+$0x1B00];
	v1 =	vsel vm0, v4, v7;
	[tilespmem:s23+$0xDB80] =	vst v56  }
0x28c: {  	v55 =	vld [tilespmem:s23+$0x7B00];
	v4 =	vsel vm0, v9, v11;
	[tilespmem:s23+$0x13B80] =	vst v1  }
0x28d: {  	[tilespmem:s23+$0x13D00] =	vst v4;
	v1 =	vsel vm0, v3, v2  }
0x28e: {  	v2 =	vsel vm0, v2, v3;
	[tilespmem:s23+$0xDE80] =	vst v1  }
0x28f: {  	v1 =	vsel vm0, v6, v5;
	[tilespmem:s23+$0x13E80] =	vst v2  }
0x290: {  	v2 =	vsel vm0, v5, v6;
	[tilespmem:s23+$0xDD80] =	vst v1  }
0x291: {  	v1 =	vsel vm0, v55, v0;
	[tilespmem:s23+$0x13D80] =	vst v2  }
0x292: {  	v0 =	vsel vm0, v0, v55;
	[tilespmem:s23+$0xDB00] =	vst v1  }
0x293: {  	s29 =	rddreg [dreg:$0x11];
	s6 =	simm.s32 $0x0;
	[tilespmem:s23+$0x13B00] =	vst v0  }
0x294: {  	[hbm4b:s29+s6] =	stream.linear.scatter [tilespmem:s8], [sflag:$0x5], $0x3000, $0x38;
	[tilespmem:$0x18300] =	vst v63  }
0x295: {  	s30 =	rddreg [dreg:$0x12]  }
0x296: {  	[hbm4b:s30+s6] =	stream.linear.scatter [tilespmem:s9], [sflag:$0x7], $0x3000, $0x38;
	[tilespmem:$0x18300] =	vst v63  }
0x297: {  	_ =	swait.ge [sflag:s11], $0x3000  }
0x298: {  	[sflag:s11] =	ssyncset.done $0x0  }
0x299: {  	[sflag:s11] =	ssyncadd.s32 $0xFFFFD000  }
0x29a: {  	_ =	swait.ge [sflag:s13], $0x3000  }
0x29b: {  	[sflag:s13] =	ssyncset.done $0x0  }
0x29c: {  	[sflag:s13] =	ssyncadd.s32 $0xFFFFD000  }
0x29d: {  	_ =	swait.ge [sflag:s18], $0x3000  }
0x29e: {  	[sflag:s18] =	ssyncset.done $0x0  }
0x29f: {  	[sflag:s18] =	ssyncadd.s32 $0xFFFFD000  }
0x2a0: {  	_ =	swait.ge [sflag:s19], $0x3000  }
0x2a1: {  	s31 =	sand.u32 $0x70, s6;
	s22 =	sand.u32 $0x1C00, s6;
	[sflag:s19] =	ssyncset.done $0x0  }
0x2a2: {  	s23 =	sor.u32 s31, s22;
	[sflag:s19] =	ssyncadd.s32 $0xFFFFD000  }
0x2a3: {  	v0 =	vld [tilespmem:s23+$0x9600]  }
0x2a4: {  	v1 =	vld [tilespmem:s23+$0x9480]  }
0x2a5: {  	v2 =	vld [tilespmem:s23+$0x9500]  }
0x2a6: {  	v3 =	vld [tilespmem:s23+$0x9400]  }
0x2a7: {  	v4 =	vld [tilespmem:s23+$0x3600]  }
0x2a8: {  	v5 =	vld [tilespmem:s6+$0x0]  }
0x2a9: {  	v6 =	vld [tilespmem:s23+$0x3300]  }
0x2aa: {  	v7 =	vld [tilespmem:s23+$0x3480]  }
0x2ab: {  	v57 =	vld [tilespmem:s23+$0x3500]  }
0x2ac: {  	v58 =	vld [tilespmem:s23+$0x3400]  }
0x2ad: {  	v59 =	vld [tilespmem:s23+$0x9380];
	vm0 =	vlt.f32 v5, $3.000000120e-01  }
0x2ae: {  	v12 =	vld [tilespmem:s23+$0x9580];
	v60 =	vsel vm0, v4, v0  }
0x2af: {  	v5 =	vld [tilespmem:s23+$0x3380];
	v61 =	vsel vm0, v7, v1;
	[tilespmem:s23+$0x15600] =	vst v60  }
0x2b0: {  	v62 =	vld [tilespmem:s23+$0x3580];
	v1 =	vsel vm0, v1, v7;
	[tilespmem:s23+$0x15480] =	vst v61  }
0x2b1: {  	v7 =	vld [tilespmem:s23+$0x9300];
	[tilespmem:s23+$0xF480] =	vst v1;
	v1 =	vsel vm0, v57, v2  }
0x2b2: {  	v2 =	vsel vm0, v2, v57;
	[tilespmem:s23+$0x15500] =	vst v1  }
0x2b3: {  	v1 =	vsel vm0, v0, v4;
	[tilespmem:s23+$0xF500] =	vst v2  }
0x2b4: {  	v0 =	vsel vm0, v3, v58;
	[tilespmem:s23+$0xF600] =	vst v1;
	v2 =	vsel vm0, v59, v5  }
0x2b5: {  	v1 =	vsel vm0, v58, v3;
	v63 =	vsel vm0, v5, v59;
	v5 =	vsel vm0, v62, v12;
	[tilespmem:s23+$0xF380] =	vst v2  }
0x2b6: {  	s24 =	simm.s32 $0x10;
	s12 =	sor.u32 s6, s6;
	s22 =	simm.s32 $0x0;
	v2 =	vsel vm0, v12, v62;
	v3 =	vsel vm0, v7, v6;
	v4 =	vsel vm0, v6, v7;
	[tilespmem:s23+$0x15380] =	vst v63  }
.LBB2_14:
0x2b7: {  	p0 =	sne.s32 s24, $0x2F0;
	[tilespmem:s23+$0x15580] =	vst v5;
	s6 =	sadd.s32 $0x80, s6;
	s22 =	sadd.s32 $0x10, s22  }
0x2b8: {  	s25 =	smov.u32 s24;
	s26 =	sor.u32 s6, s24;
	[tilespmem:s23+$0x15300] =	vst v4;
	s24 =	sadd.s32 $0x10, s24  }
0x2b9: {  	[tilespmem:s23+$0xF580] =	vst v2  }
0x2ba: {  	[tilespmem:s23+$0x15400] =	vst v1  }
0x2bb: {  	[tilespmem:s23+$0xF300] =	vst v3  }
0x2bc: {  	s28 =	sor.u32 $0x380, s12;
	s12 =	smov.u32 s26;
	[tilespmem:s23+$0xF400] =	vst v0  }
0x2bd: {  	v0 =	vld [tilespmem:s28+$0x3300]  }
0x2be: {  	v1 =	vld [tilespmem:s28+$0x9300];
	_ =	sdelay $0x4  }
0x2bf: {  	v2 =	vsel vm0, v1, v0;
	v0 =	vsel vm0, v0, v1  }
0x2c0: {  	[tilespmem:s28+$0xF300] =	vst v2;
	_ =	sdelay $0x1  }
0x2c1: {  	[tilespmem:s28+$0x15300] =	vst v0  }
0x2c2: {  	v0 =	vld [tilespmem:s23+$0x4B00]  }
0x2c3: {  	v1 =	vld [tilespmem:s23+$0x4C80]  }
0x2c4: {  	v2 =	vld [tilespmem:s23+$0xAE00]  }
0x2c5: {  	v3 =	vld [tilespmem:s23+$0xAE80]  }
0x2c6: {  	v4 =	vld [tilespmem:s23+$0x4E00]  }
0x2c7: {  	v5 =	vld [tilespmem:s23+$0x4C00]  }
0x2c8: {  	v6 =	vld [tilespmem:s23+$0xAC00]  }
0x2c9: {  	v7 =	vld [tilespmem:s23+$0xAB80]  }
0x2ca: {  	v8 =	vld [tilespmem:s23+$0xAC80]  }
0x2cb: {  	v9 =	vld [tilespmem:s23+$0x4D00];
	v10 =	vsel vm0, v2, v4;
	v2 =	vsel vm0, v4, v2  }
0x2cc: {  	v4 =	vld [tilespmem:s23+$0xAD00];
	[tilespmem:s23+$0x10E00] =	vst v10  }
0x2cd: {  	v10 =	vld [tilespmem:s23+$0x4B80];
	v11 =	vsel vm0, v6, v5;
	v5 =	vsel vm0, v5, v6;
	[tilespmem:s23+$0x16E00] =	vst v2  }
0x2ce: {  	[tilespmem:s23+$0x10C00] =	vst v11;
	v2 =	vld [tilespmem:s23+$0x4D80]  }
0x2cf: {  	[tilespmem:s23+$0x16C00] =	vst v5;
	v5 =	vsel vm0, v8, v1;
	v1 =	vsel vm0, v1, v8;
	v6 =	vld [tilespmem:s23+$0xAD80]  }
0x2d0: {  	[tilespmem:s23+$0x10C80] =	vst v5;
	v5 =	vld [tilespmem:s23+$0x4E80]  }
0x2d1: {  	v8 =	vld [tilespmem:s23+$0xAB00];
	[tilespmem:s23+$0x16C80] =	vst v1;
	v1 =	vsel vm0, v4, v9;
	v4 =	vsel vm0, v9, v4  }
0x2d2: {  	v9 =	vsel vm0, v7, v10;
	v7 =	vsel vm0, v10, v7;
	[tilespmem:s23+$0x10D00] =	vst v1  }
0x2d3: {  	[tilespmem:s23+$0x10B80] =	vst v9  }
0x2d4: {  	[tilespmem:s23+$0x16B80] =	vst v7;
	v1 =	vsel vm0, v6, v2;
	v2 =	vsel vm0, v2, v6  }
0x2d5: {  	[tilespmem:s23+$0x16D00] =	vst v4;
	v4 =	vsel vm0, v3, v5;
	v3 =	vsel vm0, v5, v3  }
0x2d6: {  	s25 =	sand.u32 $0x70, s25;
	s26 =	sand.u32 $0x1C00, s6;
	v5 =	vsel vm0, v8, v0;
	v0 =	vsel vm0, v0, v8;
	[tilespmem:s23+$0x10E80] =	vst v4  }
0x2d7: {  	s25 =	sor.u32 s25, s26;
	[tilespmem:s23+$0x16E80] =	vst v3  }
0x2d8: {  	v3 =	vld [tilespmem:s25+$0x9600];
	[tilespmem:s23+$0x10D80] =	vst v1  }
0x2d9: {  	v1 =	vld [tilespmem:s25+$0x9480];
	[tilespmem:s23+$0x16D80] =	vst v2  }
0x2da: {  	v2 =	vld [tilespmem:s25+$0x9500];
	[tilespmem:s23+$0x10B00] =	vst v5  }
0x2db: {  	v4 =	vld [tilespmem:s25+$0x9400];
	[tilespmem:s23+$0x16B00] =	vst v0;
	s23 =	smov.u32 s25  }
0x2dc: {  	v0 =	vld [tilespmem:s23+$0x3600]  }
0x2dd: {  	v5 =	vld [tilespmem:s22+$0x0]  }
0x2de: {  	v6 =	vld [tilespmem:s23+$0x3300]  }
0x2df: {  	v7 =	vld [tilespmem:s23+$0x3480]  }
0x2e0: {  	v8 =	vld [tilespmem:s23+$0x3500]  }
0x2e1: {  	v9 =	vld [tilespmem:s23+$0x3400]  }
0x2e2: {  	vm0 =	vlt.f32 v5, $3.000000120e-01;
	v5 =	vld [tilespmem:s23+$0x9380]  }
0x2e3: {  	v10 =	vld [tilespmem:s23+$0x3380];
	v11 =	vsel vm0, v3, v0;
	v0 =	vsel vm0, v0, v3  }
0x2e4: {  	v3 =	vsel vm0, v1, v7;
	v1 =	vsel vm0, v7, v1;
	v7 =	vld [tilespmem:s23+$0x9580];
	[tilespmem:s23+$0x15600] =	vst v0  }
0x2e5: {  	[tilespmem:s23+$0x15480] =	vst v1;
	v12 =	vsel vm0, v2, v8;
	v2 =	vsel vm0, v8, v2;
	v8 =	vld [tilespmem:s23+$0x3580]  }
0x2e6: {  	v13 =	vld [tilespmem:s23+$0x9300];
	[tilespmem:s23+$0xF480] =	vst v3  }
.Ltmp6:
0x2e7: {  	v0 =	vsel vm0, v4, v9;
	v1 =	vsel vm0, v9, v4;
	[tilespmem:s23+$0x15500] =	vst v2;
	(pc) =	sbr.rel @p0 .LBB2_14-.Ltmp6, $4  }
0x2e8: {  	v2 =	vsel vm0, v5, v10;
	v9 =	vsel vm0, v10, v5;
	[tilespmem:s23+$0xF500] =	vst v12  }
0x2e9: {  	[tilespmem:s23+$0xF600] =	vst v11  }
0x2ea: {  	[tilespmem:s23+$0xF380] =	vst v2;
	v2 =	vsel vm0, v7, v8;
	v5 =	vsel vm0, v8, v7  }
0x2eb: {  	v3 =	vsel vm0, v13, v6;
	v4 =	vsel vm0, v6, v13;
	[tilespmem:s23+$0x15380] =	vst v9  }
0x2ec: {  	[tilespmem:s23+$0x15580] =	vst v5  }
0x2ed: {  	[tilespmem:s23+$0x15300] =	vst v4  }
0x2ee: {  	[tilespmem:s23+$0xF580] =	vst v2  }
0x2ef: {  	[tilespmem:s23+$0x15400] =	vst v1  }
0x2f0: {  	[tilespmem:s23+$0xF300] =	vst v3  }
0x2f1: {  	[tilespmem:s23+$0xF400] =	vst v0;
	s6 =	sor.u32 $0x380, s12  }
0x2f2: {  	v0 =	vld [tilespmem:s6+$0x3300]  }
0x2f3: {  	v1 =	vld [tilespmem:s6+$0x9300];
	_ =	sdelay $0x4  }
0x2f4: {  	v43 =	vsel vm0, v1, v0  }
0x2f5: {  	v0 =	vsel vm0, v0, v1;
	[tilespmem:s6+$0xF300] =	vst v43  }
0x2f6: {  	[tilespmem:s6+$0x15300] =	vst v0  }
0x2f7: {  	v44 =	vld [tilespmem:s23+$0x4C80]  }
0x2f8: {  	v2 =	vld [tilespmem:s23+$0xAE00]  }
0x2f9: {  	v46 =	vld [tilespmem:s23+$0x4E00]  }
0x2fa: {  	v47 =	vld [tilespmem:s23+$0x4C00]  }
0x2fb: {  	v6 =	vld [tilespmem:s23+$0xAC00]  }
0x2fc: {  	v7 =	vld [tilespmem:s23+$0xAB80]  }
0x2fd: {  	v8 =	vld [tilespmem:s23+$0xAC80]  }
0x2fe: {  	v9 =	vld [tilespmem:s23+$0x4D00];
	v10 =	vsel vm0, v2, v46  }
0x2ff: {  	v11 =	vld [tilespmem:s23+$0xAD00];
	v2 =	vsel vm0, v46, v2;
	[tilespmem:s23+$0x10E00] =	vst v10  }
0x300: {  	v48 =	vld [tilespmem:s23+$0x4B80];
	v49 =	vsel vm0, v6, v47;
	[tilespmem:s23+$0x16E00] =	vst v2  }
0x301: {  	v45 =	vld [tilespmem:s23+$0xAE80];
	v50 =	vsel vm0, v47, v6;
	[tilespmem:s23+$0x10C00] =	vst v49  }
0x302: {  	v51 =	vld [tilespmem:s23+$0x4D80];
	v52 =	vsel vm0, v8, v44;
	[tilespmem:s23+$0x16C00] =	vst v50  }
0x303: {  	v54 =	vld [tilespmem:s23+$0x4E80];
	v1 =	vsel vm0, v44, v8;
	[tilespmem:s23+$0x10C80] =	vst v52  }
0x304: {  	v53 =	vld [tilespmem:s23+$0xAD80];
	v56 =	vsel vm0, v11, v9;
	[tilespmem:s23+$0x16C80] =	vst v1  }
0x305: {  	v0 =	vld [tilespmem:s23+$0x4B00];
	v57 =	vsel vm0, v7, v48;
	[tilespmem:s23+$0x10D00] =	vst v56  }
0x306: {  	v55 =	vld [tilespmem:s23+$0xAB00];
	v58 =	vsel vm0, v48, v7;
	[tilespmem:s23+$0x10B80] =	vst v57  }
0x307: {  	v59 =	vsel vm0, v9, v11;
	[tilespmem:s23+$0x16B80] =	vst v58  }
0x308: {  	v60 =	vsel vm0, v45, v54;
	[tilespmem:s23+$0x16D00] =	vst v59  }
0x309: {  	v61 =	vsel vm0, v53, v51;
	[tilespmem:s23+$0x10E80] =	vst v60  }
0x30a: {  	v62 =	vsel vm0, v51, v53;
	[tilespmem:s23+$0x10D80] =	vst v61  }
0x30b: {  	v63 =	vsel vm0, v55, v0;
	[tilespmem:s23+$0x16D80] =	vst v62  }
0x30c: {  	v0 =	vsel vm0, v0, v55;
	[tilespmem:s23+$0x10B00] =	vst v63  }
0x30d: {  	v2 =	vsel vm0, v54, v45;
	[tilespmem:s23+$0x16B00] =	vst v0  }
0x30e: {  	s28 =	rddreg [dreg:$0x13];
	[tilespmem:s23+$0x16E80] =	vst v2  }
0x30f: {  	[hbm4b:s28+s4] =	stream.linear.scatter [tilespmem:s14], [sflag:$0x6], $0x3000, $0x38;
	[tilespmem:$0x18300] =	vst v63  }
0x310: {  	s29 =	rddreg [dreg:$0x15]  }
0x311: {  	[hbm4b:s29+s4] =	stream.linear.scatter [tilespmem:s15], [sflag:$0x8], $0x3000, $0x38;
	[tilespmem:$0x18300] =	vst v63  }
0x312: {  	_ =	swait.ge [sflag:s16], $0x3000  }
0x313: {  	[sflag:s16] =	ssyncset.done $0x0  }
0x314: {  	[sflag:s16] =	ssyncadd.s32 $0xFFFFD000  }
0x315: {  	_ =	swait.ge [sflag:s17], $0x3000  }
0x316: {  	[sflag:s17] =	ssyncset.done $0x0  }
0x317: {  	[sflag:s17] =	ssyncadd.s32 $0xFFFFD000  }
0x318: {  	_ =	swait.ge [sflag:s18], $0x3000  }
0x319: {  	[sflag:s18] =	ssyncset.done $0x0  }
0x31a: {  	[sflag:s18] =	ssyncadd.s32 $0xFFFFD000  }
0x31b: {  	_ =	swait.ge [sflag:s19], $0x3000  }
0x31c: {  	s30 =	rddreg [dreg:$0x16]  }
0x31d: {  	s31 =	rddreg [dreg:$0x14];
	s12 =	sadd.s32 $0x1, s30  }
0x31e: {  	p0 =	sne.s32 s12, s31  }
.Ltmp7:
0x31f: {  	_ = 	snop;
	(pc) =	sbr.rel @p0 .LBB2_1-.Ltmp7, $3  }
0x320: {  	_ =	sdelay $0x1  }
0x321: {  	[sflag:s19] =	ssyncset.done $0x0  }
0x322: {  	[sflag:s19] =	ssyncadd.s32 $0xFFFFD000  }
0x323: {  	_ =	sfence.sel $0x180000  }
0x324: {  	[bflag:$0x0] =	sbarrier.arrive $0xFFFF  }
0x325: {  	_ =	strace $0x90000047  }
0x326: {  	s0 =	stileid.u32;
	[bflag:$0x2] =	sbarrier.arrive $0xFFFF  }
0x327: {  	p0 =	sne.s32 s0, $0x0;
	s0 =	rddreg [dreg:$0x3]  }
0x328: {  	s0 =	sadd.s32 @!p0 $0x100000, s0  }
0x329: {  	[sflag:s0] =	ssyncadd.tile.s32 @!p0 $0x1;
	_ =	shalt  }
.Lfunc_end2:
_tile_overlayer_lowered:
.L_overlay_start_2:
0x32a: {  	(tag) =	ssettag $0x2  }
0x32b: {  	s0 =	rddreg [dreg:$0x0];
	s2 =	stileid.u32  }
0x32c: {  	s1 =	rddreg [dreg:$0x1];
	p0 =	sne.s32 s2, $0x0  }
0x32d: {  	s3 =	rddreg [dreg:$0x2];
	[bflag:$0x3] =	sbarrier.arrive $0xFFFF;
	s2 =	simm.s32 @!p0 $0x1C09  }
0x32e: {  	[timem:s3], [sflag:s2] =	dma.local @!p0 [hbm:s0], s1  }
0x32f: {  	s0 =	simm.s32 @!p0 $0x9  }
0x330: {  	_ =	swait.ge @!p0 [sflag:s0], s1  }
0x331: {  	s1 =	ssub.s32 @!p0 $0x0, s1;
	[sflag:s0] =	ssyncset.done @!p0 $0x0  }
0x332: {  	[sflag:s0] =	ssyncadd.s32 @!p0 s1  }
0x333: {  	[bflag:$0x3] =	sbarrier.arrive $0xFFFF  }
0x334: {  	_ =	shalt  }

</sc_bundles>
